<compile_context>
chip_gen: v7x
topology: tpu7x:2x2x1
jax: 0.10.2.dev20260603
libtpu: 0.0.44.dev20260713+nightly
codegen_flags: <defaults>
</compile_context>

<pallas_src>
import functools

import jax
import jax.numpy as jnp
from jax import lax
from jax.experimental import pallas as pl
from jax.experimental.pallas import tpu as pltpu
from jax.experimental.pallas import tpu_sc as plsc

_N, _M, _K = 4096, 20, 1000
_NC, _NS, _L = 2, 16, 16
_NW = _NC * _NS
_LANES = 128


def _paint(buf, xv_buf, parity, sign):
    li = lax.iota(jnp.int32, _L)
    for p in range(_LANES // _L):
        vec = xv_buf[parity, pl.ds(p * _L, _L)]
        for q in range(_L):
            lane = p * _L + q
            seg = (lane // _L) * _L
            vec16 = jnp.where(li == lane - seg, sign, 0.0).astype(jnp.float32)
            plsc.addupdate(buf.at[vec[q], pl.ds(seg, _L)], vec16)


def _zero_buf(buf):
    zeros = jnp.zeros((_L,), jnp.float32)

    def row(r, carry):
        for o in range(_LANES // _L):
            buf[r, pl.ds(o * _L, _L)] = zeros
        return carry

    lax.fori_loop(0, _K, row, 0)


def _sc_body(xt_ref, out_ref, xv_buf, buf, sem, sem_x):
    wid = lax.axis_index("s") * _NC + lax.axis_index("c")
    i0 = wid * _LANES

    _zero_buf(buf)

    def stage(j):
        src = xt_ref.at[pl.ds(j * _N + i0, _LANES)]
        return pltpu.async_copy(src, xv_buf.at[j % 2], sem_x)

    def stage_wait(j):
        src = xt_ref.at[pl.ds(j * _N + i0, _LANES)]
        pltpu.make_async_copy(src, xv_buf.at[j % 2], sem_x).wait()

    stage(0)
    stage_wait(0)

    def step(j, carry):
        _paint(buf, xv_buf, j % 2, 1.0)
        dst = out_ref.at[j, pl.ds(0, _K), pl.ds(i0, _LANES)]
        big = pltpu.async_copy(buf, dst, sem)

        @pl.when(j < _M - 1)
        def _():
            stage(j + 1)

        big.wait()
        _paint(buf, xv_buf, j % 2, -1.0)

        @pl.when(j < _M - 1)
        def _():
            stage_wait(j + 1)

        return carry

    lax.fori_loop(0, _M, step, 0)


def kernel(x, table):
    del table
    xtf = jnp.reshape(jnp.transpose(x).astype(jnp.int32), (_M * _N,))
    mesh = plsc.VectorSubcoreMesh(core_axis_name="c", subcore_axis_name="s")
    f = functools.partial(
        pl.kernel,
        out_type=jax.ShapeDtypeStruct((_M, _K, _N), jnp.float32),
        mesh=mesh,
        scratch_types=[
            pltpu.VMEM((2, _LANES), jnp.int32),
            pltpu.VMEM((_K, _LANES), jnp.float32),
            pltpu.SemaphoreType.DMA,
            pltpu.SemaphoreType.DMA,
        ],
    )(_sc_body)
    out_t = f(xtf)
    return jnp.transpose(out_t, (2, 0, 1))

# --- scband reference (transcript-rebuilt; emitter-appended) ---
"""Pipeline reference for scband-one-hot-embedding-51445118271773 (READ-ONLY COPY).

The authoritative reference and input builder live on the scoring server;
editing this copy changes nothing except your own understanding.
"""

import jax, jax.numpy as jnp
import numpy as np

NUM_CLASS = 1000

def setup_inputs(seed: int = 0) -> dict:
    key = jax.random.key(seed)
    x = jax.random.randint(key, (4096, 20), 0, NUM_CLASS, dtype=jnp.int64 if jax.config.jax_enable_x64 else jnp.int32)
    # Frozen one-hot embedding table (identity matrix), per nn.Embedding(num_class, num_class)
    table = jnp.eye(NUM_CLASS, dtype=jnp.float32)
    return {"x": x, "table": table}

def reference(x, table):
    # OneHotEmbedding.forward: embedding lookup into identity table -> one-hot rows
    return jnp.take(table, x, axis=0)

if __name__ == "__main__":
    import jax
    _d = setup_inputs()
    print(jax.jit(kernel)(*tuple(_d.values())))

</pallas_src>

<mosaic_0001>
#map = affine_map<(d0, d1) -> (0)>
#map1 = affine_map<(d0, d1) -> (0, 0, 0)>
module attributes {stable_mosaic.version = 14 : i64} {
  func.func @_sc_body(%arg0: i32, %arg1: i32, %arg2: memref<81920xi32, #tpu.memory_space<hbm>>, %arg3: memref<20x1000x4096xf32, #tpu.memory_space<hbm>>, %arg4: memref<2x128xi32, #tpu.memory_space<vmem>>, %arg5: memref<1000x128xf32, #tpu.memory_space<vmem>>, %arg6: memref<!tpu.dma_semaphore, #tpu.memory_space<semaphore_mem>>, %arg7: memref<!tpu.dma_semaphore, #tpu.memory_space<semaphore_mem>>) attributes {dimension_semantics = [#tpu.dimension_semantics<core_parallel>, #tpu.dimension_semantics<subcore_parallel>], iteration_bounds = array<i64: 2, 16>, scalar_prefetch = 0 : i64, scratch_operands = 4 : i64, tpu.core_type = #tpu.core_type<sc_vector_subcore>, window_params = [{transform_indices = #map}, {transform_indices = #map1}]} {
    %mul3A = arith.constant 2 : i32
    %mul3A_0 = arith.muli %arg1, %mul3A : i32
    %add3A = arith.addi %mul3A_0, %arg0 : i32
    %mul3A_1 = arith.constant 128 : i32
    %mul3A_2 = arith.muli %add3A, %mul3A_1 : i32
    %broadcast_in_dim3A = arith.constant 0.000000e+00 : f32
    %broadcast_in_dim3A_3 = vector.broadcast %broadcast_in_dim3A : f32 to vector<16xf32>
    %scan3A = arith.constant 0 : i32
    %scan3A_4 = arith.constant 0 : i32
    %scan3A_5 = arith.constant 1000 : i32
    %scan3A_6 = arith.addi %scan3A_4, %scan3A_5 : i32
    %scan3A_7 = arith.constant 1 : i32
    scf.for %scan3A_35 = %scan3A_4 to %scan3A_6 step %scan3A_7  : i32 {
      %swap3A = arith.index_cast %scan3A_35 : i32 to index
      %swap3A_36 = arith.constant 0 : index
      %swap3A_37 = tpu.vector_load %arg5[%swap3A, %swap3A_36] {strides = array<i32>} : memref<1000x128xf32, #tpu.memory_space<vmem>>, vector<1x16xf32>,
      %swap3A_38 = vector.shape_cast %swap3A_37 : vector<1x16xf32> to vector<16xf32>
      %swap3A_39 = vector.shape_cast %broadcast_in_dim3A_3 : vector<16xf32> to vector<1x16xf32>
      tpu.vector_store %arg5[%swap3A, %swap3A_36], %swap3A_39 {strides = array<i32>} : memref<1000x128xf32, #tpu.memory_space<vmem>>, vector<1x16xf32>,
      %swap3A_40 = arith.index_cast %scan3A_35 : i32 to index
      %swap3A_41 = arith.constant 16 : index
      %swap3A_42 = tpu.vector_load %arg5[%swap3A_40, %swap3A_41] {strides = array<i32>} : memref<1000x128xf32, #tpu.memory_space<vmem>>, vector<1x16xf32>,
      %swap3A_43 = vector.shape_cast %swap3A_42 : vector<1x16xf32> to vector<16xf32>
      %swap3A_44 = vector.shape_cast %broadcast_in_dim3A_3 : vector<16xf32> to vector<1x16xf32>
      tpu.vector_store %arg5[%swap3A_40, %swap3A_41], %swap3A_44 {strides = array<i32>} : memref<1000x128xf32, #tpu.memory_space<vmem>>, vector<1x16xf32>,
      %swap3A_45 = arith.index_cast %scan3A_35 : i32 to index
      %swap3A_46 = arith.constant 32 : index
      %swap3A_47 = tpu.vector_load %arg5[%swap3A_45, %swap3A_46] {strides = array<i32>} : memref<1000x128xf32, #tpu.memory_space<vmem>>, vector<1x16xf32>,
      %swap3A_48 = vector.shape_cast %swap3A_47 : vector<1x16xf32> to vector<16xf32>
      %swap3A_49 = vector.shape_cast %broadcast_in_dim3A_3 : vector<16xf32> to vector<1x16xf32>
      tpu.vector_store %arg5[%swap3A_45, %swap3A_46], %swap3A_49 {strides = array<i32>} : memref<1000x128xf32, #tpu.memory_space<vmem>>, vector<1x16xf32>,
      %swap3A_50 = arith.index_cast %scan3A_35 : i32 to index
      %swap3A_51 = arith.constant 48 : index
      %swap3A_52 = tpu.vector_load %arg5[%swap3A_50, %swap3A_51] {strides = array<i32>} : memref<1000x128xf32, #tpu.memory_space<vmem>>, vector<1x16xf32>,
      %swap3A_53 = vector.shape_cast %swap3A_52 : vector<1x16xf32> to vector<16xf32>
      %swap3A_54 = vector.shape_cast %broadcast_in_dim3A_3 : vector<16xf32> to vector<1x16xf32>
      tpu.vector_store %arg5[%swap3A_50, %swap3A_51], %swap3A_54 {strides = array<i32>} : memref<1000x128xf32, #tpu.memory_space<vmem>>, vector<1x16xf32>,
      %swap3A_55 = arith.index_cast %scan3A_35 : i32 to index
      %swap3A_56 = arith.constant 64 : index
      %swap3A_57 = tpu.vector_load %arg5[%swap3A_55, %swap3A_56] {strides = array<i32>} : memref<1000x128xf32, #tpu.memory_space<vmem>>, vector<1x16xf32>,
      %swap3A_58 = vector.shape_cast %swap3A_57 : vector<1x16xf32> to vector<16xf32>
      %swap3A_59 = vector.shape_cast %broadcast_in_dim3A_3 : vector<16xf32> to vector<1x16xf32>
      tpu.vector_store %arg5[%swap3A_55, %swap3A_56], %swap3A_59 {strides = array<i32>} : memref<1000x128xf32, #tpu.memory_space<vmem>>, vector<1x16xf32>,
      %swap3A_60 = arith.index_cast %scan3A_35 : i32 to index
      %swap3A_61 = arith.constant 80 : index
      %swap3A_62 = tpu.vector_load %arg5[%swap3A_60, %swap3A_61] {strides = array<i32>} : memref<1000x128xf32, #tpu.memory_space<vmem>>, vector<1x16xf32>,
      %swap3A_63 = vector.shape_cast %swap3A_62 : vector<1x16xf32> to vector<16xf32>
      %swap3A_64 = vector.shape_cast %broadcast_in_dim3A_3 : vector<16xf32> to vector<1x16xf32>
      tpu.vector_store %arg5[%swap3A_60, %swap3A_61], %swap3A_64 {strides = array<i32>} : memref<1000x128xf32, #tpu.memory_space<vmem>>, vector<1x16xf32>,
      %swap3A_65 = arith.index_cast %scan3A_35 : i32 to index
      %swap3A_66 = arith.constant 96 : index
      %swap3A_67 = tpu.vector_load %arg5[%swap3A_65, %swap3A_66] {strides = array<i32>} : memref<1000x128xf32, #tpu.memory_space<vmem>>, vector<1x16xf32>,
      %swap3A_68 = vector.shape_cast %swap3A_67 : vector<1x16xf32> to vector<16xf32>
      %swap3A_69 = vector.shape_cast %broadcast_in_dim3A_3 : vector<16xf32> to vector<1x16xf32>
      tpu.vector_store %arg5[%swap3A_65, %swap3A_66], %swap3A_69 {strides = array<i32>} : memref<1000x128xf32, #tpu.memory_space<vmem>>, vector<1x16xf32>,
      %swap3A_70 = arith.index_cast %scan3A_35 : i32 to index
      %swap3A_71 = arith.constant 112 : index
      %swap3A_72 = tpu.vector_load %arg5[%swap3A_70, %swap3A_71] {strides = array<i32>} : memref<1000x128xf32, #tpu.memory_space<vmem>>, vector<1x16xf32>,
      %swap3A_73 = vector.shape_cast %swap3A_72 : vector<1x16xf32> to vector<16xf32>
      %swap3A_74 = vector.shape_cast %broadcast_in_dim3A_3 : vector<16xf32> to vector<1x16xf32>
      tpu.vector_store %arg5[%swap3A_70, %swap3A_71], %swap3A_74 {strides = array<i32>} : memref<1000x128xf32, #tpu.memory_space<vmem>>, vector<1x16xf32>,
    }
    %scan3A_8 = arith.constant 1000 : i32
    %add3A_9 = arith.constant 0 : i32
    %add3A_10 = arith.addi %add3A_9, %mul3A_2 : i32
    %dma_start3A = arith.constant 0 : i32
    %dma_start3A_11 = arith.constant 0 : i32
    %dma_start3A_12 = tpu.memref_slice %arg4[%dma_start3A, %dma_start3A_11] : memref<2x128xi32, #tpu.memory_space<vmem>> -> memref<1x128xi32, #tpu.memory_space<vmem>>
    %dma_start3A_13 = tpu.memref_squeeze %dma_start3A_12 : memref<1x128xi32, #tpu.memory_space<vmem>> -> memref<128xi32, #tpu.memory_space<vmem>>
    %dma_start3A_14 = tpu.memref_slice %arg2[%add3A_10] : memref<81920xi32, #tpu.memory_space<hbm>> -> memref<128xi32, #tpu.memory_space<hbm>>
    %dma_start3A_15 = arith.constant 0 : i32
    %dma_start3A_16 = tpu.memref_slice %arg4[%dma_start3A, %dma_start3A_15] : memref<2x128xi32, #tpu.memory_space<vmem>> -> memref<1x128xi32, #tpu.memory_space<vmem>>
    %dma_start3A_17 = tpu.memref_squeeze %dma_start3A_16 : memref<1x128xi32, #tpu.memory_space<vmem>> -> memref<128xi32, #tpu.memory_space<vmem>>
    %dma_start3A_18 = tpu.memref_slice %arg2[%add3A_10] : memref<81920xi32, #tpu.memory_space<hbm>> -> memref<128xi32, #tpu.memory_space<hbm>>
    tpu.enqueue_dma source(%dma_start3A_18 : memref<128xi32, #tpu.memory_space<hbm>>) target(%dma_start3A_17 : memref<128xi32, #tpu.memory_space<vmem>>) target_semaphore(%arg7 : memref<!tpu.dma_semaphore, #tpu.memory_space<semaphore_mem>>)
    %add3A_19 = arith.constant 0 : i32
    %add3A_20 = arith.addi %add3A_19, %mul3A_2 : i32
    %dma_wait3A = arith.constant 0 : i32
    %dma_wait3A_21 = arith.constant 0 : i32
    %dma_wait3A_22 = tpu.memref_slice %arg4[%dma_wait3A, %dma_wait3A_21] : memref<2x128xi32, #tpu.memory_space<vmem>> -> memref<1x128xi32, #tpu.memory_space<vmem>>
    %dma_wait3A_23 = tpu.memref_squeeze %dma_wait3A_22 : memref<1x128xi32, #tpu.memory_space<vmem>> -> memref<128xi32, #tpu.memory_space<vmem>>
    %dma_wait3A_24 = tpu.memref_slice %arg2[%add3A_20] : memref<81920xi32, #tpu.memory_space<hbm>> -> memref<128xi32, #tpu.memory_space<hbm>>
    %dma_wait3A_25 = arith.constant 0 : i32
    %dma_wait3A_26 = tpu.memref_slice %arg4[%dma_wait3A, %dma_wait3A_25] : memref<2x128xi32, #tpu.memory_space<vmem>> -> memref<1x128xi32, #tpu.memory_space<vmem>>
    %dma_wait3A_27 = tpu.memref_squeeze %dma_wait3A_26 : memref<1x128xi32, #tpu.memory_space<vmem>> -> memref<128xi32, #tpu.memory_space<vmem>>
    %dma_wait3A_28 = tpu.memref_slice %arg2[%add3A_20] : memref<81920xi32, #tpu.memory_space<hbm>> -> memref<128xi32, #tpu.memory_space<hbm>>
    tpu.wait_dma2 semaphore(%arg7 : memref<!tpu.dma_semaphore, #tpu.memory_space<semaphore_mem>>) src(%dma_wait3A_28 : memref<128xi32, #tpu.memory_space<hbm>>) dst(%dma_wait3A_27 : memref<128xi32, #tpu.memory_space<vmem>>)
    %scan3A_29 = arith.constant 0 : i32
    %scan3A_30 = arith.constant 0 : i32
    %scan3A_31 = arith.constant 20 : i32
    %scan3A_32 = arith.addi %scan3A_30, %scan3A_31 : i32
    %scan3A_33 = arith.constant 1 : i32
    scf.for %scan3A_35 = %scan3A_30 to %scan3A_32 step %scan3A_33  : i32 {
      %jit3A = arith.constant 2 : i32
      %eq3A = arith.constant 0 : i32
      %eq3A_36 = arith.cmpi eq, %jit3A, %eq3A : i32
      %jit3A_37 = arith.constant 1 : i32
      %select_n3A = arith.select %eq3A_36, %jit3A_37, %jit3A : i32
      %rem3A = arith.remsi %scan3A_35, %select_n3A : i32
      %ne3A = arith.constant 0 : i32
      %ne3A_38 = arith.cmpi ne, %rem3A, %ne3A : i32
      %lt3A = arith.constant 0 : i32
      %lt3A_39 = arith.cmpi slt, %rem3A, %lt3A : i32
      %lt3A_40 = arith.constant 0 : i32
      %lt3A_41 = arith.cmpi slt, %select_n3A, %lt3A_40 : i32
      %ne3A_42 = arith.xori %lt3A_39, %lt3A_41 : i1
      %and3A = arith.andi %ne3A_42, %ne3A_38 : i1
      %add3A_43 = arith.addi %rem3A, %select_n3A : i32
      %select_n3A_44 = arith.select %and3A, %add3A_43, %rem3A : i32
      %iota3A = tpu.iota {dimensions = array<i32: 0>} : vector<16xi32>
      %get3A = arith.index_cast %select_n3A_44 : i32 to index
      %get3A_45 = arith.constant 0 : index
      %get3A_46 = tpu.vector_load %arg4[%get3A, %get3A_45] {strides = array<i32>} : memref<2x128xi32, #tpu.memory_space<vmem>>, vector<1x16xi32>,
      %get3A_47 = vector.shape_cast %get3A_46 : vector<1x16xi32> to vector<16xi32>
      %eq3A_48 = arith.constant 0 : i32
      %eq3A_49 = vector.broadcast %eq3A_48 : i32 to vector<16xi32>
      %eq3A_50 = arith.cmpi eq, %iota3A, %eq3A_49 : vector<16xi32>
      %jit3A_51 = arith.constant 1.000000e+00 : f32
      %jit3A_52 = arith.constant 0.000000e+00 : f32
      %broadcast_in_dim3A_53 = vector.broadcast %jit3A_51 : f32 to vector<16xf32>
      %broadcast_in_dim3A_54 = vector.broadcast %jit3A_52 : f32 to vector<16xf32>
      %select_n3A_55 = arith.select %eq3A_50, %broadcast_in_dim3A_53, %broadcast_in_dim3A_54 : vector<16xi1>, vector<16xf32>
      %slice3A = vector.extract_strided_slice %get3A_47 {offsets = [0], sizes = [1], strides = [1]} : vector<16xi32> to vector<1xi32>
      %squeeze3A = vector.extract %slice3A[0] : i32 from vector<1xi32>
      %swap3A = arith.index_cast %squeeze3A : i32 to index
      %swap3A_56 = arith.constant 0 : index
      %swap3A_57 = tpu.vector_load %arg5[%swap3A, %swap3A_56] {strides = array<i32>} : memref<1000x128xf32, #tpu.memory_space<vmem>>, vector<1x16xf32>,
      %swap3A_58 = vector.shape_cast %swap3A_57 : vector<1x16xf32> to vector<16xf32>
      %swap3A_59 = vector.shape_cast %select_n3A_55 : vector<16xf32> to vector<1x16xf32>
      tpu.vector_store %arg5[%swap3A, %swap3A_56], %swap3A_59 {add = true, strides = array<i32>} : memref<1000x128xf32, #tpu.memory_space<vmem>>, vector<1x16xf32>,
      %eq3A_60 = arith.constant 1 : i32
      %eq3A_61 = vector.broadcast %eq3A_60 : i32 to vector<16xi32>
      %eq3A_62 = arith.cmpi eq, %iota3A, %eq3A_61 : vector<16xi32>
      %jit3A_63 = arith.constant 1.000000e+00 : f32
      %jit3A_64 = arith.constant 0.000000e+00 : f32
      %broadcast_in_dim3A_65 = vector.broadcast %jit3A_63 : f32 to vector<16xf32>
      %broadcast_in_dim3A_66 = vector.broadcast %jit3A_64 : f32 to vector<16xf32>
      %select_n3A_67 = arith.select %eq3A_62, %broadcast_in_dim3A_65, %broadcast_in_dim3A_66 : vector<16xi1>, vector<16xf32>
      %slice3A_68 = vector.extract_strided_slice %get3A_47 {offsets = [1], sizes = [1], strides = [1]} : vector<16xi32> to vector<1xi32>
      %squeeze3A_69 = vector.extract %slice3A_68[0] : i32 from vector<1xi32>
      %swap3A_70 = arith.index_cast %squeeze3A_69 : i32 to index
      %swap3A_71 = arith.constant 0 : index
      %swap3A_72 = tpu.vector_load %arg5[%swap3A_70, %swap3A_71] {strides = array<i32>} : memref<1000x128xf32, #tpu.memory_space<vmem>>, vector<1x16xf32>,
      %swap3A_73 = vector.shape_cast %swap3A_72 : vector<1x16xf32> to vector<16xf32>
      %swap3A_74 = vector.shape_cast %select_n3A_67 : vector<16xf32> to vector<1x16xf32>
      tpu.vector_store %arg5[%swap3A_70, %swap3A_71], %swap3A_74 {add = true, strides = array<i32>} : memref<1000x128xf32, #tpu.memory_space<vmem>>, vector<1x16xf32>,
      %eq3A_75 = arith.constant 2 : i32
      %eq3A_76 = vector.broadcast %eq3A_75 : i32 to vector<16xi32>
      %eq3A_77 = arith.cmpi eq, %iota3A, %eq3A_76 : vector<16xi32>
      %jit3A_78 = arith.constant 1.000000e+00 : f32
      %jit3A_79 = arith.constant 0.000000e+00 : f32
      %broadcast_in_dim3A_80 = vector.broadcast %jit3A_78 : f32 to vector<16xf32>
      %broadcast_in_dim3A_81 = vector.broadcast %jit3A_79 : f32 to vector<16xf32>
      %select_n3A_82 = arith.select %eq3A_77, %broadcast_in_dim3A_80, %broadcast_in_dim3A_81 : vector<16xi1>, vector<16xf32>
      %slice3A_83 = vector.extract_strided_slice %get3A_47 {offsets = [2], sizes = [1], strides = [1]} : vector<16xi32> to vector<1xi32>
      %squeeze3A_84 = vector.extract %slice3A_83[0] : i32 from vector<1xi32>
      %swap3A_85 = arith.index_cast %squeeze3A_84 : i32 to index
      %swap3A_86 = arith.constant 0 : index
      %swap3A_87 = tpu.vector_load %arg5[%swap3A_85, %swap3A_86] {strides = array<i32>} : memref<1000x128xf32, #tpu.memory_space<vmem>>, vector<1x16xf32>,
      %swap3A_88 = vector.shape_cast %swap3A_87 : vector<1x16xf32> to vector<16xf32>
      %swap3A_89 = vector.shape_cast %select_n3A_82 : vector<16xf32> to vector<1x16xf32>
      tpu.vector_store %arg5[%swap3A_85, %swap3A_86], %swap3A_89 {add = true, strides = array<i32>} : memref<1000x128xf32, #tpu.memory_space<vmem>>, vector<1x16xf32>,
      %eq3A_90 = arith.constant 3 : i32
      %eq3A_91 = vector.broadcast %eq3A_90 : i32 to vector<16xi32>
      %eq3A_92 = arith.cmpi eq, %iota3A, %eq3A_91 : vector<16xi32>
      %jit3A_93 = arith.constant 1.000000e+00 : f32
      %jit3A_94 = arith.constant 0.000000e+00 : f32
      %broadcast_in_dim3A_95 = vector.broadcast %jit3A_93 : f32 to vector<16xf32>
      %broadcast_in_dim3A_96 = vector.broadcast %jit3A_94 : f32 to vector<16xf32>
      %select_n3A_97 = arith.select %eq3A_92, %broadcast_in_dim3A_95, %broadcast_in_dim3A_96 : vector<16xi1>, vector<16xf32>
      %slice3A_98 = vector.extract_strided_slice %get3A_47 {offsets = [3], sizes = [1], strides = [1]} : vector<16xi32> to vector<1xi32>
      %squeeze3A_99 = vector.extract %slice3A_98[0] : i32 from vector<1xi32>
      %swap3A_100 = arith.index_cast %squeeze3A_99 : i32 to index
      %swap3A_101 = arith.constant 0 : index
      %swap3A_102 = tpu.vector_load %arg5[%swap3A_100, %swap3A_101] {strides = array<i32>} : memref<1000x128xf32, #tpu.memory_space<vmem>>, vector<1x16xf32>,
      %swap3A_103 = vector.shape_cast %swap3A_102 : vector<1x16xf32> to vector<16xf32>
      %swap3A_104 = vector.shape_cast %select_n3A_97 : vector<16xf32> to vector<1x16xf32>
      tpu.vector_store %arg5[%swap3A_100, %swap3A_101], %swap3A_104 {add = true, strides = array<i32>} : memref<1000x128xf32, #tpu.memory_space<vmem>>, vector<1x16xf32>,
      %eq3A_105 = arith.constant 4 : i32
      %eq3A_106 = vector.broadcast %eq3A_105 : i32 to vector<16xi32>
      %eq3A_107 = arith.cmpi eq, %iota3A, %eq3A_106 : vector<16xi32>
      %jit3A_108 = arith.constant 1.000000e+00 : f32
      %jit3A_109 = arith.constant 0.000000e+00 : f32
      %broadcast_in_dim3A_110 = vector.broadcast %jit3A_108 : f32 to vector<16xf32>
      %broadcast_in_dim3A_111 = vector.broadcast %jit3A_109 : f32 to vector<16xf32>
      %select_n3A_112 = arith.select %eq3A_107, %broadcast_in_dim3A_110, %broadcast_in_dim3A_111 : vector<16xi1>, vector<16xf32>
      %slice3A_113 = vector.extract_strided_slice %get3A_47 {offsets = [4], sizes = [1], strides = [1]} : vector<16xi32> to vector<1xi32>
      %squeeze3A_114 = vector.extract %slice3A_113[0] : i32 from vector<1xi32>
      %swap3A_115 = arith.index_cast %squeeze3A_114 : i32 to index
      %swap3A_116 = arith.constant 0 : index
      %swap3A_117 = tpu.vector_load %arg5[%swap3A_115, %swap3A_116] {strides = array<i32>} : memref<1000x128xf32, #tpu.memory_space<vmem>>, vector<1x16xf32>,
      %swap3A_118 = vector.shape_cast %swap3A_117 : vector<1x16xf32> to vector<16xf32>
      %swap3A_119 = vector.shape_cast %select_n3A_112 : vector<16xf32> to vector<1x16xf32>
      tpu.vector_store %arg5[%swap3A_115, %swap3A_116], %swap3A_119 {add = true, strides = array<i32>} : memref<1000x128xf32, #tpu.memory_space<vmem>>, vector<1x16xf32>,
      %eq3A_120 = arith.constant 5 : i32
      %eq3A_121 = vector.broadcast %eq3A_120 : i32 to vector<16xi32>
      %eq3A_122 = arith.cmpi eq, %iota3A, %eq3A_121 : vector<16xi32>
      %jit3A_123 = arith.constant 1.000000e+00 : f32
      %jit3A_124 = arith.constant 0.000000e+00 : f32
      %broadcast_in_dim3A_125 = vector.broadcast %jit3A_123 : f32 to vector<16xf32>
      %broadcast_in_dim3A_126 = vector.broadcast %jit3A_124 : f32 to vector<16xf32>
      %select_n3A_127 = arith.select %eq3A_122, %broadcast_in_dim3A_125, %broadcast_in_dim3A_126 : vector<16xi1>, vector<16xf32>
      %slice3A_128 = vector.extract_strided_slice %get3A_47 {offsets = [5], sizes = [1], strides = [1]} : vector<16xi32> to vector<1xi32>
      %squeeze3A_129 = vector.extract %slice3A_128[0] : i32 from vector<1xi32>
      %swap3A_130 = arith.index_cast %squeeze3A_129 : i32 to index
      %swap3A_131 = arith.constant 0 : index
      %swap3A_132 = tpu.vector_load %arg5[%swap3A_130, %swap3A_131] {strides = array<i32>} : memref<1000x128xf32, #tpu.memory_space<vmem>>, vector<1x16xf32>,
      %swap3A_133 = vector.shape_cast %swap3A_132 : vector<1x16xf32> to vector<16xf32>
      %swap3A_134 = vector.shape_cast %select_n3A_127 : vector<16xf32> to vector<1x16xf32>
      tpu.vector_store %arg5[%swap3A_130, %swap3A_131], %swap3A_134 {add = true, strides = array<i32>} : memref<1000x128xf32, #tpu.memory_space<vmem>>, vector<1x16xf32>,
      %eq3A_135 = arith.constant 6 : i32
      %eq3A_136 = vector.broadcast %eq3A_135 : i32 to vector<16xi32>
      %eq3A_137 = arith.cmpi eq, %iota3A, %eq3A_136 : vector<16xi32>
      %jit3A_138 = arith.constant 1.000000e+00 : f32
      %jit3A_139 = arith.constant 0.000000e+00 : f32
      %broadcast_in_dim3A_140 = vector.broadcast %jit3A_138 : f32 to vector<16xf32>
      %broadcast_in_dim3A_141 = vector.broadcast %jit3A_139 : f32 to vector<16xf32>
      %select_n3A_142 = arith.select %eq3A_137, %broadcast_in_dim3A_140, %broadcast_in_dim3A_141 : vector<16xi1>, vector<16xf32>
      %slice3A_143 = vector.extract_strided_slice %get3A_47 {offsets = [6], sizes = [1], strides = [1]} : vector<16xi32> to vector<1xi32>
      %squeeze3A_144 = vector.extract %slice3A_143[0] : i32 from vector<1xi32>
      %swap3A_145 = arith.index_cast %squeeze3A_144 : i32 to index
      %swap3A_146 = arith.constant 0 : index
      %swap3A_147 = tpu.vector_load %arg5[%swap3A_145, %swap3A_146] {strides = array<i32>} : memref<1000x128xf32, #tpu.memory_space<vmem>>, vector<1x16xf32>,
      %swap3A_148 = vector.shape_cast %swap3A_147 : vector<1x16xf32> to vector<16xf32>
      %swap3A_149 = vector.shape_cast %select_n3A_142 : vector<16xf32> to vector<1x16xf32>
      tpu.vector_store %arg5[%swap3A_145, %swap3A_146], %swap3A_149 {add = true, strides = array<i32>} : memref<1000x128xf32, #tpu.memory_space<vmem>>, vector<1x16xf32>,
      %eq3A_150 = arith.constant 7 : i32
      %eq3A_151 = vector.broadcast %eq3A_150 : i32 to vector<16xi32>
      %eq3A_152 = arith.cmpi eq, %iota3A, %eq3A_151 : vector<16xi32>
      %jit3A_153 = arith.constant 1.000000e+00 : f32
      %jit3A_154 = arith.constant 0.000000e+00 : f32
      %broadcast_in_dim3A_155 = vector.broadcast %jit3A_153 : f32 to vector<16xf32>
      %broadcast_in_dim3A_156 = vector.broadcast %jit3A_154 : f32 to vector<16xf32>
      %select_n3A_157 = arith.select %eq3A_152, %broadcast_in_dim3A_155, %broadcast_in_dim3A_156 : vector<16xi1>, vector<16xf32>
      %slice3A_158 = vector.extract_strided_slice %get3A_47 {offsets = [7], sizes = [1], strides = [1]} : vector<16xi32> to vector<1xi32>
      %squeeze3A_159 = vector.extract %slice3A_158[0] : i32 from vector<1xi32>
      %swap3A_160 = arith.index_cast %squeeze3A_159 : i32 to index
      %swap3A_161 = arith.constant 0 : index
      %swap3A_162 = tpu.vector_load %arg5[%swap3A_160, %swap3A_161] {strides = array<i32>} : memref<1000x128xf32, #tpu.memory_space<vmem>>, vector<1x16xf32>,
      %swap3A_163 = vector.shape_cast %swap3A_162 : vector<1x16xf32> to vector<16xf32>
      %swap3A_164 = vector.shape_cast %select_n3A_157 : vector<16xf32> to vector<1x16xf32>
      tpu.vector_store %arg5[%swap3A_160, %swap3A_161], %swap3A_164 {add = true, strides = array<i32>} : memref<1000x128xf32, #tpu.memory_space<vmem>>, vector<1x16xf32>,
      %eq3A_165 = arith.constant 8 : i32
      %eq3A_166 = vector.broadcast %eq3A_165 : i32 to vector<16xi32>
      %eq3A_167 = arith.cmpi eq, %iota3A, %eq3A_166 : vector<16xi32>
      %jit3A_168 = arith.constant 1.000000e+00 : f32
      %jit3A_169 = arith.constant 0.000000e+00 : f32
      %broadcast_in_dim3A_170 = vector.broadcast %jit3A_168 : f32 to vector<16xf32>
      %broadcast_in_dim3A_171 = vector.broadcast %jit3A_169 : f32 to vector<16xf32>
      %select_n3A_172 = arith.select %eq3A_167, %broadcast_in_dim3A_170, %broadcast_in_dim3A_171 : vector<16xi1>, vector<16xf32>
      %slice3A_173 = vector.extract_strided_slice %get3A_47 {offsets = [8], sizes = [1], strides = [1]} : vector<16xi32> to vector<1xi32>
      %squeeze3A_174 = vector.extract %slice3A_173[0] : i32 from vector<1xi32>
      %swap3A_175 = arith.index_cast %squeeze3A_174 : i32 to index
      %swap3A_176 = arith.constant 0 : index
      %swap3A_177 = tpu.vector_load %arg5[%swap3A_175, %swap3A_176] {strides = array<i32>} : memref<1000x128xf32, #tpu.memory_space<vmem>>, vector<1x16xf32>,
      %swap3A_178 = vector.shape_cast %swap3A_177 : vector<1x16xf32> to vector<16xf32>
      %swap3A_179 = vector.shape_cast %select_n3A_172 : vector<16xf32> to vector<1x16xf32>
      tpu.vector_store %arg5[%swap3A_175, %swap3A_176], %swap3A_179 {add = true, strides = array<i32>} : memref<1000x128xf32, #tpu.memory_space<vmem>>, vector<1x16xf32>,
      %eq3A_180 = arith.constant 9 : i32
      %eq3A_181 = vector.broadcast %eq3A_180 : i32 to vector<16xi32>
      %eq3A_182 = arith.cmpi eq, %iota3A, %eq3A_181 : vector<16xi32>
      %jit3A_183 = arith.constant 1.000000e+00 : f32
      %jit3A_184 = arith.constant 0.000000e+00 : f32
      %broadcast_in_dim3A_185 = vector.broadcast %jit3A_183 : f32 to vector<16xf32>
      %broadcast_in_dim3A_186 = vector.broadcast %jit3A_184 : f32 to vector<16xf32>
      %select_n3A_187 = arith.select %eq3A_182, %broadcast_in_dim3A_185, %broadcast_in_dim3A_186 : vector<16xi1>, vector<16xf32>
      %slice3A_188 = vector.extract_strided_slice %get3A_47 {offsets = [9], sizes = [1], strides = [1]} : vector<16xi32> to vector<1xi32>
      %squeeze3A_189 = vector.extract %slice3A_188[0] : i32 from vector<1xi32>
      %swap3A_190 = arith.index_cast %squeeze3A_189 : i32 to index
      %swap3A_191 = arith.constant 0 : index
      %swap3A_192 = tpu.vector_load %arg5[%swap3A_190, %swap3A_191] {strides = array<i32>} : memref<1000x128xf32, #tpu.memory_space<vmem>>, vector<1x16xf32>,
      %swap3A_193 = vector.shape_cast %swap3A_192 : vector<1x16xf32> to vector<16xf32>
      %swap3A_194 = vector.shape_cast %select_n3A_187 : vector<16xf32> to vector<1x16xf32>
      tpu.vector_store %arg5[%swap3A_190, %swap3A_191], %swap3A_194 {add = true, strides = array<i32>} : memref<1000x128xf32, #tpu.memory_space<vmem>>, vector<1x16xf32>,
      %eq3A_195 = arith.constant 10 : i32
      %eq3A_196 = vector.broadcast %eq3A_195 : i32 to vector<16xi32>
      %eq3A_197 = arith.cmpi eq, %iota3A, %eq3A_196 : vector<16xi32>
      %jit3A_198 = arith.constant 1.000000e+00 : f32
      %jit3A_199 = arith.constant 0.000000e+00 : f32
      %broadcast_in_dim3A_200 = vector.broadcast %jit3A_198 : f32 to vector<16xf32>
      %broadcast_in_dim3A_201 = vector.broadcast %jit3A_199 : f32 to vector<16xf32>
      %select_n3A_202 = arith.select %eq3A_197, %broadcast_in_dim3A_200, %broadcast_in_dim3A_201 : vector<16xi1>, vector<16xf32>
      %slice3A_203 = vector.extract_strided_slice %get3A_47 {offsets = [10], sizes = [1], strides = [1]} : vector<16xi32> to vector<1xi32>
      %squeeze3A_204 = vector.extract %slice3A_203[0] : i32 from vector<1xi32>
      %swap3A_205 = arith.index_cast %squeeze3A_204 : i32 to index
      %swap3A_206 = arith.constant 0 : index
      %swap3A_207 = tpu.vector_load %arg5[%swap3A_205, %swap3A_206] {strides = array<i32>} : memref<1000x128xf32, #tpu.memory_space<vmem>>, vector<1x16xf32>,
      %swap3A_208 = vector.shape_cast %swap3A_207 : vector<1x16xf32> to vector<16xf32>
      %swap3A_209 = vector.shape_cast %select_n3A_202 : vector<16xf32> to vector<1x16xf32>
      tpu.vector_store %arg5[%swap3A_205, %swap3A_206], %swap3A_209 {add = true, strides = array<i32>} : memref<1000x128xf32, #tpu.memory_space<vmem>>, vector<1x16xf32>,
      %eq3A_210 = arith.constant 11 : i32
      %eq3A_211 = vector.broadcast %eq3A_210 : i32 to vector<16xi32>
      %eq3A_212 = arith.cmpi eq, %iota3A, %eq3A_211 : vector<16xi32>
      %jit3A_213 = arith.constant 1.000000e+00 : f32
      %jit3A_214 = arith.constant 0.000000e+00 : f32
      %broadcast_in_dim3A_215 = vector.broadcast %jit3A_213 : f32 to vector<16xf32>
      %broadcast_in_dim3A_216 = vector.broadcast %jit3A_214 : f32 to vector<16xf32>
      %select_n3A_217 = arith.select %eq3A_212, %broadcast_in_dim3A_215, %broadcast_in_dim3A_216 : vector<16xi1>, vector<16xf32>
      %slice3A_218 = vector.extract_strided_slice %get3A_47 {offsets = [11], sizes = [1], strides = [1]} : vector<16xi32> to vector<1xi32>
      %squeeze3A_219 = vector.extract %slice3A_218[0] : i32 from vector<1xi32>
      %swap3A_220 = arith.index_cast %squeeze3A_219 : i32 to index
      %swap3A_221 = arith.constant 0 : index
      %swap3A_222 = tpu.vector_load %arg5[%swap3A_220, %swap3A_221] {strides = array<i32>} : memref<1000x128xf32, #tpu.memory_space<vmem>>, vector<1x16xf32>,
      %swap3A_223 = vector.shape_cast %swap3A_222 : vector<1x16xf32> to vector<16xf32>
      %swap3A_224 = vector.shape_cast %select_n3A_217 : vector<16xf32> to vector<1x16xf32>
      tpu.vector_store %arg5[%swap3A_220, %swap3A_221], %swap3A_224 {add = true, strides = array<i32>} : memref<1000x128xf32, #tpu.memory_space<vmem>>, vector<1x16xf32>,
      %eq3A_225 = arith.constant 12 : i32
      %eq3A_226 = vector.broadcast %eq3A_225 : i32 to vector<16xi32>
      %eq3A_227 = arith.cmpi eq, %iota3A, %eq3A_226 : vector<16xi32>
      %jit3A_228 = arith.constant 1.000000e+00 : f32
      %jit3A_229 = arith.constant 0.000000e+00 : f32
      %broadcast_in_dim3A_230 = vector.broadcast %jit3A_228 : f32 to vector<16xf32>
      %broadcast_in_dim3A_231 = vector.broadcast %jit3A_229 : f32 to vector<16xf32>
      %select_n3A_232 = arith.select %eq3A_227, %broadcast_in_dim3A_230, %broadcast_in_dim3A_231 : vector<16xi1>, vector<16xf32>
      %slice3A_233 = vector.extract_strided_slice %get3A_47 {offsets = [12], sizes = [1], strides = [1]} : vector<16xi32> to vector<1xi32>
      %squeeze3A_234 = vector.extract %slice3A_233[0] : i32 from vector<1xi32>
      %swap3A_235 = arith.index_cast %squeeze3A_234 : i32 to index
      %swap3A_236 = arith.constant 0 : index
      %swap3A_237 = tpu.vector_load %arg5[%swap3A_235, %swap3A_236] {strides = array<i32>} : memref<1000x128xf32, #tpu.memory_space<vmem>>, vector<1x16xf32>,
      %swap3A_238 = vector.shape_cast %swap3A_237 : vector<1x16xf32> to vector<16xf32>
      %swap3A_239 = vector.shape_cast %select_n3A_232 : vector<16xf32> to vector<1x16xf32>
      tpu.vector_store %arg5[%swap3A_235, %swap3A_236], %swap3A_239 {add = true, strides = array<i32>} : memref<1000x128xf32, #tpu.memory_space<vmem>>, vector<1x16xf32>,
      %eq3A_240 = arith.constant 13 : i32
      %eq3A_241 = vector.broadcast %eq3A_240 : i32 to vector<16xi32>
      %eq3A_242 = arith.cmpi eq, %iota3A, %eq3A_241 : vector<16xi32>
      %jit3A_243 = arith.constant 1.000000e+00 : f32
      %jit3A_244 = arith.constant 0.000000e+00 : f32
      %broadcast_in_dim3A_245 = vector.broadcast %jit3A_243 : f32 to vector<16xf32>
      %broadcast_in_dim3A_246 = vector.broadcast %jit3A_244 : f32 to vector<16xf32>
      %select_n3A_247 = arith.select %eq3A_242, %broadcast_in_dim3A_245, %broadcast_in_dim3A_246 : vector<16xi1>, vector<16xf32>
      %slice3A_248 = vector.extract_strided_slice %get3A_47 {offsets = [13], sizes = [1], strides = [1]} : vector<16xi32> to vector<1xi32>
      %squeeze3A_249 = vector.extract %slice3A_248[0] : i32 from vector<1xi32>
      %swap3A_250 = arith.index_cast %squeeze3A_249 : i32 to index
      %swap3A_251 = arith.constant 0 : index
      %swap3A_252 = tpu.vector_load %arg5[%swap3A_250, %swap3A_251] {strides = array<i32>} : memref<1000x128xf32, #tpu.memory_space<vmem>>, vector<1x16xf32>,
      %swap3A_253 = vector.shape_cast %swap3A_252 : vector<1x16xf32> to vector<16xf32>
      %swap3A_254 = vector.shape_cast %select_n3A_247 : vector<16xf32> to vector<1x16xf32>
      tpu.vector_store %arg5[%swap3A_250, %swap3A_251], %swap3A_254 {add = true, strides = array<i32>} : memref<1000x128xf32, #tpu.memory_space<vmem>>, vector<1x16xf32>,
      %eq3A_255 = arith.constant 14 : i32
      %eq3A_256 = vector.broadcast %eq3A_255 : i32 to vector<16xi32>
      %eq3A_257 = arith.cmpi eq, %iota3A, %eq3A_256 : vector<16xi32>
      %jit3A_258 = arith.constant 1.000000e+00 : f32
      %jit3A_259 = arith.constant 0.000000e+00 : f32
      %broadcast_in_dim3A_260 = vector.broadcast %jit3A_258 : f32 to vector<16xf32>
      %broadcast_in_dim3A_261 = vector.broadcast %jit3A_259 : f32 to vector<16xf32>
      %select_n3A_262 = arith.select %eq3A_257, %broadcast_in_dim3A_260, %broadcast_in_dim3A_261 : vector<16xi1>, vector<16xf32>
      %slice3A_263 = vector.extract_strided_slice %get3A_47 {offsets = [14], sizes = [1], strides = [1]} : vector<16xi32> to vector<1xi32>
      %squeeze3A_264 = vector.extract %slice3A_263[0] : i32 from vector<1xi32>
      %swap3A_265 = arith.index_cast %squeeze3A_264 : i32 to index
      %swap3A_266 = arith.constant 0 : index
      %swap3A_267 = tpu.vector_load %arg5[%swap3A_265, %swap3A_266] {strides = array<i32>} : memref<1000x128xf32, #tpu.memory_space<vmem>>, vector<1x16xf32>,
      %swap3A_268 = vector.shape_cast %swap3A_267 : vector<1x16xf32> to vector<16xf32>
      %swap3A_269 = vector.shape_cast %select_n3A_262 : vector<16xf32> to vector<1x16xf32>
      tpu.vector_store %arg5[%swap3A_265, %swap3A_266], %swap3A_269 {add = true, strides = array<i32>} : memref<1000x128xf32, #tpu.memory_space<vmem>>, vector<1x16xf32>,
      %eq3A_270 = arith.constant 15 : i32
      %eq3A_271 = vector.broadcast %eq3A_270 : i32 to vector<16xi32>
      %eq3A_272 = arith.cmpi eq, %iota3A, %eq3A_271 : vector<16xi32>
      %jit3A_273 = arith.constant 1.000000e+00 : f32
      %jit3A_274 = arith.constant 0.000000e+00 : f32
      %broadcast_in_dim3A_275 = vector.broadcast %jit3A_273 : f32 to vector<16xf32>
      %broadcast_in_dim3A_276 = vector.broadcast %jit3A_274 : f32 to vector<16xf32>
      %select_n3A_277 = arith.select %eq3A_272, %broadcast_in_dim3A_275, %broadcast_in_dim3A_276 : vector<16xi1>, vector<16xf32>
      %slice3A_278 = vector.extract_strided_slice %get3A_47 {offsets = [15], sizes = [1], strides = [1]} : vector<16xi32> to vector<1xi32>
      %squeeze3A_279 = vector.extract %slice3A_278[0] : i32 from vector<1xi32>
      %swap3A_280 = arith.index_cast %squeeze3A_279 : i32 to index
      %swap3A_281 = arith.constant 0 : index
      %swap3A_282 = tpu.vector_load %arg5[%swap3A_280, %swap3A_281] {strides = array<i32>} : memref<1000x128xf32, #tpu.memory_space<vmem>>, vector<1x16xf32>,
      %swap3A_283 = vector.shape_cast %swap3A_282 : vector<1x16xf32> to vector<16xf32>
      %swap3A_284 = vector.shape_cast %select_n3A_277 : vector<16xf32> to vector<1x16xf32>
      tpu.vector_store %arg5[%swap3A_280, %swap3A_281], %swap3A_284 {add = true, strides = array<i32>} : memref<1000x128xf32, #tpu.memory_space<vmem>>, vector<1x16xf32>,
      %get3A_285 = arith.index_cast %select_n3A_44 : i32 to index
      %get3A_286 = arith.constant 16 : index
      %get3A_287 = tpu.vector_load %arg4[%get3A_285, %get3A_286] {strides = array<i32>} : memref<2x128xi32, #tpu.memory_space<vmem>>, vector<1x16xi32>,
      %get3A_288 = vector.shape_cast %get3A_287 : vector<1x16xi32> to vector<16xi32>
      %eq3A_289 = arith.constant 0 : i32
      %eq3A_290 = vector.broadcast %eq3A_289 : i32 to vector<16xi32>
      %eq3A_291 = arith.cmpi eq, %iota3A, %eq3A_290 : vector<16xi32>
      %jit3A_292 = arith.constant 1.000000e+00 : f32
      %jit3A_293 = arith.constant 0.000000e+00 : f32
      %broadcast_in_dim3A_294 = vector.broadcast %jit3A_292 : f32 to vector<16xf32>
      %broadcast_in_dim3A_295 = vector.broadcast %jit3A_293 : f32 to vector<16xf32>
      %select_n3A_296 = arith.select %eq3A_291, %broadcast_in_dim3A_294, %broadcast_in_dim3A_295 : vector<16xi1>, vector<16xf32>
      %slice3A_297 = vector.extract_strided_slice %get3A_288 {offsets = [0], sizes = [1], strides = [1]} : vector<16xi32> to vector<1xi32>
      %squeeze3A_298 = vector.extract %slice3A_297[0] : i32 from vector<1xi32>
      %swap3A_299 = arith.index_cast %squeeze3A_298 : i32 to index
      %swap3A_300 = arith.constant 16 : index
      %swap3A_301 = tpu.vector_load %arg5[%swap3A_299, %swap3A_300] {strides = array<i32>} : memref<1000x128xf32, #tpu.memory_space<vmem>>, vector<1x16xf32>,
      %swap3A_302 = vector.shape_cast %swap3A_301 : vector<1x16xf32> to vector<16xf32>
      %swap3A_303 = vector.shape_cast %select_n3A_296 : vector<16xf32> to vector<1x16xf32>
      tpu.vector_store %arg5[%swap3A_299, %swap3A_300], %swap3A_303 {add = true, strides = array<i32>} : memref<1000x128xf32, #tpu.memory_space<vmem>>, vector<1x16xf32>,
      %eq3A_304 = arith.constant 1 : i32
      %eq3A_305 = vector.broadcast %eq3A_304 : i32 to vector<16xi32>
      %eq3A_306 = arith.cmpi eq, %iota3A, %eq3A_305 : vector<16xi32>
      %jit3A_307 = arith.constant 1.000000e+00 : f32
      %jit3A_308 = arith.constant 0.000000e+00 : f32
      %broadcast_in_dim3A_309 = vector.broadcast %jit3A_307 : f32 to vector<16xf32>
      %broadcast_in_dim3A_310 = vector.broadcast %jit3A_308 : f32 to vector<16xf32>
      %select_n3A_311 = arith.select %eq3A_306, %broadcast_in_dim3A_309, %broadcast_in_dim3A_310 : vector<16xi1>, vector<16xf32>
      %slice3A_312 = vector.extract_strided_slice %get3A_288 {offsets = [1], sizes = [1], strides = [1]} : vector<16xi32> to vector<1xi32>
      %squeeze3A_313 = vector.extract %slice3A_312[0] : i32 from vector<1xi32>
      %swap3A_314 = arith.index_cast %squeeze3A_313 : i32 to index
      %swap3A_315 = arith.constant 16 : index
      %swap3A_316 = tpu.vector_load %arg5[%swap3A_314, %swap3A_315] {strides = array<i32>} : memref<1000x128xf32, #tpu.memory_space<vmem>>, vector<1x16xf32>,
      %swap3A_317 = vector.shape_cast %swap3A_316 : vector<1x16xf32> to vector<16xf32>
      %swap3A_318 = vector.shape_cast %select_n3A_311 : vector<16xf32> to vector<1x16xf32>
      tpu.vector_store %arg5[%swap3A_314, %swap3A_315], %swap3A_318 {add = true, strides = array<i32>} : memref<1000x128xf32, #tpu.memory_space<vmem>>, vector<1x16xf32>,
      %eq3A_319 = arith.constant 2 : i32
      %eq3A_320 = vector.broadcast %eq3A_319 : i32 to vector<16xi32>
      %eq3A_321 = arith.cmpi eq, %iota3A, %eq3A_320 : vector<16xi32>
      %jit3A_322 = arith.constant 1.000000e+00 : f32
      %jit3A_323 = arith.constant 0.000000e+00 : f32
      %broadcast_in_dim3A_324 = vector.broadcast %jit3A_322 : f32 to vector<16xf32>
      %broadcast_in_dim3A_325 = vector.broadcast %jit3A_323 : f32 to vector<16xf32>
      %select_n3A_326 = arith.select %eq3A_321, %broadcast_in_dim3A_324, %broadcast_in_dim3A_325 : vector<16xi1>, vector<16xf32>
      %slice3A_327 = vector.extract_strided_slice %get3A_288 {offsets = [2], sizes = [1], strides = [1]} : vector<16xi32> to vector<1xi32>
      %squeeze3A_328 = vector.extract %slice3A_327[0] : i32 from vector<1xi32>
      %swap3A_329 = arith.index_cast %squeeze3A_328 : i32 to index
      %swap3A_330 = arith.constant 16 : index
      %swap3A_331 = tpu.vector_load %arg5[%swap3A_329, %swap3A_330] {strides = array<i32>} : memref<1000x128xf32, #tpu.memory_space<vmem>>, vector<1x16xf32>,
      %swap3A_332 = vector.shape_cast %swap3A_331 : vector<1x16xf32> to vector<16xf32>
      %swap3A_333 = vector.shape_cast %select_n3A_326 : vector<16xf32> to vector<1x16xf32>
      tpu.vector_store %arg5[%swap3A_329, %swap3A_330], %swap3A_333 {add = true, strides = array<i32>} : memref<1000x128xf32, #tpu.memory_space<vmem>>, vector<1x16xf32>,
      %eq3A_334 = arith.constant 3 : i32
      %eq3A_335 = vector.broadcast %eq3A_334 : i32 to vector<16xi32>
      %eq3A_336 = arith.cmpi eq, %iota3A, %eq3A_335 : vector<16xi32>
      %jit3A_337 = arith.constant 1.000000e+00 : f32
      %jit3A_338 = arith.constant 0.000000e+00 : f32
      %broadcast_in_dim3A_339 = vector.broadcast %jit3A_337 : f32 to vector<16xf32>
      %broadcast_in_dim3A_340 = vector.broadcast %jit3A_338 : f32 to vector<16xf32>
      %select_n3A_341 = arith.select %eq3A_336, %broadcast_in_dim3A_339, %broadcast_in_dim3A_340 : vector<16xi1>, vector<16xf32>
      %slice3A_342 = vector.extract_strided_slice %get3A_288 {offsets = [3], sizes = [1], strides = [1]} : vector<16xi32> to vector<1xi32>
      %squeeze3A_343 = vector.extract %slice3A_342[0] : i32 from vector<1xi32>
      %swap3A_344 = arith.index_cast %squeeze3A_343 : i32 to index
      %swap3A_345 = arith.constant 16 : index
      %swap3A_346 = tpu.vector_load %arg5[%swap3A_344, %swap3A_345] {strides = array<i32>} : memref<1000x128xf32, #tpu.memory_space<vmem>>, vector<1x16xf32>,
      %swap3A_347 = vector.shape_cast %swap3A_346 : vector<1x16xf32> to vector<16xf32>
      %swap3A_348 = vector.shape_cast %select_n3A_341 : vector<16xf32> to vector<1x16xf32>
      tpu.vector_store %arg5[%swap3A_344, %swap3A_345], %swap3A_348 {add = true, strides = array<i32>} : memref<1000x128xf32, #tpu.memory_space<vmem>>, vector<1x16xf32>,
      %eq3A_349 = arith.constant 4 : i32
      %eq3A_350 = vector.broadcast %eq3A_349 : i32 to vector<16xi32>
      %eq3A_351 = arith.cmpi eq, %iota3A, %eq3A_350 : vector<16xi32>
      %jit3A_352 = arith.constant 1.000000e+00 : f32
      %jit3A_353 = arith.constant 0.000000e+00 : f32
      %broadcast_in_dim3A_354 = vector.broadcast %jit3A_352 : f32 to vector<16xf32>
      %broadcast_in_dim3A_355 = vector.broadcast %jit3A_353 : f32 to vector<16xf32>
      %select_n3A_356 = arith.select %eq3A_351, %broadcast_in_dim3A_354, %broadcast_in_dim3A_355 : vector<16xi1>, vector<16xf32>
      %slice3A_357 = vector.extract_strided_slice %get3A_288 {offsets = [4], sizes = [1], strides = [1]} : vector<16xi32> to vector<1xi32>
      %squeeze3A_358 = vector.extract %slice3A_357[0] : i32 from vector<1xi32>
      %swap3A_359 = arith.index_cast %squeeze3A_358 : i32 to index
      %swap3A_360 = arith.constant 16 : index
      %swap3A_361 = tpu.vector_load %arg5[%swap3A_359, %swap3A_360] {strides = array<i32>} : memref<1000x128xf32, #tpu.memory_space<vmem>>, vector<1x16xf32>,
      %swap3A_362 = vector.shape_cast %swap3A_361 : vector<1x16xf32> to vector<16xf32>
      %swap3A_363 = vector.shape_cast %select_n3A_356 : vector<16xf32> to vector<1x16xf32>
      tpu.vector_store %arg5[%swap3A_359, %swap3A_360], %swap3A_363 {add = true, strides = array<i32>} : memref<1000x128xf32, #tpu.memory_space<vmem>>, vector<1x16xf32>,
      %eq3A_364 = arith.constant 5 : i32
      %eq3A_365 = vector.broadcast %eq3A_364 : i32 to vector<16xi32>
      %eq3A_366 = arith.cmpi eq, %iota3A, %eq3A_365 : vector<16xi32>
      %jit3A_367 = arith.constant 1.000000e+00 : f32
      %jit3A_368 = arith.constant 0.000000e+00 : f32
      %broadcast_in_dim3A_369 = vector.broadcast %jit3A_367 : f32 to vector<16xf32>
      %broadcast_in_dim3A_370 = vector.broadcast %jit3A_368 : f32 to vector<16xf32>
      %select_n3A_371 = arith.select %eq3A_366, %broadcast_in_dim3A_369, %broadcast_in_dim3A_370 : vector<16xi1>, vector<16xf32>
      %slice3A_372 = vector.extract_strided_slice %get3A_288 {offsets = [5], sizes = [1], strides = [1]} : vector<16xi32> to vector<1xi32>
      %squeeze3A_373 = vector.extract %slice3A_372[0] : i32 from vector<1xi32>
      %swap3A_374 = arith.index_cast %squeeze3A_373 : i32 to index
      %swap3A_375 = arith.constant 16 : index
      %swap3A_376 = tpu.vector_load %arg5[%swap3A_374, %swap3A_375] {strides = array<i32>} : memref<1000x128xf32, #tpu.memory_space<vmem>>, vector<1x16xf32>,
      %swap3A_377 = vector.shape_cast %swap3A_376 : vector<1x16xf32> to vector<16xf32>
      %swap3A_378 = vector.shape_cast %select_n3A_371 : vector<16xf32> to vector<1x16xf32>
      tpu.vector_store %arg5[%swap3A_374, %swap3A_375], %swap3A_378 {add = true, strides = array<i32>} : memref<1000x128xf32, #tpu.memory_space<vmem>>, vector<1x16xf32>,
      %eq3A_379 = arith.constant 6 : i32
      %eq3A_380 = vector.broadcast %eq3A_379 : i32 to vector<16xi32>
      %eq3A_381 = arith.cmpi eq, %iota3A, %eq3A_380 : vector<16xi32>
      %jit3A_382 = arith.constant 1.000000e+00 : f32
      %jit3A_383 = arith.constant 0.000000e+00 : f32
      %broadcast_in_dim3A_384 = vector.broadcast %jit3A_382 : f32 to vector<16xf32>
      %broadcast_in_dim3A_385 = vector.broadcast %jit3A_383 : f32 to vector<16xf32>
      %select_n3A_386 = arith.select %eq3A_381, %broadcast_in_dim3A_384, %broadcast_in_dim3A_385 : vector<16xi1>, vector<16xf32>
      %slice3A_387 = vector.extract_strided_slice %get3A_288 {offsets = [6], sizes = [1], strides = [1]} : vector<16xi32> to vector<1xi32>
      %squeeze3A_388 = vector.extract %slice3A_387[0] : i32 from vector<1xi32>
      %swap3A_389 = arith.index_cast %squeeze3A_388 : i32 to index
      %swap3A_390 = arith.constant 16 : index
      %swap3A_391 = tpu.vector_load %arg5[%swap3A_389, %swap3A_390] {strides = array<i32>} : memref<1000x128xf32, #tpu.memory_space<vmem>>, vector<1x16xf32>,
      %swap3A_392 = vector.shape_cast %swap3A_391 : vector<1x16xf32> to vector<16xf32>
      %swap3A_393 = vector.shape_cast %select_n3A_386 : vector<16xf32> to vector<1x16xf32>
      tpu.vector_store %arg5[%swap3A_389, %swap3A_390], %swap3A_393 {add = true, strides = array<i32>} : memref<1000x128xf32, #tpu.memory_space<vmem>>, vector<1x16xf32>,
      %eq3A_394 = arith.constant 7 : i32
      %eq3A_395 = vector.broadcast %eq3A_394 : i32 to vector<16xi32>
      %eq3A_396 = arith.cmpi eq, %iota3A, %eq3A_395 : vector<16xi32>
      %jit3A_397 = arith.constant 1.000000e+00 : f32
      %jit3A_398 = arith.constant 0.000000e+00 : f32
      %broadcast_in_dim3A_399 = vector.broadcast %jit3A_397 : f32 to vector<16xf32>
      %broadcast_in_dim3A_400 = vector.broadcast %jit3A_398 : f32 to vector<16xf32>
      %select_n3A_401 = arith.select %eq3A_396, %broadcast_in_dim3A_399, %broadcast_in_dim3A_400 : vector<16xi1>, vector<16xf32>
      %slice3A_402 = vector.extract_strided_slice %get3A_288 {offsets = [7], sizes = [1], strides = [1]} : vector<16xi32> to vector<1xi32>
      %squeeze3A_403 = vector.extract %slice3A_402[0] : i32 from vector<1xi32>
      %swap3A_404 = arith.index_cast %squeeze3A_403 : i32 to index
      %swap3A_405 = arith.constant 16 : index
      %swap3A_406 = tpu.vector_load %arg5[%swap3A_404, %swap3A_405] {strides = array<i32>} : memref<1000x128xf32, #tpu.memory_space<vmem>>, vector<1x16xf32>,
      %swap3A_407 = vector.shape_cast %swap3A_406 : vector<1x16xf32> to vector<16xf32>
      %swap3A_408 = vector.shape_cast %select_n3A_401 : vector<16xf32> to vector<1x16xf32>
      tpu.vector_store %arg5[%swap3A_404, %swap3A_405], %swap3A_408 {add = true, strides = array<i32>} : memref<1000x128xf32, #tpu.memory_space<vmem>>, vector<1x16xf32>,
      %eq3A_409 = arith.constant 8 : i32
      %eq3A_410 = vector.broadcast %eq3A_409 : i32 to vector<16xi32>
      %eq3A_411 = arith.cmpi eq, %iota3A, %eq3A_410 : vector<16xi32>
      %jit3A_412 = arith.constant 1.000000e+00 : f32
      %jit3A_413 = arith.constant 0.000000e+00 : f32
      %broadcast_in_dim3A_414 = vector.broadcast %jit3A_412 : f32 to vector<16xf32>
      %broadcast_in_dim3A_415 = vector.broadcast %jit3A_413 : f32 to vector<16xf32>
      %select_n3A_416 = arith.select %eq3A_411, %broadcast_in_dim3A_414, %broadcast_in_dim3A_415 : vector<16xi1>, vector<16xf32>
      %slice3A_417 = vector.extract_strided_slice %get3A_288 {offsets = [8], sizes = [1], strides = [1]} : vector<16xi32> to vector<1xi32>
      %squeeze3A_418 = vector.extract %slice3A_417[0] : i32 from vector<1xi32>
      %swap3A_419 = arith.index_cast %squeeze3A_418 : i32 to index
      %swap3A_420 = arith.constant 16 : index
      %swap3A_421 = tpu.vector_load %arg5[%swap3A_419, %swap3A_420] {strides = array<i32>} : memref<1000x128xf32, #tpu.memory_space<vmem>>, vector<1x16xf32>,
      %swap3A_422 = vector.shape_cast %swap3A_421 : vector<1x16xf32> to vector<16xf32>
      %swap3A_423 = vector.shape_cast %select_n3A_416 : vector<16xf32> to vector<1x16xf32>
      tpu.vector_store %arg5[%swap3A_419, %swap3A_420], %swap3A_423 {add = true, strides = array<i32>} : memref<1000x128xf32, #tpu.memory_space<vmem>>, vector<1x16xf32>,
      %eq3A_424 = arith.constant 9 : i32
      %eq3A_425 = vector.broadcast %eq3A_424 : i32 to vector<16xi32>
      %eq3A_426 = arith.cmpi eq, %iota3A, %eq3A_425 : vector<16xi32>
      %jit3A_427 = arith.constant 1.000000e+00 : f32
      %jit3A_428 = arith.constant 0.000000e+00 : f32
      %broadcast_in_dim3A_429 = vector.broadcast %jit3A_427 : f32 to vector<16xf32>
      %broadcast_in_dim3A_430 = vector.broadcast %jit3A_428 : f32 to vector<16xf32>
      %select_n3A_431 = arith.select %eq3A_426, %broadcast_in_dim3A_429, %broadcast_in_dim3A_430 : vector<16xi1>, vector<16xf32>
      %slice3A_432 = vector.extract_strided_slice %get3A_288 {offsets = [9], sizes = [1], strides = [1]} : vector<16xi32> to vector<1xi32>
      %squeeze3A_433 = vector.extract %slice3A_432[0] : i32 from vector<1xi32>
      %swap3A_434 = arith.index_cast %squeeze3A_433 : i32 to index
      %swap3A_435 = arith.constant 16 : index
      %swap3A_436 = tpu.vector_load %arg5[%swap3A_434, %swap3A_435] {strides = array<i32>} : memref<1000x128xf32, #tpu.memory_space<vmem>>, vector<1x16xf32>,
      %swap3A_437 = vector.shape_cast %swap3A_436 : vector<1x16xf32> to vector<16xf32>
      %swap3A_438 = vector.shape_cast %select_n3A_431 : vector<16xf32> to vector<1x16xf32>
      tpu.vector_store %arg5[%swap3A_434, %swap3A_435], %swap3A_438 {add = true, strides = array<i32>} : memref<1000x128xf32, #tpu.memory_space<vmem>>, vector<1x16xf32>,
      %eq3A_439 = arith.constant 10 : i32
      %eq3A_440 = vector.broadcast %eq3A_439 : i32 to vector<16xi32>
      %eq3A_441 = arith.cmpi eq, %iota3A, %eq3A_440 : vector<16xi32>
      %jit3A_442 = arith.constant 1.000000e+00 : f32
      %jit3A_443 = arith.constant 0.000000e+00 : f32
      %broadcast_in_dim3A_444 = vector.broadcast %jit3A_442 : f32 to vector<16xf32>
      %broadcast_in_dim3A_445 = vector.broadcast %jit3A_443 : f32 to vector<16xf32>
      %select_n3A_446 = arith.select %eq3A_441, %broadcast_in_dim3A_444, %broadcast_in_dim3A_445 : vector<16xi1>, vector<16xf32>
      %slice3A_447 = vector.extract_strided_slice %get3A_288 {offsets = [10], sizes = [1], strides = [1]} : vector<16xi32> to vector<1xi32>
      %squeeze3A_448 = vector.extract %slice3A_447[0] : i32 from vector<1xi32>
      %swap3A_449 = arith.index_cast %squeeze3A_448 : i32 to index
      %swap3A_450 = arith.constant 16 : index
      %swap3A_451 = tpu.vector_load %arg5[%swap3A_449, %swap3A_450] {strides = array<i32>} : memref<1000x128xf32, #tpu.memory_space<vmem>>, vector<1x16xf32>,
      %swap3A_452 = vector.shape_cast %swap3A_451 : vector<1x16xf32> to vector<16xf32>
      %swap3A_453 = vector.shape_cast %select_n3A_446 : vector<16xf32> to vector<1x16xf32>
      tpu.vector_store %arg5[%swap3A_449, %swap3A_450], %swap3A_453 {add = true, strides = array<i32>} : memref<1000x128xf32, #tpu.memory_space<vmem>>, vector<1x16xf32>,
      %eq3A_454 = arith.constant 11 : i32
      %eq3A_455 = vector.broadcast %eq3A_454 : i32 to vector<16xi32>
      %eq3A_456 = arith.cmpi eq, %iota3A, %eq3A_455 : vector<16xi32>
      %jit3A_457 = arith.constant 1.000000e+00 : f32
      %jit3A_458 = arith.constant 0.000000e+00 : f32
      %broadcast_in_dim3A_459 = vector.broadcast %jit3A_457 : f32 to vector<16xf32>
      %broadcast_in_dim3A_460 = vector.broadcast %jit3A_458 : f32 to vector<16xf32>
      %select_n3A_461 = arith.select %eq3A_456, %broadcast_in_dim3A_459, %broadcast_in_dim3A_460 : vector<16xi1>, vector<16xf32>
      %slice3A_462 = vector.extract_strided_slice %get3A_288 {offsets = [11], sizes = [1], strides = [1]} : vector<16xi32> to vector<1xi32>
      %squeeze3A_463 = vector.extract %slice3A_462[0] : i32 from vector<1xi32>
      %swap3A_464 = arith.index_cast %squeeze3A_463 : i32 to index
      %swap3A_465 = arith.constant 16 : index
      %swap3A_466 = tpu.vector_load %arg5[%swap3A_464, %swap3A_465] {strides = array<i32>} : memref<1000x128xf32, #tpu.memory_space<vmem>>, vector<1x16xf32>,
      %swap3A_467 = vector.shape_cast %swap3A_466 : vector<1x16xf32> to vector<16xf32>
      %swap3A_468 = vector.shape_cast %select_n3A_461 : vector<16xf32> to vector<1x16xf32>
      tpu.vector_store %arg5[%swap3A_464, %swap3A_465], %swap3A_468 {add = true, strides = array<i32>} : memref<1000x128xf32, #tpu.memory_space<vmem>>, vector<1x16xf32>,
      %eq3A_469 = arith.constant 12 : i32
      %eq3A_470 = vector.broadcast %eq3A_469 : i32 to vector<16xi32>
      %eq3A_471 = arith.cmpi eq, %iota3A, %eq3A_470 : vector<16xi32>
      %jit3A_472 = arith.constant 1.000000e+00 : f32
      %jit3A_473 = arith.constant 0.000000e+00 : f32
      %broadcast_in_dim3A_474 = vector.broadcast %jit3A_472 : f32 to vector<16xf32>
      %broadcast_in_dim3A_475 = vector.broadcast %jit3A_473 : f32 to vector<16xf32>
      %select_n3A_476 = arith.select %eq3A_471, %broadcast_in_dim3A_474, %broadcast_in_dim3A_475 : vector<16xi1>, vector<16xf32>
      %slice3A_477 = vector.extract_strided_slice %get3A_288 {offsets = [12], sizes = [1], strides = [1]} : vector<16xi32> to vector<1xi32>
      %squeeze3A_478 = vector.extract %slice3A_477[0] : i32 from vector<1xi32>
      %swap3A_479 = arith.index_cast %squeeze3A_478 : i32 to index
      %swap3A_480 = arith.constant 16 : index
      %swap3A_481 = tpu.vector_load %arg5[%swap3A_479, %swap3A_480] {strides = array<i32>} : memref<1000x128xf32, #tpu.memory_space<vmem>>, vector<1x16xf32>,
      %swap3A_482 = vector.shape_cast %swap3A_481 : vector<1x16xf32> to vector<16xf32>
      %swap3A_483 = vector.shape_cast %select_n3A_476 : vector<16xf32> to vector<1x16xf32>
      tpu.vector_store %arg5[%swap3A_479, %swap3A_480], %swap3A_483 {add = true, strides = array<i32>} : memref<1000x128xf32, #tpu.memory_space<vmem>>, vector<1x16xf32>,
      %eq3A_484 = arith.constant 13 : i32
      %eq3A_485 = vector.broadcast %eq3A_484 : i32 to vector<16xi32>
      %eq3A_486 = arith.cmpi eq, %iota3A, %eq3A_485 : vector<16xi32>
      %jit3A_487 = arith.constant 1.000000e+00 : f32
      %jit3A_488 = arith.constant 0.000000e+00 : f32
      %broadcast_in_dim3A_489 = vector.broadcast %jit3A_487 : f32 to vector<16xf32>
      %broadcast_in_dim3A_490 = vector.broadcast %jit3A_488 : f32 to vector<16xf32>
      %select_n3A_491 = arith.select %eq3A_486, %broadcast_in_dim3A_489, %broadcast_in_dim3A_490 : vector<16xi1>, vector<16xf32>
      %slice3A_492 = vector.extract_strided_slice %get3A_288 {offsets = [13], sizes = [1], strides = [1]} : vector<16xi32> to vector<1xi32>
      %squeeze3A_493 = vector.extract %slice3A_492[0] : i32 from vector<1xi32>
      %swap3A_494 = arith.index_cast %squeeze3A_493 : i32 to index
      %swap3A_495 = arith.constant 16 : index
      %swap3A_496 = tpu.vector_load %arg5[%swap3A_494, %swap3A_495] {strides = array<i32>} : memref<1000x128xf32, #tpu.memory_space<vmem>>, vector<1x16xf32>,
      %swap3A_497 = vector.shape_cast %swap3A_496 : vector<1x16xf32> to vector<16xf32>
      %swap3A_498 = vector.shape_cast %select_n3A_491 : vector<16xf32> to vector<1x16xf32>
      tpu.vector_store %arg5[%swap3A_494, %swap3A_495], %swap3A_498 {add = true, strides = array<i32>} : memref<1000x128xf32, #tpu.memory_space<vmem>>, vector<1x16xf32>,
      %eq3A_499 = arith.constant 14 : i32
      %eq3A_500 = vector.broadcast %eq3A_499 : i32 to vector<16xi32>
      %eq3A_501 = arith.cmpi eq, %iota3A, %eq3A_500 : vector<16xi32>
      %jit3A_502 = arith.constant 1.000000e+00 : f32
      %jit3A_503 = arith.constant 0.000000e+00 : f32
      %broadcast_in_dim3A_504 = vector.broadcast %jit3A_502 : f32 to vector<16xf32>
      %broadcast_in_dim3A_505 = vector.broadcast %jit3A_503 : f32 to vector<16xf32>
      %select_n3A_506 = arith.select %eq3A_501, %broadcast_in_dim3A_504, %broadcast_in_dim3A_505 : vector<16xi1>, vector<16xf32>
      %slice3A_507 = vector.extract_strided_slice %get3A_288 {offsets = [14], sizes = [1], strides = [1]} : vector<16xi32> to vector<1xi32>
      %squeeze3A_508 = vector.extract %slice3A_507[0] : i32 from vector<1xi32>
      %swap3A_509 = arith.index_cast %squeeze3A_508 : i32 to index
      %swap3A_510 = arith.constant 16 : index
      %swap3A_511 = tpu.vector_load %arg5[%swap3A_509, %swap3A_510] {strides = array<i32>} : memref<1000x128xf32, #tpu.memory_space<vmem>>, vector<1x16xf32>,
      %swap3A_512 = vector.shape_cast %swap3A_511 : vector<1x16xf32> to vector<16xf32>
      %swap3A_513 = vector.shape_cast %select_n3A_506 : vector<16xf32> to vector<1x16xf32>
      tpu.vector_store %arg5[%swap3A_509, %swap3A_510], %swap3A_513 {add = true, strides = array<i32>} : memref<1000x128xf32, #tpu.memory_space<vmem>>, vector<1x16xf32>,
      %eq3A_514 = arith.constant 15 : i32
      %eq3A_515 = vector.broadcast %eq3A_514 : i32 to vector<16xi32>
      %eq3A_516 = arith.cmpi eq, %iota3A, %eq3A_515 : vector<16xi32>
      %jit3A_517 = arith.constant 1.000000e+00 : f32
      %jit3A_518 = arith.constant 0.000000e+00 : f32
      %broadcast_in_dim3A_519 = vector.broadcast %jit3A_517 : f32 to vector<16xf32>
      %broadcast_in_dim3A_520 = vector.broadcast %jit3A_518 : f32 to vector<16xf32>
      %select_n3A_521 = arith.select %eq3A_516, %broadcast_in_dim3A_519, %broadcast_in_dim3A_520 : vector<16xi1>, vector<16xf32>
      %slice3A_522 = vector.extract_strided_slice %get3A_288 {offsets = [15], sizes = [1], strides = [1]} : vector<16xi32> to vector<1xi32>
      %squeeze3A_523 = vector.extract %slice3A_522[0] : i32 from vector<1xi32>
      %swap3A_524 = arith.index_cast %squeeze3A_523 : i32 to index
      %swap3A_525 = arith.constant 16 : index
      %swap3A_526 = tpu.vector_load %arg5[%swap3A_524, %swap3A_525] {strides = array<i32>} : memref<1000x128xf32, #tpu.memory_space<vmem>>, vector<1x16xf32>,
      %swap3A_527 = vector.shape_cast %swap3A_526 : vector<1x16xf32> to vector<16xf32>
      %swap3A_528 = vector.shape_cast %select_n3A_521 : vector<16xf32> to vector<1x16xf32>
      tpu.vector_store %arg5[%swap3A_524, %swap3A_525], %swap3A_528 {add = true, strides = array<i32>} : memref<1000x128xf32, #tpu.memory_space<vmem>>, vector<1x16xf32>,
      %get3A_529 = arith.index_cast %select_n3A_44 : i32 to index
      %get3A_530 = arith.constant 32 : index
      %get3A_531 = tpu.vector_load %arg4[%get3A_529, %get3A_530] {strides = array<i32>} : memref<2x128xi32, #tpu.memory_space<vmem>>, vector<1x16xi32>,
      %get3A_532 = vector.shape_cast %get3A_531 : vector<1x16xi32> to vector<16xi32>
      %eq3A_533 = arith.constant 0 : i32
      %eq3A_534 = vector.broadcast %eq3A_533 : i32 to vector<16xi32>
      %eq3A_535 = arith.cmpi eq, %iota3A, %eq3A_534 : vector<16xi32>
      %jit3A_536 = arith.constant 1.000000e+00 : f32
      %jit3A_537 = arith.constant 0.000000e+00 : f32
      %broadcast_in_dim3A_538 = vector.broadcast %jit3A_536 : f32 to vector<16xf32>
      %broadcast_in_dim3A_539 = vector.broadcast %jit3A_537 : f32 to vector<16xf32>
      %select_n3A_540 = arith.select %eq3A_535, %broadcast_in_dim3A_538, %broadcast_in_dim3A_539 : vector<16xi1>, vector<16xf32>
      %slice3A_541 = vector.extract_strided_slice %get3A_532 {offsets = [0], sizes = [1], strides = [1]} : vector<16xi32> to vector<1xi32>
      %squeeze3A_542 = vector.extract %slice3A_541[0] : i32 from vector<1xi32>
      %swap3A_543 = arith.index_cast %squeeze3A_542 : i32 to index
      %swap3A_544 = arith.constant 32 : index
      %swap3A_545 = tpu.vector_load %arg5[%swap3A_543, %swap3A_544] {strides = array<i32>} : memref<1000x128xf32, #tpu.memory_space<vmem>>, vector<1x16xf32>,
      %swap3A_546 = vector.shape_cast %swap3A_545 : vector<1x16xf32> to vector<16xf32>
      %swap3A_547 = vector.shape_cast %select_n3A_540 : vector<16xf32> to vector<1x16xf32>
      tpu.vector_store %arg5[%swap3A_543, %swap3A_544], %swap3A_547 {add = true, strides = array<i32>} : memref<1000x128xf32, #tpu.memory_space<vmem>>, vector<1x16xf32>,
      %eq3A_548 = arith.constant 1 : i32
      %eq3A_549 = vector.broadcast %eq3A_548 : i32 to vector<16xi32>
      %eq3A_550 = arith.cmpi eq, %iota3A, %eq3A_549 : vector<16xi32>
      %jit3A_551 = arith.constant 1.000000e+00 : f32
      %jit3A_552 = arith.constant 0.000000e+00 : f32
      %broadcast_in_dim3A_553 = vector.broadcast %jit3A_551 : f32 to vector<16xf32>
      %broadcast_in_dim3A_554 = vector.broadcast %jit3A_552 : f32 to vector<16xf32>
      %select_n3A_555 = arith.select %eq3A_550, %broadcast_in_dim3A_553, %broadcast_in_dim3A_554 : vector<16xi1>, vector<16xf32>
      %slice3A_556 = vector.extract_strided_slice %get3A_532 {offsets = [1], sizes = [1], strides = [1]} : vector<16xi32> to vector<1xi32>
      %squeeze3A_557 = vector.extract %slice3A_556[0] : i32 from vector<1xi32>
      %swap3A_558 = arith.index_cast %squeeze3A_557 : i32 to index
      %swap3A_559 = arith.constant 32 : index
      %swap3A_560 = tpu.vector_load %arg5[%swap3A_558, %swap3A_559] {strides = array<i32>} : memref<1000x128xf32, #tpu.memory_space<vmem>>, vector<1x16xf32>,
      %swap3A_561 = vector.shape_cast %swap3A_560 : vector<1x16xf32> to vector<16xf32>
      %swap3A_562 = vector.shape_cast %select_n3A_555 : vector<16xf32> to vector<1x16xf32>
      tpu.vector_store %arg5[%swap3A_558, %swap3A_559], %swap3A_562 {add = true, strides = array<i32>} : memref<1000x128xf32, #tpu.memory_space<vmem>>, vector<1x16xf32>,
      %eq3A_563 = arith.constant 2 : i32
      %eq3A_564 = vector.broadcast %eq3A_563 : i32 to vector<16xi32>
      %eq3A_565 = arith.cmpi eq, %iota3A, %eq3A_564 : vector<16xi32>
      %jit3A_566 = arith.constant 1.000000e+00 : f32
      %jit3A_567 = arith.constant 0.000000e+00 : f32
      %broadcast_in_dim3A_568 = vector.broadcast %jit3A_566 : f32 to vector<16xf32>
      %broadcast_in_dim3A_569 = vector.broadcast %jit3A_567 : f32 to vector<16xf32>
      %select_n3A_570 = arith.select %eq3A_565, %broadcast_in_dim3A_568, %broadcast_in_dim3A_569 : vector<16xi1>, vector<16xf32>
      %slice3A_571 = vector.extract_strided_slice %get3A_532 {offsets = [2], sizes = [1], strides = [1]} : vector<16xi32> to vector<1xi32>
      %squeeze3A_572 = vector.extract %slice3A_571[0] : i32 from vector<1xi32>
      %swap3A_573 = arith.index_cast %squeeze3A_572 : i32 to index
      %swap3A_574 = arith.constant 32 : index
      %swap3A_575 = tpu.vector_load %arg5[%swap3A_573, %swap3A_574] {strides = array<i32>} : memref<1000x128xf32, #tpu.memory_space<vmem>>, vector<1x16xf32>,
      %swap3A_576 = vector.shape_cast %swap3A_575 : vector<1x16xf32> to vector<16xf32>
      %swap3A_577 = vector.shape_cast %select_n3A_570 : vector<16xf32> to vector<1x16xf32>
      tpu.vector_store %arg5[%swap3A_573, %swap3A_574], %swap3A_577 {add = true, strides = array<i32>} : memref<1000x128xf32, #tpu.memory_space<vmem>>, vector<1x16xf32>,
      %eq3A_578 = arith.constant 3 : i32
      %eq3A_579 = vector.broadcast %eq3A_578 : i32 to vector<16xi32>
      %eq3A_580 = arith.cmpi eq, %iota3A, %eq3A_579 : vector<16xi32>
      %jit3A_581 = arith.constant 1.000000e+00 : f32
      %jit3A_582 = arith.constant 0.000000e+00 : f32
      %broadcast_in_dim3A_583 = vector.broadcast %jit3A_581 : f32 to vector<16xf32>
      %broadcast_in_dim3A_584 = vector.broadcast %jit3A_582 : f32 to vector<16xf32>
      %select_n3A_585 = arith.select %eq3A_580, %broadcast_in_dim3A_583, %broadcast_in_dim3A_584 : vector<16xi1>, vector<16xf32>
      %slice3A_586 = vector.extract_strided_slice %get3A_532 {offsets = [3], sizes = [1], strides = [1]} : vector<16xi32> to vector<1xi32>
      %squeeze3A_587 = vector.extract %slice3A_586[0] : i32 from vector<1xi32>
      %swap3A_588 = arith.index_cast %squeeze3A_587 : i32 to index
      %swap3A_589 = arith.constant 32 : index
      %swap3A_590 = tpu.vector_load %arg5[%swap3A_588, %swap3A_589] {strides = array<i32>} : memref<1000x128xf32, #tpu.memory_space<vmem>>, vector<1x16xf32>,
      %swap3A_591 = vector.shape_cast %swap3A_590 : vector<1x16xf32> to vector<16xf32>
      %swap3A_592 = vector.shape_cast %select_n3A_585 : vector<16xf32> to vector<1x16xf32>
      tpu.vector_store %arg5[%swap3A_588, %swap3A_589], %swap3A_592 {add = true, strides = array<i32>} : memref<1000x128xf32, #tpu.memory_space<vmem>>, vector<1x16xf32>,
      %eq3A_593 = arith.constant 4 : i32
      %eq3A_594 = vector.broadcast %eq3A_593 : i32 to vector<16xi32>
      %eq3A_595 = arith.cmpi eq, %iota3A, %eq3A_594 : vector<16xi32>
      %jit3A_596 = arith.constant 1.000000e+00 : f32
      %jit3A_597 = arith.constant 0.000000e+00 : f32
      %broadcast_in_dim3A_598 = vector.broadcast %jit3A_596 : f32 to vector<16xf32>
      %broadcast_in_dim3A_599 = vector.broadcast %jit3A_597 : f32 to vector<16xf32>
      %select_n3A_600 = arith.select %eq3A_595, %broadcast_in_dim3A_598, %broadcast_in_dim3A_599 : vector<16xi1>, vector<16xf32>
      %slice3A_601 = vector.extract_strided_slice %get3A_532 {offsets = [4], sizes = [1], strides = [1]} : vector<16xi32> to vector<1xi32>
      %squeeze3A_602 = vector.extract %slice3A_601[0] : i32 from vector<1xi32>
      %swap3A_603 = arith.index_cast %squeeze3A_602 : i32 to index
      %swap3A_604 = arith.constant 32 : index
      %swap3A_605 = tpu.vector_load %arg5[%swap3A_603, %swap3A_604] {strides = array<i32>} : memref<1000x128xf32, #tpu.memory_space<vmem>>, vector<1x16xf32>,
      %swap3A_606 = vector.shape_cast %swap3A_605 : vector<1x16xf32> to vector<16xf32>
      %swap3A_607 = vector.shape_cast %select_n3A_600 : vector<16xf32> to vector<1x16xf32>
      tpu.vector_store %arg5[%swap3A_603, %swap3A_604], %swap3A_607 {add = true, strides = array<i32>} : memref<1000x128xf32, #tpu.memory_space<vmem>>, vector<1x16xf32>,
      %eq3A_608 = arith.constant 5 : i32
      %eq3A_609 = vector.broadcast %eq3A_608 : i32 to vector<16xi32>
      %eq3A_610 = arith.cmpi eq, %iota3A, %eq3A_609 : vector<16xi32>
      %jit3A_611 = arith.constant 1.000000e+00 : f32
      %jit3A_612 = arith.constant 0.000000e+00 : f32
      %broadcast_in_dim3A_613 = vector.broadcast %jit3A_611 : f32 to vector<16xf32>
      %broadcast_in_dim3A_614 = vector.broadcast %jit3A_612 : f32 to vector<16xf32>
      %select_n3A_615 = arith.select %eq3A_610, %broadcast_in_dim3A_613, %broadcast_in_dim3A_614 : vector<16xi1>, vector<16xf32>
      %slice3A_616 = vector.extract_strided_slice %get3A_532 {offsets = [5], sizes = [1], strides = [1]} : vector<16xi32> to vector<1xi32>
      %squeeze3A_617 = vector.extract %slice3A_616[0] : i32 from vector<1xi32>
      %swap3A_618 = arith.index_cast %squeeze3A_617 : i32 to index
      %swap3A_619 = arith.constant 32 : index
      %swap3A_620 = tpu.vector_load %arg5[%swap3A_618, %swap3A_619] {strides = array<i32>} : memref<1000x128xf32, #tpu.memory_space<vmem>>, vector<1x16xf32>,
      %swap3A_621 = vector.shape_cast %swap3A_620 : vector<1x16xf32> to vector<16xf32>
      %swap3A_622 = vector.shape_cast %select_n3A_615 : vector<16xf32> to vector<1x16xf32>
      tpu.vector_store %arg5[%swap3A_618, %swap3A_619], %swap3A_622 {add = true, strides = array<i32>} : memref<1000x128xf32, #tpu.memory_space<vmem>>, vector<1x16xf32>,
      %eq3A_623 = arith.constant 6 : i32
      %eq3A_624 = vector.broadcast %eq3A_623 : i32 to vector<16xi32>
      %eq3A_625 = arith.cmpi eq, %iota3A, %eq3A_624 : vector<16xi32>
      %jit3A_626 = arith.constant 1.000000e+00 : f32
      %jit3A_627 = arith.constant 0.000000e+00 : f32
      %broadcast_in_dim3A_628 = vector.broadcast %jit3A_626 : f32 to vector<16xf32>
      %broadcast_in_dim3A_629 = vector.broadcast %jit3A_627 : f32 to vector<16xf32>
      %select_n3A_630 = arith.select %eq3A_625, %broadcast_in_dim3A_628, %broadcast_in_dim3A_629 : vector<16xi1>, vector<16xf32>
      %slice3A_631 = vector.extract_strided_slice %get3A_532 {offsets = [6], sizes = [1], strides = [1]} : vector<16xi32> to vector<1xi32>
      %squeeze3A_632 = vector.extract %slice3A_631[0] : i32 from vector<1xi32>
      %swap3A_633 = arith.index_cast %squeeze3A_632 : i32 to index
      %swap3A_634 = arith.constant 32 : index
      %swap3A_635 = tpu.vector_load %arg5[%swap3A_633, %swap3A_634] {strides = array<i32>} : memref<1000x128xf32, #tpu.memory_space<vmem>>, vector<1x16xf32>,
      %swap3A_636 = vector.shape_cast %swap3A_635 : vector<1x16xf32> to vector<16xf32>
      %swap3A_637 = vector.shape_cast %select_n3A_630 : vector<16xf32> to vector<1x16xf32>
      tpu.vector_store %arg5[%swap3A_633, %swap3A_634], %swap3A_637 {add = true, strides = array<i32>} : memref<1000x128xf32, #tpu.memory_space<vmem>>, vector<1x16xf32>,
      %eq3A_638 = arith.constant 7 : i32
      %eq3A_639 = vector.broadcast %eq3A_638 : i32 to vector<16xi32>
      %eq3A_640 = arith.cmpi eq, %iota3A, %eq3A_639 : vector<16xi32>
      %jit3A_641 = arith.constant 1.000000e+00 : f32
      %jit3A_642 = arith.constant 0.000000e+00 : f32
      %broadcast_in_dim3A_643 = vector.broadcast %jit3A_641 : f32 to vector<16xf32>
      %broadcast_in_dim3A_644 = vector.broadcast %jit3A_642 : f32 to vector<16xf32>
      %select_n3A_645 = arith.select %eq3A_640, %broadcast_in_dim3A_643, %broadcast_in_dim3A_644 : vector<16xi1>, vector<16xf32>
      %slice3A_646 = vector.extract_strided_slice %get3A_532 {offsets = [7], sizes = [1], strides = [1]} : vector<16xi32> to vector<1xi32>
      %squeeze3A_647 = vector.extract %slice3A_646[0] : i32 from vector<1xi32>
      %swap3A_648 = arith.index_cast %squeeze3A_647 : i32 to index
      %swap3A_649 = arith.constant 32 : index
      %swap3A_650 = tpu.vector_load %arg5[%swap3A_648, %swap3A_649] {strides = array<i32>} : memref<1000x128xf32, #tpu.memory_space<vmem>>, vector<1x16xf32>,
      %swap3A_651 = vector.shape_cast %swap3A_650 : vector<1x16xf32> to vector<16xf32>
      %swap3A_652 = vector.shape_cast %select_n3A_645 : vector<16xf32> to vector<1x16xf32>
      tpu.vector_store %arg5[%swap3A_648, %swap3A_649], %swap3A_652 {add = true, strides = array<i32>} : memref<1000x128xf32, #tpu.memory_space<vmem>>, vector<1x16xf32>,
      %eq3A_653 = arith.constant 8 : i32
      %eq3A_654 = vector.broadcast %eq3A_653 : i32 to vector<16xi32>
      %eq3A_655 = arith.cmpi eq, %iota3A, %eq3A_654 : vector<16xi32>
      %jit3A_656 = arith.constant 1.000000e+00 : f32
      %jit3A_657 = arith.constant 0.000000e+00 : f32
      %broadcast_in_dim3A_658 = vector.broadcast %jit3A_656 : f32 to vector<16xf32>
      %broadcast_in_dim3A_659 = vector.broadcast %jit3A_657 : f32 to vector<16xf32>
      %select_n3A_660 = arith.select %eq3A_655, %broadcast_in_dim3A_658, %broadcast_in_dim3A_659 : vector<16xi1>, vector<16xf32>
      %slice3A_661 = vector.extract_strided_slice %get3A_532 {offsets = [8], sizes = [1], strides = [1]} : vector<16xi32> to vector<1xi32>
      %squeeze3A_662 = vector.extract %slice3A_661[0] : i32 from vector<1xi32>
      %swap3A_663 = arith.index_cast %squeeze3A_662 : i32 to index
      %swap3A_664 = arith.constant 32 : index
      %swap3A_665 = tpu.vector_load %arg5[%swap3A_663, %swap3A_664] {strides = array<i32>} : memref<1000x128xf32, #tpu.memory_space<vmem>>, vector<1x16xf32>,
      %swap3A_666 = vector.shape_cast %swap3A_665 : vector<1x16xf32> to vector<16xf32>
      %swap3A_667 = vector.shape_cast %select_n3A_660 : vector<16xf32> to vector<1x16xf32>
      tpu.vector_store %arg5[%swap3A_663, %swap3A_664], %swap3A_667 {add = true, strides = array<i32>} : memref<1000x128xf32, #tpu.memory_space<vmem>>, vector<1x16xf32>,
      %eq3A_668 = arith.constant 9 : i32
      %eq3A_669 = vector.broadcast %eq3A_668 : i32 to vector<16xi32>
      %eq3A_670 = arith.cmpi eq, %iota3A, %eq3A_669 : vector<16xi32>
      %jit3A_671 = arith.constant 1.000000e+00 : f32
      %jit3A_672 = arith.constant 0.000000e+00 : f32
      %broadcast_in_dim3A_673 = vector.broadcast %jit3A_671 : f32 to vector<16xf32>
      %broadcast_in_dim3A_674 = vector.broadcast %jit3A_672 : f32 to vector<16xf32>
      %select_n3A_675 = arith.select %eq3A_670, %broadcast_in_dim3A_673, %broadcast_in_dim3A_674 : vector<16xi1>, vector<16xf32>
      %slice3A_676 = vector.extract_strided_slice %get3A_532 {offsets = [9], sizes = [1], strides = [1]} : vector<16xi32> to vector<1xi32>
      %squeeze3A_677 = vector.extract %slice3A_676[0] : i32 from vector<1xi32>
      %swap3A_678 = arith.index_cast %squeeze3A_677 : i32 to index
      %swap3A_679 = arith.constant 32 : index
      %swap3A_680 = tpu.vector_load %arg5[%swap3A_678, %swap3A_679] {strides = array<i32>} : memref<1000x128xf32, #tpu.memory_space<vmem>>, vector<1x16xf32>,
      %swap3A_681 = vector.shape_cast %swap3A_680 : vector<1x16xf32> to vector<16xf32>
      %swap3A_682 = vector.shape_cast %select_n3A_675 : vector<16xf32> to vector<1x16xf32>
      tpu.vector_store %arg5[%swap3A_678, %swap3A_679], %swap3A_682 {add = true, strides = array<i32>} : memref<1000x128xf32, #tpu.memory_space<vmem>>, vector<1x16xf32>,
      %eq3A_683 = arith.constant 10 : i32
      %eq3A_684 = vector.broadcast %eq3A_683 : i32 to vector<16xi32>
      %eq3A_685 = arith.cmpi eq, %iota3A, %eq3A_684 : vector<16xi32>
      %jit3A_686 = arith.constant 1.000000e+00 : f32
      %jit3A_687 = arith.constant 0.000000e+00 : f32
      %broadcast_in_dim3A_688 = vector.broadcast %jit3A_686 : f32 to vector<16xf32>
      %broadcast_in_dim3A_689 = vector.broadcast %jit3A_687 : f32 to vector<16xf32>
      %select_n3A_690 = arith.select %eq3A_685, %broadcast_in_dim3A_688, %broadcast_in_dim3A_689 : vector<16xi1>, vector<16xf32>
      %slice3A_691 = vector.extract_strided_slice %get3A_532 {offsets = [10], sizes = [1], strides = [1]} : vector<16xi32> to vector<1xi32>
      %squeeze3A_692 = vector.extract %slice3A_691[0] : i32 from vector<1xi32>
      %swap3A_693 = arith.index_cast %squeeze3A_692 : i32 to index
      %swap3A_694 = arith.constant 32 : index
      %swap3A_695 = tpu.vector_load %arg5[%swap3A_693, %swap3A_694] {strides = array<i32>} : memref<1000x128xf32, #tpu.memory_space<vmem>>, vector<1x16xf32>,
      %swap3A_696 = vector.shape_cast %swap3A_695 : vector<1x16xf32> to vector<16xf32>
      %swap3A_697 = vector.shape_cast %select_n3A_690 : vector<16xf32> to vector<1x16xf32>
      tpu.vector_store %arg5[%swap3A_693, %swap3A_694], %swap3A_697 {add = true, strides = array<i32>} : memref<1000x128xf32, #tpu.memory_space<vmem>>, vector<1x16xf32>,
      %eq3A_698 = arith.constant 11 : i32
      %eq3A_699 = vector.broadcast %eq3A_698 : i32 to vector<16xi32>
      %eq3A_700 = arith.cmpi eq, %iota3A, %eq3A_699 : vector<16xi32>
      %jit3A_701 = arith.constant 1.000000e+00 : f32
      %jit3A_702 = arith.constant 0.000000e+00 : f32
      %broadcast_in_dim3A_703 = vector.broadcast %jit3A_701 : f32 to vector<16xf32>
      %broadcast_in_dim3A_704 = vector.broadcast %jit3A_702 : f32 to vector<16xf32>
      %select_n3A_705 = arith.select %eq3A_700, %broadcast_in_dim3A_703, %broadcast_in_dim3A_704 : vector<16xi1>, vector<16xf32>
      %slice3A_706 = vector.extract_strided_slice %get3A_532 {offsets = [11], sizes = [1], strides = [1]} : vector<16xi32> to vector<1xi32>
      %squeeze3A_707 = vector.extract %slice3A_706[0] : i32 from vector<1xi32>
      %swap3A_708 = arith.index_cast %squeeze3A_707 : i32 to index
      %swap3A_709 = arith.constant 32 : index
      %swap3A_710 = tpu.vector_load %arg5[%swap3A_708, %swap3A_709] {strides = array<i32>} : memref<1000x128xf32, #tpu.memory_space<vmem>>, vector<1x16xf32>,
      %swap3A_711 = vector.shape_cast %swap3A_710 : vector<1x16xf32> to vector<16xf32>
      %swap3A_712 = vector.shape_cast %select_n3A_705 : vector<16xf32> to vector<1x16xf32>
      tpu.vector_store %arg5[%swap3A_708, %swap3A_709], %swap3A_712 {add = true, strides = array<i32>} : memref<1000x128xf32, #tpu.memory_space<vmem>>, vector<1x16xf32>,
      %eq3A_713 = arith.constant 12 : i32
      %eq3A_714 = vector.broadcast %eq3A_713 : i32 to vector<16xi32>
      %eq3A_715 = arith.cmpi eq, %iota3A, %eq3A_714 : vector<16xi32>
      %jit3A_716 = arith.constant 1.000000e+00 : f32
      %jit3A_717 = arith.constant 0.000000e+00 : f32
      %broadcast_in_dim3A_718 = vector.broadcast %jit3A_716 : f32 to vector<16xf32>
      %broadcast_in_dim3A_719 = vector.broadcast %jit3A_717 : f32 to vector<16xf32>
      %select_n3A_720 = arith.select %eq3A_715, %broadcast_in_dim3A_718, %broadcast_in_dim3A_719 : vector<16xi1>, vector<16xf32>
      %slice3A_721 = vector.extract_strided_slice %get3A_532 {offsets = [12], sizes = [1], strides = [1]} : vector<16xi32> to vector<1xi32>
      %squeeze3A_722 = vector.extract %slice3A_721[0] : i32 from vector<1xi32>
      %swap3A_723 = arith.index_cast %squeeze3A_722 : i32 to index
      %swap3A_724 = arith.constant 32 : index
      %swap3A_725 = tpu.vector_load %arg5[%swap3A_723, %swap3A_724] {strides = array<i32>} : memref<1000x128xf32, #tpu.memory_space<vmem>>, vector<1x16xf32>,
      %swap3A_726 = vector.shape_cast %swap3A_725 : vector<1x16xf32> to vector<16xf32>
      %swap3A_727 = vector.shape_cast %select_n3A_720 : vector<16xf32> to vector<1x16xf32>
      tpu.vector_store %arg5[%swap3A_723, %swap3A_724], %swap3A_727 {add = true, strides = array<i32>} : memref<1000x128xf32, #tpu.memory_space<vmem>>, vector<1x16xf32>,
      %eq3A_728 = arith.constant 13 : i32
      %eq3A_729 = vector.broadcast %eq3A_728 : i32 to vector<16xi32>
      %eq3A_730 = arith.cmpi eq, %iota3A, %eq3A_729 : vector<16xi32>
      %jit3A_731 = arith.constant 1.000000e+00 : f32
      %jit3A_732 = arith.constant 0.000000e+00 : f32
      %broadcast_in_dim3A_733 = vector.broadcast %jit3A_731 : f32 to vector<16xf32>
      %broadcast_in_dim3A_734 = vector.broadcast %jit3A_732 : f32 to vector<16xf32>
      %select_n3A_735 = arith.select %eq3A_730, %broadcast_in_dim3A_733, %broadcast_in_dim3A_734 : vector<16xi1>, vector<16xf32>
      %slice3A_736 = vector.extract_strided_slice %get3A_532 {offsets = [13], sizes = [1], strides = [1]} : vector<16xi32> to vector<1xi32>
      %squeeze3A_737 = vector.extract %slice3A_736[0] : i32 from vector<1xi32>
      %swap3A_738 = arith.index_cast %squeeze3A_737 : i32 to index
      %swap3A_739 = arith.constant 32 : index
      %swap3A_740 = tpu.vector_load %arg5[%swap3A_738, %swap3A_739] {strides = array<i32>} : memref<1000x128xf32, #tpu.memory_space<vmem>>, vector<1x16xf32>,
      %swap3A_741 = vector.shape_cast %swap3A_740 : vector<1x16xf32> to vector<16xf32>
      %swap3A_742 = vector.shape_cast %select_n3A_735 : vector<16xf32> to vector<1x16xf32>
      tpu.vector_store %arg5[%swap3A_738, %swap3A_739], %swap3A_742 {add = true, strides = array<i32>} : memref<1000x128xf32, #tpu.memory_space<vmem>>, vector<1x16xf32>,
      %eq3A_743 = arith.constant 14 : i32
      %eq3A_744 = vector.broadcast %eq3A_743 : i32 to vector<16xi32>
      %eq3A_745 = arith.cmpi eq, %iota3A, %eq3A_744 : vector<16xi32>
      %jit3A_746 = arith.constant 1.000000e+00 : f32
      %jit3A_747 = arith.constant 0.000000e+00 : f32
      %broadcast_in_dim3A_748 = vector.broadcast %jit3A_746 : f32 to vector<16xf32>
      %broadcast_in_dim3A_749 = vector.broadcast %jit3A_747 : f32 to vector<16xf32>
      %select_n3A_750 = arith.select %eq3A_745, %broadcast_in_dim3A_748, %broadcast_in_dim3A_749 : vector<16xi1>, vector<16xf32>
      %slice3A_751 = vector.extract_strided_slice %get3A_532 {offsets = [14], sizes = [1], strides = [1]} : vector<16xi32> to vector<1xi32>
      %squeeze3A_752 = vector.extract %slice3A_751[0] : i32 from vector<1xi32>
      %swap3A_753 = arith.index_cast %squeeze3A_752 : i32 to index
      %swap3A_754 = arith.constant 32 : index
      %swap3A_755 = tpu.vector_load %arg5[%swap3A_753, %swap3A_754] {strides = array<i32>} : memref<1000x128xf32, #tpu.memory_space<vmem>>, vector<1x16xf32>,
      %swap3A_756 = vector.shape_cast %swap3A_755 : vector<1x16xf32> to vector<16xf32>
      %swap3A_757 = vector.shape_cast %select_n3A_750 : vector<16xf32> to vector<1x16xf32>
      tpu.vector_store %arg5[%swap3A_753, %swap3A_754], %swap3A_757 {add = true, strides = array<i32>} : memref<1000x128xf32, #tpu.memory_space<vmem>>, vector<1x16xf32>,
      %eq3A_758 = arith.constant 15 : i32
      %eq3A_759 = vector.broadcast %eq3A_758 : i32 to vector<16xi32>
      %eq3A_760 = arith.cmpi eq, %iota3A, %eq3A_759 : vector<16xi32>
      %jit3A_761 = arith.constant 1.000000e+00 : f32
      %jit3A_762 = arith.constant 0.000000e+00 : f32
      %broadcast_in_dim3A_763 = vector.broadcast %jit3A_761 : f32 to vector<16xf32>
      %broadcast_in_dim3A_764 = vector.broadcast %jit3A_762 : f32 to vector<16xf32>
      %select_n3A_765 = arith.select %eq3A_760, %broadcast_in_dim3A_763, %broadcast_in_dim3A_764 : vector<16xi1>, vector<16xf32>
      %slice3A_766 = vector.extract_strided_slice %get3A_532 {offsets = [15], sizes = [1], strides = [1]} : vector<16xi32> to vector<1xi32>
      %squeeze3A_767 = vector.extract %slice3A_766[0] : i32 from vector<1xi32>
      %swap3A_768 = arith.index_cast %squeeze3A_767 : i32 to index
      %swap3A_769 = arith.constant 32 : index
      %swap3A_770 = tpu.vector_load %arg5[%swap3A_768, %swap3A_769] {strides = array<i32>} : memref<1000x128xf32, #tpu.memory_space<vmem>>, vector<1x16xf32>,
      %swap3A_771 = vector.shape_cast %swap3A_770 : vector<1x16xf32> to vector<16xf32>
      %swap3A_772 = vector.shape_cast %select_n3A_765 : vector<16xf32> to vector<1x16xf32>
      tpu.vector_store %arg5[%swap3A_768, %swap3A_769], %swap3A_772 {add = true, strides = array<i32>} : memref<1000x128xf32, #tpu.memory_space<vmem>>, vector<1x16xf32>,
      %get3A_773 = arith.index_cast %select_n3A_44 : i32 to index
      %get3A_774 = arith.constant 48 : index
      %get3A_775 = tpu.vector_load %arg4[%get3A_773, %get3A_774] {strides = array<i32>} : memref<2x128xi32, #tpu.memory_space<vmem>>, vector<1x16xi32>,
      %get3A_776 = vector.shape_cast %get3A_775 : vector<1x16xi32> to vector<16xi32>
      %eq3A_777 = arith.constant 0 : i32
      %eq3A_778 = vector.broadcast %eq3A_777 : i32 to vector<16xi32>
      %eq3A_779 = arith.cmpi eq, %iota3A, %eq3A_778 : vector<16xi32>
      %jit3A_780 = arith.constant 1.000000e+00 : f32
      %jit3A_781 = arith.constant 0.000000e+00 : f32
      %broadcast_in_dim3A_782 = vector.broadcast %jit3A_780 : f32 to vector<16xf32>
      %broadcast_in_dim3A_783 = vector.broadcast %jit3A_781 : f32 to vector<16xf32>
      %select_n3A_784 = arith.select %eq3A_779, %broadcast_in_dim3A_782, %broadcast_in_dim3A_783 : vector<16xi1>, vector<16xf32>
      %slice3A_785 = vector.extract_strided_slice %get3A_776 {offsets = [0], sizes = [1], strides = [1]} : vector<16xi32> to vector<1xi32>
      %squeeze3A_786 = vector.extract %slice3A_785[0] : i32 from vector<1xi32>
      %swap3A_787 = arith.index_cast %squeeze3A_786 : i32 to index
      %swap3A_788 = arith.constant 48 : index
      %swap3A_789 = tpu.vector_load %arg5[%swap3A_787, %swap3A_788] {strides = array<i32>} : memref<1000x128xf32, #tpu.memory_space<vmem>>, vector<1x16xf32>,
      %swap3A_790 = vector.shape_cast %swap3A_789 : vector<1x16xf32> to vector<16xf32>
      %swap3A_791 = vector.shape_cast %select_n3A_784 : vector<16xf32> to vector<1x16xf32>
      tpu.vector_store %arg5[%swap3A_787, %swap3A_788], %swap3A_791 {add = true, strides = array<i32>} : memref<1000x128xf32, #tpu.memory_space<vmem>>, vector<1x16xf32>,
      %eq3A_792 = arith.constant 1 : i32
      %eq3A_793 = vector.broadcast %eq3A_792 : i32 to vector<16xi32>
      %eq3A_794 = arith.cmpi eq, %iota3A, %eq3A_793 : vector<16xi32>
      %jit3A_795 = arith.constant 1.000000e+00 : f32
      %jit3A_796 = arith.constant 0.000000e+00 : f32
      %broadcast_in_dim3A_797 = vector.broadcast %jit3A_795 : f32 to vector<16xf32>
      %broadcast_in_dim3A_798 = vector.broadcast %jit3A_796 : f32 to vector<16xf32>
      %select_n3A_799 = arith.select %eq3A_794, %broadcast_in_dim3A_797, %broadcast_in_dim3A_798 : vector<16xi1>, vector<16xf32>
      %slice3A_800 = vector.extract_strided_slice %get3A_776 {offsets = [1], sizes = [1], strides = [1]} : vector<16xi32> to vector<1xi32>
      %squeeze3A_801 = vector.extract %slice3A_800[0] : i32 from vector<1xi32>
      %swap3A_802 = arith.index_cast %squeeze3A_801 : i32 to index
      %swap3A_803 = arith.constant 48 : index
      %swap3A_804 = tpu.vector_load %arg5[%swap3A_802, %swap3A_803] {strides = array<i32>} : memref<1000x128xf32, #tpu.memory_space<vmem>>, vector<1x16xf32>,
      %swap3A_805 = vector.shape_cast %swap3A_804 : vector<1x16xf32> to vector<16xf32>
      %swap3A_806 = vector.shape_cast %select_n3A_799 : vector<16xf32> to vector<1x16xf32>
      tpu.vector_store %arg5[%swap3A_802, %swap3A_803], %swap3A_806 {add = true, strides = array<i32>} : memref<1000x128xf32, #tpu.memory_space<vmem>>, vector<1x16xf32>,
      %eq3A_807 = arith.constant 2 : i32
      %eq3A_808 = vector.broadcast %eq3A_807 : i32 to vector<16xi32>
      %eq3A_809 = arith.cmpi eq, %iota3A, %eq3A_808 : vector<16xi32>
      %jit3A_810 = arith.constant 1.000000e+00 : f32
      %jit3A_811 = arith.constant 0.000000e+00 : f32
      %broadcast_in_dim3A_812 = vector.broadcast %jit3A_810 : f32 to vector<16xf32>
      %broadcast_in_dim3A_813 = vector.broadcast %jit3A_811 : f32 to vector<16xf32>
      %select_n3A_814 = arith.select %eq3A_809, %broadcast_in_dim3A_812, %broadcast_in_dim3A_813 : vector<16xi1>, vector<16xf32>
      %slice3A_815 = vector.extract_strided_slice %get3A_776 {offsets = [2], sizes = [1], strides = [1]} : vector<16xi32> to vector<1xi32>
      %squeeze3A_816 = vector.extract %slice3A_815[0] : i32 from vector<1xi32>
      %swap3A_817 = arith.index_cast %squeeze3A_816 : i32 to index
      %swap3A_818 = arith.constant 48 : index
      %swap3A_819 = tpu.vector_load %arg5[%swap3A_817, %swap3A_818] {strides = array<i32>} : memref<1000x128xf32, #tpu.memory_space<vmem>>, vector<1x16xf32>,
      %swap3A_820 = vector.shape_cast %swap3A_819 : vector<1x16xf32> to vector<16xf32>
      %swap3A_821 = vector.shape_cast %select_n3A_814 : vector<16xf32> to vector<1x16xf32>
      tpu.vector_store %arg5[%swap3A_817, %swap3A_818], %swap3A_821 {add = true, strides = array<i32>} : memref<1000x128xf32, #tpu.memory_space<vmem>>, vector<1x16xf32>,
      %eq3A_822 = arith.constant 3 : i32
      %eq3A_823 = vector.broadcast %eq3A_822 : i32 to vector<16xi32>
      %eq3A_824 = arith.cmpi eq, %iota3A, %eq3A_823 : vector<16xi32>
      %jit3A_825 = arith.constant 1.000000e+00 : f32
      %jit3A_826 = arith.constant 0.000000e+00 : f32
      %broadcast_in_dim3A_827 = vector.broadcast %jit3A_825 : f32 to vector<16xf32>
      %broadcast_in_dim3A_828 = vector.broadcast %jit3A_826 : f32 to vector<16xf32>
      %select_n3A_829 = arith.select %eq3A_824, %broadcast_in_dim3A_827, %broadcast_in_dim3A_828 : vector<16xi1>, vector<16xf32>
      %slice3A_830 = vector.extract_strided_slice %get3A_776 {offsets = [3], sizes = [1], strides = [1]} : vector<16xi32> to vector<1xi32>
      %squeeze3A_831 = vector.extract %slice3A_830[0] : i32 from vector<1xi32>
      %swap3A_832 = arith.index_cast %squeeze3A_831 : i32 to index
      %swap3A_833 = arith.constant 48 : index
      %swap3A_834 = tpu.vector_load %arg5[%swap3A_832, %swap3A_833] {strides = array<i32>} : memref<1000x128xf32, #tpu.memory_space<vmem>>, vector<1x16xf32>,
      %swap3A_835 = vector.shape_cast %swap3A_834 : vector<1x16xf32> to vector<16xf32>
      %swap3A_836 = vector.shape_cast %select_n3A_829 : vector<16xf32> to vector<1x16xf32>
      tpu.vector_store %arg5[%swap3A_832, %swap3A_833], %swap3A_836 {add = true, strides = array<i32>} : memref<1000x128xf32, #tpu.memory_space<vmem>>, vector<1x16xf32>,
      %eq3A_837 = arith.constant 4 : i32
      %eq3A_838 = vector.broadcast %eq3A_837 : i32 to vector<16xi32>
      %eq3A_839 = arith.cmpi eq, %iota3A, %eq3A_838 : vector<16xi32>
      %jit3A_840 = arith.constant 1.000000e+00 : f32
      %jit3A_841 = arith.constant 0.000000e+00 : f32
      %broadcast_in_dim3A_842 = vector.broadcast %jit3A_840 : f32 to vector<16xf32>
      %broadcast_in_dim3A_843 = vector.broadcast %jit3A_841 : f32 to vector<16xf32>
      %select_n3A_844 = arith.select %eq3A_839, %broadcast_in_dim3A_842, %broadcast_in_dim3A_843 : vector<16xi1>, vector<16xf32>
      %slice3A_845 = vector.extract_strided_slice %get3A_776 {offsets = [4], sizes = [1], strides = [1]} : vector<16xi32> to vector<1xi32>
      %squeeze3A_846 = vector.extract %slice3A_845[0] : i32 from vector<1xi32>
      %swap3A_847 = arith.index_cast %squeeze3A_846 : i32 to index
      %swap3A_848 = arith.constant 48 : index
      %swap3A_849 = tpu.vector_load %arg5[%swap3A_847, %swap3A_848] {strides = array<i32>} : memref<1000x128xf32, #tpu.memory_space<vmem>>, vector<1x16xf32>,
      %swap3A_850 = vector.shape_cast %swap3A_849 : vector<1x16xf32> to vector<16xf32>
      %swap3A_851 = vector.shape_cast %select_n3A_844 : vector<16xf32> to vector<1x16xf32>
      tpu.vector_store %arg5[%swap3A_847, %swap3A_848], %swap3A_851 {add = true, strides = array<i32>} : memref<1000x128xf32, #tpu.memory_space<vmem>>, vector<1x16xf32>,
      %eq3A_852 = arith.constant 5 : i32
      %eq3A_853 = vector.broadcast %eq3A_852 : i32 to vector<16xi32>
      %eq3A_854 = arith.cmpi eq, %iota3A, %eq3A_853 : vector<16xi32>
      %jit3A_855 = arith.constant 1.000000e+00 : f32
      %jit3A_856 = arith.constant 0.000000e+00 : f32
      %broadcast_in_dim3A_857 = vector.broadcast %jit3A_855 : f32 to vector<16xf32>
      %broadcast_in_dim3A_858 = vector.broadcast %jit3A_856 : f32 to vector<16xf32>
      %select_n3A_859 = arith.select %eq3A_854, %broadcast_in_dim3A_857, %broadcast_in_dim3A_858 : vector<16xi1>, vector<16xf32>
      %slice3A_860 = vector.extract_strided_slice %get3A_776 {offsets = [5], sizes = [1], strides = [1]} : vector<16xi32> to vector<1xi32>
      %squeeze3A_861 = vector.extract %slice3A_860[0] : i32 from vector<1xi32>
      %swap3A_862 = arith.index_cast %squeeze3A_861 : i32 to index
      %swap3A_863 = arith.constant 48 : index
      %swap3A_864 = tpu.vector_load %arg5[%swap3A_862, %swap3A_863] {strides = array<i32>} : memref<1000x128xf32, #tpu.memory_space<vmem>>, vector<1x16xf32>,
      %swap3A_865 = vector.shape_cast %swap3A_864 : vector<1x16xf32> to vector<16xf32>
      %swap3A_866 = vector.shape_cast %select_n3A_859 : vector<16xf32> to vector<1x16xf32>
      tpu.vector_store %arg5[%swap3A_862, %swap3A_863], %swap3A_866 {add = true, strides = array<i32>} : memref<1000x128xf32, #tpu.memory_space<vmem>>, vector<1x16xf32>,
      %eq3A_867 = arith.constant 6 : i32
      %eq3A_868 = vector.broadcast %eq3A_867 : i32 to vector<16xi32>
      %eq3A_869 = arith.cmpi eq, %iota3A, %eq3A_868 : vector<16xi32>
      %jit3A_870 = arith.constant 1.000000e+00 : f32
      %jit3A_871 = arith.constant 0.000000e+00 : f32
      %broadcast_in_dim3A_872 = vector.broadcast %jit3A_870 : f32 to vector<16xf32>
      %broadcast_in_dim3A_873 = vector.broadcast %jit3A_871 : f32 to vector<16xf32>
      %select_n3A_874 = arith.select %eq3A_869, %broadcast_in_dim3A_872, %broadcast_in_dim3A_873 : vector<16xi1>, vector<16xf32>
      %slice3A_875 = vector.extract_strided_slice %get3A_776 {offsets = [6], sizes = [1], strides = [1]} : vector<16xi32> to vector<1xi32>
      %squeeze3A_876 = vector.extract %slice3A_875[0] : i32 from vector<1xi32>
      %swap3A_877 = arith.index_cast %squeeze3A_876 : i32 to index
      %swap3A_878 = arith.constant 48 : index
      %swap3A_879 = tpu.vector_load %arg5[%swap3A_877, %swap3A_878] {strides = array<i32>} : memref<1000x128xf32, #tpu.memory_space<vmem>>, vector<1x16xf32>,
      %swap3A_880 = vector.shape_cast %swap3A_879 : vector<1x16xf32> to vector<16xf32>
      %swap3A_881 = vector.shape_cast %select_n3A_874 : vector<16xf32> to vector<1x16xf32>
      tpu.vector_store %arg5[%swap3A_877, %swap3A_878], %swap3A_881 {add = true, strides = array<i32>} : memref<1000x128xf32, #tpu.memory_space<vmem>>, vector<1x16xf32>,
      %eq3A_882 = arith.constant 7 : i32
      %eq3A_883 = vector.broadcast %eq3A_882 : i32 to vector<16xi32>
      %eq3A_884 = arith.cmpi eq, %iota3A, %eq3A_883 : vector<16xi32>
      %jit3A_885 = arith.constant 1.000000e+00 : f32
      %jit3A_886 = arith.constant 0.000000e+00 : f32
      %broadcast_in_dim3A_887 = vector.broadcast %jit3A_885 : f32 to vector<16xf32>
      %broadcast_in_dim3A_888 = vector.broadcast %jit3A_886 : f32 to vector<16xf32>
      %select_n3A_889 = arith.select %eq3A_884, %broadcast_in_dim3A_887, %broadcast_in_dim3A_888 : vector<16xi1>, vector<16xf32>
      %slice3A_890 = vector.extract_strided_slice %get3A_776 {offsets = [7], sizes = [1], strides = [1]} : vector<16xi32> to vector<1xi32>
      %squeeze3A_891 = vector.extract %slice3A_890[0] : i32 from vector<1xi32>
      %swap3A_892 = arith.index_cast %squeeze3A_891 : i32 to index
      %swap3A_893 = arith.constant 48 : index
      %swap3A_894 = tpu.vector_load %arg5[%swap3A_892, %swap3A_893] {strides = array<i32>} : memref<1000x128xf32, #tpu.memory_space<vmem>>, vector<1x16xf32>,
      %swap3A_895 = vector.shape_cast %swap3A_894 : vector<1x16xf32> to vector<16xf32>
      %swap3A_896 = vector.shape_cast %select_n3A_889 : vector<16xf32> to vector<1x16xf32>
      tpu.vector_store %arg5[%swap3A_892, %swap3A_893], %swap3A_896 {add = true, strides = array<i32>} : memref<1000x128xf32, #tpu.memory_space<vmem>>, vector<1x16xf32>,
      %eq3A_897 = arith.constant 8 : i32
      %eq3A_898 = vector.broadcast %eq3A_897 : i32 to vector<16xi32>
      %eq3A_899 = arith.cmpi eq, %iota3A, %eq3A_898 : vector<16xi32>
      %jit3A_900 = arith.constant 1.000000e+00 : f32
      %jit3A_901 = arith.constant 0.000000e+00 : f32
      %broadcast_in_dim3A_902 = vector.broadcast %jit3A_900 : f32 to vector<16xf32>
      %broadcast_in_dim3A_903 = vector.broadcast %jit3A_901 : f32 to vector<16xf32>
      %select_n3A_904 = arith.select %eq3A_899, %broadcast_in_dim3A_902, %broadcast_in_dim3A_903 : vector<16xi1>, vector<16xf32>
      %slice3A_905 = vector.extract_strided_slice %get3A_776 {offsets = [8], sizes = [1], strides = [1]} : vector<16xi32> to vector<1xi32>
      %squeeze3A_906 = vector.extract %slice3A_905[0] : i32 from vector<1xi32>
      %swap3A_907 = arith.index_cast %squeeze3A_906 : i32 to index
      %swap3A_908 = arith.constant 48 : index
      %swap3A_909 = tpu.vector_load %arg5[%swap3A_907, %swap3A_908] {strides = array<i32>} : memref<1000x128xf32, #tpu.memory_space<vmem>>, vector<1x16xf32>,
      %swap3A_910 = vector.shape_cast %swap3A_909 : vector<1x16xf32> to vector<16xf32>
      %swap3A_911 = vector.shape_cast %select_n3A_904 : vector<16xf32> to vector<1x16xf32>
      tpu.vector_store %arg5[%swap3A_907, %swap3A_908], %swap3A_911 {add = true, strides = array<i32>} : memref<1000x128xf32, #tpu.memory_space<vmem>>, vector<1x16xf32>,
      %eq3A_912 = arith.constant 9 : i32
      %eq3A_913 = vector.broadcast %eq3A_912 : i32 to vector<16xi32>
      %eq3A_914 = arith.cmpi eq, %iota3A, %eq3A_913 : vector<16xi32>
      %jit3A_915 = arith.constant 1.000000e+00 : f32
      %jit3A_916 = arith.constant 0.000000e+00 : f32
      %broadcast_in_dim3A_917 = vector.broadcast %jit3A_915 : f32 to vector<16xf32>
      %broadcast_in_dim3A_918 = vector.broadcast %jit3A_916 : f32 to vector<16xf32>
      %select_n3A_919 = arith.select %eq3A_914, %broadcast_in_dim3A_917, %broadcast_in_dim3A_918 : vector<16xi1>, vector<16xf32>
      %slice3A_920 = vector.extract_strided_slice %get3A_776 {offsets = [9], sizes = [1], strides = [1]} : vector<16xi32> to vector<1xi32>
      %squeeze3A_921 = vector.extract %slice3A_920[0] : i32 from vector<1xi32>
      %swap3A_922 = arith.index_cast %squeeze3A_921 : i32 to index
      %swap3A_923 = arith.constant 48 : index
      %swap3A_924 = tpu.vector_load %arg5[%swap3A_922, %swap3A_923] {strides = array<i32>} : memref<1000x128xf32, #tpu.memory_space<vmem>>, vector<1x16xf32>,
      %swap3A_925 = vector.shape_cast %swap3A_924 : vector<1x16xf32> to vector<16xf32>
      %swap3A_926 = vector.shape_cast %select_n3A_919 : vector<16xf32> to vector<1x16xf32>
      tpu.vector_store %arg5[%swap3A_922, %swap3A_923], %swap3A_926 {add = true, strides = array<i32>} : memref<1000x128xf32, #tpu.memory_space<vmem>>, vector<1x16xf32>,
      %eq3A_927 = arith.constant 10 : i32
      %eq3A_928 = vector.broadcast %eq3A_927 : i32 to vector<16xi32>
      %eq3A_929 = arith.cmpi eq, %iota3A, %eq3A_928 : vector<16xi32>
      %jit3A_930 = arith.constant 1.000000e+00 : f32
      %jit3A_931 = arith.constant 0.000000e+00 : f32
      %broadcast_in_dim3A_932 = vector.broadcast %jit3A_930 : f32 to vector<16xf32>
      %broadcast_in_dim3A_933 = vector.broadcast %jit3A_931 : f32 to vector<16xf32>
      %select_n3A_934 = arith.select %eq3A_929, %broadcast_in_dim3A_932, %broadcast_in_dim3A_933 : vector<16xi1>, vector<16xf32>
      %slice3A_935 = vector.extract_strided_slice %get3A_776 {offsets = [10], sizes = [1], strides = [1]} : vector<16xi32> to vector<1xi32>
      %squeeze3A_936 = vector.extract %slice3A_935[0] : i32 from vector<1xi32>
      %swap3A_937 = arith.index_cast %squeeze3A_936 : i32 to index
      %swap3A_938 = arith.constant 48 : index
      %swap3A_939 = tpu.vector_load %arg5[%swap3A_937, %swap3A_938] {strides = array<i32>} : memref<1000x128xf32, #tpu.memory_space<vmem>>, vector<1x16xf32>,
      %swap3A_940 = vector.shape_cast %swap3A_939 : vector<1x16xf32> to vector<16xf32>
      %swap3A_941 = vector.shape_cast %select_n3A_934 : vector<16xf32> to vector<1x16xf32>
      tpu.vector_store %arg5[%swap3A_937, %swap3A_938], %swap3A_941 {add = true, strides = array<i32>} : memref<1000x128xf32, #tpu.memory_space<vmem>>, vector<1x16xf32>,
      %eq3A_942 = arith.constant 11 : i32
      %eq3A_943 = vector.broadcast %eq3A_942 : i32 to vector<16xi32>
      %eq3A_944 = arith.cmpi eq, %iota3A, %eq3A_943 : vector<16xi32>
      %jit3A_945 = arith.constant 1.000000e+00 : f32
      %jit3A_946 = arith.constant 0.000000e+00 : f32
      %broadcast_in_dim3A_947 = vector.broadcast %jit3A_945 : f32 to vector<16xf32>
      %broadcast_in_dim3A_948 = vector.broadcast %jit3A_946 : f32 to vector<16xf32>
      %select_n3A_949 = arith.select %eq3A_944, %broadcast_in_dim3A_947, %broadcast_in_dim3A_948 : vector<16xi1>, vector<16xf32>
      %slice3A_950 = vector.extract_strided_slice %get3A_776 {offsets = [11], sizes = [1], strides = [1]} : vector<16xi32> to vector<1xi32>
      %squeeze3A_951 = vector.extract %slice3A_950[0] : i32 from vector<1xi32>
      %swap3A_952 = arith.index_cast %squeeze3A_951 : i32 to index
      %swap3A_953 = arith.constant 48 : index
      %swap3A_954 = tpu.vector_load %arg5[%swap3A_952, %swap3A_953] {strides = array<i32>} : memref<1000x128xf32, #tpu.memory_space<vmem>>, vector<1x16xf32>,
      %swap3A_955 = vector.shape_cast %swap3A_954 : vector<1x16xf32> to vector<16xf32>
      %swap3A_956 = vector.shape_cast %select_n3A_949 : vector<16xf32> to vector<1x16xf32>
      tpu.vector_store %arg5[%swap3A_952, %swap3A_953], %swap3A_956 {add = true, strides = array<i32>} : memref<1000x128xf32, #tpu.memory_space<vmem>>, vector<1x16xf32>,
      %eq3A_957 = arith.constant 12 : i32
      %eq3A_958 = vector.broadcast %eq3A_957 : i32 to vector<16xi32>
      %eq3A_959 = arith.cmpi eq, %iota3A, %eq3A_958 : vector<16xi32>
      %jit3A_960 = arith.constant 1.000000e+00 : f32
      %jit3A_961 = arith.constant 0.000000e+00 : f32
      %broadcast_in_dim3A_962 = vector.broadcast %jit3A_960 : f32 to vector<16xf32>
      %broadcast_in_dim3A_963 = vector.broadcast %jit3A_961 : f32 to vector<16xf32>
      %select_n3A_964 = arith.select %eq3A_959, %broadcast_in_dim3A_962, %broadcast_in_dim3A_963 : vector<16xi1>, vector<16xf32>
      %slice3A_965 = vector.extract_strided_slice %get3A_776 {offsets = [12], sizes = [1], strides = [1]} : vector<16xi32> to vector<1xi32>
      %squeeze3A_966 = vector.extract %slice3A_965[0] : i32 from vector<1xi32>
      %swap3A_967 = arith.index_cast %squeeze3A_966 : i32 to index
      %swap3A_968 = arith.constant 48 : index
      %swap3A_969 = tpu.vector_load %arg5[%swap3A_967, %swap3A_968] {strides = array<i32>} : memref<1000x128xf32, #tpu.memory_space<vmem>>, vector<1x16xf32>,
      %swap3A_970 = vector.shape_cast %swap3A_969 : vector<1x16xf32> to vector<16xf32>
      %swap3A_971 = vector.shape_cast %select_n3A_964 : vector<16xf32> to vector<1x16xf32>
      tpu.vector_store %arg5[%swap3A_967, %swap3A_968], %swap3A_971 {add = true, strides = array<i32>} : memref<1000x128xf32, #tpu.memory_space<vmem>>, vector<1x16xf32>,
      %eq3A_972 = arith.constant 13 : i32
      %eq3A_973 = vector.broadcast %eq3A_972 : i32 to vector<16xi32>
      %eq3A_974 = arith.cmpi eq, %iota3A, %eq3A_973 : vector<16xi32>
      %jit3A_975 = arith.constant 1.000000e+00 : f32
      %jit3A_976 = arith.constant 0.000000e+00 : f32
      %broadcast_in_dim3A_977 = vector.broadcast %jit3A_975 : f32 to vector<16xf32>
      %broadcast_in_dim3A_978 = vector.broadcast %jit3A_976 : f32 to vector<16xf32>
      %select_n3A_979 = arith.select %eq3A_974, %broadcast_in_dim3A_977, %broadcast_in_dim3A_978 : vector<16xi1>, vector<16xf32>
      %slice3A_980 = vector.extract_strided_slice %get3A_776 {offsets = [13], sizes = [1], strides = [1]} : vector<16xi32> to vector<1xi32>
      %squeeze3A_981 = vector.extract %slice3A_980[0] : i32 from vector<1xi32>
      %swap3A_982 = arith.index_cast %squeeze3A_981 : i32 to index
      %swap3A_983 = arith.constant 48 : index
      %swap3A_984 = tpu.vector_load %arg5[%swap3A_982, %swap3A_983] {strides = array<i32>} : memref<1000x128xf32, #tpu.memory_space<vmem>>, vector<1x16xf32>,
      %swap3A_985 = vector.shape_cast %swap3A_984 : vector<1x16xf32> to vector<16xf32>
      %swap3A_986 = vector.shape_cast %select_n3A_979 : vector<16xf32> to vector<1x16xf32>
      tpu.vector_store %arg5[%swap3A_982, %swap3A_983], %swap3A_986 {add = true, strides = array<i32>} : memref<1000x128xf32, #tpu.memory_space<vmem>>, vector<1x16xf32>,
      %eq3A_987 = arith.constant 14 : i32
      %eq3A_988 = vector.broadcast %eq3A_987 : i32 to vector<16xi32>
      %eq3A_989 = arith.cmpi eq, %iota3A, %eq3A_988 : vector<16xi32>
      %jit3A_990 = arith.constant 1.000000e+00 : f32
      %jit3A_991 = arith.constant 0.000000e+00 : f32
      %broadcast_in_dim3A_992 = vector.broadcast %jit3A_990 : f32 to vector<16xf32>
      %broadcast_in_dim3A_993 = vector.broadcast %jit3A_991 : f32 to vector<16xf32>
      %select_n3A_994 = arith.select %eq3A_989, %broadcast_in_dim3A_992, %broadcast_in_dim3A_993 : vector<16xi1>, vector<16xf32>
      %slice3A_995 = vector.extract_strided_slice %get3A_776 {offsets = [14], sizes = [1], strides = [1]} : vector<16xi32> to vector<1xi32>
      %squeeze3A_996 = vector.extract %slice3A_995[0] : i32 from vector<1xi32>
      %swap3A_997 = arith.index_cast %squeeze3A_996 : i32 to index
      %swap3A_998 = arith.constant 48 : index
      %swap3A_999 = tpu.vector_load %arg5[%swap3A_997, %swap3A_998] {strides = array<i32>} : memref<1000x128xf32, #tpu.memory_space<vmem>>, vector<1x16xf32>,
      %swap3A_1000 = vector.shape_cast %swap3A_999 : vector<1x16xf32> to vector<16xf32>
      %swap3A_1001 = vector.shape_cast %select_n3A_994 : vector<16xf32> to vector<1x16xf32>
      tpu.vector_store %arg5[%swap3A_997, %swap3A_998], %swap3A_1001 {add = true, strides = array<i32>} : memref<1000x128xf32, #tpu.memory_space<vmem>>, vector<1x16xf32>,
      %eq3A_1002 = arith.constant 15 : i32
      %eq3A_1003 = vector.broadcast %eq3A_1002 : i32 to vector<16xi32>
      %eq3A_1004 = arith.cmpi eq, %iota3A, %eq3A_1003 : vector<16xi32>
      %jit3A_1005 = arith.constant 1.000000e+00 : f32
      %jit3A_1006 = arith.constant 0.000000e+00 : f32
      %broadcast_in_dim3A_1007 = vector.broadcast %jit3A_1005 : f32 to vector<16xf32>
      %broadcast_in_dim3A_1008 = vector.broadcast %jit3A_1006 : f32 to vector<16xf32>
      %select_n3A_1009 = arith.select %eq3A_1004, %broadcast_in_dim3A_1007, %broadcast_in_dim3A_1008 : vector<16xi1>, vector<16xf32>
      %slice3A_1010 = vector.extract_strided_slice %get3A_776 {offsets = [15], sizes = [1], strides = [1]} : vector<16xi32> to vector<1xi32>
      %squeeze3A_1011 = vector.extract %slice3A_1010[0] : i32 from vector<1xi32>
      %swap3A_1012 = arith.index_cast %squeeze3A_1011 : i32 to index
      %swap3A_1013 = arith.constant 48 : index
      %swap3A_1014 = tpu.vector_load %arg5[%swap3A_1012, %swap3A_1013] {strides = array<i32>} : memref<1000x128xf32, #tpu.memory_space<vmem>>, vector<1x16xf32>,
      %swap3A_1015 = vector.shape_cast %swap3A_1014 : vector<1x16xf32> to vector<16xf32>
      %swap3A_1016 = vector.shape_cast %select_n3A_1009 : vector<16xf32> to vector<1x16xf32>
      tpu.vector_store %arg5[%swap3A_1012, %swap3A_1013], %swap3A_1016 {add = true, strides = array<i32>} : memref<1000x128xf32, #tpu.memory_space<vmem>>, vector<1x16xf32>,
      %get3A_1017 = arith.index_cast %select_n3A_44 : i32 to index
      %get3A_1018 = arith.constant 64 : index
      %get3A_1019 = tpu.vector_load %arg4[%get3A_1017, %get3A_1018] {strides = array<i32>} : memref<2x128xi32, #tpu.memory_space<vmem>>, vector<1x16xi32>,
      %get3A_1020 = vector.shape_cast %get3A_1019 : vector<1x16xi32> to vector<16xi32>
      %eq3A_1021 = arith.constant 0 : i32
      %eq3A_1022 = vector.broadcast %eq3A_1021 : i32 to vector<16xi32>
      %eq3A_1023 = arith.cmpi eq, %iota3A, %eq3A_1022 : vector<16xi32>
      %jit3A_1024 = arith.constant 1.000000e+00 : f32
      %jit3A_1025 = arith.constant 0.000000e+00 : f32
      %broadcast_in_dim3A_1026 = vector.broadcast %jit3A_1024 : f32 to vector<16xf32>
      %broadcast_in_dim3A_1027 = vector.broadcast %jit3A_1025 : f32 to vector<16xf32>
      %select_n3A_1028 = arith.select %eq3A_1023, %broadcast_in_dim3A_1026, %broadcast_in_dim3A_1027 : vector<16xi1>, vector<16xf32>
      %slice3A_1029 = vector.extract_strided_slice %get3A_1020 {offsets = [0], sizes = [1], strides = [1]} : vector<16xi32> to vector<1xi32>
      %squeeze3A_1030 = vector.extract %slice3A_1029[0] : i32 from vector<1xi32>
      %swap3A_1031 = arith.index_cast %squeeze3A_1030 : i32 to index
      %swap3A_1032 = arith.constant 64 : index
      %swap3A_1033 = tpu.vector_load %arg5[%swap3A_1031, %swap3A_1032] {strides = array<i32>} : memref<1000x128xf32, #tpu.memory_space<vmem>>, vector<1x16xf32>,
      %swap3A_1034 = vector.shape_cast %swap3A_1033 : vector<1x16xf32> to vector<16xf32>
      %swap3A_1035 = vector.shape_cast %select_n3A_1028 : vector<16xf32> to vector<1x16xf32>
      tpu.vector_store %arg5[%swap3A_1031, %swap3A_1032], %swap3A_1035 {add = true, strides = array<i32>} : memref<1000x128xf32, #tpu.memory_space<vmem>>, vector<1x16xf32>,
      %eq3A_1036 = arith.constant 1 : i32
      %eq3A_1037 = vector.broadcast %eq3A_1036 : i32 to vector<16xi32>
      %eq3A_1038 = arith.cmpi eq, %iota3A, %eq3A_1037 : vector<16xi32>
      %jit3A_1039 = arith.constant 1.000000e+00 : f32
      %jit3A_1040 = arith.constant 0.000000e+00 : f32
      %broadcast_in_dim3A_1041 = vector.broadcast %jit3A_1039 : f32 to vector<16xf32>
      %broadcast_in_dim3A_1042 = vector.broadcast %jit3A_1040 : f32 to vector<16xf32>
      %select_n3A_1043 = arith.select %eq3A_1038, %broadcast_in_dim3A_1041, %broadcast_in_dim3A_1042 : vector<16xi1>, vector<16xf32>
      %slice3A_1044 = vector.extract_strided_slice %get3A_1020 {offsets = [1], sizes = [1], strides = [1]} : vector<16xi32> to vector<1xi32>
      %squeeze3A_1045 = vector.extract %slice3A_1044[0] : i32 from vector<1xi32>
      %swap3A_1046 = arith.index_cast %squeeze3A_1045 : i32 to index
      %swap3A_1047 = arith.constant 64 : index
      %swap3A_1048 = tpu.vector_load %arg5[%swap3A_1046, %swap3A_1047] {strides = array<i32>} : memref<1000x128xf32, #tpu.memory_space<vmem>>, vector<1x16xf32>,
      %swap3A_1049 = vector.shape_cast %swap3A_1048 : vector<1x16xf32> to vector<16xf32>
      %swap3A_1050 = vector.shape_cast %select_n3A_1043 : vector<16xf32> to vector<1x16xf32>
      tpu.vector_store %arg5[%swap3A_1046, %swap3A_1047], %swap3A_1050 {add = true, strides = array<i32>} : memref<1000x128xf32, #tpu.memory_space<vmem>>, vector<1x16xf32>,
      %eq3A_1051 = arith.constant 2 : i32
      %eq3A_1052 = vector.broadcast %eq3A_1051 : i32 to vector<16xi32>
      %eq3A_1053 = arith.cmpi eq, %iota3A, %eq3A_1052 : vector<16xi32>
      %jit3A_1054 = arith.constant 1.000000e+00 : f32
      %jit3A_1055 = arith.constant 0.000000e+00 : f32
      %broadcast_in_dim3A_1056 = vector.broadcast %jit3A_1054 : f32 to vector<16xf32>
      %broadcast_in_dim3A_1057 = vector.broadcast %jit3A_1055 : f32 to vector<16xf32>
      %select_n3A_1058 = arith.select %eq3A_1053, %broadcast_in_dim3A_1056, %broadcast_in_dim3A_1057 : vector<16xi1>, vector<16xf32>
      %slice3A_1059 = vector.extract_strided_slice %get3A_1020 {offsets = [2], sizes = [1], strides = [1]} : vector<16xi32> to vector<1xi32>
      %squeeze3A_1060 = vector.extract %slice3A_1059[0] : i32 from vector<1xi32>
      %swap3A_1061 = arith.index_cast %squeeze3A_1060 : i32 to index
      %swap3A_1062 = arith.constant 64 : index
      %swap3A_1063 = tpu.vector_load %arg5[%swap3A_1061, %swap3A_1062] {strides = array<i32>} : memref<1000x128xf32, #tpu.memory_space<vmem>>, vector<1x16xf32>,
      %swap3A_1064 = vector.shape_cast %swap3A_1063 : vector<1x16xf32> to vector<16xf32>
      %swap3A_1065 = vector.shape_cast %select_n3A_1058 : vector<16xf32> to vector<1x16xf32>
      tpu.vector_store %arg5[%swap3A_1061, %swap3A_1062], %swap3A_1065 {add = true, strides = array<i32>} : memref<1000x128xf32, #tpu.memory_space<vmem>>, vector<1x16xf32>,
      %eq3A_1066 = arith.constant 3 : i32
      %eq3A_1067 = vector.broadcast %eq3A_1066 : i32 to vector<16xi32>
      %eq3A_1068 = arith.cmpi eq, %iota3A, %eq3A_1067 : vector<16xi32>
      %jit3A_1069 = arith.constant 1.000000e+00 : f32
      %jit3A_1070 = arith.constant 0.000000e+00 : f32
      %broadcast_in_dim3A_1071 = vector.broadcast %jit3A_1069 : f32 to vector<16xf32>
      %broadcast_in_dim3A_1072 = vector.broadcast %jit3A_1070 : f32 to vector<16xf32>
      %select_n3A_1073 = arith.select %eq3A_1068, %broadcast_in_dim3A_1071, %broadcast_in_dim3A_1072 : vector<16xi1>, vector<16xf32>
      %slice3A_1074 = vector.extract_strided_slice %get3A_1020 {offsets = [3], sizes = [1], strides = [1]} : vector<16xi32> to vector<1xi32>
      %squeeze3A_1075 = vector.extract %slice3A_1074[0] : i32 from vector<1xi32>
      %swap3A_1076 = arith.index_cast %squeeze3A_1075 : i32 to index
      %swap3A_1077 = arith.constant 64 : index
      %swap3A_1078 = tpu.vector_load %arg5[%swap3A_1076, %swap3A_1077] {strides = array<i32>} : memref<1000x128xf32, #tpu.memory_space<vmem>>, vector<1x16xf32>,
      %swap3A_1079 = vector.shape_cast %swap3A_1078 : vector<1x16xf32> to vector<16xf32>
      %swap3A_1080 = vector.shape_cast %select_n3A_1073 : vector<16xf32> to vector<1x16xf32>
      tpu.vector_store %arg5[%swap3A_1076, %swap3A_1077], %swap3A_1080 {add = true, strides = array<i32>} : memref<1000x128xf32, #tpu.memory_space<vmem>>, vector<1x16xf32>,
      %eq3A_1081 = arith.constant 4 : i32
      %eq3A_1082 = vector.broadcast %eq3A_1081 : i32 to vector<16xi32>
      %eq3A_1083 = arith.cmpi eq, %iota3A, %eq3A_1082 : vector<16xi32>
      %jit3A_1084 = arith.constant 1.000000e+00 : f32
      %jit3A_1085 = arith.constant 0.000000e+00 : f32
      %broadcast_in_dim3A_1086 = vector.broadcast %jit3A_1084 : f32 to vector<16xf32>
      %broadcast_in_dim3A_1087 = vector.broadcast %jit3A_1085 : f32 to vector<16xf32>
      %select_n3A_1088 = arith.select %eq3A_1083, %broadcast_in_dim3A_1086, %broadcast_in_dim3A_1087 : vector<16xi1>, vector<16xf32>
      %slice3A_1089 = vector.extract_strided_slice %get3A_1020 {offsets = [4], sizes = [1], strides = [1]} : vector<16xi32> to vector<1xi32>
      %squeeze3A_1090 = vector.extract %slice3A_1089[0] : i32 from vector<1xi32>
      %swap3A_1091 = arith.index_cast %squeeze3A_1090 : i32 to index
      %swap3A_1092 = arith.constant 64 : index
      %swap3A_1093 = tpu.vector_load %arg5[%swap3A_1091, %swap3A_1092] {strides = array<i32>} : memref<1000x128xf32, #tpu.memory_space<vmem>>, vector<1x16xf32>,
      %swap3A_1094 = vector.shape_cast %swap3A_1093 : vector<1x16xf32> to vector<16xf32>
      %swap3A_1095 = vector.shape_cast %select_n3A_1088 : vector<16xf32> to vector<1x16xf32>
      tpu.vector_store %arg5[%swap3A_1091, %swap3A_1092], %swap3A_1095 {add = true, strides = array<i32>} : memref<1000x128xf32, #tpu.memory_space<vmem>>, vector<1x16xf32>,
      %eq3A_1096 = arith.constant 5 : i32
      %eq3A_1097 = vector.broadcast %eq3A_1096 : i32 to vector<16xi32>
      %eq3A_1098 = arith.cmpi eq, %iota3A, %eq3A_1097 : vector<16xi32>
      %jit3A_1099 = arith.constant 1.000000e+00 : f32
      %jit3A_1100 = arith.constant 0.000000e+00 : f32
      %broadcast_in_dim3A_1101 = vector.broadcast %jit3A_1099 : f32 to vector<16xf32>
      %broadcast_in_dim3A_1102 = vector.broadcast %jit3A_1100 : f32 to vector<16xf32>
      %select_n3A_1103 = arith.select %eq3A_1098, %broadcast_in_dim3A_1101, %broadcast_in_dim3A_1102 : vector<16xi1>, vector<16xf32>
      %slice3A_1104 = vector.extract_strided_slice %get3A_1020 {offsets = [5], sizes = [1], strides = [1]} : vector<16xi32> to vector<1xi32>
      %squeeze3A_1105 = vector.extract %slice3A_1104[0] : i32 from vector<1xi32>
      %swap3A_1106 = arith.index_cast %squeeze3A_1105 : i32 to index
      %swap3A_1107 = arith.constant 64 : index
      %swap3A_1108 = tpu.vector_load %arg5[%swap3A_1106, %swap3A_1107] {strides = array<i32>} : memref<1000x128xf32, #tpu.memory_space<vmem>>, vector<1x16xf32>,
      %swap3A_1109 = vector.shape_cast %swap3A_1108 : vector<1x16xf32> to vector<16xf32>
      %swap3A_1110 = vector.shape_cast %select_n3A_1103 : vector<16xf32> to vector<1x16xf32>
      tpu.vector_store %arg5[%swap3A_1106, %swap3A_1107], %swap3A_1110 {add = true, strides = array<i32>} : memref<1000x128xf32, #tpu.memory_space<vmem>>, vector<1x16xf32>,
      %eq3A_1111 = arith.constant 6 : i32
      %eq3A_1112 = vector.broadcast %eq3A_1111 : i32 to vector<16xi32>
      %eq3A_1113 = arith.cmpi eq, %iota3A, %eq3A_1112 : vector<16xi32>
      %jit3A_1114 = arith.constant 1.000000e+00 : f32
      %jit3A_1115 = arith.constant 0.000000e+00 : f32
      %broadcast_in_dim3A_1116 = vector.broadcast %jit3A_1114 : f32 to vector<16xf32>
      %broadcast_in_dim3A_1117 = vector.broadcast %jit3A_1115 : f32 to vector<16xf32>
      %select_n3A_1118 = arith.select %eq3A_1113, %broadcast_in_dim3A_1116, %broadcast_in_dim3A_1117 : vector<16xi1>, vector<16xf32>
      %slice3A_1119 = vector.extract_strided_slice %get3A_1020 {offsets = [6], sizes = [1], strides = [1]} : vector<16xi32> to vector<1xi32>
      %squeeze3A_1120 = vector.extract %slice3A_1119[0] : i32 from vector<1xi32>
      %swap3A_1121 = arith.index_cast %squeeze3A_1120 : i32 to index
      %swap3A_1122 = arith.constant 64 : index
      %swap3A_1123 = tpu.vector_load %arg5[%swap3A_1121, %swap3A_1122] {strides = array<i32>} : memref<1000x128xf32, #tpu.memory_space<vmem>>, vector<1x16xf32>,
      %swap3A_1124 = vector.shape_cast %swap3A_1123 : vector<1x16xf32> to vector<16xf32>
      %swap3A_1125 = vector.shape_cast %select_n3A_1118 : vector<16xf32> to vector<1x16xf32>
      tpu.vector_store %arg5[%swap3A_1121, %swap3A_1122], %swap3A_1125 {add = true, strides = array<i32>} : memref<1000x128xf32, #tpu.memory_space<vmem>>, vector<1x16xf32>,
      %eq3A_1126 = arith.constant 7 : i32
      %eq3A_1127 = vector.broadcast %eq3A_1126 : i32 to vector<16xi32>
      %eq3A_1128 = arith.cmpi eq, %iota3A, %eq3A_1127 : vector<16xi32>
      %jit3A_1129 = arith.constant 1.000000e+00 : f32
      %jit3A_1130 = arith.constant 0.000000e+00 : f32
      %broadcast_in_dim3A_1131 = vector.broadcast %jit3A_1129 : f32 to vector<16xf32>
      %broadcast_in_dim3A_1132 = vector.broadcast %jit3A_1130 : f32 to vector<16xf32>
      %select_n3A_1133 = arith.select %eq3A_1128, %broadcast_in_dim3A_1131, %broadcast_in_dim3A_1132 : vector<16xi1>, vector<16xf32>
      %slice3A_1134 = vector.extract_strided_slice %get3A_1020 {offsets = [7], sizes = [1], strides = [1]} : vector<16xi32> to vector<1xi32>
      %squeeze3A_1135 = vector.extract %slice3A_1134[0] : i32 from vector<1xi32>
      %swap3A_1136 = arith.index_cast %squeeze3A_1135 : i32 to index
      %swap3A_1137 = arith.constant 64 : index
      %swap3A_1138 = tpu.vector_load %arg5[%swap3A_1136, %swap3A_1137] {strides = array<i32>} : memref<1000x128xf32, #tpu.memory_space<vmem>>, vector<1x16xf32>,
      %swap3A_1139 = vector.shape_cast %swap3A_1138 : vector<1x16xf32> to vector<16xf32>
      %swap3A_1140 = vector.shape_cast %select_n3A_1133 : vector<16xf32> to vector<1x16xf32>
      tpu.vector_store %arg5[%swap3A_1136, %swap3A_1137], %swap3A_1140 {add = true, strides = array<i32>} : memref<1000x128xf32, #tpu.memory_space<vmem>>, vector<1x16xf32>,
      %eq3A_1141 = arith.constant 8 : i32
      %eq3A_1142 = vector.broadcast %eq3A_1141 : i32 to vector<16xi32>
      %eq3A_1143 = arith.cmpi eq, %iota3A, %eq3A_1142 : vector<16xi32>
      %jit3A_1144 = arith.constant 1.000000e+00 : f32
      %jit3A_1145 = arith.constant 0.000000e+00 : f32
      %broadcast_in_dim3A_1146 = vector.broadcast %jit3A_1144 : f32 to vector<16xf32>
      %broadcast_in_dim3A_1147 = vector.broadcast %jit3A_1145 : f32 to vector<16xf32>
      %select_n3A_1148 = arith.select %eq3A_1143, %broadcast_in_dim3A_1146, %broadcast_in_dim3A_1147 : vector<16xi1>, vector<16xf32>
      %slice3A_1149 = vector.extract_strided_slice %get3A_1020 {offsets = [8], sizes = [1], strides = [1]} : vector<16xi32> to vector<1xi32>
      %squeeze3A_1150 = vector.extract %slice3A_1149[0] : i32 from vector<1xi32>
      %swap3A_1151 = arith.index_cast %squeeze3A_1150 : i32 to index
      %swap3A_1152 = arith.constant 64 : index
      %swap3A_1153 = tpu.vector_load %arg5[%swap3A_1151, %swap3A_1152] {strides = array<i32>} : memref<1000x128xf32, #tpu.memory_space<vmem>>, vector<1x16xf32>,
      %swap3A_1154 = vector.shape_cast %swap3A_1153 : vector<1x16xf32> to vector<16xf32>
      %swap3A_1155 = vector.shape_cast %select_n3A_1148 : vector<16xf32> to vector<1x16xf32>
      tpu.vector_store %arg5[%swap3A_1151, %swap3A_1152], %swap3A_1155 {add = true, strides = array<i32>} : memref<1000x128xf32, #tpu.memory_space<vmem>>, vector<1x16xf32>,
      %eq3A_1156 = arith.constant 9 : i32
      %eq3A_1157 = vector.broadcast %eq3A_1156 : i32 to vector<16xi32>
      %eq3A_1158 = arith.cmpi eq, %iota3A, %eq3A_1157 : vector<16xi32>
      %jit3A_1159 = arith.constant 1.000000e+00 : f32
      %jit3A_1160 = arith.constant 0.000000e+00 : f32
      %broadcast_in_dim3A_1161 = vector.broadcast %jit3A_1159 : f32 to vector<16xf32>
      %broadcast_in_dim3A_1162 = vector.broadcast %jit3A_1160 : f32 to vector<16xf32>
      %select_n3A_1163 = arith.select %eq3A_1158, %broadcast_in_dim3A_1161, %broadcast_in_dim3A_1162 : vector<16xi1>, vector<16xf32>
      %slice3A_1164 = vector.extract_strided_slice %get3A_1020 {offsets = [9], sizes = [1], strides = [1]} : vector<16xi32> to vector<1xi32>
      %squeeze3A_1165 = vector.extract %slice3A_1164[0] : i32 from vector<1xi32>
      %swap3A_1166 = arith.index_cast %squeeze3A_1165 : i32 to index
      %swap3A_1167 = arith.constant 64 : index
      %swap3A_1168 = tpu.vector_load %arg5[%swap3A_1166, %swap3A_1167] {strides = array<i32>} : memref<1000x128xf32, #tpu.memory_space<vmem>>, vector<1x16xf32>,
      %swap3A_1169 = vector.shape_cast %swap3A_1168 : vector<1x16xf32> to vector<16xf32>
      %swap3A_1170 = vector.shape_cast %select_n3A_1163 : vector<16xf32> to vector<1x16xf32>
      tpu.vector_store %arg5[%swap3A_1166, %swap3A_1167], %swap3A_1170 {add = true, strides = array<i32>} : memref<1000x128xf32, #tpu.memory_space<vmem>>, vector<1x16xf32>,
      %eq3A_1171 = arith.constant 10 : i32
      %eq3A_1172 = vector.broadcast %eq3A_1171 : i32 to vector<16xi32>
      %eq3A_1173 = arith.cmpi eq, %iota3A, %eq3A_1172 : vector<16xi32>
      %jit3A_1174 = arith.constant 1.000000e+00 : f32
      %jit3A_1175 = arith.constant 0.000000e+00 : f32
      %broadcast_in_dim3A_1176 = vector.broadcast %jit3A_1174 : f32 to vector<16xf32>
      %broadcast_in_dim3A_1177 = vector.broadcast %jit3A_1175 : f32 to vector<16xf32>
      %select_n3A_1178 = arith.select %eq3A_1173, %broadcast_in_dim3A_1176, %broadcast_in_dim3A_1177 : vector<16xi1>, vector<16xf32>
      %slice3A_1179 = vector.extract_strided_slice %get3A_1020 {offsets = [10], sizes = [1], strides = [1]} : vector<16xi32> to vector<1xi32>
      %squeeze3A_1180 = vector.extract %slice3A_1179[0] : i32 from vector<1xi32>
      %swap3A_1181 = arith.index_cast %squeeze3A_1180 : i32 to index
      %swap3A_1182 = arith.constant 64 : index
      %swap3A_1183 = tpu.vector_load %arg5[%swap3A_1181, %swap3A_1182] {strides = array<i32>} : memref<1000x128xf32, #tpu.memory_space<vmem>>, vector<1x16xf32>,
      %swap3A_1184 = vector.shape_cast %swap3A_1183 : vector<1x16xf32> to vector<16xf32>
      %swap3A_1185 = vector.shape_cast %select_n3A_1178 : vector<16xf32> to vector<1x16xf32>
      tpu.vector_store %arg5[%swap3A_1181, %swap3A_1182], %swap3A_1185 {add = true, strides = array<i32>} : memref<1000x128xf32, #tpu.memory_space<vmem>>, vector<1x16xf32>,
      %eq3A_1186 = arith.constant 11 : i32
      %eq3A_1187 = vector.broadcast %eq3A_1186 : i32 to vector<16xi32>
      %eq3A_1188 = arith.cmpi eq, %iota3A, %eq3A_1187 : vector<16xi32>
      %jit3A_1189 = arith.constant 1.000000e+00 : f32
      %jit3A_1190 = arith.constant 0.000000e+00 : f32
      %broadcast_in_dim3A_1191 = vector.broadcast %jit3A_1189 : f32 to vector<16xf32>
      %broadcast_in_dim3A_1192 = vector.broadcast %jit3A_1190 : f32 to vector<16xf32>
      %select_n3A_1193 = arith.select %eq3A_1188, %broadcast_in_dim3A_1191, %broadcast_in_dim3A_1192 : vector<16xi1>, vector<16xf32>
      %slice3A_1194 = vector.extract_strided_slice %get3A_1020 {offsets = [11], sizes = [1], strides = [1]} : vector<16xi32> to vector<1xi32>
      %squeeze3A_1195 = vector.extract %slice3A_1194[0] : i32 from vector<1xi32>
      %swap3A_1196 = arith.index_cast %squeeze3A_1195 : i32 to index
      %swap3A_1197 = arith.constant 64 : index
      %swap3A_1198 = tpu.vector_load %arg5[%swap3A_1196, %swap3A_1197] {strides = array<i32>} : memref<1000x128xf32, #tpu.memory_space<vmem>>, vector<1x16xf32>,
      %swap3A_1199 = vector.shape_cast %swap3A_1198 : vector<1x16xf32> to vector<16xf32>
      %swap3A_1200 = vector.shape_cast %select_n3A_1193 : vector<16xf32> to vector<1x16xf32>
      tpu.vector_store %arg5[%swap3A_1196, %swap3A_1197], %swap3A_1200 {add = true, strides = array<i32>} : memref<1000x128xf32, #tpu.memory_space<vmem>>, vector<1x16xf32>,
      %eq3A_1201 = arith.constant 12 : i32
      %eq3A_1202 = vector.broadcast %eq3A_1201 : i32 to vector<16xi32>
      %eq3A_1203 = arith.cmpi eq, %iota3A, %eq3A_1202 : vector<16xi32>
      %jit3A_1204 = arith.constant 1.000000e+00 : f32
      %jit3A_1205 = arith.constant 0.000000e+00 : f32
      %broadcast_in_dim3A_1206 = vector.broadcast %jit3A_1204 : f32 to vector<16xf32>
      %broadcast_in_dim3A_1207 = vector.broadcast %jit3A_1205 : f32 to vector<16xf32>
      %select_n3A_1208 = arith.select %eq3A_1203, %broadcast_in_dim3A_1206, %broadcast_in_dim3A_1207 : vector<16xi1>, vector<16xf32>
      %slice3A_1209 = vector.extract_strided_slice %get3A_1020 {offsets = [12], sizes = [1], strides = [1]} : vector<16xi32> to vector<1xi32>
      %squeeze3A_1210 = vector.extract %slice3A_1209[0] : i32 from vector<1xi32>
      %swap3A_1211 = arith.index_cast %squeeze3A_1210 : i32 to index
      %swap3A_1212 = arith.constant 64 : index
      %swap3A_1213 = tpu.vector_load %arg5[%swap3A_1211, %swap3A_1212] {strides = array<i32>} : memref<1000x128xf32, #tpu.memory_space<vmem>>, vector<1x16xf32>,
      %swap3A_1214 = vector.shape_cast %swap3A_1213 : vector<1x16xf32> to vector<16xf32>
      %swap3A_1215 = vector.shape_cast %select_n3A_1208 : vector<16xf32> to vector<1x16xf32>
      tpu.vector_store %arg5[%swap3A_1211, %swap3A_1212], %swap3A_1215 {add = true, strides = array<i32>} : memref<1000x128xf32, #tpu.memory_space<vmem>>, vector<1x16xf32>,
      %eq3A_1216 = arith.constant 13 : i32
      %eq3A_1217 = vector.broadcast %eq3A_1216 : i32 to vector<16xi32>
      %eq3A_1218 = arith.cmpi eq, %iota3A, %eq3A_1217 : vector<16xi32>
      %jit3A_1219 = arith.constant 1.000000e+00 : f32
      %jit3A_1220 = arith.constant 0.000000e+00 : f32
      %broadcast_in_dim3A_1221 = vector.broadcast %jit3A_1219 : f32 to vector<16xf32>
      %broadcast_in_dim3A_1222 = vector.broadcast %jit3A_1220 : f32 to vector<16xf32>
      %select_n3A_1223 = arith.select %eq3A_1218, %broadcast_in_dim3A_1221, %broadcast_in_dim3A_1222 : vector<16xi1>, vector<16xf32>
      %slice3A_1224 = vector.extract_strided_slice %get3A_1020 {offsets = [13], sizes = [1], strides = [1]} : vector<16xi32> to vector<1xi32>
      %squeeze3A_1225 = vector.extract %slice3A_1224[0] : i32 from vector<1xi32>
      %swap3A_1226 = arith.index_cast %squeeze3A_1225 : i32 to index
      %swap3A_1227 = arith.constant 64 : index
      %swap3A_1228 = tpu.vector_load %arg5[%swap3A_1226, %swap3A_1227] {strides = array<i32>} : memref<1000x128xf32, #tpu.memory_space<vmem>>, vector<1x16xf32>,
      %swap3A_1229 = vector.shape_cast %swap3A_1228 : vector<1x16xf32> to vector<16xf32>
      %swap3A_1230 = vector.shape_cast %select_n3A_1223 : vector<16xf32> to vector<1x16xf32>
      tpu.vector_store %arg5[%swap3A_1226, %swap3A_1227], %swap3A_1230 {add = true, strides = array<i32>} : memref<1000x128xf32, #tpu.memory_space<vmem>>, vector<1x16xf32>,
      %eq3A_1231 = arith.constant 14 : i32
      %eq3A_1232 = vector.broadcast %eq3A_1231 : i32 to vector<16xi32>
      %eq3A_1233 = arith.cmpi eq, %iota3A, %eq3A_1232 : vector<16xi32>
      %jit3A_1234 = arith.constant 1.000000e+00 : f32
      %jit3A_1235 = arith.constant 0.000000e+00 : f32
      %broadcast_in_dim3A_1236 = vector.broadcast %jit3A_1234 : f32 to vector<16xf32>
      %broadcast_in_dim3A_1237 = vector.broadcast %jit3A_1235 : f32 to vector<16xf32>
      %select_n3A_1238 = arith.select %eq3A_1233, %broadcast_in_dim3A_1236, %broadcast_in_dim3A_1237 : vector<16xi1>, vector<16xf32>
      %slice3A_1239 = vector.extract_strided_slice %get3A_1020 {offsets = [14], sizes = [1], strides = [1]} : vector<16xi32> to vector<1xi32>
      %squeeze3A_1240 = vector.extract %slice3A_1239[0] : i32 from vector<1xi32>
      %swap3A_1241 = arith.index_cast %squeeze3A_1240 : i32 to index
      %swap3A_1242 = arith.constant 64 : index
      %swap3A_1243 = tpu.vector_load %arg5[%swap3A_1241, %swap3A_1242] {strides = array<i32>} : memref<1000x128xf32, #tpu.memory_space<vmem>>, vector<1x16xf32>,
      %swap3A_1244 = vector.shape_cast %swap3A_1243 : vector<1x16xf32> to vector<16xf32>
      %swap3A_1245 = vector.shape_cast %select_n3A_1238 : vector<16xf32> to vector<1x16xf32>
      tpu.vector_store %arg5[%swap3A_1241, %swap3A_1242], %swap3A_1245 {add = true, strides = array<i32>} : memref<1000x128xf32, #tpu.memory_space<vmem>>, vector<1x16xf32>,
      %eq3A_1246 = arith.constant 15 : i32
      %eq3A_1247 = vector.broadcast %eq3A_1246 : i32 to vector<16xi32>
      %eq3A_1248 = arith.cmpi eq, %iota3A, %eq3A_1247 : vector<16xi32>
      %jit3A_1249 = arith.constant 1.000000e+00 : f32
      %jit3A_1250 = arith.constant 0.000000e+00 : f32
      %broadcast_in_dim3A_1251 = vector.broadcast %jit3A_1249 : f32 to vector<16xf32>
      %broadcast_in_dim3A_1252 = vector.broadcast %jit3A_1250 : f32 to vector<16xf32>
      %select_n3A_1253 = arith.select %eq3A_1248, %broadcast_in_dim3A_1251, %broadcast_in_dim3A_1252 : vector<16xi1>, vector<16xf32>
      %slice3A_1254 = vector.extract_strided_slice %get3A_1020 {offsets = [15], sizes = [1], strides = [1]} : vector<16xi32> to vector<1xi32>
      %squeeze3A_1255 = vector.extract %slice3A_1254[0] : i32 from vector<1xi32>
      %swap3A_1256 = arith.index_cast %squeeze3A_1255 : i32 to index
      %swap3A_1257 = arith.constant 64 : index
      %swap3A_1258 = tpu.vector_load %arg5[%swap3A_1256, %swap3A_1257] {strides = array<i32>} : memref<1000x128xf32, #tpu.memory_space<vmem>>, vector<1x16xf32>,
      %swap3A_1259 = vector.shape_cast %swap3A_1258 : vector<1x16xf32> to vector<16xf32>
      %swap3A_1260 = vector.shape_cast %select_n3A_1253 : vector<16xf32> to vector<1x16xf32>
      tpu.vector_store %arg5[%swap3A_1256, %swap3A_1257], %swap3A_1260 {add = true, strides = array<i32>} : memref<1000x128xf32, #tpu.memory_space<vmem>>, vector<1x16xf32>,
      %get3A_1261 = arith.index_cast %select_n3A_44 : i32 to index
      %get3A_1262 = arith.constant 80 : index
      %get3A_1263 = tpu.vector_load %arg4[%get3A_1261, %get3A_1262] {strides = array<i32>} : memref<2x128xi32, #tpu.memory_space<vmem>>, vector<1x16xi32>,
      %get3A_1264 = vector.shape_cast %get3A_1263 : vector<1x16xi32> to vector<16xi32>
      %eq3A_1265 = arith.constant 0 : i32
      %eq3A_1266 = vector.broadcast %eq3A_1265 : i32 to vector<16xi32>
      %eq3A_1267 = arith.cmpi eq, %iota3A, %eq3A_1266 : vector<16xi32>
      %jit3A_1268 = arith.constant 1.000000e+00 : f32
      %jit3A_1269 = arith.constant 0.000000e+00 : f32
      %broadcast_in_dim3A_1270 = vector.broadcast %jit3A_1268 : f32 to vector<16xf32>
      %broadcast_in_dim3A_1271 = vector.broadcast %jit3A_1269 : f32 to vector<16xf32>
      %select_n3A_1272 = arith.select %eq3A_1267, %broadcast_in_dim3A_1270, %broadcast_in_dim3A_1271 : vector<16xi1>, vector<16xf32>
      %slice3A_1273 = vector.extract_strided_slice %get3A_1264 {offsets = [0], sizes = [1], strides = [1]} : vector<16xi32> to vector<1xi32>
      %squeeze3A_1274 = vector.extract %slice3A_1273[0] : i32 from vector<1xi32>
      %swap3A_1275 = arith.index_cast %squeeze3A_1274 : i32 to index
      %swap3A_1276 = arith.constant 80 : index
      %swap3A_1277 = tpu.vector_load %arg5[%swap3A_1275, %swap3A_1276] {strides = array<i32>} : memref<1000x128xf32, #tpu.memory_space<vmem>>, vector<1x16xf32>,
      %swap3A_1278 = vector.shape_cast %swap3A_1277 : vector<1x16xf32> to vector<16xf32>
      %swap3A_1279 = vector.shape_cast %select_n3A_1272 : vector<16xf32> to vector<1x16xf32>
      tpu.vector_store %arg5[%swap3A_1275, %swap3A_1276], %swap3A_1279 {add = true, strides = array<i32>} : memref<1000x128xf32, #tpu.memory_space<vmem>>, vector<1x16xf32>,
      %eq3A_1280 = arith.constant 1 : i32
      %eq3A_1281 = vector.broadcast %eq3A_1280 : i32 to vector<16xi32>
      %eq3A_1282 = arith.cmpi eq, %iota3A, %eq3A_1281 : vector<16xi32>
      %jit3A_1283 = arith.constant 1.000000e+00 : f32
      %jit3A_1284 = arith.constant 0.000000e+00 : f32
      %broadcast_in_dim3A_1285 = vector.broadcast %jit3A_1283 : f32 to vector<16xf32>
      %broadcast_in_dim3A_1286 = vector.broadcast %jit3A_1284 : f32 to vector<16xf32>
      %select_n3A_1287 = arith.select %eq3A_1282, %broadcast_in_dim3A_1285, %broadcast_in_dim3A_1286 : vector<16xi1>, vector<16xf32>
      %slice3A_1288 = vector.extract_strided_slice %get3A_1264 {offsets = [1], sizes = [1], strides = [1]} : vector<16xi32> to vector<1xi32>
      %squeeze3A_1289 = vector.extract %slice3A_1288[0] : i32 from vector<1xi32>
      %swap3A_1290 = arith.index_cast %squeeze3A_1289 : i32 to index
      %swap3A_1291 = arith.constant 80 : index
      %swap3A_1292 = tpu.vector_load %arg5[%swap3A_1290, %swap3A_1291] {strides = array<i32>} : memref<1000x128xf32, #tpu.memory_space<vmem>>, vector<1x16xf32>,
      %swap3A_1293 = vector.shape_cast %swap3A_1292 : vector<1x16xf32> to vector<16xf32>
      %swap3A_1294 = vector.shape_cast %select_n3A_1287 : vector<16xf32> to vector<1x16xf32>
      tpu.vector_store %arg5[%swap3A_1290, %swap3A_1291], %swap3A_1294 {add = true, strides = array<i32>} : memref<1000x128xf32, #tpu.memory_space<vmem>>, vector<1x16xf32>,
      %eq3A_1295 = arith.constant 2 : i32
      %eq3A_1296 = vector.broadcast %eq3A_1295 : i32 to vector<16xi32>
      %eq3A_1297 = arith.cmpi eq, %iota3A, %eq3A_1296 : vector<16xi32>
      %jit3A_1298 = arith.constant 1.000000e+00 : f32
      %jit3A_1299 = arith.constant 0.000000e+00 : f32
      %broadcast_in_dim3A_1300 = vector.broadcast %jit3A_1298 : f32 to vector<16xf32>
      %broadcast_in_dim3A_1301 = vector.broadcast %jit3A_1299 : f32 to vector<16xf32>
      %select_n3A_1302 = arith.select %eq3A_1297, %broadcast_in_dim3A_1300, %broadcast_in_dim3A_1301 : vector<16xi1>, vector<16xf32>
      %slice3A_1303 = vector.extract_strided_slice %get3A_1264 {offsets = [2], sizes = [1], strides = [1]} : vector<16xi32> to vector<1xi32>
      %squeeze3A_1304 = vector.extract %slice3A_1303[0] : i32 from vector<1xi32>
      %swap3A_1305 = arith.index_cast %squeeze3A_1304 : i32 to index
      %swap3A_1306 = arith.constant 80 : index
      %swap3A_1307 = tpu.vector_load %arg5[%swap3A_1305, %swap3A_1306] {strides = array<i32>} : memref<1000x128xf32, #tpu.memory_space<vmem>>, vector<1x16xf32>,
      %swap3A_1308 = vector.shape_cast %swap3A_1307 : vector<1x16xf32> to vector<16xf32>
      %swap3A_1309 = vector.shape_cast %select_n3A_1302 : vector<16xf32> to vector<1x16xf32>
      tpu.vector_store %arg5[%swap3A_1305, %swap3A_1306], %swap3A_1309 {add = true, strides = array<i32>} : memref<1000x128xf32, #tpu.memory_space<vmem>>, vector<1x16xf32>,
      %eq3A_1310 = arith.constant 3 : i32
      %eq3A_1311 = vector.broadcast %eq3A_1310 : i32 to vector<16xi32>
      %eq3A_1312 = arith.cmpi eq, %iota3A, %eq3A_1311 : vector<16xi32>
      %jit3A_1313 = arith.constant 1.000000e+00 : f32
      %jit3A_1314 = arith.constant 0.000000e+00 : f32
      %broadcast_in_dim3A_1315 = vector.broadcast %jit3A_1313 : f32 to vector<16xf32>
      %broadcast_in_dim3A_1316 = vector.broadcast %jit3A_1314 : f32 to vector<16xf32>
      %select_n3A_1317 = arith.select %eq3A_1312, %broadcast_in_dim3A_1315, %broadcast_in_dim3A_1316 : vector<16xi1>, vector<16xf32>
      %slice3A_1318 = vector.extract_strided_slice %get3A_1264 {offsets = [3], sizes = [1], strides = [1]} : vector<16xi32> to vector<1xi32>
      %squeeze3A_1319 = vector.extract %slice3A_1318[0] : i32 from vector<1xi32>
      %swap3A_1320 = arith.index_cast %squeeze3A_1319 : i32 to index
      %swap3A_1321 = arith.constant 80 : index
      %swap3A_1322 = tpu.vector_load %arg5[%swap3A_1320, %swap3A_1321] {strides = array<i32>} : memref<1000x128xf32, #tpu.memory_space<vmem>>, vector<1x16xf32>,
      %swap3A_1323 = vector.shape_cast %swap3A_1322 : vector<1x16xf32> to vector<16xf32>
      %swap3A_1324 = vector.shape_cast %select_n3A_1317 : vector<16xf32> to vector<1x16xf32>
      tpu.vector_store %arg5[%swap3A_1320, %swap3A_1321], %swap3A_1324 {add = true, strides = array<i32>} : memref<1000x128xf32, #tpu.memory_space<vmem>>, vector<1x16xf32>,
      %eq3A_1325 = arith.constant 4 : i32
      %eq3A_1326 = vector.broadcast %eq3A_1325 : i32 to vector<16xi32>
      %eq3A_1327 = arith.cmpi eq, %iota3A, %eq3A_1326 : vector<16xi32>
      %jit3A_1328 = arith.constant 1.000000e+00 : f32
      %jit3A_1329 = arith.constant 0.000000e+00 : f32
      %broadcast_in_dim3A_1330 = vector.broadcast %jit3A_1328 : f32 to vector<16xf32>
      %broadcast_in_dim3A_1331 = vector.broadcast %jit3A_1329 : f32 to vector<16xf32>
      %select_n3A_1332 = arith.select %eq3A_1327, %broadcast_in_dim3A_1330, %broadcast_in_dim3A_1331 : vector<16xi1>, vector<16xf32>
      %slice3A_1333 = vector.extract_strided_slice %get3A_1264 {offsets = [4], sizes = [1], strides = [1]} : vector<16xi32> to vector<1xi32>
      %squeeze3A_1334 = vector.extract %slice3A_1333[0] : i32 from vector<1xi32>
      %swap3A_1335 = arith.index_cast %squeeze3A_1334 : i32 to index
      %swap3A_1336 = arith.constant 80 : index
      %swap3A_1337 = tpu.vector_load %arg5[%swap3A_1335, %swap3A_1336] {strides = array<i32>} : memref<1000x128xf32, #tpu.memory_space<vmem>>, vector<1x16xf32>,
      %swap3A_1338 = vector.shape_cast %swap3A_1337 : vector<1x16xf32> to vector<16xf32>
      %swap3A_1339 = vector.shape_cast %select_n3A_1332 : vector<16xf32> to vector<1x16xf32>
      tpu.vector_store %arg5[%swap3A_1335, %swap3A_1336], %swap3A_1339 {add = true, strides = array<i32>} : memref<1000x128xf32, #tpu.memory_space<vmem>>, vector<1x16xf32>,
      %eq3A_1340 = arith.constant 5 : i32
      %eq3A_1341 = vector.broadcast %eq3A_1340 : i32 to vector<16xi32>
      %eq3A_1342 = arith.cmpi eq, %iota3A, %eq3A_1341 : vector<16xi32>
      %jit3A_1343 = arith.constant 1.000000e+00 : f32
      %jit3A_1344 = arith.constant 0.000000e+00 : f32
      %broadcast_in_dim3A_1345 = vector.broadcast %jit3A_1343 : f32 to vector<16xf32>
      %broadcast_in_dim3A_1346 = vector.broadcast %jit3A_1344 : f32 to vector<16xf32>
      %select_n3A_1347 = arith.select %eq3A_1342, %broadcast_in_dim3A_1345, %broadcast_in_dim3A_1346 : vector<16xi1>, vector<16xf32>
      %slice3A_1348 = vector.extract_strided_slice %get3A_1264 {offsets = [5], sizes = [1], strides = [1]} : vector<16xi32> to vector<1xi32>
      %squeeze3A_1349 = vector.extract %slice3A_1348[0] : i32 from vector<1xi32>
      %swap3A_1350 = arith.index_cast %squeeze3A_1349 : i32 to index
      %swap3A_1351 = arith.constant 80 : index
      %swap3A_1352 = tpu.vector_load %arg5[%swap3A_1350, %swap3A_1351] {strides = array<i32>} : memref<1000x128xf32, #tpu.memory_space<vmem>>, vector<1x16xf32>,
      %swap3A_1353 = vector.shape_cast %swap3A_1352 : vector<1x16xf32> to vector<16xf32>
      %swap3A_1354 = vector.shape_cast %select_n3A_1347 : vector<16xf32> to vector<1x16xf32>
      tpu.vector_store %arg5[%swap3A_1350, %swap3A_1351], %swap3A_1354 {add = true, strides = array<i32>} : memref<1000x128xf32, #tpu.memory_space<vmem>>, vector<1x16xf32>,
      %eq3A_1355 = arith.constant 6 : i32
      %eq3A_1356 = vector.broadcast %eq3A_1355 : i32 to vector<16xi32>
      %eq3A_1357 = arith.cmpi eq, %iota3A, %eq3A_1356 : vector<16xi32>
      %jit3A_1358 = arith.constant 1.000000e+00 : f32
      %jit3A_1359 = arith.constant 0.000000e+00 : f32
      %broadcast_in_dim3A_1360 = vector.broadcast %jit3A_1358 : f32 to vector<16xf32>
      %broadcast_in_dim3A_1361 = vector.broadcast %jit3A_1359 : f32 to vector<16xf32>
      %select_n3A_1362 = arith.select %eq3A_1357, %broadcast_in_dim3A_1360, %broadcast_in_dim3A_1361 : vector<16xi1>, vector<16xf32>
      %slice3A_1363 = vector.extract_strided_slice %get3A_1264 {offsets = [6], sizes = [1], strides = [1]} : vector<16xi32> to vector<1xi32>
      %squeeze3A_1364 = vector.extract %slice3A_1363[0] : i32 from vector<1xi32>
      %swap3A_1365 = arith.index_cast %squeeze3A_1364 : i32 to index
      %swap3A_1366 = arith.constant 80 : index
      %swap3A_1367 = tpu.vector_load %arg5[%swap3A_1365, %swap3A_1366] {strides = array<i32>} : memref<1000x128xf32, #tpu.memory_space<vmem>>, vector<1x16xf32>,
      %swap3A_1368 = vector.shape_cast %swap3A_1367 : vector<1x16xf32> to vector<16xf32>
      %swap3A_1369 = vector.shape_cast %select_n3A_1362 : vector<16xf32> to vector<1x16xf32>
      tpu.vector_store %arg5[%swap3A_1365, %swap3A_1366], %swap3A_1369 {add = true, strides = array<i32>} : memref<1000x128xf32, #tpu.memory_space<vmem>>, vector<1x16xf32>,
      %eq3A_1370 = arith.constant 7 : i32
      %eq3A_1371 = vector.broadcast %eq3A_1370 : i32 to vector<16xi32>
      %eq3A_1372 = arith.cmpi eq, %iota3A, %eq3A_1371 : vector<16xi32>
      %jit3A_1373 = arith.constant 1.000000e+00 : f32
      %jit3A_1374 = arith.constant 0.000000e+00 : f32
      %broadcast_in_dim3A_1375 = vector.broadcast %jit3A_1373 : f32 to vector<16xf32>
      %broadcast_in_dim3A_1376 = vector.broadcast %jit3A_1374 : f32 to vector<16xf32>
      %select_n3A_1377 = arith.select %eq3A_1372, %broadcast_in_dim3A_1375, %broadcast_in_dim3A_1376 : vector<16xi1>, vector<16xf32>
      %slice3A_1378 = vector.extract_strided_slice %get3A_1264 {offsets = [7], sizes = [1], strides = [1]} : vector<16xi32> to vector<1xi32>
      %squeeze3A_1379 = vector.extract %slice3A_1378[0] : i32 from vector<1xi32>
      %swap3A_1380 = arith.index_cast %squeeze3A_1379 : i32 to index
      %swap3A_1381 = arith.constant 80 : index
      %swap3A_1382 = tpu.vector_load %arg5[%swap3A_1380, %swap3A_1381] {strides = array<i32>} : memref<1000x128xf32, #tpu.memory_space<vmem>>, vector<1x16xf32>,
      %swap3A_1383 = vector.shape_cast %swap3A_1382 : vector<1x16xf32> to vector<16xf32>
      %swap3A_1384 = vector.shape_cast %select_n3A_1377 : vector<16xf32> to vector<1x16xf32>
      tpu.vector_store %arg5[%swap3A_1380, %swap3A_1381], %swap3A_1384 {add = true, strides = array<i32>} : memref<1000x128xf32, #tpu.memory_space<vmem>>, vector<1x16xf32>,
      %eq3A_1385 = arith.constant 8 : i32
      %eq3A_1386 = vector.broadcast %eq3A_1385 : i32 to vector<16xi32>
      %eq3A_1387 = arith.cmpi eq, %iota3A, %eq3A_1386 : vector<16xi32>
      %jit3A_1388 = arith.constant 1.000000e+00 : f32
      %jit3A_1389 = arith.constant 0.000000e+00 : f32
      %broadcast_in_dim3A_1390 = vector.broadcast %jit3A_1388 : f32 to vector<16xf32>
      %broadcast_in_dim3A_1391 = vector.broadcast %jit3A_1389 : f32 to vector<16xf32>
      %select_n3A_1392 = arith.select %eq3A_1387, %broadcast_in_dim3A_1390, %broadcast_in_dim3A_1391 : vector<16xi1>, vector<16xf32>
      %slice3A_1393 = vector.extract_strided_slice %get3A_1264 {offsets = [8], sizes = [1], strides = [1]} : vector<16xi32> to vector<1xi32>
      %squeeze3A_1394 = vector.extract %slice3A_1393[0] : i32 from vector<1xi32>
      %swap3A_1395 = arith.index_cast %squeeze3A_1394 : i32 to index
      %swap3A_1396 = arith.constant 80 : index
      %swap3A_1397 = tpu.vector_load %arg5[%swap3A_1395, %swap3A_1396] {strides = array<i32>} : memref<1000x128xf32, #tpu.memory_space<vmem>>, vector<1x16xf32>,
      %swap3A_1398 = vector.shape_cast %swap3A_1397 : vector<1x16xf32> to vector<16xf32>
      %swap3A_1399 = vector.shape_cast %select_n3A_1392 : vector<16xf32> to vector<1x16xf32>
      tpu.vector_store %arg5[%swap3A_1395, %swap3A_1396], %swap3A_1399 {add = true, strides = array<i32>} : memref<1000x128xf32, #tpu.memory_space<vmem>>, vector<1x16xf32>,
      %eq3A_1400 = arith.constant 9 : i32
      %eq3A_1401 = vector.broadcast %eq3A_1400 : i32 to vector<16xi32>
      %eq3A_1402 = arith.cmpi eq, %iota3A, %eq3A_1401 : vector<16xi32>
      %jit3A_1403 = arith.constant 1.000000e+00 : f32
      %jit3A_1404 = arith.constant 0.000000e+00 : f32
      %broadcast_in_dim3A_1405 = vector.broadcast %jit3A_1403 : f32 to vector<16xf32>
      %broadcast_in_dim3A_1406 = vector.broadcast %jit3A_1404 : f32 to vector<16xf32>
      %select_n3A_1407 = arith.select %eq3A_1402, %broadcast_in_dim3A_1405, %broadcast_in_dim3A_1406 : vector<16xi1>, vector<16xf32>
      %slice3A_1408 = vector.extract_strided_slice %get3A_1264 {offsets = [9], sizes = [1], strides = [1]} : vector<16xi32> to vector<1xi32>
      %squeeze3A_1409 = vector.extract %slice3A_1408[0] : i32 from vector<1xi32>
      %swap3A_1410 = arith.index_cast %squeeze3A_1409 : i32 to index
      %swap3A_1411 = arith.constant 80 : index
      %swap3A_1412 = tpu.vector_load %arg5[%swap3A_1410, %swap3A_1411] {strides = array<i32>} : memref<1000x128xf32, #tpu.memory_space<vmem>>, vector<1x16xf32>,
      %swap3A_1413 = vector.shape_cast %swap3A_1412 : vector<1x16xf32> to vector<16xf32>
      %swap3A_1414 = vector.shape_cast %select_n3A_1407 : vector<16xf32> to vector<1x16xf32>
      tpu.vector_store %arg5[%swap3A_1410, %swap3A_1411], %swap3A_1414 {add = true, strides = array<i32>} : memref<1000x128xf32, #tpu.memory_space<vmem>>, vector<1x16xf32>,
      %eq3A_1415 = arith.constant 10 : i32
      %eq3A_1416 = vector.broadcast %eq3A_1415 : i32 to vector<16xi32>
      %eq3A_1417 = arith.cmpi eq, %iota3A, %eq3A_1416 : vector<16xi32>
      %jit3A_1418 = arith.constant 1.000000e+00 : f32
      %jit3A_1419 = arith.constant 0.000000e+00 : f32
      %broadcast_in_dim3A_1420 = vector.broadcast %jit3A_1418 : f32 to vector<16xf32>
      %broadcast_in_dim3A_1421 = vector.broadcast %jit3A_1419 : f32 to vector<16xf32>
      %select_n3A_1422 = arith.select %eq3A_1417, %broadcast_in_dim3A_1420, %broadcast_in_dim3A_1421 : vector<16xi1>, vector<16xf32>
      %slice3A_1423 = vector.extract_strided_slice %get3A_1264 {offsets = [10], sizes = [1], strides = [1]} : vector<16xi32> to vector<1xi32>
      %squeeze3A_1424 = vector.extract %slice3A_1423[0] : i32 from vector<1xi32>
      %swap3A_1425 = arith.index_cast %squeeze3A_1424 : i32 to index
      %swap3A_1426 = arith.constant 80 : index
      %swap3A_1427 = tpu.vector_load %arg5[%swap3A_1425, %swap3A_1426] {strides = array<i32>} : memref<1000x128xf32, #tpu.memory_space<vmem>>, vector<1x16xf32>,
      %swap3A_1428 = vector.shape_cast %swap3A_1427 : vector<1x16xf32> to vector<16xf32>
      %swap3A_1429 = vector.shape_cast %select_n3A_1422 : vector<16xf32> to vector<1x16xf32>
      tpu.vector_store %arg5[%swap3A_1425, %swap3A_1426], %swap3A_1429 {add = true, strides = array<i32>} : memref<1000x128xf32, #tpu.memory_space<vmem>>, vector<1x16xf32>,
      %eq3A_1430 = arith.constant 11 : i32
      %eq3A_1431 = vector.broadcast %eq3A_1430 : i32 to vector<16xi32>
      %eq3A_1432 = arith.cmpi eq, %iota3A, %eq3A_1431 : vector<16xi32>
      %jit3A_1433 = arith.constant 1.000000e+00 : f32
      %jit3A_1434 = arith.constant 0.000000e+00 : f32
      %broadcast_in_dim3A_1435 = vector.broadcast %jit3A_1433 : f32 to vector<16xf32>
      %broadcast_in_dim3A_1436 = vector.broadcast %jit3A_1434 : f32 to vector<16xf32>
      %select_n3A_1437 = arith.select %eq3A_1432, %broadcast_in_dim3A_1435, %broadcast_in_dim3A_1436 : vector<16xi1>, vector<16xf32>
      %slice3A_1438 = vector.extract_strided_slice %get3A_1264 {offsets = [11], sizes = [1], strides = [1]} : vector<16xi32> to vector<1xi32>
      %squeeze3A_1439 = vector.extract %slice3A_1438[0] : i32 from vector<1xi32>
      %swap3A_1440 = arith.index_cast %squeeze3A_1439 : i32 to index
      %swap3A_1441 = arith.constant 80 : index
      %swap3A_1442 = tpu.vector_load %arg5[%swap3A_1440, %swap3A_1441] {strides = array<i32>} : memref<1000x128xf32, #tpu.memory_space<vmem>>, vector<1x16xf32>,
      %swap3A_1443 = vector.shape_cast %swap3A_1442 : vector<1x16xf32> to vector<16xf32>
      %swap3A_1444 = vector.shape_cast %select_n3A_1437 : vector<16xf32> to vector<1x16xf32>
      tpu.vector_store %arg5[%swap3A_1440, %swap3A_1441], %swap3A_1444 {add = true, strides = array<i32>} : memref<1000x128xf32, #tpu.memory_space<vmem>>, vector<1x16xf32>,
      %eq3A_1445 = arith.constant 12 : i32
      %eq3A_1446 = vector.broadcast %eq3A_1445 : i32 to vector<16xi32>
      %eq3A_1447 = arith.cmpi eq, %iota3A, %eq3A_1446 : vector<16xi32>
      %jit3A_1448 = arith.constant 1.000000e+00 : f32
      %jit3A_1449 = arith.constant 0.000000e+00 : f32
      %broadcast_in_dim3A_1450 = vector.broadcast %jit3A_1448 : f32 to vector<16xf32>
      %broadcast_in_dim3A_1451 = vector.broadcast %jit3A_1449 : f32 to vector<16xf32>
      %select_n3A_1452 = arith.select %eq3A_1447, %broadcast_in_dim3A_1450, %broadcast_in_dim3A_1451 : vector<16xi1>, vector<16xf32>
      %slice3A_1453 = vector.extract_strided_slice %get3A_1264 {offsets = [12], sizes = [1], strides = [1]} : vector<16xi32> to vector<1xi32>
      %squeeze3A_1454 = vector.extract %slice3A_1453[0] : i32 from vector<1xi32>
      %swap3A_1455 = arith.index_cast %squeeze3A_1454 : i32 to index
      %swap3A_1456 = arith.constant 80 : index
      %swap3A_1457 = tpu.vector_load %arg5[%swap3A_1455, %swap3A_1456] {strides = array<i32>} : memref<1000x128xf32, #tpu.memory_space<vmem>>, vector<1x16xf32>,
      %swap3A_1458 = vector.shape_cast %swap3A_1457 : vector<1x16xf32> to vector<16xf32>
      %swap3A_1459 = vector.shape_cast %select_n3A_1452 : vector<16xf32> to vector<1x16xf32>
      tpu.vector_store %arg5[%swap3A_1455, %swap3A_1456], %swap3A_1459 {add = true, strides = array<i32>} : memref<1000x128xf32, #tpu.memory_space<vmem>>, vector<1x16xf32>,
      %eq3A_1460 = arith.constant 13 : i32
      %eq3A_1461 = vector.broadcast %eq3A_1460 : i32 to vector<16xi32>
      %eq3A_1462 = arith.cmpi eq, %iota3A, %eq3A_1461 : vector<16xi32>
      %jit3A_1463 = arith.constant 1.000000e+00 : f32
      %jit3A_1464 = arith.constant 0.000000e+00 : f32
      %broadcast_in_dim3A_1465 = vector.broadcast %jit3A_1463 : f32 to vector<16xf32>
      %broadcast_in_dim3A_1466 = vector.broadcast %jit3A_1464 : f32 to vector<16xf32>
      %select_n3A_1467 = arith.select %eq3A_1462, %broadcast_in_dim3A_1465, %broadcast_in_dim3A_1466 : vector<16xi1>, vector<16xf32>
      %slice3A_1468 = vector.extract_strided_slice %get3A_1264 {offsets = [13], sizes = [1], strides = [1]} : vector<16xi32> to vector<1xi32>
      %squeeze3A_1469 = vector.extract %slice3A_1468[0] : i32 from vector<1xi32>
      %swap3A_1470 = arith.index_cast %squeeze3A_1469 : i32 to index
      %swap3A_1471 = arith.constant 80 : index
      %swap3A_1472 = tpu.vector_load %arg5[%swap3A_1470, %swap3A_1471] {strides = array<i32>} : memref<1000x128xf32, #tpu.memory_space<vmem>>, vector<1x16xf32>,
      %swap3A_1473 = vector.shape_cast %swap3A_1472 : vector<1x16xf32> to vector<16xf32>
      %swap3A_1474 = vector.shape_cast %select_n3A_1467 : vector<16xf32> to vector<1x16xf32>
      tpu.vector_store %arg5[%swap3A_1470, %swap3A_1471], %swap3A_1474 {add = true, strides = array<i32>} : memref<1000x128xf32, #tpu.memory_space<vmem>>, vector<1x16xf32>,
      %eq3A_1475 = arith.constant 14 : i32
      %eq3A_1476 = vector.broadcast %eq3A_1475 : i32 to vector<16xi32>
      %eq3A_1477 = arith.cmpi eq, %iota3A, %eq3A_1476 : vector<16xi32>
      %jit3A_1478 = arith.constant 1.000000e+00 : f32
      %jit3A_1479 = arith.constant 0.000000e+00 : f32
      %broadcast_in_dim3A_1480 = vector.broadcast %jit3A_1478 : f32 to vector<16xf32>
      %broadcast_in_dim3A_1481 = vector.broadcast %jit3A_1479 : f32 to vector<16xf32>
      %select_n3A_1482 = arith.select %eq3A_1477, %broadcast_in_dim3A_1480, %broadcast_in_dim3A_1481 : vector<16xi1>, vector<16xf32>
      %slice3A_1483 = vector.extract_strided_slice %get3A_1264 {offsets = [14], sizes = [1], strides = [1]} : vector<16xi32> to vector<1xi32>
      %squeeze3A_1484 = vector.extract %slice3A_1483[0] : i32 from vector<1xi32>
      %swap3A_1485 = arith.index_cast %squeeze3A_1484 : i32 to index
      %swap3A_1486 = arith.constant 80 : index
      %swap3A_1487 = tpu.vector_load %arg5[%swap3A_1485, %swap3A_1486] {strides = array<i32>} : memref<1000x128xf32, #tpu.memory_space<vmem>>, vector<1x16xf32>,
      %swap3A_1488 = vector.shape_cast %swap3A_1487 : vector<1x16xf32> to vector<16xf32>
      %swap3A_1489 = vector.shape_cast %select_n3A_1482 : vector<16xf32> to vector<1x16xf32>
      tpu.vector_store %arg5[%swap3A_1485, %swap3A_1486], %swap3A_1489 {add = true, strides = array<i32>} : memref<1000x128xf32, #tpu.memory_space<vmem>>, vector<1x16xf32>,
      %eq3A_1490 = arith.constant 15 : i32
      %eq3A_1491 = vector.broadcast %eq3A_1490 : i32 to vector<16xi32>
      %eq3A_1492 = arith.cmpi eq, %iota3A, %eq3A_1491 : vector<16xi32>
      %jit3A_1493 = arith.constant 1.000000e+00 : f32
      %jit3A_1494 = arith.constant 0.000000e+00 : f32
      %broadcast_in_dim3A_1495 = vector.broadcast %jit3A_1493 : f32 to vector<16xf32>
      %broadcast_in_dim3A_1496 = vector.broadcast %jit3A_1494 : f32 to vector<16xf32>
      %select_n3A_1497 = arith.select %eq3A_1492, %broadcast_in_dim3A_1495, %broadcast_in_dim3A_1496 : vector<16xi1>, vector<16xf32>
      %slice3A_1498 = vector.extract_strided_slice %get3A_1264 {offsets = [15], sizes = [1], strides = [1]} : vector<16xi32> to vector<1xi32>
      %squeeze3A_1499 = vector.extract %slice3A_1498[0] : i32 from vector<1xi32>
      %swap3A_1500 = arith.index_cast %squeeze3A_1499 : i32 to index
      %swap3A_1501 = arith.constant 80 : index
      %swap3A_1502 = tpu.vector_load %arg5[%swap3A_1500, %swap3A_1501] {strides = array<i32>} : memref<1000x128xf32, #tpu.memory_space<vmem>>, vector<1x16xf32>,
      %swap3A_1503 = vector.shape_cast %swap3A_1502 : vector<1x16xf32> to vector<16xf32>
      %swap3A_1504 = vector.shape_cast %select_n3A_1497 : vector<16xf32> to vector<1x16xf32>
      tpu.vector_store %arg5[%swap3A_1500, %swap3A_1501], %swap3A_1504 {add = true, strides = array<i32>} : memref<1000x128xf32, #tpu.memory_space<vmem>>, vector<1x16xf32>,
      %get3A_1505 = arith.index_cast %select_n3A_44 : i32 to index
      %get3A_1506 = arith.constant 96 : index
      %get3A_1507 = tpu.vector_load %arg4[%get3A_1505, %get3A_1506] {strides = array<i32>} : memref<2x128xi32, #tpu.memory_space<vmem>>, vector<1x16xi32>,
      %get3A_1508 = vector.shape_cast %get3A_1507 : vector<1x16xi32> to vector<16xi32>
      %eq3A_1509 = arith.constant 0 : i32
      %eq3A_1510 = vector.broadcast %eq3A_1509 : i32 to vector<16xi32>
      %eq3A_1511 = arith.cmpi eq, %iota3A, %eq3A_1510 : vector<16xi32>
      %jit3A_1512 = arith.constant 1.000000e+00 : f32
      %jit3A_1513 = arith.constant 0.000000e+00 : f32
      %broadcast_in_dim3A_1514 = vector.broadcast %jit3A_1512 : f32 to vector<16xf32>
      %broadcast_in_dim3A_1515 = vector.broadcast %jit3A_1513 : f32 to vector<16xf32>
      %select_n3A_1516 = arith.select %eq3A_1511, %broadcast_in_dim3A_1514, %broadcast_in_dim3A_1515 : vector<16xi1>, vector<16xf32>
      %slice3A_1517 = vector.extract_strided_slice %get3A_1508 {offsets = [0], sizes = [1], strides = [1]} : vector<16xi32> to vector<1xi32>
      %squeeze3A_1518 = vector.extract %slice3A_1517[0] : i32 from vector<1xi32>
      %swap3A_1519 = arith.index_cast %squeeze3A_1518 : i32 to index
      %swap3A_1520 = arith.constant 96 : index
      %swap3A_1521 = tpu.vector_load %arg5[%swap3A_1519, %swap3A_1520] {strides = array<i32>} : memref<1000x128xf32, #tpu.memory_space<vmem>>, vector<1x16xf32>,
      %swap3A_1522 = vector.shape_cast %swap3A_1521 : vector<1x16xf32> to vector<16xf32>
      %swap3A_1523 = vector.shape_cast %select_n3A_1516 : vector<16xf32> to vector<1x16xf32>
      tpu.vector_store %arg5[%swap3A_1519, %swap3A_1520], %swap3A_1523 {add = true, strides = array<i32>} : memref<1000x128xf32, #tpu.memory_space<vmem>>, vector<1x16xf32>,
      %eq3A_1524 = arith.constant 1 : i32
      %eq3A_1525 = vector.broadcast %eq3A_1524 : i32 to vector<16xi32>
      %eq3A_1526 = arith.cmpi eq, %iota3A, %eq3A_1525 : vector<16xi32>
      %jit3A_1527 = arith.constant 1.000000e+00 : f32
      %jit3A_1528 = arith.constant 0.000000e+00 : f32
      %broadcast_in_dim3A_1529 = vector.broadcast %jit3A_1527 : f32 to vector<16xf32>
      %broadcast_in_dim3A_1530 = vector.broadcast %jit3A_1528 : f32 to vector<16xf32>
      %select_n3A_1531 = arith.select %eq3A_1526, %broadcast_in_dim3A_1529, %broadcast_in_dim3A_1530 : vector<16xi1>, vector<16xf32>
      %slice3A_1532 = vector.extract_strided_slice %get3A_1508 {offsets = [1], sizes = [1], strides = [1]} : vector<16xi32> to vector<1xi32>
      %squeeze3A_1533 = vector.extract %slice3A_1532[0] : i32 from vector<1xi32>
      %swap3A_1534 = arith.index_cast %squeeze3A_1533 : i32 to index
      %swap3A_1535 = arith.constant 96 : index
      %swap3A_1536 = tpu.vector_load %arg5[%swap3A_1534, %swap3A_1535] {strides = array<i32>} : memref<1000x128xf32, #tpu.memory_space<vmem>>, vector<1x16xf32>,
      %swap3A_1537 = vector.shape_cast %swap3A_1536 : vector<1x16xf32> to vector<16xf32>
      %swap3A_1538 = vector.shape_cast %select_n3A_1531 : vector<16xf32> to vector<1x16xf32>
      tpu.vector_store %arg5[%swap3A_1534, %swap3A_1535], %swap3A_1538 {add = true, strides = array<i32>} : memref<1000x128xf32, #tpu.memory_space<vmem>>, vector<1x16xf32>,
      %eq3A_1539 = arith.constant 2 : i32
      %eq3A_1540 = vector.broadcast %eq3A_1539 : i32 to vector<16xi32>
      %eq3A_1541 = arith.cmpi eq, %iota3A, %eq3A_1540 : vector<16xi32>
      %jit3A_1542 = arith.constant 1.000000e+00 : f32
      %jit3A_1543 = arith.constant 0.000000e+00 : f32
      %broadcast_in_dim3A_1544 = vector.broadcast %jit3A_1542 : f32 to vector<16xf32>
      %broadcast_in_dim3A_1545 = vector.broadcast %jit3A_1543 : f32 to vector<16xf32>
      %select_n3A_1546 = arith.select %eq3A_1541, %broadcast_in_dim3A_1544, %broadcast_in_dim3A_1545 : vector<16xi1>, vector<16xf32>
      %slice3A_1547 = vector.extract_strided_slice %get3A_1508 {offsets = [2], sizes = [1], strides = [1]} : vector<16xi32> to vector<1xi32>
      %squeeze3A_1548 = vector.extract %slice3A_1547[0] : i32 from vector<1xi32>
      %swap3A_1549 = arith.index_cast %squeeze3A_1548 : i32 to index
      %swap3A_1550 = arith.constant 96 : index
      %swap3A_1551 = tpu.vector_load %arg5[%swap3A_1549, %swap3A_1550] {strides = array<i32>} : memref<1000x128xf32, #tpu.memory_space<vmem>>, vector<1x16xf32>,
      %swap3A_1552 = vector.shape_cast %swap3A_1551 : vector<1x16xf32> to vector<16xf32>
      %swap3A_1553 = vector.shape_cast %select_n3A_1546 : vector<16xf32> to vector<1x16xf32>
      tpu.vector_store %arg5[%swap3A_1549, %swap3A_1550], %swap3A_1553 {add = true, strides = array<i32>} : memref<1000x128xf32, #tpu.memory_space<vmem>>, vector<1x16xf32>,
      %eq3A_1554 = arith.constant 3 : i32
      %eq3A_1555 = vector.broadcast %eq3A_1554 : i32 to vector<16xi32>
      %eq3A_1556 = arith.cmpi eq, %iota3A, %eq3A_1555 : vector<16xi32>
      %jit3A_1557 = arith.constant 1.000000e+00 : f32
      %jit3A_1558 = arith.constant 0.000000e+00 : f32
      %broadcast_in_dim3A_1559 = vector.broadcast %jit3A_1557 : f32 to vector<16xf32>
      %broadcast_in_dim3A_1560 = vector.broadcast %jit3A_1558 : f32 to vector<16xf32>
      %select_n3A_1561 = arith.select %eq3A_1556, %broadcast_in_dim3A_1559, %broadcast_in_dim3A_1560 : vector<16xi1>, vector<16xf32>
      %slice3A_1562 = vector.extract_strided_slice %get3A_1508 {offsets = [3], sizes = [1], strides = [1]} : vector<16xi32> to vector<1xi32>
      %squeeze3A_1563 = vector.extract %slice3A_1562[0] : i32 from vector<1xi32>
      %swap3A_1564 = arith.index_cast %squeeze3A_1563 : i32 to index
      %swap3A_1565 = arith.constant 96 : index
      %swap3A_1566 = tpu.vector_load %arg5[%swap3A_1564, %swap3A_1565] {strides = array<i32>} : memref<1000x128xf32, #tpu.memory_space<vmem>>, vector<1x16xf32>,
      %swap3A_1567 = vector.shape_cast %swap3A_1566 : vector<1x16xf32> to vector<16xf32>
      %swap3A_1568 = vector.shape_cast %select_n3A_1561 : vector<16xf32> to vector<1x16xf32>
      tpu.vector_store %arg5[%swap3A_1564, %swap3A_1565], %swap3A_1568 {add = true, strides = array<i32>} : memref<1000x128xf32, #tpu.memory_space<vmem>>, vector<1x16xf32>,
      %eq3A_1569 = arith.constant 4 : i32
      %eq3A_1570 = vector.broadcast %eq3A_1569 : i32 to vector<16xi32>
      %eq3A_1571 = arith.cmpi eq, %iota3A, %eq3A_1570 : vector<16xi32>
      %jit3A_1572 = arith.constant 1.000000e+00 : f32
      %jit3A_1573 = arith.constant 0.000000e+00 : f32
      %broadcast_in_dim3A_1574 = vector.broadcast %jit3A_1572 : f32 to vector<16xf32>
      %broadcast_in_dim3A_1575 = vector.broadcast %jit3A_1573 : f32 to vector<16xf32>
      %select_n3A_1576 = arith.select %eq3A_1571, %broadcast_in_dim3A_1574, %broadcast_in_dim3A_1575 : vector<16xi1>, vector<16xf32>
      %slice3A_1577 = vector.extract_strided_slice %get3A_1508 {offsets = [4], sizes = [1], strides = [1]} : vector<16xi32> to vector<1xi32>
      %squeeze3A_1578 = vector.extract %slice3A_1577[0] : i32 from vector<1xi32>
      %swap3A_1579 = arith.index_cast %squeeze3A_1578 : i32 to index
      %swap3A_1580 = arith.constant 96 : index
      %swap3A_1581 = tpu.vector_load %arg5[%swap3A_1579, %swap3A_1580] {strides = array<i32>} : memref<1000x128xf32, #tpu.memory_space<vmem>>, vector<1x16xf32>,
      %swap3A_1582 = vector.shape_cast %swap3A_1581 : vector<1x16xf32> to vector<16xf32>
      %swap3A_1583 = vector.shape_cast %select_n3A_1576 : vector<16xf32> to vector<1x16xf32>
      tpu.vector_store %arg5[%swap3A_1579, %swap3A_1580], %swap3A_1583 {add = true, strides = array<i32>} : memref<1000x128xf32, #tpu.memory_space<vmem>>, vector<1x16xf32>,
      %eq3A_1584 = arith.constant 5 : i32
      %eq3A_1585 = vector.broadcast %eq3A_1584 : i32 to vector<16xi32>
      %eq3A_1586 = arith.cmpi eq, %iota3A, %eq3A_1585 : vector<16xi32>
      %jit3A_1587 = arith.constant 1.000000e+00 : f32
      %jit3A_1588 = arith.constant 0.000000e+00 : f32
      %broadcast_in_dim3A_1589 = vector.broadcast %jit3A_1587 : f32 to vector<16xf32>
      %broadcast_in_dim3A_1590 = vector.broadcast %jit3A_1588 : f32 to vector<16xf32>
      %select_n3A_1591 = arith.select %eq3A_1586, %broadcast_in_dim3A_1589, %broadcast_in_dim3A_1590 : vector<16xi1>, vector<16xf32>
      %slice3A_1592 = vector.extract_strided_slice %get3A_1508 {offsets = [5], sizes = [1], strides = [1]} : vector<16xi32> to vector<1xi32>
      %squeeze3A_1593 = vector.extract %slice3A_1592[0] : i32 from vector<1xi32>
      %swap3A_1594 = arith.index_cast %squeeze3A_1593 : i32 to index
      %swap3A_1595 = arith.constant 96 : index
      %swap3A_1596 = tpu.vector_load %arg5[%swap3A_1594, %swap3A_1595] {strides = array<i32>} : memref<1000x128xf32, #tpu.memory_space<vmem>>, vector<1x16xf32>,
      %swap3A_1597 = vector.shape_cast %swap3A_1596 : vector<1x16xf32> to vector<16xf32>
      %swap3A_1598 = vector.shape_cast %select_n3A_1591 : vector<16xf32> to vector<1x16xf32>
      tpu.vector_store %arg5[%swap3A_1594, %swap3A_1595], %swap3A_1598 {add = true, strides = array<i32>} : memref<1000x128xf32, #tpu.memory_space<vmem>>, vector<1x16xf32>,
      %eq3A_1599 = arith.constant 6 : i32
      %eq3A_1600 = vector.broadcast %eq3A_1599 : i32 to vector<16xi32>
      %eq3A_1601 = arith.cmpi eq, %iota3A, %eq3A_1600 : vector<16xi32>
      %jit3A_1602 = arith.constant 1.000000e+00 : f32
      %jit3A_1603 = arith.constant 0.000000e+00 : f32
      %broadcast_in_dim3A_1604 = vector.broadcast %jit3A_1602 : f32 to vector<16xf32>
      %broadcast_in_dim3A_1605 = vector.broadcast %jit3A_1603 : f32 to vector<16xf32>
      %select_n3A_1606 = arith.select %eq3A_1601, %broadcast_in_dim3A_1604, %broadcast_in_dim3A_1605 : vector<16xi1>, vector<16xf32>
      %slice3A_1607 = vector.extract_strided_slice %get3A_1508 {offsets = [6], sizes = [1], strides = [1]} : vector<16xi32> to vector<1xi32>
      %squeeze3A_1608 = vector.extract %slice3A_1607[0] : i32 from vector<1xi32>
      %swap3A_1609 = arith.index_cast %squeeze3A_1608 : i32 to index
      %swap3A_1610 = arith.constant 96 : index
      %swap3A_1611 = tpu.vector_load %arg5[%swap3A_1609, %swap3A_1610] {strides = array<i32>} : memref<1000x128xf32, #tpu.memory_space<vmem>>, vector<1x16xf32>,
      %swap3A_1612 = vector.shape_cast %swap3A_1611 : vector<1x16xf32> to vector<16xf32>
      %swap3A_1613 = vector.shape_cast %select_n3A_1606 : vector<16xf32> to vector<1x16xf32>
      tpu.vector_store %arg5[%swap3A_1609, %swap3A_1610], %swap3A_1613 {add = true, strides = array<i32>} : memref<1000x128xf32, #tpu.memory_space<vmem>>, vector<1x16xf32>,
      %eq3A_1614 = arith.constant 7 : i32
      %eq3A_1615 = vector.broadcast %eq3A_1614 : i32 to vector<16xi32>
      %eq3A_1616 = arith.cmpi eq, %iota3A, %eq3A_1615 : vector<16xi32>
      %jit3A_1617 = arith.constant 1.000000e+00 : f32
      %jit3A_1618 = arith.constant 0.000000e+00 : f32
      %broadcast_in_dim3A_1619 = vector.broadcast %jit3A_1617 : f32 to vector<16xf32>
      %broadcast_in_dim3A_1620 = vector.broadcast %jit3A_1618 : f32 to vector<16xf32>
      %select_n3A_1621 = arith.select %eq3A_1616, %broadcast_in_dim3A_1619, %broadcast_in_dim3A_1620 : vector<16xi1>, vector<16xf32>
      %slice3A_1622 = vector.extract_strided_slice %get3A_1508 {offsets = [7], sizes = [1], strides = [1]} : vector<16xi32> to vector<1xi32>
      %squeeze3A_1623 = vector.extract %slice3A_1622[0] : i32 from vector<1xi32>
      %swap3A_1624 = arith.index_cast %squeeze3A_1623 : i32 to index
      %swap3A_1625 = arith.constant 96 : index
      %swap3A_1626 = tpu.vector_load %arg5[%swap3A_1624, %swap3A_1625] {strides = array<i32>} : memref<1000x128xf32, #tpu.memory_space<vmem>>, vector<1x16xf32>,
      %swap3A_1627 = vector.shape_cast %swap3A_1626 : vector<1x16xf32> to vector<16xf32>
      %swap3A_1628 = vector.shape_cast %select_n3A_1621 : vector<16xf32> to vector<1x16xf32>
      tpu.vector_store %arg5[%swap3A_1624, %swap3A_1625], %swap3A_1628 {add = true, strides = array<i32>} : memref<1000x128xf32, #tpu.memory_space<vmem>>, vector<1x16xf32>,
      %eq3A_1629 = arith.constant 8 : i32
      %eq3A_1630 = vector.broadcast %eq3A_1629 : i32 to vector<16xi32>
      %eq3A_1631 = arith.cmpi eq, %iota3A, %eq3A_1630 : vector<16xi32>
      %jit3A_1632 = arith.constant 1.000000e+00 : f32
      %jit3A_1633 = arith.constant 0.000000e+00 : f32
      %broadcast_in_dim3A_1634 = vector.broadcast %jit3A_1632 : f32 to vector<16xf32>
      %broadcast_in_dim3A_1635 = vector.broadcast %jit3A_1633 : f32 to vector<16xf32>
      %select_n3A_1636 = arith.select %eq3A_1631, %broadcast_in_dim3A_1634, %broadcast_in_dim3A_1635 : vector<16xi1>, vector<16xf32>
      %slice3A_1637 = vector.extract_strided_slice %get3A_1508 {offsets = [8], sizes = [1], strides = [1]} : vector<16xi32> to vector<1xi32>
      %squeeze3A_1638 = vector.extract %slice3A_1637[0] : i32 from vector<1xi32>
      %swap3A_1639 = arith.index_cast %squeeze3A_1638 : i32 to index
      %swap3A_1640 = arith.constant 96 : index
      %swap3A_1641 = tpu.vector_load %arg5[%swap3A_1639, %swap3A_1640] {strides = array<i32>} : memref<1000x128xf32, #tpu.memory_space<vmem>>, vector<1x16xf32>,
      %swap3A_1642 = vector.shape_cast %swap3A_1641 : vector<1x16xf32> to vector<16xf32>
      %swap3A_1643 = vector.shape_cast %select_n3A_1636 : vector<16xf32> to vector<1x16xf32>
      tpu.vector_store %arg5[%swap3A_1639, %swap3A_1640], %swap3A_1643 {add = true, strides = array<i32>} : memref<1000x128xf32, #tpu.memory_space<vmem>>, vector<1x16xf32>,
      %eq3A_1644 = arith.constant 9 : i32
      %eq3A_1645 = vector.broadcast %eq3A_1644 : i32 to vector<16xi32>
      %eq3A_1646 = arith.cmpi eq, %iota3A, %eq3A_1645 : vector<16xi32>
      %jit3A_1647 = arith.constant 1.000000e+00 : f32
      %jit3A_1648 = arith.constant 0.000000e+00 : f32
      %broadcast_in_dim3A_1649 = vector.broadcast %jit3A_1647 : f32 to vector<16xf32>
      %broadcast_in_dim3A_1650 = vector.broadcast %jit3A_1648 : f32 to vector<16xf32>
      %select_n3A_1651 = arith.select %eq3A_1646, %broadcast_in_dim3A_1649, %broadcast_in_dim3A_1650 : vector<16xi1>, vector<16xf32>
      %slice3A_1652 = vector.extract_strided_slice %get3A_1508 {offsets = [9], sizes = [1], strides = [1]} : vector<16xi32> to vector<1xi32>
      %squeeze3A_1653 = vector.extract %slice3A_1652[0] : i32 from vector<1xi32>
      %swap3A_1654 = arith.index_cast %squeeze3A_1653 : i32 to index
      %swap3A_1655 = arith.constant 96 : index
      %swap3A_1656 = tpu.vector_load %arg5[%swap3A_1654, %swap3A_1655] {strides = array<i32>} : memref<1000x128xf32, #tpu.memory_space<vmem>>, vector<1x16xf32>,
      %swap3A_1657 = vector.shape_cast %swap3A_1656 : vector<1x16xf32> to vector<16xf32>
      %swap3A_1658 = vector.shape_cast %select_n3A_1651 : vector<16xf32> to vector<1x16xf32>
      tpu.vector_store %arg5[%swap3A_1654, %swap3A_1655], %swap3A_1658 {add = true, strides = array<i32>} : memref<1000x128xf32, #tpu.memory_space<vmem>>, vector<1x16xf32>,
      %eq3A_1659 = arith.constant 10 : i32
      %eq3A_1660 = vector.broadcast %eq3A_1659 : i32 to vector<16xi32>
      %eq3A_1661 = arith.cmpi eq, %iota3A, %eq3A_1660 : vector<16xi32>
      %jit3A_1662 = arith.constant 1.000000e+00 : f32
      %jit3A_1663 = arith.constant 0.000000e+00 : f32
      %broadcast_in_dim3A_1664 = vector.broadcast %jit3A_1662 : f32 to vector<16xf32>
      %broadcast_in_dim3A_1665 = vector.broadcast %jit3A_1663 : f32 to vector<16xf32>
      %select_n3A_1666 = arith.select %eq3A_1661, %broadcast_in_dim3A_1664, %broadcast_in_dim3A_1665 : vector<16xi1>, vector<16xf32>
      %slice3A_1667 = vector.extract_strided_slice %get3A_1508 {offsets = [10], sizes = [1], strides = [1]} : vector<16xi32> to vector<1xi32>
      %squeeze3A_1668 = vector.extract %slice3A_1667[0] : i32 from vector<1xi32>
      %swap3A_1669 = arith.index_cast %squeeze3A_1668 : i32 to index
      %swap3A_1670 = arith.constant 96 : index
      %swap3A_1671 = tpu.vector_load %arg5[%swap3A_1669, %swap3A_1670] {strides = array<i32>} : memref<1000x128xf32, #tpu.memory_space<vmem>>, vector<1x16xf32>,
      %swap3A_1672 = vector.shape_cast %swap3A_1671 : vector<1x16xf32> to vector<16xf32>
      %swap3A_1673 = vector.shape_cast %select_n3A_1666 : vector<16xf32> to vector<1x16xf32>
      tpu.vector_store %arg5[%swap3A_1669, %swap3A_1670], %swap3A_1673 {add = true, strides = array<i32>} : memref<1000x128xf32, #tpu.memory_space<vmem>>, vector<1x16xf32>,
      %eq3A_1674 = arith.constant 11 : i32
      %eq3A_1675 = vector.broadcast %eq3A_1674 : i32 to vector<16xi32>
      %eq3A_1676 = arith.cmpi eq, %iota3A, %eq3A_1675 : vector<16xi32>
      %jit3A_1677 = arith.constant 1.000000e+00 : f32
      %jit3A_1678 = arith.constant 0.000000e+00 : f32
      %broadcast_in_dim3A_1679 = vector.broadcast %jit3A_1677 : f32 to vector<16xf32>
      %broadcast_in_dim3A_1680 = vector.broadcast %jit3A_1678 : f32 to vector<16xf32>
      %select_n3A_1681 = arith.select %eq3A_1676, %broadcast_in_dim3A_1679, %broadcast_in_dim3A_1680 : vector<16xi1>, vector<16xf32>
      %slice3A_1682 = vector.extract_strided_slice %get3A_1508 {offsets = [11], sizes = [1], strides = [1]} : vector<16xi32> to vector<1xi32>
      %squeeze3A_1683 = vector.extract %slice3A_1682[0] : i32 from vector<1xi32>
      %swap3A_1684 = arith.index_cast %squeeze3A_1683 : i32 to index
      %swap3A_1685 = arith.constant 96 : index
      %swap3A_1686 = tpu.vector_load %arg5[%swap3A_1684, %swap3A_1685] {strides = array<i32>} : memref<1000x128xf32, #tpu.memory_space<vmem>>, vector<1x16xf32>,
      %swap3A_1687 = vector.shape_cast %swap3A_1686 : vector<1x16xf32> to vector<16xf32>
      %swap3A_1688 = vector.shape_cast %select_n3A_1681 : vector<16xf32> to vector<1x16xf32>
      tpu.vector_store %arg5[%swap3A_1684, %swap3A_1685], %swap3A_1688 {add = true, strides = array<i32>} : memref<1000x128xf32, #tpu.memory_space<vmem>>, vector<1x16xf32>,
      %eq3A_1689 = arith.constant 12 : i32
      %eq3A_1690 = vector.broadcast %eq3A_1689 : i32 to vector<16xi32>
      %eq3A_1691 = arith.cmpi eq, %iota3A, %eq3A_1690 : vector<16xi32>
      %jit3A_1692 = arith.constant 1.000000e+00 : f32
      %jit3A_1693 = arith.constant 0.000000e+00 : f32
      %broadcast_in_dim3A_1694 = vector.broadcast %jit3A_1692 : f32 to vector<16xf32>
      %broadcast_in_dim3A_1695 = vector.broadcast %jit3A_1693 : f32 to vector<16xf32>
      %select_n3A_1696 = arith.select %eq3A_1691, %broadcast_in_dim3A_1694, %broadcast_in_dim3A_1695 : vector<16xi1>, vector<16xf32>
      %slice3A_1697 = vector.extract_strided_slice %get3A_1508 {offsets = [12], sizes = [1], strides = [1]} : vector<16xi32> to vector<1xi32>
      %squeeze3A_1698 = vector.extract %slice3A_1697[0] : i32 from vector<1xi32>
      %swap3A_1699 = arith.index_cast %squeeze3A_1698 : i32 to index
      %swap3A_1700 = arith.constant 96 : index
      %swap3A_1701 = tpu.vector_load %arg5[%swap3A_1699, %swap3A_1700] {strides = array<i32>} : memref<1000x128xf32, #tpu.memory_space<vmem>>, vector<1x16xf32>,
      %swap3A_1702 = vector.shape_cast %swap3A_1701 : vector<1x16xf32> to vector<16xf32>
      %swap3A_1703 = vector.shape_cast %select_n3A_1696 : vector<16xf32> to vector<1x16xf32>
      tpu.vector_store %arg5[%swap3A_1699, %swap3A_1700], %swap3A_1703 {add = true, strides = array<i32>} : memref<1000x128xf32, #tpu.memory_space<vmem>>, vector<1x16xf32>,
      %eq3A_1704 = arith.constant 13 : i32
      %eq3A_1705 = vector.broadcast %eq3A_1704 : i32 to vector<16xi32>
      %eq3A_1706 = arith.cmpi eq, %iota3A, %eq3A_1705 : vector<16xi32>
      %jit3A_1707 = arith.constant 1.000000e+00 : f32
      %jit3A_1708 = arith.constant 0.000000e+00 : f32
      %broadcast_in_dim3A_1709 = vector.broadcast %jit3A_1707 : f32 to vector<16xf32>
      %broadcast_in_dim3A_1710 = vector.broadcast %jit3A_1708 : f32 to vector<16xf32>
      %select_n3A_1711 = arith.select %eq3A_1706, %broadcast_in_dim3A_1709, %broadcast_in_dim3A_1710 : vector<16xi1>, vector<16xf32>
      %slice3A_1712 = vector.extract_strided_slice %get3A_1508 {offsets = [13], sizes = [1], strides = [1]} : vector<16xi32> to vector<1xi32>
      %squeeze3A_1713 = vector.extract %slice3A_1712[0] : i32 from vector<1xi32>
      %swap3A_1714 = arith.index_cast %squeeze3A_1713 : i32 to index
      %swap3A_1715 = arith.constant 96 : index
      %swap3A_1716 = tpu.vector_load %arg5[%swap3A_1714, %swap3A_1715] {strides = array<i32>} : memref<1000x128xf32, #tpu.memory_space<vmem>>, vector<1x16xf32>,
      %swap3A_1717 = vector.shape_cast %swap3A_1716 : vector<1x16xf32> to vector<16xf32>
      %swap3A_1718 = vector.shape_cast %select_n3A_1711 : vector<16xf32> to vector<1x16xf32>
      tpu.vector_store %arg5[%swap3A_1714, %swap3A_1715], %swap3A_1718 {add = true, strides = array<i32>} : memref<1000x128xf32, #tpu.memory_space<vmem>>, vector<1x16xf32>,
      %eq3A_1719 = arith.constant 14 : i32
      %eq3A_1720 = vector.broadcast %eq3A_1719 : i32 to vector<16xi32>
      %eq3A_1721 = arith.cmpi eq, %iota3A, %eq3A_1720 : vector<16xi32>
      %jit3A_1722 = arith.constant 1.000000e+00 : f32
      %jit3A_1723 = arith.constant 0.000000e+00 : f32
      %broadcast_in_dim3A_1724 = vector.broadcast %jit3A_1722 : f32 to vector<16xf32>
      %broadcast_in_dim3A_1725 = vector.broadcast %jit3A_1723 : f32 to vector<16xf32>
      %select_n3A_1726 = arith.select %eq3A_1721, %broadcast_in_dim3A_1724, %broadcast_in_dim3A_1725 : vector<16xi1>, vector<16xf32>
      %slice3A_1727 = vector.extract_strided_slice %get3A_1508 {offsets = [14], sizes = [1], strides = [1]} : vector<16xi32> to vector<1xi32>
      %squeeze3A_1728 = vector.extract %slice3A_1727[0] : i32 from vector<1xi32>
      %swap3A_1729 = arith.index_cast %squeeze3A_1728 : i32 to index
      %swap3A_1730 = arith.constant 96 : index
      %swap3A_1731 = tpu.vector_load %arg5[%swap3A_1729, %swap3A_1730] {strides = array<i32>} : memref<1000x128xf32, #tpu.memory_space<vmem>>, vector<1x16xf32>,
      %swap3A_1732 = vector.shape_cast %swap3A_1731 : vector<1x16xf32> to vector<16xf32>
      %swap3A_1733 = vector.shape_cast %select_n3A_1726 : vector<16xf32> to vector<1x16xf32>
      tpu.vector_store %arg5[%swap3A_1729, %swap3A_1730], %swap3A_1733 {add = true, strides = array<i32>} : memref<1000x128xf32, #tpu.memory_space<vmem>>, vector<1x16xf32>,
      %eq3A_1734 = arith.constant 15 : i32
      %eq3A_1735 = vector.broadcast %eq3A_1734 : i32 to vector<16xi32>
      %eq3A_1736 = arith.cmpi eq, %iota3A, %eq3A_1735 : vector<16xi32>
      %jit3A_1737 = arith.constant 1.000000e+00 : f32
      %jit3A_1738 = arith.constant 0.000000e+00 : f32
      %broadcast_in_dim3A_1739 = vector.broadcast %jit3A_1737 : f32 to vector<16xf32>
      %broadcast_in_dim3A_1740 = vector.broadcast %jit3A_1738 : f32 to vector<16xf32>
      %select_n3A_1741 = arith.select %eq3A_1736, %broadcast_in_dim3A_1739, %broadcast_in_dim3A_1740 : vector<16xi1>, vector<16xf32>
      %slice3A_1742 = vector.extract_strided_slice %get3A_1508 {offsets = [15], sizes = [1], strides = [1]} : vector<16xi32> to vector<1xi32>
      %squeeze3A_1743 = vector.extract %slice3A_1742[0] : i32 from vector<1xi32>
      %swap3A_1744 = arith.index_cast %squeeze3A_1743 : i32 to index
      %swap3A_1745 = arith.constant 96 : index
      %swap3A_1746 = tpu.vector_load %arg5[%swap3A_1744, %swap3A_1745] {strides = array<i32>} : memref<1000x128xf32, #tpu.memory_space<vmem>>, vector<1x16xf32>,
      %swap3A_1747 = vector.shape_cast %swap3A_1746 : vector<1x16xf32> to vector<16xf32>
      %swap3A_1748 = vector.shape_cast %select_n3A_1741 : vector<16xf32> to vector<1x16xf32>
      tpu.vector_store %arg5[%swap3A_1744, %swap3A_1745], %swap3A_1748 {add = true, strides = array<i32>} : memref<1000x128xf32, #tpu.memory_space<vmem>>, vector<1x16xf32>,
      %get3A_1749 = arith.index_cast %select_n3A_44 : i32 to index
      %get3A_1750 = arith.constant 112 : index
      %get3A_1751 = tpu.vector_load %arg4[%get3A_1749, %get3A_1750] {strides = array<i32>} : memref<2x128xi32, #tpu.memory_space<vmem>>, vector<1x16xi32>,
      %get3A_1752 = vector.shape_cast %get3A_1751 : vector<1x16xi32> to vector<16xi32>
      %eq3A_1753 = arith.constant 0 : i32
      %eq3A_1754 = vector.broadcast %eq3A_1753 : i32 to vector<16xi32>
      %eq3A_1755 = arith.cmpi eq, %iota3A, %eq3A_1754 : vector<16xi32>
      %jit3A_1756 = arith.constant 1.000000e+00 : f32
      %jit3A_1757 = arith.constant 0.000000e+00 : f32
      %broadcast_in_dim3A_1758 = vector.broadcast %jit3A_1756 : f32 to vector<16xf32>
      %broadcast_in_dim3A_1759 = vector.broadcast %jit3A_1757 : f32 to vector<16xf32>
      %select_n3A_1760 = arith.select %eq3A_1755, %broadcast_in_dim3A_1758, %broadcast_in_dim3A_1759 : vector<16xi1>, vector<16xf32>
      %slice3A_1761 = vector.extract_strided_slice %get3A_1752 {offsets = [0], sizes = [1], strides = [1]} : vector<16xi32> to vector<1xi32>
      %squeeze3A_1762 = vector.extract %slice3A_1761[0] : i32 from vector<1xi32>
      %swap3A_1763 = arith.index_cast %squeeze3A_1762 : i32 to index
      %swap3A_1764 = arith.constant 112 : index
      %swap3A_1765 = tpu.vector_load %arg5[%swap3A_1763, %swap3A_1764] {strides = array<i32>} : memref<1000x128xf32, #tpu.memory_space<vmem>>, vector<1x16xf32>,
      %swap3A_1766 = vector.shape_cast %swap3A_1765 : vector<1x16xf32> to vector<16xf32>
      %swap3A_1767 = vector.shape_cast %select_n3A_1760 : vector<16xf32> to vector<1x16xf32>
      tpu.vector_store %arg5[%swap3A_1763, %swap3A_1764], %swap3A_1767 {add = true, strides = array<i32>} : memref<1000x128xf32, #tpu.memory_space<vmem>>, vector<1x16xf32>,
      %eq3A_1768 = arith.constant 1 : i32
      %eq3A_1769 = vector.broadcast %eq3A_1768 : i32 to vector<16xi32>
      %eq3A_1770 = arith.cmpi eq, %iota3A, %eq3A_1769 : vector<16xi32>
      %jit3A_1771 = arith.constant 1.000000e+00 : f32
      %jit3A_1772 = arith.constant 0.000000e+00 : f32
      %broadcast_in_dim3A_1773 = vector.broadcast %jit3A_1771 : f32 to vector<16xf32>
      %broadcast_in_dim3A_1774 = vector.broadcast %jit3A_1772 : f32 to vector<16xf32>
      %select_n3A_1775 = arith.select %eq3A_1770, %broadcast_in_dim3A_1773, %broadcast_in_dim3A_1774 : vector<16xi1>, vector<16xf32>
      %slice3A_1776 = vector.extract_strided_slice %get3A_1752 {offsets = [1], sizes = [1], strides = [1]} : vector<16xi32> to vector<1xi32>
      %squeeze3A_1777 = vector.extract %slice3A_1776[0] : i32 from vector<1xi32>
      %swap3A_1778 = arith.index_cast %squeeze3A_1777 : i32 to index
      %swap3A_1779 = arith.constant 112 : index
      %swap3A_1780 = tpu.vector_load %arg5[%swap3A_1778, %swap3A_1779] {strides = array<i32>} : memref<1000x128xf32, #tpu.memory_space<vmem>>, vector<1x16xf32>,
      %swap3A_1781 = vector.shape_cast %swap3A_1780 : vector<1x16xf32> to vector<16xf32>
      %swap3A_1782 = vector.shape_cast %select_n3A_1775 : vector<16xf32> to vector<1x16xf32>
      tpu.vector_store %arg5[%swap3A_1778, %swap3A_1779], %swap3A_1782 {add = true, strides = array<i32>} : memref<1000x128xf32, #tpu.memory_space<vmem>>, vector<1x16xf32>,
      %eq3A_1783 = arith.constant 2 : i32
      %eq3A_1784 = vector.broadcast %eq3A_1783 : i32 to vector<16xi32>
      %eq3A_1785 = arith.cmpi eq, %iota3A, %eq3A_1784 : vector<16xi32>
      %jit3A_1786 = arith.constant 1.000000e+00 : f32
      %jit3A_1787 = arith.constant 0.000000e+00 : f32
      %broadcast_in_dim3A_1788 = vector.broadcast %jit3A_1786 : f32 to vector<16xf32>
      %broadcast_in_dim3A_1789 = vector.broadcast %jit3A_1787 : f32 to vector<16xf32>
      %select_n3A_1790 = arith.select %eq3A_1785, %broadcast_in_dim3A_1788, %broadcast_in_dim3A_1789 : vector<16xi1>, vector<16xf32>
      %slice3A_1791 = vector.extract_strided_slice %get3A_1752 {offsets = [2], sizes = [1], strides = [1]} : vector<16xi32> to vector<1xi32>
      %squeeze3A_1792 = vector.extract %slice3A_1791[0] : i32 from vector<1xi32>
      %swap3A_1793 = arith.index_cast %squeeze3A_1792 : i32 to index
      %swap3A_1794 = arith.constant 112 : index
      %swap3A_1795 = tpu.vector_load %arg5[%swap3A_1793, %swap3A_1794] {strides = array<i32>} : memref<1000x128xf32, #tpu.memory_space<vmem>>, vector<1x16xf32>,
      %swap3A_1796 = vector.shape_cast %swap3A_1795 : vector<1x16xf32> to vector<16xf32>
      %swap3A_1797 = vector.shape_cast %select_n3A_1790 : vector<16xf32> to vector<1x16xf32>
      tpu.vector_store %arg5[%swap3A_1793, %swap3A_1794], %swap3A_1797 {add = true, strides = array<i32>} : memref<1000x128xf32, #tpu.memory_space<vmem>>, vector<1x16xf32>,
      %eq3A_1798 = arith.constant 3 : i32
      %eq3A_1799 = vector.broadcast %eq3A_1798 : i32 to vector<16xi32>
      %eq3A_1800 = arith.cmpi eq, %iota3A, %eq3A_1799 : vector<16xi32>
      %jit3A_1801 = arith.constant 1.000000e+00 : f32
      %jit3A_1802 = arith.constant 0.000000e+00 : f32
      %broadcast_in_dim3A_1803 = vector.broadcast %jit3A_1801 : f32 to vector<16xf32>
      %broadcast_in_dim3A_1804 = vector.broadcast %jit3A_1802 : f32 to vector<16xf32>
      %select_n3A_1805 = arith.select %eq3A_1800, %broadcast_in_dim3A_1803, %broadcast_in_dim3A_1804 : vector<16xi1>, vector<16xf32>
      %slice3A_1806 = vector.extract_strided_slice %get3A_1752 {offsets = [3], sizes = [1], strides = [1]} : vector<16xi32> to vector<1xi32>
      %squeeze3A_1807 = vector.extract %slice3A_1806[0] : i32 from vector<1xi32>
      %swap3A_1808 = arith.index_cast %squeeze3A_1807 : i32 to index
      %swap3A_1809 = arith.constant 112 : index
      %swap3A_1810 = tpu.vector_load %arg5[%swap3A_1808, %swap3A_1809] {strides = array<i32>} : memref<1000x128xf32, #tpu.memory_space<vmem>>, vector<1x16xf32>,
      %swap3A_1811 = vector.shape_cast %swap3A_1810 : vector<1x16xf32> to vector<16xf32>
      %swap3A_1812 = vector.shape_cast %select_n3A_1805 : vector<16xf32> to vector<1x16xf32>
      tpu.vector_store %arg5[%swap3A_1808, %swap3A_1809], %swap3A_1812 {add = true, strides = array<i32>} : memref<1000x128xf32, #tpu.memory_space<vmem>>, vector<1x16xf32>,
      %eq3A_1813 = arith.constant 4 : i32
      %eq3A_1814 = vector.broadcast %eq3A_1813 : i32 to vector<16xi32>
      %eq3A_1815 = arith.cmpi eq, %iota3A, %eq3A_1814 : vector<16xi32>
      %jit3A_1816 = arith.constant 1.000000e+00 : f32
      %jit3A_1817 = arith.constant 0.000000e+00 : f32
      %broadcast_in_dim3A_1818 = vector.broadcast %jit3A_1816 : f32 to vector<16xf32>
      %broadcast_in_dim3A_1819 = vector.broadcast %jit3A_1817 : f32 to vector<16xf32>
      %select_n3A_1820 = arith.select %eq3A_1815, %broadcast_in_dim3A_1818, %broadcast_in_dim3A_1819 : vector<16xi1>, vector<16xf32>
      %slice3A_1821 = vector.extract_strided_slice %get3A_1752 {offsets = [4], sizes = [1], strides = [1]} : vector<16xi32> to vector<1xi32>
      %squeeze3A_1822 = vector.extract %slice3A_1821[0] : i32 from vector<1xi32>
      %swap3A_1823 = arith.index_cast %squeeze3A_1822 : i32 to index
      %swap3A_1824 = arith.constant 112 : index
      %swap3A_1825 = tpu.vector_load %arg5[%swap3A_1823, %swap3A_1824] {strides = array<i32>} : memref<1000x128xf32, #tpu.memory_space<vmem>>, vector<1x16xf32>,
      %swap3A_1826 = vector.shape_cast %swap3A_1825 : vector<1x16xf32> to vector<16xf32>
      %swap3A_1827 = vector.shape_cast %select_n3A_1820 : vector<16xf32> to vector<1x16xf32>
      tpu.vector_store %arg5[%swap3A_1823, %swap3A_1824], %swap3A_1827 {add = true, strides = array<i32>} : memref<1000x128xf32, #tpu.memory_space<vmem>>, vector<1x16xf32>,
      %eq3A_1828 = arith.constant 5 : i32
      %eq3A_1829 = vector.broadcast %eq3A_1828 : i32 to vector<16xi32>
      %eq3A_1830 = arith.cmpi eq, %iota3A, %eq3A_1829 : vector<16xi32>
      %jit3A_1831 = arith.constant 1.000000e+00 : f32
      %jit3A_1832 = arith.constant 0.000000e+00 : f32
      %broadcast_in_dim3A_1833 = vector.broadcast %jit3A_1831 : f32 to vector<16xf32>
      %broadcast_in_dim3A_1834 = vector.broadcast %jit3A_1832 : f32 to vector<16xf32>
      %select_n3A_1835 = arith.select %eq3A_1830, %broadcast_in_dim3A_1833, %broadcast_in_dim3A_1834 : vector<16xi1>, vector<16xf32>
      %slice3A_1836 = vector.extract_strided_slice %get3A_1752 {offsets = [5], sizes = [1], strides = [1]} : vector<16xi32> to vector<1xi32>
      %squeeze3A_1837 = vector.extract %slice3A_1836[0] : i32 from vector<1xi32>
      %swap3A_1838 = arith.index_cast %squeeze3A_1837 : i32 to index
      %swap3A_1839 = arith.constant 112 : index
      %swap3A_1840 = tpu.vector_load %arg5[%swap3A_1838, %swap3A_1839] {strides = array<i32>} : memref<1000x128xf32, #tpu.memory_space<vmem>>, vector<1x16xf32>,
      %swap3A_1841 = vector.shape_cast %swap3A_1840 : vector<1x16xf32> to vector<16xf32>
      %swap3A_1842 = vector.shape_cast %select_n3A_1835 : vector<16xf32> to vector<1x16xf32>
      tpu.vector_store %arg5[%swap3A_1838, %swap3A_1839], %swap3A_1842 {add = true, strides = array<i32>} : memref<1000x128xf32, #tpu.memory_space<vmem>>, vector<1x16xf32>,
      %eq3A_1843 = arith.constant 6 : i32
      %eq3A_1844 = vector.broadcast %eq3A_1843 : i32 to vector<16xi32>
      %eq3A_1845 = arith.cmpi eq, %iota3A, %eq3A_1844 : vector<16xi32>
      %jit3A_1846 = arith.constant 1.000000e+00 : f32
      %jit3A_1847 = arith.constant 0.000000e+00 : f32
      %broadcast_in_dim3A_1848 = vector.broadcast %jit3A_1846 : f32 to vector<16xf32>
      %broadcast_in_dim3A_1849 = vector.broadcast %jit3A_1847 : f32 to vector<16xf32>
      %select_n3A_1850 = arith.select %eq3A_1845, %broadcast_in_dim3A_1848, %broadcast_in_dim3A_1849 : vector<16xi1>, vector<16xf32>
      %slice3A_1851 = vector.extract_strided_slice %get3A_1752 {offsets = [6], sizes = [1], strides = [1]} : vector<16xi32> to vector<1xi32>
      %squeeze3A_1852 = vector.extract %slice3A_1851[0] : i32 from vector<1xi32>
      %swap3A_1853 = arith.index_cast %squeeze3A_1852 : i32 to index
      %swap3A_1854 = arith.constant 112 : index
      %swap3A_1855 = tpu.vector_load %arg5[%swap3A_1853, %swap3A_1854] {strides = array<i32>} : memref<1000x128xf32, #tpu.memory_space<vmem>>, vector<1x16xf32>,
      %swap3A_1856 = vector.shape_cast %swap3A_1855 : vector<1x16xf32> to vector<16xf32>
      %swap3A_1857 = vector.shape_cast %select_n3A_1850 : vector<16xf32> to vector<1x16xf32>
      tpu.vector_store %arg5[%swap3A_1853, %swap3A_1854], %swap3A_1857 {add = true, strides = array<i32>} : memref<1000x128xf32, #tpu.memory_space<vmem>>, vector<1x16xf32>,
      %eq3A_1858 = arith.constant 7 : i32
      %eq3A_1859 = vector.broadcast %eq3A_1858 : i32 to vector<16xi32>
      %eq3A_1860 = arith.cmpi eq, %iota3A, %eq3A_1859 : vector<16xi32>
      %jit3A_1861 = arith.constant 1.000000e+00 : f32
      %jit3A_1862 = arith.constant 0.000000e+00 : f32
      %broadcast_in_dim3A_1863 = vector.broadcast %jit3A_1861 : f32 to vector<16xf32>
      %broadcast_in_dim3A_1864 = vector.broadcast %jit3A_1862 : f32 to vector<16xf32>
      %select_n3A_1865 = arith.select %eq3A_1860, %broadcast_in_dim3A_1863, %broadcast_in_dim3A_1864 : vector<16xi1>, vector<16xf32>
      %slice3A_1866 = vector.extract_strided_slice %get3A_1752 {offsets = [7], sizes = [1], strides = [1]} : vector<16xi32> to vector<1xi32>
      %squeeze3A_1867 = vector.extract %slice3A_1866[0] : i32 from vector<1xi32>
      %swap3A_1868 = arith.index_cast %squeeze3A_1867 : i32 to index
      %swap3A_1869 = arith.constant 112 : index
      %swap3A_1870 = tpu.vector_load %arg5[%swap3A_1868, %swap3A_1869] {strides = array<i32>} : memref<1000x128xf32, #tpu.memory_space<vmem>>, vector<1x16xf32>,
      %swap3A_1871 = vector.shape_cast %swap3A_1870 : vector<1x16xf32> to vector<16xf32>
      %swap3A_1872 = vector.shape_cast %select_n3A_1865 : vector<16xf32> to vector<1x16xf32>
      tpu.vector_store %arg5[%swap3A_1868, %swap3A_1869], %swap3A_1872 {add = true, strides = array<i32>} : memref<1000x128xf32, #tpu.memory_space<vmem>>, vector<1x16xf32>,
      %eq3A_1873 = arith.constant 8 : i32
      %eq3A_1874 = vector.broadcast %eq3A_1873 : i32 to vector<16xi32>
      %eq3A_1875 = arith.cmpi eq, %iota3A, %eq3A_1874 : vector<16xi32>
      %jit3A_1876 = arith.constant 1.000000e+00 : f32
      %jit3A_1877 = arith.constant 0.000000e+00 : f32
      %broadcast_in_dim3A_1878 = vector.broadcast %jit3A_1876 : f32 to vector<16xf32>
      %broadcast_in_dim3A_1879 = vector.broadcast %jit3A_1877 : f32 to vector<16xf32>
      %select_n3A_1880 = arith.select %eq3A_1875, %broadcast_in_dim3A_1878, %broadcast_in_dim3A_1879 : vector<16xi1>, vector<16xf32>
      %slice3A_1881 = vector.extract_strided_slice %get3A_1752 {offsets = [8], sizes = [1], strides = [1]} : vector<16xi32> to vector<1xi32>
      %squeeze3A_1882 = vector.extract %slice3A_1881[0] : i32 from vector<1xi32>
      %swap3A_1883 = arith.index_cast %squeeze3A_1882 : i32 to index
      %swap3A_1884 = arith.constant 112 : index
      %swap3A_1885 = tpu.vector_load %arg5[%swap3A_1883, %swap3A_1884] {strides = array<i32>} : memref<1000x128xf32, #tpu.memory_space<vmem>>, vector<1x16xf32>,
      %swap3A_1886 = vector.shape_cast %swap3A_1885 : vector<1x16xf32> to vector<16xf32>
      %swap3A_1887 = vector.shape_cast %select_n3A_1880 : vector<16xf32> to vector<1x16xf32>
      tpu.vector_store %arg5[%swap3A_1883, %swap3A_1884], %swap3A_1887 {add = true, strides = array<i32>} : memref<1000x128xf32, #tpu.memory_space<vmem>>, vector<1x16xf32>,
      %eq3A_1888 = arith.constant 9 : i32
      %eq3A_1889 = vector.broadcast %eq3A_1888 : i32 to vector<16xi32>
      %eq3A_1890 = arith.cmpi eq, %iota3A, %eq3A_1889 : vector<16xi32>
      %jit3A_1891 = arith.constant 1.000000e+00 : f32
      %jit3A_1892 = arith.constant 0.000000e+00 : f32
      %broadcast_in_dim3A_1893 = vector.broadcast %jit3A_1891 : f32 to vector<16xf32>
      %broadcast_in_dim3A_1894 = vector.broadcast %jit3A_1892 : f32 to vector<16xf32>
      %select_n3A_1895 = arith.select %eq3A_1890, %broadcast_in_dim3A_1893, %broadcast_in_dim3A_1894 : vector<16xi1>, vector<16xf32>
      %slice3A_1896 = vector.extract_strided_slice %get3A_1752 {offsets = [9], sizes = [1], strides = [1]} : vector<16xi32> to vector<1xi32>
      %squeeze3A_1897 = vector.extract %slice3A_1896[0] : i32 from vector<1xi32>
      %swap3A_1898 = arith.index_cast %squeeze3A_1897 : i32 to index
      %swap3A_1899 = arith.constant 112 : index
      %swap3A_1900 = tpu.vector_load %arg5[%swap3A_1898, %swap3A_1899] {strides = array<i32>} : memref<1000x128xf32, #tpu.memory_space<vmem>>, vector<1x16xf32>,
      %swap3A_1901 = vector.shape_cast %swap3A_1900 : vector<1x16xf32> to vector<16xf32>
      %swap3A_1902 = vector.shape_cast %select_n3A_1895 : vector<16xf32> to vector<1x16xf32>
      tpu.vector_store %arg5[%swap3A_1898, %swap3A_1899], %swap3A_1902 {add = true, strides = array<i32>} : memref<1000x128xf32, #tpu.memory_space<vmem>>, vector<1x16xf32>,
      %eq3A_1903 = arith.constant 10 : i32
      %eq3A_1904 = vector.broadcast %eq3A_1903 : i32 to vector<16xi32>
      %eq3A_1905 = arith.cmpi eq, %iota3A, %eq3A_1904 : vector<16xi32>
      %jit3A_1906 = arith.constant 1.000000e+00 : f32
      %jit3A_1907 = arith.constant 0.000000e+00 : f32
      %broadcast_in_dim3A_1908 = vector.broadcast %jit3A_1906 : f32 to vector<16xf32>
      %broadcast_in_dim3A_1909 = vector.broadcast %jit3A_1907 : f32 to vector<16xf32>
      %select_n3A_1910 = arith.select %eq3A_1905, %broadcast_in_dim3A_1908, %broadcast_in_dim3A_1909 : vector<16xi1>, vector<16xf32>
      %slice3A_1911 = vector.extract_strided_slice %get3A_1752 {offsets = [10], sizes = [1], strides = [1]} : vector<16xi32> to vector<1xi32>
      %squeeze3A_1912 = vector.extract %slice3A_1911[0] : i32 from vector<1xi32>
      %swap3A_1913 = arith.index_cast %squeeze3A_1912 : i32 to index
      %swap3A_1914 = arith.constant 112 : index
      %swap3A_1915 = tpu.vector_load %arg5[%swap3A_1913, %swap3A_1914] {strides = array<i32>} : memref<1000x128xf32, #tpu.memory_space<vmem>>, vector<1x16xf32>,
      %swap3A_1916 = vector.shape_cast %swap3A_1915 : vector<1x16xf32> to vector<16xf32>
      %swap3A_1917 = vector.shape_cast %select_n3A_1910 : vector<16xf32> to vector<1x16xf32>
      tpu.vector_store %arg5[%swap3A_1913, %swap3A_1914], %swap3A_1917 {add = true, strides = array<i32>} : memref<1000x128xf32, #tpu.memory_space<vmem>>, vector<1x16xf32>,
      %eq3A_1918 = arith.constant 11 : i32
      %eq3A_1919 = vector.broadcast %eq3A_1918 : i32 to vector<16xi32>
      %eq3A_1920 = arith.cmpi eq, %iota3A, %eq3A_1919 : vector<16xi32>
      %jit3A_1921 = arith.constant 1.000000e+00 : f32
      %jit3A_1922 = arith.constant 0.000000e+00 : f32
      %broadcast_in_dim3A_1923 = vector.broadcast %jit3A_1921 : f32 to vector<16xf32>
      %broadcast_in_dim3A_1924 = vector.broadcast %jit3A_1922 : f32 to vector<16xf32>
      %select_n3A_1925 = arith.select %eq3A_1920, %broadcast_in_dim3A_1923, %broadcast_in_dim3A_1924 : vector<16xi1>, vector<16xf32>
      %slice3A_1926 = vector.extract_strided_slice %get3A_1752 {offsets = [11], sizes = [1], strides = [1]} : vector<16xi32> to vector<1xi32>
      %squeeze3A_1927 = vector.extract %slice3A_1926[0] : i32 from vector<1xi32>
      %swap3A_1928 = arith.index_cast %squeeze3A_1927 : i32 to index
      %swap3A_1929 = arith.constant 112 : index
      %swap3A_1930 = tpu.vector_load %arg5[%swap3A_1928, %swap3A_1929] {strides = array<i32>} : memref<1000x128xf32, #tpu.memory_space<vmem>>, vector<1x16xf32>,
      %swap3A_1931 = vector.shape_cast %swap3A_1930 : vector<1x16xf32> to vector<16xf32>
      %swap3A_1932 = vector.shape_cast %select_n3A_1925 : vector<16xf32> to vector<1x16xf32>
      tpu.vector_store %arg5[%swap3A_1928, %swap3A_1929], %swap3A_1932 {add = true, strides = array<i32>} : memref<1000x128xf32, #tpu.memory_space<vmem>>, vector<1x16xf32>,
      %eq3A_1933 = arith.constant 12 : i32
      %eq3A_1934 = vector.broadcast %eq3A_1933 : i32 to vector<16xi32>
      %eq3A_1935 = arith.cmpi eq, %iota3A, %eq3A_1934 : vector<16xi32>
      %jit3A_1936 = arith.constant 1.000000e+00 : f32
      %jit3A_1937 = arith.constant 0.000000e+00 : f32
      %broadcast_in_dim3A_1938 = vector.broadcast %jit3A_1936 : f32 to vector<16xf32>
      %broadcast_in_dim3A_1939 = vector.broadcast %jit3A_1937 : f32 to vector<16xf32>
      %select_n3A_1940 = arith.select %eq3A_1935, %broadcast_in_dim3A_1938, %broadcast_in_dim3A_1939 : vector<16xi1>, vector<16xf32>
      %slice3A_1941 = vector.extract_strided_slice %get3A_1752 {offsets = [12], sizes = [1], strides = [1]} : vector<16xi32> to vector<1xi32>
      %squeeze3A_1942 = vector.extract %slice3A_1941[0] : i32 from vector<1xi32>
      %swap3A_1943 = arith.index_cast %squeeze3A_1942 : i32 to index
      %swap3A_1944 = arith.constant 112 : index
      %swap3A_1945 = tpu.vector_load %arg5[%swap3A_1943, %swap3A_1944] {strides = array<i32>} : memref<1000x128xf32, #tpu.memory_space<vmem>>, vector<1x16xf32>,
      %swap3A_1946 = vector.shape_cast %swap3A_1945 : vector<1x16xf32> to vector<16xf32>
      %swap3A_1947 = vector.shape_cast %select_n3A_1940 : vector<16xf32> to vector<1x16xf32>
      tpu.vector_store %arg5[%swap3A_1943, %swap3A_1944], %swap3A_1947 {add = true, strides = array<i32>} : memref<1000x128xf32, #tpu.memory_space<vmem>>, vector<1x16xf32>,
      %eq3A_1948 = arith.constant 13 : i32
      %eq3A_1949 = vector.broadcast %eq3A_1948 : i32 to vector<16xi32>
      %eq3A_1950 = arith.cmpi eq, %iota3A, %eq3A_1949 : vector<16xi32>
      %jit3A_1951 = arith.constant 1.000000e+00 : f32
      %jit3A_1952 = arith.constant 0.000000e+00 : f32
      %broadcast_in_dim3A_1953 = vector.broadcast %jit3A_1951 : f32 to vector<16xf32>
      %broadcast_in_dim3A_1954 = vector.broadcast %jit3A_1952 : f32 to vector<16xf32>
      %select_n3A_1955 = arith.select %eq3A_1950, %broadcast_in_dim3A_1953, %broadcast_in_dim3A_1954 : vector<16xi1>, vector<16xf32>
      %slice3A_1956 = vector.extract_strided_slice %get3A_1752 {offsets = [13], sizes = [1], strides = [1]} : vector<16xi32> to vector<1xi32>
      %squeeze3A_1957 = vector.extract %slice3A_1956[0] : i32 from vector<1xi32>
      %swap3A_1958 = arith.index_cast %squeeze3A_1957 : i32 to index
      %swap3A_1959 = arith.constant 112 : index
      %swap3A_1960 = tpu.vector_load %arg5[%swap3A_1958, %swap3A_1959] {strides = array<i32>} : memref<1000x128xf32, #tpu.memory_space<vmem>>, vector<1x16xf32>,
      %swap3A_1961 = vector.shape_cast %swap3A_1960 : vector<1x16xf32> to vector<16xf32>
      %swap3A_1962 = vector.shape_cast %select_n3A_1955 : vector<16xf32> to vector<1x16xf32>
      tpu.vector_store %arg5[%swap3A_1958, %swap3A_1959], %swap3A_1962 {add = true, strides = array<i32>} : memref<1000x128xf32, #tpu.memory_space<vmem>>, vector<1x16xf32>,
      %eq3A_1963 = arith.constant 14 : i32
      %eq3A_1964 = vector.broadcast %eq3A_1963 : i32 to vector<16xi32>
      %eq3A_1965 = arith.cmpi eq, %iota3A, %eq3A_1964 : vector<16xi32>
      %jit3A_1966 = arith.constant 1.000000e+00 : f32
      %jit3A_1967 = arith.constant 0.000000e+00 : f32
      %broadcast_in_dim3A_1968 = vector.broadcast %jit3A_1966 : f32 to vector<16xf32>
      %broadcast_in_dim3A_1969 = vector.broadcast %jit3A_1967 : f32 to vector<16xf32>
      %select_n3A_1970 = arith.select %eq3A_1965, %broadcast_in_dim3A_1968, %broadcast_in_dim3A_1969 : vector<16xi1>, vector<16xf32>
      %slice3A_1971 = vector.extract_strided_slice %get3A_1752 {offsets = [14], sizes = [1], strides = [1]} : vector<16xi32> to vector<1xi32>
      %squeeze3A_1972 = vector.extract %slice3A_1971[0] : i32 from vector<1xi32>
      %swap3A_1973 = arith.index_cast %squeeze3A_1972 : i32 to index
      %swap3A_1974 = arith.constant 112 : index
      %swap3A_1975 = tpu.vector_load %arg5[%swap3A_1973, %swap3A_1974] {strides = array<i32>} : memref<1000x128xf32, #tpu.memory_space<vmem>>, vector<1x16xf32>,
      %swap3A_1976 = vector.shape_cast %swap3A_1975 : vector<1x16xf32> to vector<16xf32>
      %swap3A_1977 = vector.shape_cast %select_n3A_1970 : vector<16xf32> to vector<1x16xf32>
      tpu.vector_store %arg5[%swap3A_1973, %swap3A_1974], %swap3A_1977 {add = true, strides = array<i32>} : memref<1000x128xf32, #tpu.memory_space<vmem>>, vector<1x16xf32>,
      %eq3A_1978 = arith.constant 15 : i32
      %eq3A_1979 = vector.broadcast %eq3A_1978 : i32 to vector<16xi32>
      %eq3A_1980 = arith.cmpi eq, %iota3A, %eq3A_1979 : vector<16xi32>
      %jit3A_1981 = arith.constant 1.000000e+00 : f32
      %jit3A_1982 = arith.constant 0.000000e+00 : f32
      %broadcast_in_dim3A_1983 = vector.broadcast %jit3A_1981 : f32 to vector<16xf32>
      %broadcast_in_dim3A_1984 = vector.broadcast %jit3A_1982 : f32 to vector<16xf32>
      %select_n3A_1985 = arith.select %eq3A_1980, %broadcast_in_dim3A_1983, %broadcast_in_dim3A_1984 : vector<16xi1>, vector<16xf32>
      %slice3A_1986 = vector.extract_strided_slice %get3A_1752 {offsets = [15], sizes = [1], strides = [1]} : vector<16xi32> to vector<1xi32>
      %squeeze3A_1987 = vector.extract %slice3A_1986[0] : i32 from vector<1xi32>
      %swap3A_1988 = arith.index_cast %squeeze3A_1987 : i32 to index
      %swap3A_1989 = arith.constant 112 : index
      %swap3A_1990 = tpu.vector_load %arg5[%swap3A_1988, %swap3A_1989] {strides = array<i32>} : memref<1000x128xf32, #tpu.memory_space<vmem>>, vector<1x16xf32>,
      %swap3A_1991 = vector.shape_cast %swap3A_1990 : vector<1x16xf32> to vector<16xf32>
      %swap3A_1992 = vector.shape_cast %select_n3A_1985 : vector<16xf32> to vector<1x16xf32>
      tpu.vector_store %arg5[%swap3A_1988, %swap3A_1989], %swap3A_1992 {add = true, strides = array<i32>} : memref<1000x128xf32, #tpu.memory_space<vmem>>, vector<1x16xf32>,
      %dma_start3A_1993 = arith.constant 0 : i32
      %dma_start3A_1994 = tpu.memref_slice %arg3[%scan3A_35, %dma_start3A_1993, %mul3A_2] : memref<20x1000x4096xf32, #tpu.memory_space<hbm>> -> memref<1x1000x128xf32, #tpu.memory_space<hbm>>
      %dma_start3A_1995 = tpu.memref_squeeze %dma_start3A_1994 : memref<1x1000x128xf32, #tpu.memory_space<hbm>> -> memref<1000x128xf32, #tpu.memory_space<hbm>>
      %dma_start3A_1996 = arith.constant 0 : i32
      %dma_start3A_1997 = tpu.memref_slice %arg3[%scan3A_35, %dma_start3A_1996, %mul3A_2] : memref<20x1000x4096xf32, #tpu.memory_space<hbm>> -> memref<1x1000x128xf32, #tpu.memory_space<hbm>>
      %dma_start3A_1998 = tpu.memref_squeeze %dma_start3A_1997 : memref<1x1000x128xf32, #tpu.memory_space<hbm>> -> memref<1000x128xf32, #tpu.memory_space<hbm>>
      tpu.enqueue_dma source(%arg5 : memref<1000x128xf32, #tpu.memory_space<vmem>>) target(%dma_start3A_1998 : memref<1000x128xf32, #tpu.memory_space<hbm>>) target_semaphore(%arg6 : memref<!tpu.dma_semaphore, #tpu.memory_space<semaphore_mem>>)
      %lt3A_1999 = arith.constant 19 : i32
      %lt3A_2000 = arith.cmpi slt, %scan3A_35, %lt3A_1999 : i32
      %convert_element_type3A = arith.extui %lt3A_2000 : i1 to i32
      %cond3A = arith.constant 0 : i32
      %cond3A_2001 = arith.cmpi ne, %convert_element_type3A, %cond3A : i32
      scf.if %cond3A_2001 {
        %add3A_3982 = arith.constant 1 : i32
        %add3A_3983 = arith.addi %scan3A_35, %add3A_3982 : i32
        %mul3A_3984 = arith.constant 4096 : i32
        %mul3A_3985 = arith.muli %add3A_3983, %mul3A_3984 : i32
        %add3A_3986 = arith.addi %mul3A_3985, %mul3A_2 : i32
        %jit3A_3987 = arith.constant 2 : i32
        %eq3A_3988 = arith.constant 0 : i32
        %eq3A_3989 = arith.cmpi eq, %jit3A_3987, %eq3A_3988 : i32
        %jit3A_3990 = arith.constant 1 : i32
        %select_n3A_3991 = arith.select %eq3A_3989, %jit3A_3990, %jit3A_3987 : i32
        %rem3A_3992 = arith.remsi %add3A_3983, %select_n3A_3991 : i32
        %ne3A_3993 = arith.constant 0 : i32
        %ne3A_3994 = arith.cmpi ne, %rem3A_3992, %ne3A_3993 : i32
        %lt3A_3995 = arith.constant 0 : i32
        %lt3A_3996 = arith.cmpi slt, %rem3A_3992, %lt3A_3995 : i32
        %lt3A_3997 = arith.constant 0 : i32
        %lt3A_3998 = arith.cmpi slt, %select_n3A_3991, %lt3A_3997 : i32
        %ne3A_3999 = arith.xori %lt3A_3996, %lt3A_3998 : i1
        %and3A_4000 = arith.andi %ne3A_3999, %ne3A_3994 : i1
        %add3A_4001 = arith.addi %rem3A_3992, %select_n3A_3991 : i32
        %select_n3A_4002 = arith.select %and3A_4000, %add3A_4001, %rem3A_3992 : i32
        %dma_start3A_4003 = arith.constant 0 : i32
        %dma_start3A_4004 = tpu.memref_slice %arg4[%select_n3A_4002, %dma_start3A_4003] : memref<2x128xi32, #tpu.memory_space<vmem>> -> memref<1x128xi32, #tpu.memory_space<vmem>>
        %dma_start3A_4005 = tpu.memref_squeeze %dma_start3A_4004 : memref<1x128xi32, #tpu.memory_space<vmem>> -> memref<128xi32, #tpu.memory_space<vmem>>
        %dma_start3A_4006 = tpu.memref_slice %arg2[%add3A_3986] : memref<81920xi32, #tpu.memory_space<hbm>> -> memref<128xi32, #tpu.memory_space<hbm>>
        %dma_start3A_4007 = arith.constant 0 : i32
        %dma_start3A_4008 = tpu.memref_slice %arg4[%select_n3A_4002, %dma_start3A_4007] : memref<2x128xi32, #tpu.memory_space<vmem>> -> memref<1x128xi32, #tpu.memory_space<vmem>>
        %dma_start3A_4009 = tpu.memref_squeeze %dma_start3A_4008 : memref<1x128xi32, #tpu.memory_space<vmem>> -> memref<128xi32, #tpu.memory_space<vmem>>
        %dma_start3A_4010 = tpu.memref_slice %arg2[%add3A_3986] : memref<81920xi32, #tpu.memory_space<hbm>> -> memref<128xi32, #tpu.memory_space<hbm>>
        tpu.enqueue_dma source(%dma_start3A_4010 : memref<128xi32, #tpu.memory_space<hbm>>) target(%dma_start3A_4009 : memref<128xi32, #tpu.memory_space<vmem>>) target_semaphore(%arg7 : memref<!tpu.dma_semaphore, #tpu.memory_space<semaphore_mem>>)
      } else {
      }
      %dma_wait3A_2002 = arith.constant 0 : i32
      %dma_wait3A_2003 = tpu.memref_slice %arg3[%scan3A_35, %dma_wait3A_2002, %mul3A_2] : memref<20x1000x4096xf32, #tpu.memory_space<hbm>> -> memref<1x1000x128xf32, #tpu.memory_space<hbm>>
      %dma_wait3A_2004 = tpu.memref_squeeze %dma_wait3A_2003 : memref<1x1000x128xf32, #tpu.memory_space<hbm>> -> memref<1000x128xf32, #tpu.memory_space<hbm>>
      %dma_wait3A_2005 = arith.constant 0 : i32
      %dma_wait3A_2006 = tpu.memref_slice %arg3[%scan3A_35, %dma_wait3A_2005, %mul3A_2] : memref<20x1000x4096xf32, #tpu.memory_space<hbm>> -> memref<1x1000x128xf32, #tpu.memory_space<hbm>>
      %dma_wait3A_2007 = tpu.memref_squeeze %dma_wait3A_2006 : memref<1x1000x128xf32, #tpu.memory_space<hbm>> -> memref<1000x128xf32, #tpu.memory_space<hbm>>
      tpu.wait_dma2 semaphore(%arg6 : memref<!tpu.dma_semaphore, #tpu.memory_space<semaphore_mem>>) src(%arg5 : memref<1000x128xf32, #tpu.memory_space<vmem>>) dst(%dma_wait3A_2007 : memref<1000x128xf32, #tpu.memory_space<hbm>>)
      %jit3A_2008 = arith.constant 2 : i32
      %eq3A_2009 = arith.constant 0 : i32
      %eq3A_2010 = arith.cmpi eq, %jit3A_2008, %eq3A_2009 : i32
      %jit3A_2011 = arith.constant 1 : i32
      %select_n3A_2012 = arith.select %eq3A_2010, %jit3A_2011, %jit3A_2008 : i32
      %rem3A_2013 = arith.remsi %scan3A_35, %select_n3A_2012 : i32
      %ne3A_2014 = arith.constant 0 : i32
      %ne3A_2015 = arith.cmpi ne, %rem3A_2013, %ne3A_2014 : i32
      %lt3A_2016 = arith.constant 0 : i32
      %lt3A_2017 = arith.cmpi slt, %rem3A_2013, %lt3A_2016 : i32
      %lt3A_2018 = arith.constant 0 : i32
      %lt3A_2019 = arith.cmpi slt, %select_n3A_2012, %lt3A_2018 : i32
      %ne3A_2020 = arith.xori %lt3A_2017, %lt3A_2019 : i1
      %and3A_2021 = arith.andi %ne3A_2020, %ne3A_2015 : i1
      %add3A_2022 = arith.addi %rem3A_2013, %select_n3A_2012 : i32
      %select_n3A_2023 = arith.select %and3A_2021, %add3A_2022, %rem3A_2013 : i32
      %iota3A_2024 = tpu.iota {dimensions = array<i32: 0>} : vector<16xi32>
      %get3A_2025 = arith.index_cast %select_n3A_2023 : i32 to index
      %get3A_2026 = arith.constant 0 : index
      %get3A_2027 = tpu.vector_load %arg4[%get3A_2025, %get3A_2026] {strides = array<i32>} : memref<2x128xi32, #tpu.memory_space<vmem>>, vector<1x16xi32>,
      %get3A_2028 = vector.shape_cast %get3A_2027 : vector<1x16xi32> to vector<16xi32>
      %eq3A_2029 = arith.constant 0 : i32
      %eq3A_2030 = vector.broadcast %eq3A_2029 : i32 to vector<16xi32>
      %eq3A_2031 = arith.cmpi eq, %iota3A_2024, %eq3A_2030 : vector<16xi32>
      %jit3A_2032 = arith.constant -1.000000e+00 : f32
      %jit3A_2033 = arith.constant 0.000000e+00 : f32
      %broadcast_in_dim3A_2034 = vector.broadcast %jit3A_2032 : f32 to vector<16xf32>
      %broadcast_in_dim3A_2035 = vector.broadcast %jit3A_2033 : f32 to vector<16xf32>
      %select_n3A_2036 = arith.select %eq3A_2031, %broadcast_in_dim3A_2034, %broadcast_in_dim3A_2035 : vector<16xi1>, vector<16xf32>
      %slice3A_2037 = vector.extract_strided_slice %get3A_2028 {offsets = [0], sizes = [1], strides = [1]} : vector<16xi32> to vector<1xi32>
      %squeeze3A_2038 = vector.extract %slice3A_2037[0] : i32 from vector<1xi32>
      %swap3A_2039 = arith.index_cast %squeeze3A_2038 : i32 to index
      %swap3A_2040 = arith.constant 0 : index
      %swap3A_2041 = tpu.vector_load %arg5[%swap3A_2039, %swap3A_2040] {strides = array<i32>} : memref<1000x128xf32, #tpu.memory_space<vmem>>, vector<1x16xf32>,
      %swap3A_2042 = vector.shape_cast %swap3A_2041 : vector<1x16xf32> to vector<16xf32>
      %swap3A_2043 = vector.shape_cast %select_n3A_2036 : vector<16xf32> to vector<1x16xf32>
      tpu.vector_store %arg5[%swap3A_2039, %swap3A_2040], %swap3A_2043 {add = true, strides = array<i32>} : memref<1000x128xf32, #tpu.memory_space<vmem>>, vector<1x16xf32>,
      %eq3A_2044 = arith.constant 1 : i32
      %eq3A_2045 = vector.broadcast %eq3A_2044 : i32 to vector<16xi32>
      %eq3A_2046 = arith.cmpi eq, %iota3A_2024, %eq3A_2045 : vector<16xi32>
      %jit3A_2047 = arith.constant -1.000000e+00 : f32
      %jit3A_2048 = arith.constant 0.000000e+00 : f32
      %broadcast_in_dim3A_2049 = vector.broadcast %jit3A_2047 : f32 to vector<16xf32>
      %broadcast_in_dim3A_2050 = vector.broadcast %jit3A_2048 : f32 to vector<16xf32>
      %select_n3A_2051 = arith.select %eq3A_2046, %broadcast_in_dim3A_2049, %broadcast_in_dim3A_2050 : vector<16xi1>, vector<16xf32>
      %slice3A_2052 = vector.extract_strided_slice %get3A_2028 {offsets = [1], sizes = [1], strides = [1]} : vector<16xi32> to vector<1xi32>
      %squeeze3A_2053 = vector.extract %slice3A_2052[0] : i32 from vector<1xi32>
      %swap3A_2054 = arith.index_cast %squeeze3A_2053 : i32 to index
      %swap3A_2055 = arith.constant 0 : index
      %swap3A_2056 = tpu.vector_load %arg5[%swap3A_2054, %swap3A_2055] {strides = array<i32>} : memref<1000x128xf32, #tpu.memory_space<vmem>>, vector<1x16xf32>,
      %swap3A_2057 = vector.shape_cast %swap3A_2056 : vector<1x16xf32> to vector<16xf32>
      %swap3A_2058 = vector.shape_cast %select_n3A_2051 : vector<16xf32> to vector<1x16xf32>
      tpu.vector_store %arg5[%swap3A_2054, %swap3A_2055], %swap3A_2058 {add = true, strides = array<i32>} : memref<1000x128xf32, #tpu.memory_space<vmem>>, vector<1x16xf32>,
      %eq3A_2059 = arith.constant 2 : i32
      %eq3A_2060 = vector.broadcast %eq3A_2059 : i32 to vector<16xi32>
      %eq3A_2061 = arith.cmpi eq, %iota3A_2024, %eq3A_2060 : vector<16xi32>
      %jit3A_2062 = arith.constant -1.000000e+00 : f32
      %jit3A_2063 = arith.constant 0.000000e+00 : f32
      %broadcast_in_dim3A_2064 = vector.broadcast %jit3A_2062 : f32 to vector<16xf32>
      %broadcast_in_dim3A_2065 = vector.broadcast %jit3A_2063 : f32 to vector<16xf32>
      %select_n3A_2066 = arith.select %eq3A_2061, %broadcast_in_dim3A_2064, %broadcast_in_dim3A_2065 : vector<16xi1>, vector<16xf32>
      %slice3A_2067 = vector.extract_strided_slice %get3A_2028 {offsets = [2], sizes = [1], strides = [1]} : vector<16xi32> to vector<1xi32>
      %squeeze3A_2068 = vector.extract %slice3A_2067[0] : i32 from vector<1xi32>
      %swap3A_2069 = arith.index_cast %squeeze3A_2068 : i32 to index
      %swap3A_2070 = arith.constant 0 : index
      %swap3A_2071 = tpu.vector_load %arg5[%swap3A_2069, %swap3A_2070] {strides = array<i32>} : memref<1000x128xf32, #tpu.memory_space<vmem>>, vector<1x16xf32>,
      %swap3A_2072 = vector.shape_cast %swap3A_2071 : vector<1x16xf32> to vector<16xf32>
      %swap3A_2073 = vector.shape_cast %select_n3A_2066 : vector<16xf32> to vector<1x16xf32>
      tpu.vector_store %arg5[%swap3A_2069, %swap3A_2070], %swap3A_2073 {add = true, strides = array<i32>} : memref<1000x128xf32, #tpu.memory_space<vmem>>, vector<1x16xf32>,
      %eq3A_2074 = arith.constant 3 : i32
      %eq3A_2075 = vector.broadcast %eq3A_2074 : i32 to vector<16xi32>
      %eq3A_2076 = arith.cmpi eq, %iota3A_2024, %eq3A_2075 : vector<16xi32>
      %jit3A_2077 = arith.constant -1.000000e+00 : f32
      %jit3A_2078 = arith.constant 0.000000e+00 : f32
      %broadcast_in_dim3A_2079 = vector.broadcast %jit3A_2077 : f32 to vector<16xf32>
      %broadcast_in_dim3A_2080 = vector.broadcast %jit3A_2078 : f32 to vector<16xf32>
      %select_n3A_2081 = arith.select %eq3A_2076, %broadcast_in_dim3A_2079, %broadcast_in_dim3A_2080 : vector<16xi1>, vector<16xf32>
      %slice3A_2082 = vector.extract_strided_slice %get3A_2028 {offsets = [3], sizes = [1], strides = [1]} : vector<16xi32> to vector<1xi32>
      %squeeze3A_2083 = vector.extract %slice3A_2082[0] : i32 from vector<1xi32>
      %swap3A_2084 = arith.index_cast %squeeze3A_2083 : i32 to index
      %swap3A_2085 = arith.constant 0 : index
      %swap3A_2086 = tpu.vector_load %arg5[%swap3A_2084, %swap3A_2085] {strides = array<i32>} : memref<1000x128xf32, #tpu.memory_space<vmem>>, vector<1x16xf32>,
      %swap3A_2087 = vector.shape_cast %swap3A_2086 : vector<1x16xf32> to vector<16xf32>
      %swap3A_2088 = vector.shape_cast %select_n3A_2081 : vector<16xf32> to vector<1x16xf32>
      tpu.vector_store %arg5[%swap3A_2084, %swap3A_2085], %swap3A_2088 {add = true, strides = array<i32>} : memref<1000x128xf32, #tpu.memory_space<vmem>>, vector<1x16xf32>,
      %eq3A_2089 = arith.constant 4 : i32
      %eq3A_2090 = vector.broadcast %eq3A_2089 : i32 to vector<16xi32>
      %eq3A_2091 = arith.cmpi eq, %iota3A_2024, %eq3A_2090 : vector<16xi32>
      %jit3A_2092 = arith.constant -1.000000e+00 : f32
      %jit3A_2093 = arith.constant 0.000000e+00 : f32
      %broadcast_in_dim3A_2094 = vector.broadcast %jit3A_2092 : f32 to vector<16xf32>
      %broadcast_in_dim3A_2095 = vector.broadcast %jit3A_2093 : f32 to vector<16xf32>
      %select_n3A_2096 = arith.select %eq3A_2091, %broadcast_in_dim3A_2094, %broadcast_in_dim3A_2095 : vector<16xi1>, vector<16xf32>
      %slice3A_2097 = vector.extract_strided_slice %get3A_2028 {offsets = [4], sizes = [1], strides = [1]} : vector<16xi32> to vector<1xi32>
      %squeeze3A_2098 = vector.extract %slice3A_2097[0] : i32 from vector<1xi32>
      %swap3A_2099 = arith.index_cast %squeeze3A_2098 : i32 to index
      %swap3A_2100 = arith.constant 0 : index
      %swap3A_2101 = tpu.vector_load %arg5[%swap3A_2099, %swap3A_2100] {strides = array<i32>} : memref<1000x128xf32, #tpu.memory_space<vmem>>, vector<1x16xf32>,
      %swap3A_2102 = vector.shape_cast %swap3A_2101 : vector<1x16xf32> to vector<16xf32>
      %swap3A_2103 = vector.shape_cast %select_n3A_2096 : vector<16xf32> to vector<1x16xf32>
      tpu.vector_store %arg5[%swap3A_2099, %swap3A_2100], %swap3A_2103 {add = true, strides = array<i32>} : memref<1000x128xf32, #tpu.memory_space<vmem>>, vector<1x16xf32>,
      %eq3A_2104 = arith.constant 5 : i32
      %eq3A_2105 = vector.broadcast %eq3A_2104 : i32 to vector<16xi32>
      %eq3A_2106 = arith.cmpi eq, %iota3A_2024, %eq3A_2105 : vector<16xi32>
      %jit3A_2107 = arith.constant -1.000000e+00 : f32
      %jit3A_2108 = arith.constant 0.000000e+00 : f32
      %broadcast_in_dim3A_2109 = vector.broadcast %jit3A_2107 : f32 to vector<16xf32>
      %broadcast_in_dim3A_2110 = vector.broadcast %jit3A_2108 : f32 to vector<16xf32>
      %select_n3A_2111 = arith.select %eq3A_2106, %broadcast_in_dim3A_2109, %broadcast_in_dim3A_2110 : vector<16xi1>, vector<16xf32>
      %slice3A_2112 = vector.extract_strided_slice %get3A_2028 {offsets = [5], sizes = [1], strides = [1]} : vector<16xi32> to vector<1xi32>
      %squeeze3A_2113 = vector.extract %slice3A_2112[0] : i32 from vector<1xi32>
      %swap3A_2114 = arith.index_cast %squeeze3A_2113 : i32 to index
      %swap3A_2115 = arith.constant 0 : index
      %swap3A_2116 = tpu.vector_load %arg5[%swap3A_2114, %swap3A_2115] {strides = array<i32>} : memref<1000x128xf32, #tpu.memory_space<vmem>>, vector<1x16xf32>,
      %swap3A_2117 = vector.shape_cast %swap3A_2116 : vector<1x16xf32> to vector<16xf32>
      %swap3A_2118 = vector.shape_cast %select_n3A_2111 : vector<16xf32> to vector<1x16xf32>
      tpu.vector_store %arg5[%swap3A_2114, %swap3A_2115], %swap3A_2118 {add = true, strides = array<i32>} : memref<1000x128xf32, #tpu.memory_space<vmem>>, vector<1x16xf32>,
      %eq3A_2119 = arith.constant 6 : i32
      %eq3A_2120 = vector.broadcast %eq3A_2119 : i32 to vector<16xi32>
      %eq3A_2121 = arith.cmpi eq, %iota3A_2024, %eq3A_2120 : vector<16xi32>
      %jit3A_2122 = arith.constant -1.000000e+00 : f32
      %jit3A_2123 = arith.constant 0.000000e+00 : f32
      %broadcast_in_dim3A_2124 = vector.broadcast %jit3A_2122 : f32 to vector<16xf32>
      %broadcast_in_dim3A_2125 = vector.broadcast %jit3A_2123 : f32 to vector<16xf32>
      %select_n3A_2126 = arith.select %eq3A_2121, %broadcast_in_dim3A_2124, %broadcast_in_dim3A_2125 : vector<16xi1>, vector<16xf32>
      %slice3A_2127 = vector.extract_strided_slice %get3A_2028 {offsets = [6], sizes = [1], strides = [1]} : vector<16xi32> to vector<1xi32>
      %squeeze3A_2128 = vector.extract %slice3A_2127[0] : i32 from vector<1xi32>
      %swap3A_2129 = arith.index_cast %squeeze3A_2128 : i32 to index
      %swap3A_2130 = arith.constant 0 : index
      %swap3A_2131 = tpu.vector_load %arg5[%swap3A_2129, %swap3A_2130] {strides = array<i32>} : memref<1000x128xf32, #tpu.memory_space<vmem>>, vector<1x16xf32>,
      %swap3A_2132 = vector.shape_cast %swap3A_2131 : vector<1x16xf32> to vector<16xf32>
      %swap3A_2133 = vector.shape_cast %select_n3A_2126 : vector<16xf32> to vector<1x16xf32>
      tpu.vector_store %arg5[%swap3A_2129, %swap3A_2130], %swap3A_2133 {add = true, strides = array<i32>} : memref<1000x128xf32, #tpu.memory_space<vmem>>, vector<1x16xf32>,
      %eq3A_2134 = arith.constant 7 : i32
      %eq3A_2135 = vector.broadcast %eq3A_2134 : i32 to vector<16xi32>
      %eq3A_2136 = arith.cmpi eq, %iota3A_2024, %eq3A_2135 : vector<16xi32>
      %jit3A_2137 = arith.constant -1.000000e+00 : f32
      %jit3A_2138 = arith.constant 0.000000e+00 : f32
      %broadcast_in_dim3A_2139 = vector.broadcast %jit3A_2137 : f32 to vector<16xf32>
      %broadcast_in_dim3A_2140 = vector.broadcast %jit3A_2138 : f32 to vector<16xf32>
      %select_n3A_2141 = arith.select %eq3A_2136, %broadcast_in_dim3A_2139, %broadcast_in_dim3A_2140 : vector<16xi1>, vector<16xf32>
      %slice3A_2142 = vector.extract_strided_slice %get3A_2028 {offsets = [7], sizes = [1], strides = [1]} : vector<16xi32> to vector<1xi32>
      %squeeze3A_2143 = vector.extract %slice3A_2142[0] : i32 from vector<1xi32>
      %swap3A_2144 = arith.index_cast %squeeze3A_2143 : i32 to index
      %swap3A_2145 = arith.constant 0 : index
      %swap3A_2146 = tpu.vector_load %arg5[%swap3A_2144, %swap3A_2145] {strides = array<i32>} : memref<1000x128xf32, #tpu.memory_space<vmem>>, vector<1x16xf32>,
      %swap3A_2147 = vector.shape_cast %swap3A_2146 : vector<1x16xf32> to vector<16xf32>
      %swap3A_2148 = vector.shape_cast %select_n3A_2141 : vector<16xf32> to vector<1x16xf32>
      tpu.vector_store %arg5[%swap3A_2144, %swap3A_2145], %swap3A_2148 {add = true, strides = array<i32>} : memref<1000x128xf32, #tpu.memory_space<vmem>>, vector<1x16xf32>,
      %eq3A_2149 = arith.constant 8 : i32
      %eq3A_2150 = vector.broadcast %eq3A_2149 : i32 to vector<16xi32>
      %eq3A_2151 = arith.cmpi eq, %iota3A_2024, %eq3A_2150 : vector<16xi32>
      %jit3A_2152 = arith.constant -1.000000e+00 : f32
      %jit3A_2153 = arith.constant 0.000000e+00 : f32
      %broadcast_in_dim3A_2154 = vector.broadcast %jit3A_2152 : f32 to vector<16xf32>
      %broadcast_in_dim3A_2155 = vector.broadcast %jit3A_2153 : f32 to vector<16xf32>
      %select_n3A_2156 = arith.select %eq3A_2151, %broadcast_in_dim3A_2154, %broadcast_in_dim3A_2155 : vector<16xi1>, vector<16xf32>
      %slice3A_2157 = vector.extract_strided_slice %get3A_2028 {offsets = [8], sizes = [1], strides = [1]} : vector<16xi32> to vector<1xi32>
      %squeeze3A_2158 = vector.extract %slice3A_2157[0] : i32 from vector<1xi32>
      %swap3A_2159 = arith.index_cast %squeeze3A_2158 : i32 to index
      %swap3A_2160 = arith.constant 0 : index
      %swap3A_2161 = tpu.vector_load %arg5[%swap3A_2159, %swap3A_2160] {strides = array<i32>} : memref<1000x128xf32, #tpu.memory_space<vmem>>, vector<1x16xf32>,
      %swap3A_2162 = vector.shape_cast %swap3A_2161 : vector<1x16xf32> to vector<16xf32>
      %swap3A_2163 = vector.shape_cast %select_n3A_2156 : vector<16xf32> to vector<1x16xf32>
      tpu.vector_store %arg5[%swap3A_2159, %swap3A_2160], %swap3A_2163 {add = true, strides = array<i32>} : memref<1000x128xf32, #tpu.memory_space<vmem>>, vector<1x16xf32>,
      %eq3A_2164 = arith.constant 9 : i32
      %eq3A_2165 = vector.broadcast %eq3A_2164 : i32 to vector<16xi32>
      %eq3A_2166 = arith.cmpi eq, %iota3A_2024, %eq3A_2165 : vector<16xi32>
      %jit3A_2167 = arith.constant -1.000000e+00 : f32
      %jit3A_2168 = arith.constant 0.000000e+00 : f32
      %broadcast_in_dim3A_2169 = vector.broadcast %jit3A_2167 : f32 to vector<16xf32>
      %broadcast_in_dim3A_2170 = vector.broadcast %jit3A_2168 : f32 to vector<16xf32>
      %select_n3A_2171 = arith.select %eq3A_2166, %broadcast_in_dim3A_2169, %broadcast_in_dim3A_2170 : vector<16xi1>, vector<16xf32>
      %slice3A_2172 = vector.extract_strided_slice %get3A_2028 {offsets = [9], sizes = [1], strides = [1]} : vector<16xi32> to vector<1xi32>
      %squeeze3A_2173 = vector.extract %slice3A_2172[0] : i32 from vector<1xi32>
      %swap3A_2174 = arith.index_cast %squeeze3A_2173 : i32 to index
      %swap3A_2175 = arith.constant 0 : index
      %swap3A_2176 = tpu.vector_load %arg5[%swap3A_2174, %swap3A_2175] {strides = array<i32>} : memref<1000x128xf32, #tpu.memory_space<vmem>>, vector<1x16xf32>,
      %swap3A_2177 = vector.shape_cast %swap3A_2176 : vector<1x16xf32> to vector<16xf32>
      %swap3A_2178 = vector.shape_cast %select_n3A_2171 : vector<16xf32> to vector<1x16xf32>
      tpu.vector_store %arg5[%swap3A_2174, %swap3A_2175], %swap3A_2178 {add = true, strides = array<i32>} : memref<1000x128xf32, #tpu.memory_space<vmem>>, vector<1x16xf32>,
      %eq3A_2179 = arith.constant 10 : i32
      %eq3A_2180 = vector.broadcast %eq3A_2179 : i32 to vector<16xi32>
      %eq3A_2181 = arith.cmpi eq, %iota3A_2024, %eq3A_2180 : vector<16xi32>
      %jit3A_2182 = arith.constant -1.000000e+00 : f32
      %jit3A_2183 = arith.constant 0.000000e+00 : f32
      %broadcast_in_dim3A_2184 = vector.broadcast %jit3A_2182 : f32 to vector<16xf32>
      %broadcast_in_dim3A_2185 = vector.broadcast %jit3A_2183 : f32 to vector<16xf32>
      %select_n3A_2186 = arith.select %eq3A_2181, %broadcast_in_dim3A_2184, %broadcast_in_dim3A_2185 : vector<16xi1>, vector<16xf32>
      %slice3A_2187 = vector.extract_strided_slice %get3A_2028 {offsets = [10], sizes = [1], strides = [1]} : vector<16xi32> to vector<1xi32>
      %squeeze3A_2188 = vector.extract %slice3A_2187[0] : i32 from vector<1xi32>
      %swap3A_2189 = arith.index_cast %squeeze3A_2188 : i32 to index
      %swap3A_2190 = arith.constant 0 : index
      %swap3A_2191 = tpu.vector_load %arg5[%swap3A_2189, %swap3A_2190] {strides = array<i32>} : memref<1000x128xf32, #tpu.memory_space<vmem>>, vector<1x16xf32>,
      %swap3A_2192 = vector.shape_cast %swap3A_2191 : vector<1x16xf32> to vector<16xf32>
      %swap3A_2193 = vector.shape_cast %select_n3A_2186 : vector<16xf32> to vector<1x16xf32>
      tpu.vector_store %arg5[%swap3A_2189, %swap3A_2190], %swap3A_2193 {add = true, strides = array<i32>} : memref<1000x128xf32, #tpu.memory_space<vmem>>, vector<1x16xf32>,
      %eq3A_2194 = arith.constant 11 : i32
      %eq3A_2195 = vector.broadcast %eq3A_2194 : i32 to vector<16xi32>
      %eq3A_2196 = arith.cmpi eq, %iota3A_2024, %eq3A_2195 : vector<16xi32>
      %jit3A_2197 = arith.constant -1.000000e+00 : f32
      %jit3A_2198 = arith.constant 0.000000e+00 : f32
      %broadcast_in_dim3A_2199 = vector.broadcast %jit3A_2197 : f32 to vector<16xf32>
      %broadcast_in_dim3A_2200 = vector.broadcast %jit3A_2198 : f32 to vector<16xf32>
      %select_n3A_2201 = arith.select %eq3A_2196, %broadcast_in_dim3A_2199, %broadcast_in_dim3A_2200 : vector<16xi1>, vector<16xf32>
      %slice3A_2202 = vector.extract_strided_slice %get3A_2028 {offsets = [11], sizes = [1], strides = [1]} : vector<16xi32> to vector<1xi32>
      %squeeze3A_2203 = vector.extract %slice3A_2202[0] : i32 from vector<1xi32>
      %swap3A_2204 = arith.index_cast %squeeze3A_2203 : i32 to index
      %swap3A_2205 = arith.constant 0 : index
      %swap3A_2206 = tpu.vector_load %arg5[%swap3A_2204, %swap3A_2205] {strides = array<i32>} : memref<1000x128xf32, #tpu.memory_space<vmem>>, vector<1x16xf32>,
      %swap3A_2207 = vector.shape_cast %swap3A_2206 : vector<1x16xf32> to vector<16xf32>
      %swap3A_2208 = vector.shape_cast %select_n3A_2201 : vector<16xf32> to vector<1x16xf32>
      tpu.vector_store %arg5[%swap3A_2204, %swap3A_2205], %swap3A_2208 {add = true, strides = array<i32>} : memref<1000x128xf32, #tpu.memory_space<vmem>>, vector<1x16xf32>,
      %eq3A_2209 = arith.constant 12 : i32
      %eq3A_2210 = vector.broadcast %eq3A_2209 : i32 to vector<16xi32>
      %eq3A_2211 = arith.cmpi eq, %iota3A_2024, %eq3A_2210 : vector<16xi32>
      %jit3A_2212 = arith.constant -1.000000e+00 : f32
      %jit3A_2213 = arith.constant 0.000000e+00 : f32
      %broadcast_in_dim3A_2214 = vector.broadcast %jit3A_2212 : f32 to vector<16xf32>
      %broadcast_in_dim3A_2215 = vector.broadcast %jit3A_2213 : f32 to vector<16xf32>
      %select_n3A_2216 = arith.select %eq3A_2211, %broadcast_in_dim3A_2214, %broadcast_in_dim3A_2215 : vector<16xi1>, vector<16xf32>
      %slice3A_2217 = vector.extract_strided_slice %get3A_2028 {offsets = [12], sizes = [1], strides = [1]} : vector<16xi32> to vector<1xi32>
      %squeeze3A_2218 = vector.extract %slice3A_2217[0] : i32 from vector<1xi32>
      %swap3A_2219 = arith.index_cast %squeeze3A_2218 : i32 to index
      %swap3A_2220 = arith.constant 0 : index
      %swap3A_2221 = tpu.vector_load %arg5[%swap3A_2219, %swap3A_2220] {strides = array<i32>} : memref<1000x128xf32, #tpu.memory_space<vmem>>, vector<1x16xf32>,
      %swap3A_2222 = vector.shape_cast %swap3A_2221 : vector<1x16xf32> to vector<16xf32>
      %swap3A_2223 = vector.shape_cast %select_n3A_2216 : vector<16xf32> to vector<1x16xf32>
      tpu.vector_store %arg5[%swap3A_2219, %swap3A_2220], %swap3A_2223 {add = true, strides = array<i32>} : memref<1000x128xf32, #tpu.memory_space<vmem>>, vector<1x16xf32>,
      %eq3A_2224 = arith.constant 13 : i32
      %eq3A_2225 = vector.broadcast %eq3A_2224 : i32 to vector<16xi32>
      %eq3A_2226 = arith.cmpi eq, %iota3A_2024, %eq3A_2225 : vector<16xi32>
      %jit3A_2227 = arith.constant -1.000000e+00 : f32
      %jit3A_2228 = arith.constant 0.000000e+00 : f32
      %broadcast_in_dim3A_2229 = vector.broadcast %jit3A_2227 : f32 to vector<16xf32>
      %broadcast_in_dim3A_2230 = vector.broadcast %jit3A_2228 : f32 to vector<16xf32>
      %select_n3A_2231 = arith.select %eq3A_2226, %broadcast_in_dim3A_2229, %broadcast_in_dim3A_2230 : vector<16xi1>, vector<16xf32>
      %slice3A_2232 = vector.extract_strided_slice %get3A_2028 {offsets = [13], sizes = [1], strides = [1]} : vector<16xi32> to vector<1xi32>
      %squeeze3A_2233 = vector.extract %slice3A_2232[0] : i32 from vector<1xi32>
      %swap3A_2234 = arith.index_cast %squeeze3A_2233 : i32 to index
      %swap3A_2235 = arith.constant 0 : index
      %swap3A_2236 = tpu.vector_load %arg5[%swap3A_2234, %swap3A_2235] {strides = array<i32>} : memref<1000x128xf32, #tpu.memory_space<vmem>>, vector<1x16xf32>,
      %swap3A_2237 = vector.shape_cast %swap3A_2236 : vector<1x16xf32> to vector<16xf32>
      %swap3A_2238 = vector.shape_cast %select_n3A_2231 : vector<16xf32> to vector<1x16xf32>
      tpu.vector_store %arg5[%swap3A_2234, %swap3A_2235], %swap3A_2238 {add = true, strides = array<i32>} : memref<1000x128xf32, #tpu.memory_space<vmem>>, vector<1x16xf32>,
      %eq3A_2239 = arith.constant 14 : i32
      %eq3A_2240 = vector.broadcast %eq3A_2239 : i32 to vector<16xi32>
      %eq3A_2241 = arith.cmpi eq, %iota3A_2024, %eq3A_2240 : vector<16xi32>
      %jit3A_2242 = arith.constant -1.000000e+00 : f32
      %jit3A_2243 = arith.constant 0.000000e+00 : f32
      %broadcast_in_dim3A_2244 = vector.broadcast %jit3A_2242 : f32 to vector<16xf32>
      %broadcast_in_dim3A_2245 = vector.broadcast %jit3A_2243 : f32 to vector<16xf32>
      %select_n3A_2246 = arith.select %eq3A_2241, %broadcast_in_dim3A_2244, %broadcast_in_dim3A_2245 : vector<16xi1>, vector<16xf32>
      %slice3A_2247 = vector.extract_strided_slice %get3A_2028 {offsets = [14], sizes = [1], strides = [1]} : vector<16xi32> to vector<1xi32>
      %squeeze3A_2248 = vector.extract %slice3A_2247[0] : i32 from vector<1xi32>
      %swap3A_2249 = arith.index_cast %squeeze3A_2248 : i32 to index
      %swap3A_2250 = arith.constant 0 : index
      %swap3A_2251 = tpu.vector_load %arg5[%swap3A_2249, %swap3A_2250] {strides = array<i32>} : memref<1000x128xf32, #tpu.memory_space<vmem>>, vector<1x16xf32>,
      %swap3A_2252 = vector.shape_cast %swap3A_2251 : vector<1x16xf32> to vector<16xf32>
      %swap3A_2253 = vector.shape_cast %select_n3A_2246 : vector<16xf32> to vector<1x16xf32>
      tpu.vector_store %arg5[%swap3A_2249, %swap3A_2250], %swap3A_2253 {add = true, strides = array<i32>} : memref<1000x128xf32, #tpu.memory_space<vmem>>, vector<1x16xf32>,
      %eq3A_2254 = arith.constant 15 : i32
      %eq3A_2255 = vector.broadcast %eq3A_2254 : i32 to vector<16xi32>
      %eq3A_2256 = arith.cmpi eq, %iota3A_2024, %eq3A_2255 : vector<16xi32>
      %jit3A_2257 = arith.constant -1.000000e+00 : f32
      %jit3A_2258 = arith.constant 0.000000e+00 : f32
      %broadcast_in_dim3A_2259 = vector.broadcast %jit3A_2257 : f32 to vector<16xf32>
      %broadcast_in_dim3A_2260 = vector.broadcast %jit3A_2258 : f32 to vector<16xf32>
      %select_n3A_2261 = arith.select %eq3A_2256, %broadcast_in_dim3A_2259, %broadcast_in_dim3A_2260 : vector<16xi1>, vector<16xf32>
      %slice3A_2262 = vector.extract_strided_slice %get3A_2028 {offsets = [15], sizes = [1], strides = [1]} : vector<16xi32> to vector<1xi32>
      %squeeze3A_2263 = vector.extract %slice3A_2262[0] : i32 from vector<1xi32>
      %swap3A_2264 = arith.index_cast %squeeze3A_2263 : i32 to index
      %swap3A_2265 = arith.constant 0 : index
      %swap3A_2266 = tpu.vector_load %arg5[%swap3A_2264, %swap3A_2265] {strides = array<i32>} : memref<1000x128xf32, #tpu.memory_space<vmem>>, vector<1x16xf32>,
      %swap3A_2267 = vector.shape_cast %swap3A_2266 : vector<1x16xf32> to vector<16xf32>
      %swap3A_2268 = vector.shape_cast %select_n3A_2261 : vector<16xf32> to vector<1x16xf32>
      tpu.vector_store %arg5[%swap3A_2264, %swap3A_2265], %swap3A_2268 {add = true, strides = array<i32>} : memref<1000x128xf32, #tpu.memory_space<vmem>>, vector<1x16xf32>,
      %get3A_2269 = arith.index_cast %select_n3A_2023 : i32 to index
      %get3A_2270 = arith.constant 16 : index
      %get3A_2271 = tpu.vector_load %arg4[%get3A_2269, %get3A_2270] {strides = array<i32>} : memref<2x128xi32, #tpu.memory_space<vmem>>, vector<1x16xi32>,
      %get3A_2272 = vector.shape_cast %get3A_2271 : vector<1x16xi32> to vector<16xi32>
      %eq3A_2273 = arith.constant 0 : i32
      %eq3A_2274 = vector.broadcast %eq3A_2273 : i32 to vector<16xi32>
      %eq3A_2275 = arith.cmpi eq, %iota3A_2024, %eq3A_2274 : vector<16xi32>
      %jit3A_2276 = arith.constant -1.000000e+00 : f32
      %jit3A_2277 = arith.constant 0.000000e+00 : f32
      %broadcast_in_dim3A_2278 = vector.broadcast %jit3A_2276 : f32 to vector<16xf32>
      %broadcast_in_dim3A_2279 = vector.broadcast %jit3A_2277 : f32 to vector<16xf32>
      %select_n3A_2280 = arith.select %eq3A_2275, %broadcast_in_dim3A_2278, %broadcast_in_dim3A_2279 : vector<16xi1>, vector<16xf32>
      %slice3A_2281 = vector.extract_strided_slice %get3A_2272 {offsets = [0], sizes = [1], strides = [1]} : vector<16xi32> to vector<1xi32>
      %squeeze3A_2282 = vector.extract %slice3A_2281[0] : i32 from vector<1xi32>
      %swap3A_2283 = arith.index_cast %squeeze3A_2282 : i32 to index
      %swap3A_2284 = arith.constant 16 : index
      %swap3A_2285 = tpu.vector_load %arg5[%swap3A_2283, %swap3A_2284] {strides = array<i32>} : memref<1000x128xf32, #tpu.memory_space<vmem>>, vector<1x16xf32>,
      %swap3A_2286 = vector.shape_cast %swap3A_2285 : vector<1x16xf32> to vector<16xf32>
      %swap3A_2287 = vector.shape_cast %select_n3A_2280 : vector<16xf32> to vector<1x16xf32>
      tpu.vector_store %arg5[%swap3A_2283, %swap3A_2284], %swap3A_2287 {add = true, strides = array<i32>} : memref<1000x128xf32, #tpu.memory_space<vmem>>, vector<1x16xf32>,
      %eq3A_2288 = arith.constant 1 : i32
      %eq3A_2289 = vector.broadcast %eq3A_2288 : i32 to vector<16xi32>
      %eq3A_2290 = arith.cmpi eq, %iota3A_2024, %eq3A_2289 : vector<16xi32>
      %jit3A_2291 = arith.constant -1.000000e+00 : f32
      %jit3A_2292 = arith.constant 0.000000e+00 : f32
      %broadcast_in_dim3A_2293 = vector.broadcast %jit3A_2291 : f32 to vector<16xf32>
      %broadcast_in_dim3A_2294 = vector.broadcast %jit3A_2292 : f32 to vector<16xf32>
      %select_n3A_2295 = arith.select %eq3A_2290, %broadcast_in_dim3A_2293, %broadcast_in_dim3A_2294 : vector<16xi1>, vector<16xf32>
      %slice3A_2296 = vector.extract_strided_slice %get3A_2272 {offsets = [1], sizes = [1], strides = [1]} : vector<16xi32> to vector<1xi32>
      %squeeze3A_2297 = vector.extract %slice3A_2296[0] : i32 from vector<1xi32>
      %swap3A_2298 = arith.index_cast %squeeze3A_2297 : i32 to index
      %swap3A_2299 = arith.constant 16 : index
      %swap3A_2300 = tpu.vector_load %arg5[%swap3A_2298, %swap3A_2299] {strides = array<i32>} : memref<1000x128xf32, #tpu.memory_space<vmem>>, vector<1x16xf32>,
      %swap3A_2301 = vector.shape_cast %swap3A_2300 : vector<1x16xf32> to vector<16xf32>
      %swap3A_2302 = vector.shape_cast %select_n3A_2295 : vector<16xf32> to vector<1x16xf32>
      tpu.vector_store %arg5[%swap3A_2298, %swap3A_2299], %swap3A_2302 {add = true, strides = array<i32>} : memref<1000x128xf32, #tpu.memory_space<vmem>>, vector<1x16xf32>,
      %eq3A_2303 = arith.constant 2 : i32
      %eq3A_2304 = vector.broadcast %eq3A_2303 : i32 to vector<16xi32>
      %eq3A_2305 = arith.cmpi eq, %iota3A_2024, %eq3A_2304 : vector<16xi32>
      %jit3A_2306 = arith.constant -1.000000e+00 : f32
      %jit3A_2307 = arith.constant 0.000000e+00 : f32
      %broadcast_in_dim3A_2308 = vector.broadcast %jit3A_2306 : f32 to vector<16xf32>
      %broadcast_in_dim3A_2309 = vector.broadcast %jit3A_2307 : f32 to vector<16xf32>
      %select_n3A_2310 = arith.select %eq3A_2305, %broadcast_in_dim3A_2308, %broadcast_in_dim3A_2309 : vector<16xi1>, vector<16xf32>
      %slice3A_2311 = vector.extract_strided_slice %get3A_2272 {offsets = [2], sizes = [1], strides = [1]} : vector<16xi32> to vector<1xi32>
      %squeeze3A_2312 = vector.extract %slice3A_2311[0] : i32 from vector<1xi32>
      %swap3A_2313 = arith.index_cast %squeeze3A_2312 : i32 to index
      %swap3A_2314 = arith.constant 16 : index
      %swap3A_2315 = tpu.vector_load %arg5[%swap3A_2313, %swap3A_2314] {strides = array<i32>} : memref<1000x128xf32, #tpu.memory_space<vmem>>, vector<1x16xf32>,
      %swap3A_2316 = vector.shape_cast %swap3A_2315 : vector<1x16xf32> to vector<16xf32>
      %swap3A_2317 = vector.shape_cast %select_n3A_2310 : vector<16xf32> to vector<1x16xf32>
      tpu.vector_store %arg5[%swap3A_2313, %swap3A_2314], %swap3A_2317 {add = true, strides = array<i32>} : memref<1000x128xf32, #tpu.memory_space<vmem>>, vector<1x16xf32>,
      %eq3A_2318 = arith.constant 3 : i32
      %eq3A_2319 = vector.broadcast %eq3A_2318 : i32 to vector<16xi32>
      %eq3A_2320 = arith.cmpi eq, %iota3A_2024, %eq3A_2319 : vector<16xi32>
      %jit3A_2321 = arith.constant -1.000000e+00 : f32
      %jit3A_2322 = arith.constant 0.000000e+00 : f32
      %broadcast_in_dim3A_2323 = vector.broadcast %jit3A_2321 : f32 to vector<16xf32>
      %broadcast_in_dim3A_2324 = vector.broadcast %jit3A_2322 : f32 to vector<16xf32>
      %select_n3A_2325 = arith.select %eq3A_2320, %broadcast_in_dim3A_2323, %broadcast_in_dim3A_2324 : vector<16xi1>, vector<16xf32>
      %slice3A_2326 = vector.extract_strided_slice %get3A_2272 {offsets = [3], sizes = [1], strides = [1]} : vector<16xi32> to vector<1xi32>
      %squeeze3A_2327 = vector.extract %slice3A_2326[0] : i32 from vector<1xi32>
      %swap3A_2328 = arith.index_cast %squeeze3A_2327 : i32 to index
      %swap3A_2329 = arith.constant 16 : index
      %swap3A_2330 = tpu.vector_load %arg5[%swap3A_2328, %swap3A_2329] {strides = array<i32>} : memref<1000x128xf32, #tpu.memory_space<vmem>>, vector<1x16xf32>,
      %swap3A_2331 = vector.shape_cast %swap3A_2330 : vector<1x16xf32> to vector<16xf32>
      %swap3A_2332 = vector.shape_cast %select_n3A_2325 : vector<16xf32> to vector<1x16xf32>
      tpu.vector_store %arg5[%swap3A_2328, %swap3A_2329], %swap3A_2332 {add = true, strides = array<i32>} : memref<1000x128xf32, #tpu.memory_space<vmem>>, vector<1x16xf32>,
      %eq3A_2333 = arith.constant 4 : i32
      %eq3A_2334 = vector.broadcast %eq3A_2333 : i32 to vector<16xi32>
      %eq3A_2335 = arith.cmpi eq, %iota3A_2024, %eq3A_2334 : vector<16xi32>
      %jit3A_2336 = arith.constant -1.000000e+00 : f32
      %jit3A_2337 = arith.constant 0.000000e+00 : f32
      %broadcast_in_dim3A_2338 = vector.broadcast %jit3A_2336 : f32 to vector<16xf32>
      %broadcast_in_dim3A_2339 = vector.broadcast %jit3A_2337 : f32 to vector<16xf32>
      %select_n3A_2340 = arith.select %eq3A_2335, %broadcast_in_dim3A_2338, %broadcast_in_dim3A_2339 : vector<16xi1>, vector<16xf32>
      %slice3A_2341 = vector.extract_strided_slice %get3A_2272 {offsets = [4], sizes = [1], strides = [1]} : vector<16xi32> to vector<1xi32>
      %squeeze3A_2342 = vector.extract %slice3A_2341[0] : i32 from vector<1xi32>
      %swap3A_2343 = arith.index_cast %squeeze3A_2342 : i32 to index
      %swap3A_2344 = arith.constant 16 : index
      %swap3A_2345 = tpu.vector_load %arg5[%swap3A_2343, %swap3A_2344] {strides = array<i32>} : memref<1000x128xf32, #tpu.memory_space<vmem>>, vector<1x16xf32>,
      %swap3A_2346 = vector.shape_cast %swap3A_2345 : vector<1x16xf32> to vector<16xf32>
      %swap3A_2347 = vector.shape_cast %select_n3A_2340 : vector<16xf32> to vector<1x16xf32>
      tpu.vector_store %arg5[%swap3A_2343, %swap3A_2344], %swap3A_2347 {add = true, strides = array<i32>} : memref<1000x128xf32, #tpu.memory_space<vmem>>, vector<1x16xf32>,
      %eq3A_2348 = arith.constant 5 : i32
      %eq3A_2349 = vector.broadcast %eq3A_2348 : i32 to vector<16xi32>
      %eq3A_2350 = arith.cmpi eq, %iota3A_2024, %eq3A_2349 : vector<16xi32>
      %jit3A_2351 = arith.constant -1.000000e+00 : f32
      %jit3A_2352 = arith.constant 0.000000e+00 : f32
      %broadcast_in_dim3A_2353 = vector.broadcast %jit3A_2351 : f32 to vector<16xf32>
      %broadcast_in_dim3A_2354 = vector.broadcast %jit3A_2352 : f32 to vector<16xf32>
      %select_n3A_2355 = arith.select %eq3A_2350, %broadcast_in_dim3A_2353, %broadcast_in_dim3A_2354 : vector<16xi1>, vector<16xf32>
      %slice3A_2356 = vector.extract_strided_slice %get3A_2272 {offsets = [5], sizes = [1], strides = [1]} : vector<16xi32> to vector<1xi32>
      %squeeze3A_2357 = vector.extract %slice3A_2356[0] : i32 from vector<1xi32>
      %swap3A_2358 = arith.index_cast %squeeze3A_2357 : i32 to index
      %swap3A_2359 = arith.constant 16 : index
      %swap3A_2360 = tpu.vector_load %arg5[%swap3A_2358, %swap3A_2359] {strides = array<i32>} : memref<1000x128xf32, #tpu.memory_space<vmem>>, vector<1x16xf32>,
      %swap3A_2361 = vector.shape_cast %swap3A_2360 : vector<1x16xf32> to vector<16xf32>
      %swap3A_2362 = vector.shape_cast %select_n3A_2355 : vector<16xf32> to vector<1x16xf32>
      tpu.vector_store %arg5[%swap3A_2358, %swap3A_2359], %swap3A_2362 {add = true, strides = array<i32>} : memref<1000x128xf32, #tpu.memory_space<vmem>>, vector<1x16xf32>,
      %eq3A_2363 = arith.constant 6 : i32
      %eq3A_2364 = vector.broadcast %eq3A_2363 : i32 to vector<16xi32>
      %eq3A_2365 = arith.cmpi eq, %iota3A_2024, %eq3A_2364 : vector<16xi32>
      %jit3A_2366 = arith.constant -1.000000e+00 : f32
      %jit3A_2367 = arith.constant 0.000000e+00 : f32
      %broadcast_in_dim3A_2368 = vector.broadcast %jit3A_2366 : f32 to vector<16xf32>
      %broadcast_in_dim3A_2369 = vector.broadcast %jit3A_2367 : f32 to vector<16xf32>
      %select_n3A_2370 = arith.select %eq3A_2365, %broadcast_in_dim3A_2368, %broadcast_in_dim3A_2369 : vector<16xi1>, vector<16xf32>
      %slice3A_2371 = vector.extract_strided_slice %get3A_2272 {offsets = [6], sizes = [1], strides = [1]} : vector<16xi32> to vector<1xi32>
      %squeeze3A_2372 = vector.extract %slice3A_2371[0] : i32 from vector<1xi32>
      %swap3A_2373 = arith.index_cast %squeeze3A_2372 : i32 to index
      %swap3A_2374 = arith.constant 16 : index
      %swap3A_2375 = tpu.vector_load %arg5[%swap3A_2373, %swap3A_2374] {strides = array<i32>} : memref<1000x128xf32, #tpu.memory_space<vmem>>, vector<1x16xf32>,
      %swap3A_2376 = vector.shape_cast %swap3A_2375 : vector<1x16xf32> to vector<16xf32>
      %swap3A_2377 = vector.shape_cast %select_n3A_2370 : vector<16xf32> to vector<1x16xf32>
      tpu.vector_store %arg5[%swap3A_2373, %swap3A_2374], %swap3A_2377 {add = true, strides = array<i32>} : memref<1000x128xf32, #tpu.memory_space<vmem>>, vector<1x16xf32>,
      %eq3A_2378 = arith.constant 7 : i32
      %eq3A_2379 = vector.broadcast %eq3A_2378 : i32 to vector<16xi32>
      %eq3A_2380 = arith.cmpi eq, %iota3A_2024, %eq3A_2379 : vector<16xi32>
      %jit3A_2381 = arith.constant -1.000000e+00 : f32
      %jit3A_2382 = arith.constant 0.000000e+00 : f32
      %broadcast_in_dim3A_2383 = vector.broadcast %jit3A_2381 : f32 to vector<16xf32>
      %broadcast_in_dim3A_2384 = vector.broadcast %jit3A_2382 : f32 to vector<16xf32>
      %select_n3A_2385 = arith.select %eq3A_2380, %broadcast_in_dim3A_2383, %broadcast_in_dim3A_2384 : vector<16xi1>, vector<16xf32>
      %slice3A_2386 = vector.extract_strided_slice %get3A_2272 {offsets = [7], sizes = [1], strides = [1]} : vector<16xi32> to vector<1xi32>
      %squeeze3A_2387 = vector.extract %slice3A_2386[0] : i32 from vector<1xi32>
      %swap3A_2388 = arith.index_cast %squeeze3A_2387 : i32 to index
      %swap3A_2389 = arith.constant 16 : index
      %swap3A_2390 = tpu.vector_load %arg5[%swap3A_2388, %swap3A_2389] {strides = array<i32>} : memref<1000x128xf32, #tpu.memory_space<vmem>>, vector<1x16xf32>,
      %swap3A_2391 = vector.shape_cast %swap3A_2390 : vector<1x16xf32> to vector<16xf32>
      %swap3A_2392 = vector.shape_cast %select_n3A_2385 : vector<16xf32> to vector<1x16xf32>
      tpu.vector_store %arg5[%swap3A_2388, %swap3A_2389], %swap3A_2392 {add = true, strides = array<i32>} : memref<1000x128xf32, #tpu.memory_space<vmem>>, vector<1x16xf32>,
      %eq3A_2393 = arith.constant 8 : i32
      %eq3A_2394 = vector.broadcast %eq3A_2393 : i32 to vector<16xi32>
      %eq3A_2395 = arith.cmpi eq, %iota3A_2024, %eq3A_2394 : vector<16xi32>
      %jit3A_2396 = arith.constant -1.000000e+00 : f32
      %jit3A_2397 = arith.constant 0.000000e+00 : f32
      %broadcast_in_dim3A_2398 = vector.broadcast %jit3A_2396 : f32 to vector<16xf32>
      %broadcast_in_dim3A_2399 = vector.broadcast %jit3A_2397 : f32 to vector<16xf32>
      %select_n3A_2400 = arith.select %eq3A_2395, %broadcast_in_dim3A_2398, %broadcast_in_dim3A_2399 : vector<16xi1>, vector<16xf32>
      %slice3A_2401 = vector.extract_strided_slice %get3A_2272 {offsets = [8], sizes = [1], strides = [1]} : vector<16xi32> to vector<1xi32>
      %squeeze3A_2402 = vector.extract %slice3A_2401[0] : i32 from vector<1xi32>
      %swap3A_2403 = arith.index_cast %squeeze3A_2402 : i32 to index
      %swap3A_2404 = arith.constant 16 : index
      %swap3A_2405 = tpu.vector_load %arg5[%swap3A_2403, %swap3A_2404] {strides = array<i32>} : memref<1000x128xf32, #tpu.memory_space<vmem>>, vector<1x16xf32>,
      %swap3A_2406 = vector.shape_cast %swap3A_2405 : vector<1x16xf32> to vector<16xf32>
      %swap3A_2407 = vector.shape_cast %select_n3A_2400 : vector<16xf32> to vector<1x16xf32>
      tpu.vector_store %arg5[%swap3A_2403, %swap3A_2404], %swap3A_2407 {add = true, strides = array<i32>} : memref<1000x128xf32, #tpu.memory_space<vmem>>, vector<1x16xf32>,
      %eq3A_2408 = arith.constant 9 : i32
      %eq3A_2409 = vector.broadcast %eq3A_2408 : i32 to vector<16xi32>
      %eq3A_2410 = arith.cmpi eq, %iota3A_2024, %eq3A_2409 : vector<16xi32>
      %jit3A_2411 = arith.constant -1.000000e+00 : f32
      %jit3A_2412 = arith.constant 0.000000e+00 : f32
      %broadcast_in_dim3A_2413 = vector.broadcast %jit3A_2411 : f32 to vector<16xf32>
      %broadcast_in_dim3A_2414 = vector.broadcast %jit3A_2412 : f32 to vector<16xf32>
      %select_n3A_2415 = arith.select %eq3A_2410, %broadcast_in_dim3A_2413, %broadcast_in_dim3A_2414 : vector<16xi1>, vector<16xf32>
      %slice3A_2416 = vector.extract_strided_slice %get3A_2272 {offsets = [9], sizes = [1], strides = [1]} : vector<16xi32> to vector<1xi32>
      %squeeze3A_2417 = vector.extract %slice3A_2416[0] : i32 from vector<1xi32>
      %swap3A_2418 = arith.index_cast %squeeze3A_2417 : i32 to index
      %swap3A_2419 = arith.constant 16 : index
      %swap3A_2420 = tpu.vector_load %arg5[%swap3A_2418, %swap3A_2419] {strides = array<i32>} : memref<1000x128xf32, #tpu.memory_space<vmem>>, vector<1x16xf32>,
      %swap3A_2421 = vector.shape_cast %swap3A_2420 : vector<1x16xf32> to vector<16xf32>
      %swap3A_2422 = vector.shape_cast %select_n3A_2415 : vector<16xf32> to vector<1x16xf32>
      tpu.vector_store %arg5[%swap3A_2418, %swap3A_2419], %swap3A_2422 {add = true, strides = array<i32>} : memref<1000x128xf32, #tpu.memory_space<vmem>>, vector<1x16xf32>,
      %eq3A_2423 = arith.constant 10 : i32
      %eq3A_2424 = vector.broadcast %eq3A_2423 : i32 to vector<16xi32>
      %eq3A_2425 = arith.cmpi eq, %iota3A_2024, %eq3A_2424 : vector<16xi32>
      %jit3A_2426 = arith.constant -1.000000e+00 : f32
      %jit3A_2427 = arith.constant 0.000000e+00 : f32
      %broadcast_in_dim3A_2428 = vector.broadcast %jit3A_2426 : f32 to vector<16xf32>
      %broadcast_in_dim3A_2429 = vector.broadcast %jit3A_2427 : f32 to vector<16xf32>
      %select_n3A_2430 = arith.select %eq3A_2425, %broadcast_in_dim3A_2428, %broadcast_in_dim3A_2429 : vector<16xi1>, vector<16xf32>
      %slice3A_2431 = vector.extract_strided_slice %get3A_2272 {offsets = [10], sizes = [1], strides = [1]} : vector<16xi32> to vector<1xi32>
      %squeeze3A_2432 = vector.extract %slice3A_2431[0] : i32 from vector<1xi32>
      %swap3A_2433 = arith.index_cast %squeeze3A_2432 : i32 to index
      %swap3A_2434 = arith.constant 16 : index
      %swap3A_2435 = tpu.vector_load %arg5[%swap3A_2433, %swap3A_2434] {strides = array<i32>} : memref<1000x128xf32, #tpu.memory_space<vmem>>, vector<1x16xf32>,
      %swap3A_2436 = vector.shape_cast %swap3A_2435 : vector<1x16xf32> to vector<16xf32>
      %swap3A_2437 = vector.shape_cast %select_n3A_2430 : vector<16xf32> to vector<1x16xf32>
      tpu.vector_store %arg5[%swap3A_2433, %swap3A_2434], %swap3A_2437 {add = true, strides = array<i32>} : memref<1000x128xf32, #tpu.memory_space<vmem>>, vector<1x16xf32>,
      %eq3A_2438 = arith.constant 11 : i32
      %eq3A_2439 = vector.broadcast %eq3A_2438 : i32 to vector<16xi32>
      %eq3A_2440 = arith.cmpi eq, %iota3A_2024, %eq3A_2439 : vector<16xi32>
      %jit3A_2441 = arith.constant -1.000000e+00 : f32
      %jit3A_2442 = arith.constant 0.000000e+00 : f32
      %broadcast_in_dim3A_2443 = vector.broadcast %jit3A_2441 : f32 to vector<16xf32>
      %broadcast_in_dim3A_2444 = vector.broadcast %jit3A_2442 : f32 to vector<16xf32>
      %select_n3A_2445 = arith.select %eq3A_2440, %broadcast_in_dim3A_2443, %broadcast_in_dim3A_2444 : vector<16xi1>, vector<16xf32>
      %slice3A_2446 = vector.extract_strided_slice %get3A_2272 {offsets = [11], sizes = [1], strides = [1]} : vector<16xi32> to vector<1xi32>
      %squeeze3A_2447 = vector.extract %slice3A_2446[0] : i32 from vector<1xi32>
      %swap3A_2448 = arith.index_cast %squeeze3A_2447 : i32 to index
      %swap3A_2449 = arith.constant 16 : index
      %swap3A_2450 = tpu.vector_load %arg5[%swap3A_2448, %swap3A_2449] {strides = array<i32>} : memref<1000x128xf32, #tpu.memory_space<vmem>>, vector<1x16xf32>,
      %swap3A_2451 = vector.shape_cast %swap3A_2450 : vector<1x16xf32> to vector<16xf32>
      %swap3A_2452 = vector.shape_cast %select_n3A_2445 : vector<16xf32> to vector<1x16xf32>
      tpu.vector_store %arg5[%swap3A_2448, %swap3A_2449], %swap3A_2452 {add = true, strides = array<i32>} : memref<1000x128xf32, #tpu.memory_space<vmem>>, vector<1x16xf32>,
      %eq3A_2453 = arith.constant 12 : i32
      %eq3A_2454 = vector.broadcast %eq3A_2453 : i32 to vector<16xi32>
      %eq3A_2455 = arith.cmpi eq, %iota3A_2024, %eq3A_2454 : vector<16xi32>
      %jit3A_2456 = arith.constant -1.000000e+00 : f32
      %jit3A_2457 = arith.constant 0.000000e+00 : f32
      %broadcast_in_dim3A_2458 = vector.broadcast %jit3A_2456 : f32 to vector<16xf32>
      %broadcast_in_dim3A_2459 = vector.broadcast %jit3A_2457 : f32 to vector<16xf32>
      %select_n3A_2460 = arith.select %eq3A_2455, %broadcast_in_dim3A_2458, %broadcast_in_dim3A_2459 : vector<16xi1>, vector<16xf32>
      %slice3A_2461 = vector.extract_strided_slice %get3A_2272 {offsets = [12], sizes = [1], strides = [1]} : vector<16xi32> to vector<1xi32>
      %squeeze3A_2462 = vector.extract %slice3A_2461[0] : i32 from vector<1xi32>
      %swap3A_2463 = arith.index_cast %squeeze3A_2462 : i32 to index
      %swap3A_2464 = arith.constant 16 : index
      %swap3A_2465 = tpu.vector_load %arg5[%swap3A_2463, %swap3A_2464] {strides = array<i32>} : memref<1000x128xf32, #tpu.memory_space<vmem>>, vector<1x16xf32>,
      %swap3A_2466 = vector.shape_cast %swap3A_2465 : vector<1x16xf32> to vector<16xf32>
      %swap3A_2467 = vector.shape_cast %select_n3A_2460 : vector<16xf32> to vector<1x16xf32>
      tpu.vector_store %arg5[%swap3A_2463, %swap3A_2464], %swap3A_2467 {add = true, strides = array<i32>} : memref<1000x128xf32, #tpu.memory_space<vmem>>, vector<1x16xf32>,
      %eq3A_2468 = arith.constant 13 : i32
      %eq3A_2469 = vector.broadcast %eq3A_2468 : i32 to vector<16xi32>
      %eq3A_2470 = arith.cmpi eq, %iota3A_2024, %eq3A_2469 : vector<16xi32>
      %jit3A_2471 = arith.constant -1.000000e+00 : f32
      %jit3A_2472 = arith.constant 0.000000e+00 : f32
      %broadcast_in_dim3A_2473 = vector.broadcast %jit3A_2471 : f32 to vector<16xf32>
      %broadcast_in_dim3A_2474 = vector.broadcast %jit3A_2472 : f32 to vector<16xf32>
      %select_n3A_2475 = arith.select %eq3A_2470, %broadcast_in_dim3A_2473, %broadcast_in_dim3A_2474 : vector<16xi1>, vector<16xf32>
      %slice3A_2476 = vector.extract_strided_slice %get3A_2272 {offsets = [13], sizes = [1], strides = [1]} : vector<16xi32> to vector<1xi32>
      %squeeze3A_2477 = vector.extract %slice3A_2476[0] : i32 from vector<1xi32>
      %swap3A_2478 = arith.index_cast %squeeze3A_2477 : i32 to index
      %swap3A_2479 = arith.constant 16 : index
      %swap3A_2480 = tpu.vector_load %arg5[%swap3A_2478, %swap3A_2479] {strides = array<i32>} : memref<1000x128xf32, #tpu.memory_space<vmem>>, vector<1x16xf32>,
      %swap3A_2481 = vector.shape_cast %swap3A_2480 : vector<1x16xf32> to vector<16xf32>
      %swap3A_2482 = vector.shape_cast %select_n3A_2475 : vector<16xf32> to vector<1x16xf32>
      tpu.vector_store %arg5[%swap3A_2478, %swap3A_2479], %swap3A_2482 {add = true, strides = array<i32>} : memref<1000x128xf32, #tpu.memory_space<vmem>>, vector<1x16xf32>,
      %eq3A_2483 = arith.constant 14 : i32
      %eq3A_2484 = vector.broadcast %eq3A_2483 : i32 to vector<16xi32>
      %eq3A_2485 = arith.cmpi eq, %iota3A_2024, %eq3A_2484 : vector<16xi32>
      %jit3A_2486 = arith.constant -1.000000e+00 : f32
      %jit3A_2487 = arith.constant 0.000000e+00 : f32
      %broadcast_in_dim3A_2488 = vector.broadcast %jit3A_2486 : f32 to vector<16xf32>
      %broadcast_in_dim3A_2489 = vector.broadcast %jit3A_2487 : f32 to vector<16xf32>
      %select_n3A_2490 = arith.select %eq3A_2485, %broadcast_in_dim3A_2488, %broadcast_in_dim3A_2489 : vector<16xi1>, vector<16xf32>
      %slice3A_2491 = vector.extract_strided_slice %get3A_2272 {offsets = [14], sizes = [1], strides = [1]} : vector<16xi32> to vector<1xi32>
      %squeeze3A_2492 = vector.extract %slice3A_2491[0] : i32 from vector<1xi32>
      %swap3A_2493 = arith.index_cast %squeeze3A_2492 : i32 to index
      %swap3A_2494 = arith.constant 16 : index
      %swap3A_2495 = tpu.vector_load %arg5[%swap3A_2493, %swap3A_2494] {strides = array<i32>} : memref<1000x128xf32, #tpu.memory_space<vmem>>, vector<1x16xf32>,
      %swap3A_2496 = vector.shape_cast %swap3A_2495 : vector<1x16xf32> to vector<16xf32>
      %swap3A_2497 = vector.shape_cast %select_n3A_2490 : vector<16xf32> to vector<1x16xf32>
      tpu.vector_store %arg5[%swap3A_2493, %swap3A_2494], %swap3A_2497 {add = true, strides = array<i32>} : memref<1000x128xf32, #tpu.memory_space<vmem>>, vector<1x16xf32>,
      %eq3A_2498 = arith.constant 15 : i32
      %eq3A_2499 = vector.broadcast %eq3A_2498 : i32 to vector<16xi32>
      %eq3A_2500 = arith.cmpi eq, %iota3A_2024, %eq3A_2499 : vector<16xi32>
      %jit3A_2501 = arith.constant -1.000000e+00 : f32
      %jit3A_2502 = arith.constant 0.000000e+00 : f32
      %broadcast_in_dim3A_2503 = vector.broadcast %jit3A_2501 : f32 to vector<16xf32>
      %broadcast_in_dim3A_2504 = vector.broadcast %jit3A_2502 : f32 to vector<16xf32>
      %select_n3A_2505 = arith.select %eq3A_2500, %broadcast_in_dim3A_2503, %broadcast_in_dim3A_2504 : vector<16xi1>, vector<16xf32>
      %slice3A_2506 = vector.extract_strided_slice %get3A_2272 {offsets = [15], sizes = [1], strides = [1]} : vector<16xi32> to vector<1xi32>
      %squeeze3A_2507 = vector.extract %slice3A_2506[0] : i32 from vector<1xi32>
      %swap3A_2508 = arith.index_cast %squeeze3A_2507 : i32 to index
      %swap3A_2509 = arith.constant 16 : index
      %swap3A_2510 = tpu.vector_load %arg5[%swap3A_2508, %swap3A_2509] {strides = array<i32>} : memref<1000x128xf32, #tpu.memory_space<vmem>>, vector<1x16xf32>,
      %swap3A_2511 = vector.shape_cast %swap3A_2510 : vector<1x16xf32> to vector<16xf32>
      %swap3A_2512 = vector.shape_cast %select_n3A_2505 : vector<16xf32> to vector<1x16xf32>
      tpu.vector_store %arg5[%swap3A_2508, %swap3A_2509], %swap3A_2512 {add = true, strides = array<i32>} : memref<1000x128xf32, #tpu.memory_space<vmem>>, vector<1x16xf32>,
      %get3A_2513 = arith.index_cast %select_n3A_2023 : i32 to index
      %get3A_2514 = arith.constant 32 : index
      %get3A_2515 = tpu.vector_load %arg4[%get3A_2513, %get3A_2514] {strides = array<i32>} : memref<2x128xi32, #tpu.memory_space<vmem>>, vector<1x16xi32>,
      %get3A_2516 = vector.shape_cast %get3A_2515 : vector<1x16xi32> to vector<16xi32>
      %eq3A_2517 = arith.constant 0 : i32
      %eq3A_2518 = vector.broadcast %eq3A_2517 : i32 to vector<16xi32>
      %eq3A_2519 = arith.cmpi eq, %iota3A_2024, %eq3A_2518 : vector<16xi32>
      %jit3A_2520 = arith.constant -1.000000e+00 : f32
      %jit3A_2521 = arith.constant 0.000000e+00 : f32
      %broadcast_in_dim3A_2522 = vector.broadcast %jit3A_2520 : f32 to vector<16xf32>
      %broadcast_in_dim3A_2523 = vector.broadcast %jit3A_2521 : f32 to vector<16xf32>
      %select_n3A_2524 = arith.select %eq3A_2519, %broadcast_in_dim3A_2522, %broadcast_in_dim3A_2523 : vector<16xi1>, vector<16xf32>
      %slice3A_2525 = vector.extract_strided_slice %get3A_2516 {offsets = [0], sizes = [1], strides = [1]} : vector<16xi32> to vector<1xi32>
      %squeeze3A_2526 = vector.extract %slice3A_2525[0] : i32 from vector<1xi32>
      %swap3A_2527 = arith.index_cast %squeeze3A_2526 : i32 to index
      %swap3A_2528 = arith.constant 32 : index
      %swap3A_2529 = tpu.vector_load %arg5[%swap3A_2527, %swap3A_2528] {strides = array<i32>} : memref<1000x128xf32, #tpu.memory_space<vmem>>, vector<1x16xf32>,
      %swap3A_2530 = vector.shape_cast %swap3A_2529 : vector<1x16xf32> to vector<16xf32>
      %swap3A_2531 = vector.shape_cast %select_n3A_2524 : vector<16xf32> to vector<1x16xf32>
      tpu.vector_store %arg5[%swap3A_2527, %swap3A_2528], %swap3A_2531 {add = true, strides = array<i32>} : memref<1000x128xf32, #tpu.memory_space<vmem>>, vector<1x16xf32>,
      %eq3A_2532 = arith.constant 1 : i32
      %eq3A_2533 = vector.broadcast %eq3A_2532 : i32 to vector<16xi32>
      %eq3A_2534 = arith.cmpi eq, %iota3A_2024, %eq3A_2533 : vector<16xi32>
      %jit3A_2535 = arith.constant -1.000000e+00 : f32
      %jit3A_2536 = arith.constant 0.000000e+00 : f32
      %broadcast_in_dim3A_2537 = vector.broadcast %jit3A_2535 : f32 to vector<16xf32>
      %broadcast_in_dim3A_2538 = vector.broadcast %jit3A_2536 : f32 to vector<16xf32>
      %select_n3A_2539 = arith.select %eq3A_2534, %broadcast_in_dim3A_2537, %broadcast_in_dim3A_2538 : vector<16xi1>, vector<16xf32>
      %slice3A_2540 = vector.extract_strided_slice %get3A_2516 {offsets = [1], sizes = [1], strides = [1]} : vector<16xi32> to vector<1xi32>
      %squeeze3A_2541 = vector.extract %slice3A_2540[0] : i32 from vector<1xi32>
      %swap3A_2542 = arith.index_cast %squeeze3A_2541 : i32 to index
      %swap3A_2543 = arith.constant 32 : index
      %swap3A_2544 = tpu.vector_load %arg5[%swap3A_2542, %swap3A_2543] {strides = array<i32>} : memref<1000x128xf32, #tpu.memory_space<vmem>>, vector<1x16xf32>,
      %swap3A_2545 = vector.shape_cast %swap3A_2544 : vector<1x16xf32> to vector<16xf32>
      %swap3A_2546 = vector.shape_cast %select_n3A_2539 : vector<16xf32> to vector<1x16xf32>
      tpu.vector_store %arg5[%swap3A_2542, %swap3A_2543], %swap3A_2546 {add = true, strides = array<i32>} : memref<1000x128xf32, #tpu.memory_space<vmem>>, vector<1x16xf32>,
      %eq3A_2547 = arith.constant 2 : i32
      %eq3A_2548 = vector.broadcast %eq3A_2547 : i32 to vector<16xi32>
      %eq3A_2549 = arith.cmpi eq, %iota3A_2024, %eq3A_2548 : vector<16xi32>
      %jit3A_2550 = arith.constant -1.000000e+00 : f32
      %jit3A_2551 = arith.constant 0.000000e+00 : f32
      %broadcast_in_dim3A_2552 = vector.broadcast %jit3A_2550 : f32 to vector<16xf32>
      %broadcast_in_dim3A_2553 = vector.broadcast %jit3A_2551 : f32 to vector<16xf32>
      %select_n3A_2554 = arith.select %eq3A_2549, %broadcast_in_dim3A_2552, %broadcast_in_dim3A_2553 : vector<16xi1>, vector<16xf32>
      %slice3A_2555 = vector.extract_strided_slice %get3A_2516 {offsets = [2], sizes = [1], strides = [1]} : vector<16xi32> to vector<1xi32>
      %squeeze3A_2556 = vector.extract %slice3A_2555[0] : i32 from vector<1xi32>
      %swap3A_2557 = arith.index_cast %squeeze3A_2556 : i32 to index
      %swap3A_2558 = arith.constant 32 : index
      %swap3A_2559 = tpu.vector_load %arg5[%swap3A_2557, %swap3A_2558] {strides = array<i32>} : memref<1000x128xf32, #tpu.memory_space<vmem>>, vector<1x16xf32>,
      %swap3A_2560 = vector.shape_cast %swap3A_2559 : vector<1x16xf32> to vector<16xf32>
      %swap3A_2561 = vector.shape_cast %select_n3A_2554 : vector<16xf32> to vector<1x16xf32>
      tpu.vector_store %arg5[%swap3A_2557, %swap3A_2558], %swap3A_2561 {add = true, strides = array<i32>} : memref<1000x128xf32, #tpu.memory_space<vmem>>, vector<1x16xf32>,
      %eq3A_2562 = arith.constant 3 : i32
      %eq3A_2563 = vector.broadcast %eq3A_2562 : i32 to vector<16xi32>
      %eq3A_2564 = arith.cmpi eq, %iota3A_2024, %eq3A_2563 : vector<16xi32>
      %jit3A_2565 = arith.constant -1.000000e+00 : f32
      %jit3A_2566 = arith.constant 0.000000e+00 : f32
      %broadcast_in_dim3A_2567 = vector.broadcast %jit3A_2565 : f32 to vector<16xf32>
      %broadcast_in_dim3A_2568 = vector.broadcast %jit3A_2566 : f32 to vector<16xf32>
      %select_n3A_2569 = arith.select %eq3A_2564, %broadcast_in_dim3A_2567, %broadcast_in_dim3A_2568 : vector<16xi1>, vector<16xf32>
      %slice3A_2570 = vector.extract_strided_slice %get3A_2516 {offsets = [3], sizes = [1], strides = [1]} : vector<16xi32> to vector<1xi32>
      %squeeze3A_2571 = vector.extract %slice3A_2570[0] : i32 from vector<1xi32>
      %swap3A_2572 = arith.index_cast %squeeze3A_2571 : i32 to index
      %swap3A_2573 = arith.constant 32 : index
      %swap3A_2574 = tpu.vector_load %arg5[%swap3A_2572, %swap3A_2573] {strides = array<i32>} : memref<1000x128xf32, #tpu.memory_space<vmem>>, vector<1x16xf32>,
      %swap3A_2575 = vector.shape_cast %swap3A_2574 : vector<1x16xf32> to vector<16xf32>
      %swap3A_2576 = vector.shape_cast %select_n3A_2569 : vector<16xf32> to vector<1x16xf32>
      tpu.vector_store %arg5[%swap3A_2572, %swap3A_2573], %swap3A_2576 {add = true, strides = array<i32>} : memref<1000x128xf32, #tpu.memory_space<vmem>>, vector<1x16xf32>,
      %eq3A_2577 = arith.constant 4 : i32
      %eq3A_2578 = vector.broadcast %eq3A_2577 : i32 to vector<16xi32>
      %eq3A_2579 = arith.cmpi eq, %iota3A_2024, %eq3A_2578 : vector<16xi32>
      %jit3A_2580 = arith.constant -1.000000e+00 : f32
      %jit3A_2581 = arith.constant 0.000000e+00 : f32
      %broadcast_in_dim3A_2582 = vector.broadcast %jit3A_2580 : f32 to vector<16xf32>
      %broadcast_in_dim3A_2583 = vector.broadcast %jit3A_2581 : f32 to vector<16xf32>
      %select_n3A_2584 = arith.select %eq3A_2579, %broadcast_in_dim3A_2582, %broadcast_in_dim3A_2583 : vector<16xi1>, vector<16xf32>
      %slice3A_2585 = vector.extract_strided_slice %get3A_2516 {offsets = [4], sizes = [1], strides = [1]} : vector<16xi32> to vector<1xi32>
      %squeeze3A_2586 = vector.extract %slice3A_2585[0] : i32 from vector<1xi32>
      %swap3A_2587 = arith.index_cast %squeeze3A_2586 : i32 to index
      %swap3A_2588 = arith.constant 32 : index
      %swap3A_2589 = tpu.vector_load %arg5[%swap3A_2587, %swap3A_2588] {strides = array<i32>} : memref<1000x128xf32, #tpu.memory_space<vmem>>, vector<1x16xf32>,
      %swap3A_2590 = vector.shape_cast %swap3A_2589 : vector<1x16xf32> to vector<16xf32>
      %swap3A_2591 = vector.shape_cast %select_n3A_2584 : vector<16xf32> to vector<1x16xf32>
      tpu.vector_store %arg5[%swap3A_2587, %swap3A_2588], %swap3A_2591 {add = true, strides = array<i32>} : memref<1000x128xf32, #tpu.memory_space<vmem>>, vector<1x16xf32>,
      %eq3A_2592 = arith.constant 5 : i32
      %eq3A_2593 = vector.broadcast %eq3A_2592 : i32 to vector<16xi32>
      %eq3A_2594 = arith.cmpi eq, %iota3A_2024, %eq3A_2593 : vector<16xi32>
      %jit3A_2595 = arith.constant -1.000000e+00 : f32
      %jit3A_2596 = arith.constant 0.000000e+00 : f32
      %broadcast_in_dim3A_2597 = vector.broadcast %jit3A_2595 : f32 to vector<16xf32>
      %broadcast_in_dim3A_2598 = vector.broadcast %jit3A_2596 : f32 to vector<16xf32>
      %select_n3A_2599 = arith.select %eq3A_2594, %broadcast_in_dim3A_2597, %broadcast_in_dim3A_2598 : vector<16xi1>, vector<16xf32>
      %slice3A_2600 = vector.extract_strided_slice %get3A_2516 {offsets = [5], sizes = [1], strides = [1]} : vector<16xi32> to vector<1xi32>
      %squeeze3A_2601 = vector.extract %slice3A_2600[0] : i32 from vector<1xi32>
      %swap3A_2602 = arith.index_cast %squeeze3A_2601 : i32 to index
      %swap3A_2603 = arith.constant 32 : index
      %swap3A_2604 = tpu.vector_load %arg5[%swap3A_2602, %swap3A_2603] {strides = array<i32>} : memref<1000x128xf32, #tpu.memory_space<vmem>>, vector<1x16xf32>,
      %swap3A_2605 = vector.shape_cast %swap3A_2604 : vector<1x16xf32> to vector<16xf32>
      %swap3A_2606 = vector.shape_cast %select_n3A_2599 : vector<16xf32> to vector<1x16xf32>
      tpu.vector_store %arg5[%swap3A_2602, %swap3A_2603], %swap3A_2606 {add = true, strides = array<i32>} : memref<1000x128xf32, #tpu.memory_space<vmem>>, vector<1x16xf32>,
      %eq3A_2607 = arith.constant 6 : i32
      %eq3A_2608 = vector.broadcast %eq3A_2607 : i32 to vector<16xi32>
      %eq3A_2609 = arith.cmpi eq, %iota3A_2024, %eq3A_2608 : vector<16xi32>
      %jit3A_2610 = arith.constant -1.000000e+00 : f32
      %jit3A_2611 = arith.constant 0.000000e+00 : f32
      %broadcast_in_dim3A_2612 = vector.broadcast %jit3A_2610 : f32 to vector<16xf32>
      %broadcast_in_dim3A_2613 = vector.broadcast %jit3A_2611 : f32 to vector<16xf32>
      %select_n3A_2614 = arith.select %eq3A_2609, %broadcast_in_dim3A_2612, %broadcast_in_dim3A_2613 : vector<16xi1>, vector<16xf32>
      %slice3A_2615 = vector.extract_strided_slice %get3A_2516 {offsets = [6], sizes = [1], strides = [1]} : vector<16xi32> to vector<1xi32>
      %squeeze3A_2616 = vector.extract %slice3A_2615[0] : i32 from vector<1xi32>
      %swap3A_2617 = arith.index_cast %squeeze3A_2616 : i32 to index
      %swap3A_2618 = arith.constant 32 : index
      %swap3A_2619 = tpu.vector_load %arg5[%swap3A_2617, %swap3A_2618] {strides = array<i32>} : memref<1000x128xf32, #tpu.memory_space<vmem>>, vector<1x16xf32>,
      %swap3A_2620 = vector.shape_cast %swap3A_2619 : vector<1x16xf32> to vector<16xf32>
      %swap3A_2621 = vector.shape_cast %select_n3A_2614 : vector<16xf32> to vector<1x16xf32>
      tpu.vector_store %arg5[%swap3A_2617, %swap3A_2618], %swap3A_2621 {add = true, strides = array<i32>} : memref<1000x128xf32, #tpu.memory_space<vmem>>, vector<1x16xf32>,
      %eq3A_2622 = arith.constant 7 : i32
      %eq3A_2623 = vector.broadcast %eq3A_2622 : i32 to vector<16xi32>
      %eq3A_2624 = arith.cmpi eq, %iota3A_2024, %eq3A_2623 : vector<16xi32>
      %jit3A_2625 = arith.constant -1.000000e+00 : f32
      %jit3A_2626 = arith.constant 0.000000e+00 : f32
      %broadcast_in_dim3A_2627 = vector.broadcast %jit3A_2625 : f32 to vector<16xf32>
      %broadcast_in_dim3A_2628 = vector.broadcast %jit3A_2626 : f32 to vector<16xf32>
      %select_n3A_2629 = arith.select %eq3A_2624, %broadcast_in_dim3A_2627, %broadcast_in_dim3A_2628 : vector<16xi1>, vector<16xf32>
      %slice3A_2630 = vector.extract_strided_slice %get3A_2516 {offsets = [7], sizes = [1], strides = [1]} : vector<16xi32> to vector<1xi32>
      %squeeze3A_2631 = vector.extract %slice3A_2630[0] : i32 from vector<1xi32>
      %swap3A_2632 = arith.index_cast %squeeze3A_2631 : i32 to index
      %swap3A_2633 = arith.constant 32 : index
      %swap3A_2634 = tpu.vector_load %arg5[%swap3A_2632, %swap3A_2633] {strides = array<i32>} : memref<1000x128xf32, #tpu.memory_space<vmem>>, vector<1x16xf32>,
      %swap3A_2635 = vector.shape_cast %swap3A_2634 : vector<1x16xf32> to vector<16xf32>
      %swap3A_2636 = vector.shape_cast %select_n3A_2629 : vector<16xf32> to vector<1x16xf32>
      tpu.vector_store %arg5[%swap3A_2632, %swap3A_2633], %swap3A_2636 {add = true, strides = array<i32>} : memref<1000x128xf32, #tpu.memory_space<vmem>>, vector<1x16xf32>,
      %eq3A_2637 = arith.constant 8 : i32
      %eq3A_2638 = vector.broadcast %eq3A_2637 : i32 to vector<16xi32>
      %eq3A_2639 = arith.cmpi eq, %iota3A_2024, %eq3A_2638 : vector<16xi32>
      %jit3A_2640 = arith.constant -1.000000e+00 : f32
      %jit3A_2641 = arith.constant 0.000000e+00 : f32
      %broadcast_in_dim3A_2642 = vector.broadcast %jit3A_2640 : f32 to vector<16xf32>
      %broadcast_in_dim3A_2643 = vector.broadcast %jit3A_2641 : f32 to vector<16xf32>
      %select_n3A_2644 = arith.select %eq3A_2639, %broadcast_in_dim3A_2642, %broadcast_in_dim3A_2643 : vector<16xi1>, vector<16xf32>
      %slice3A_2645 = vector.extract_strided_slice %get3A_2516 {offsets = [8], sizes = [1], strides = [1]} : vector<16xi32> to vector<1xi32>
      %squeeze3A_2646 = vector.extract %slice3A_2645[0] : i32 from vector<1xi32>
      %swap3A_2647 = arith.index_cast %squeeze3A_2646 : i32 to index
      %swap3A_2648 = arith.constant 32 : index
      %swap3A_2649 = tpu.vector_load %arg5[%swap3A_2647, %swap3A_2648] {strides = array<i32>} : memref<1000x128xf32, #tpu.memory_space<vmem>>, vector<1x16xf32>,
      %swap3A_2650 = vector.shape_cast %swap3A_2649 : vector<1x16xf32> to vector<16xf32>
      %swap3A_2651 = vector.shape_cast %select_n3A_2644 : vector<16xf32> to vector<1x16xf32>
      tpu.vector_store %arg5[%swap3A_2647, %swap3A_2648], %swap3A_2651 {add = true, strides = array<i32>} : memref<1000x128xf32, #tpu.memory_space<vmem>>, vector<1x16xf32>,
      %eq3A_2652 = arith.constant 9 : i32
      %eq3A_2653 = vector.broadcast %eq3A_2652 : i32 to vector<16xi32>
      %eq3A_2654 = arith.cmpi eq, %iota3A_2024, %eq3A_2653 : vector<16xi32>
      %jit3A_2655 = arith.constant -1.000000e+00 : f32
      %jit3A_2656 = arith.constant 0.000000e+00 : f32
      %broadcast_in_dim3A_2657 = vector.broadcast %jit3A_2655 : f32 to vector<16xf32>
      %broadcast_in_dim3A_2658 = vector.broadcast %jit3A_2656 : f32 to vector<16xf32>
      %select_n3A_2659 = arith.select %eq3A_2654, %broadcast_in_dim3A_2657, %broadcast_in_dim3A_2658 : vector<16xi1>, vector<16xf32>
      %slice3A_2660 = vector.extract_strided_slice %get3A_2516 {offsets = [9], sizes = [1], strides = [1]} : vector<16xi32> to vector<1xi32>
      %squeeze3A_2661 = vector.extract %slice3A_2660[0] : i32 from vector<1xi32>
      %swap3A_2662 = arith.index_cast %squeeze3A_2661 : i32 to index
      %swap3A_2663 = arith.constant 32 : index
      %swap3A_2664 = tpu.vector_load %arg5[%swap3A_2662, %swap3A_2663] {strides = array<i32>} : memref<1000x128xf32, #tpu.memory_space<vmem>>, vector<1x16xf32>,
      %swap3A_2665 = vector.shape_cast %swap3A_2664 : vector<1x16xf32> to vector<16xf32>
      %swap3A_2666 = vector.shape_cast %select_n3A_2659 : vector<16xf32> to vector<1x16xf32>
      tpu.vector_store %arg5[%swap3A_2662, %swap3A_2663], %swap3A_2666 {add = true, strides = array<i32>} : memref<1000x128xf32, #tpu.memory_space<vmem>>, vector<1x16xf32>,
      %eq3A_2667 = arith.constant 10 : i32
      %eq3A_2668 = vector.broadcast %eq3A_2667 : i32 to vector<16xi32>
      %eq3A_2669 = arith.cmpi eq, %iota3A_2024, %eq3A_2668 : vector<16xi32>
      %jit3A_2670 = arith.constant -1.000000e+00 : f32
      %jit3A_2671 = arith.constant 0.000000e+00 : f32
      %broadcast_in_dim3A_2672 = vector.broadcast %jit3A_2670 : f32 to vector<16xf32>
      %broadcast_in_dim3A_2673 = vector.broadcast %jit3A_2671 : f32 to vector<16xf32>
      %select_n3A_2674 = arith.select %eq3A_2669, %broadcast_in_dim3A_2672, %broadcast_in_dim3A_2673 : vector<16xi1>, vector<16xf32>
      %slice3A_2675 = vector.extract_strided_slice %get3A_2516 {offsets = [10], sizes = [1], strides = [1]} : vector<16xi32> to vector<1xi32>
      %squeeze3A_2676 = vector.extract %slice3A_2675[0] : i32 from vector<1xi32>
      %swap3A_2677 = arith.index_cast %squeeze3A_2676 : i32 to index
      %swap3A_2678 = arith.constant 32 : index
      %swap3A_2679 = tpu.vector_load %arg5[%swap3A_2677, %swap3A_2678] {strides = array<i32>} : memref<1000x128xf32, #tpu.memory_space<vmem>>, vector<1x16xf32>,
      %swap3A_2680 = vector.shape_cast %swap3A_2679 : vector<1x16xf32> to vector<16xf32>
      %swap3A_2681 = vector.shape_cast %select_n3A_2674 : vector<16xf32> to vector<1x16xf32>
      tpu.vector_store %arg5[%swap3A_2677, %swap3A_2678], %swap3A_2681 {add = true, strides = array<i32>} : memref<1000x128xf32, #tpu.memory_space<vmem>>, vector<1x16xf32>,
      %eq3A_2682 = arith.constant 11 : i32
      %eq3A_2683 = vector.broadcast %eq3A_2682 : i32 to vector<16xi32>
      %eq3A_2684 = arith.cmpi eq, %iota3A_2024, %eq3A_2683 : vector<16xi32>
      %jit3A_2685 = arith.constant -1.000000e+00 : f32
      %jit3A_2686 = arith.constant 0.000000e+00 : f32
      %broadcast_in_dim3A_2687 = vector.broadcast %jit3A_2685 : f32 to vector<16xf32>
      %broadcast_in_dim3A_2688 = vector.broadcast %jit3A_2686 : f32 to vector<16xf32>
      %select_n3A_2689 = arith.select %eq3A_2684, %broadcast_in_dim3A_2687, %broadcast_in_dim3A_2688 : vector<16xi1>, vector<16xf32>
      %slice3A_2690 = vector.extract_strided_slice %get3A_2516 {offsets = [11], sizes = [1], strides = [1]} : vector<16xi32> to vector<1xi32>
      %squeeze3A_2691 = vector.extract %slice3A_2690[0] : i32 from vector<1xi32>
      %swap3A_2692 = arith.index_cast %squeeze3A_2691 : i32 to index
      %swap3A_2693 = arith.constant 32 : index
      %swap3A_2694 = tpu.vector_load %arg5[%swap3A_2692, %swap3A_2693] {strides = array<i32>} : memref<1000x128xf32, #tpu.memory_space<vmem>>, vector<1x16xf32>,
      %swap3A_2695 = vector.shape_cast %swap3A_2694 : vector<1x16xf32> to vector<16xf32>
      %swap3A_2696 = vector.shape_cast %select_n3A_2689 : vector<16xf32> to vector<1x16xf32>
      tpu.vector_store %arg5[%swap3A_2692, %swap3A_2693], %swap3A_2696 {add = true, strides = array<i32>} : memref<1000x128xf32, #tpu.memory_space<vmem>>, vector<1x16xf32>,
      %eq3A_2697 = arith.constant 12 : i32
      %eq3A_2698 = vector.broadcast %eq3A_2697 : i32 to vector<16xi32>
      %eq3A_2699 = arith.cmpi eq, %iota3A_2024, %eq3A_2698 : vector<16xi32>
      %jit3A_2700 = arith.constant -1.000000e+00 : f32
      %jit3A_2701 = arith.constant 0.000000e+00 : f32
      %broadcast_in_dim3A_2702 = vector.broadcast %jit3A_2700 : f32 to vector<16xf32>
      %broadcast_in_dim3A_2703 = vector.broadcast %jit3A_2701 : f32 to vector<16xf32>
      %select_n3A_2704 = arith.select %eq3A_2699, %broadcast_in_dim3A_2702, %broadcast_in_dim3A_2703 : vector<16xi1>, vector<16xf32>
      %slice3A_2705 = vector.extract_strided_slice %get3A_2516 {offsets = [12], sizes = [1], strides = [1]} : vector<16xi32> to vector<1xi32>
      %squeeze3A_2706 = vector.extract %slice3A_2705[0] : i32 from vector<1xi32>
      %swap3A_2707 = arith.index_cast %squeeze3A_2706 : i32 to index
      %swap3A_2708 = arith.constant 32 : index
      %swap3A_2709 = tpu.vector_load %arg5[%swap3A_2707, %swap3A_2708] {strides = array<i32>} : memref<1000x128xf32, #tpu.memory_space<vmem>>, vector<1x16xf32>,
      %swap3A_2710 = vector.shape_cast %swap3A_2709 : vector<1x16xf32> to vector<16xf32>
      %swap3A_2711 = vector.shape_cast %select_n3A_2704 : vector<16xf32> to vector<1x16xf32>
      tpu.vector_store %arg5[%swap3A_2707, %swap3A_2708], %swap3A_2711 {add = true, strides = array<i32>} : memref<1000x128xf32, #tpu.memory_space<vmem>>, vector<1x16xf32>,
      %eq3A_2712 = arith.constant 13 : i32
      %eq3A_2713 = vector.broadcast %eq3A_2712 : i32 to vector<16xi32>
      %eq3A_2714 = arith.cmpi eq, %iota3A_2024, %eq3A_2713 : vector<16xi32>
      %jit3A_2715 = arith.constant -1.000000e+00 : f32
      %jit3A_2716 = arith.constant 0.000000e+00 : f32
      %broadcast_in_dim3A_2717 = vector.broadcast %jit3A_2715 : f32 to vector<16xf32>
      %broadcast_in_dim3A_2718 = vector.broadcast %jit3A_2716 : f32 to vector<16xf32>
      %select_n3A_2719 = arith.select %eq3A_2714, %broadcast_in_dim3A_2717, %broadcast_in_dim3A_2718 : vector<16xi1>, vector<16xf32>
      %slice3A_2720 = vector.extract_strided_slice %get3A_2516 {offsets = [13], sizes = [1], strides = [1]} : vector<16xi32> to vector<1xi32>
      %squeeze3A_2721 = vector.extract %slice3A_2720[0] : i32 from vector<1xi32>
      %swap3A_2722 = arith.index_cast %squeeze3A_2721 : i32 to index
      %swap3A_2723 = arith.constant 32 : index
      %swap3A_2724 = tpu.vector_load %arg5[%swap3A_2722, %swap3A_2723] {strides = array<i32>} : memref<1000x128xf32, #tpu.memory_space<vmem>>, vector<1x16xf32>,
      %swap3A_2725 = vector.shape_cast %swap3A_2724 : vector<1x16xf32> to vector<16xf32>
      %swap3A_2726 = vector.shape_cast %select_n3A_2719 : vector<16xf32> to vector<1x16xf32>
      tpu.vector_store %arg5[%swap3A_2722, %swap3A_2723], %swap3A_2726 {add = true, strides = array<i32>} : memref<1000x128xf32, #tpu.memory_space<vmem>>, vector<1x16xf32>,
      %eq3A_2727 = arith.constant 14 : i32
      %eq3A_2728 = vector.broadcast %eq3A_2727 : i32 to vector<16xi32>
      %eq3A_2729 = arith.cmpi eq, %iota3A_2024, %eq3A_2728 : vector<16xi32>
      %jit3A_2730 = arith.constant -1.000000e+00 : f32
      %jit3A_2731 = arith.constant 0.000000e+00 : f32
      %broadcast_in_dim3A_2732 = vector.broadcast %jit3A_2730 : f32 to vector<16xf32>
      %broadcast_in_dim3A_2733 = vector.broadcast %jit3A_2731 : f32 to vector<16xf32>
      %select_n3A_2734 = arith.select %eq3A_2729, %broadcast_in_dim3A_2732, %broadcast_in_dim3A_2733 : vector<16xi1>, vector<16xf32>
      %slice3A_2735 = vector.extract_strided_slice %get3A_2516 {offsets = [14], sizes = [1], strides = [1]} : vector<16xi32> to vector<1xi32>
      %squeeze3A_2736 = vector.extract %slice3A_2735[0] : i32 from vector<1xi32>
      %swap3A_2737 = arith.index_cast %squeeze3A_2736 : i32 to index
      %swap3A_2738 = arith.constant 32 : index
      %swap3A_2739 = tpu.vector_load %arg5[%swap3A_2737, %swap3A_2738] {strides = array<i32>} : memref<1000x128xf32, #tpu.memory_space<vmem>>, vector<1x16xf32>,
      %swap3A_2740 = vector.shape_cast %swap3A_2739 : vector<1x16xf32> to vector<16xf32>
      %swap3A_2741 = vector.shape_cast %select_n3A_2734 : vector<16xf32> to vector<1x16xf32>
      tpu.vector_store %arg5[%swap3A_2737, %swap3A_2738], %swap3A_2741 {add = true, strides = array<i32>} : memref<1000x128xf32, #tpu.memory_space<vmem>>, vector<1x16xf32>,
      %eq3A_2742 = arith.constant 15 : i32
      %eq3A_2743 = vector.broadcast %eq3A_2742 : i32 to vector<16xi32>
      %eq3A_2744 = arith.cmpi eq, %iota3A_2024, %eq3A_2743 : vector<16xi32>
      %jit3A_2745 = arith.constant -1.000000e+00 : f32
      %jit3A_2746 = arith.constant 0.000000e+00 : f32
      %broadcast_in_dim3A_2747 = vector.broadcast %jit3A_2745 : f32 to vector<16xf32>
      %broadcast_in_dim3A_2748 = vector.broadcast %jit3A_2746 : f32 to vector<16xf32>
      %select_n3A_2749 = arith.select %eq3A_2744, %broadcast_in_dim3A_2747, %broadcast_in_dim3A_2748 : vector<16xi1>, vector<16xf32>
      %slice3A_2750 = vector.extract_strided_slice %get3A_2516 {offsets = [15], sizes = [1], strides = [1]} : vector<16xi32> to vector<1xi32>
      %squeeze3A_2751 = vector.extract %slice3A_2750[0] : i32 from vector<1xi32>
      %swap3A_2752 = arith.index_cast %squeeze3A_2751 : i32 to index
      %swap3A_2753 = arith.constant 32 : index
      %swap3A_2754 = tpu.vector_load %arg5[%swap3A_2752, %swap3A_2753] {strides = array<i32>} : memref<1000x128xf32, #tpu.memory_space<vmem>>, vector<1x16xf32>,
      %swap3A_2755 = vector.shape_cast %swap3A_2754 : vector<1x16xf32> to vector<16xf32>
      %swap3A_2756 = vector.shape_cast %select_n3A_2749 : vector<16xf32> to vector<1x16xf32>
      tpu.vector_store %arg5[%swap3A_2752, %swap3A_2753], %swap3A_2756 {add = true, strides = array<i32>} : memref<1000x128xf32, #tpu.memory_space<vmem>>, vector<1x16xf32>,
      %get3A_2757 = arith.index_cast %select_n3A_2023 : i32 to index
      %get3A_2758 = arith.constant 48 : index
      %get3A_2759 = tpu.vector_load %arg4[%get3A_2757, %get3A_2758] {strides = array<i32>} : memref<2x128xi32, #tpu.memory_space<vmem>>, vector<1x16xi32>,
      %get3A_2760 = vector.shape_cast %get3A_2759 : vector<1x16xi32> to vector<16xi32>
      %eq3A_2761 = arith.constant 0 : i32
      %eq3A_2762 = vector.broadcast %eq3A_2761 : i32 to vector<16xi32>
      %eq3A_2763 = arith.cmpi eq, %iota3A_2024, %eq3A_2762 : vector<16xi32>
      %jit3A_2764 = arith.constant -1.000000e+00 : f32
      %jit3A_2765 = arith.constant 0.000000e+00 : f32
      %broadcast_in_dim3A_2766 = vector.broadcast %jit3A_2764 : f32 to vector<16xf32>
      %broadcast_in_dim3A_2767 = vector.broadcast %jit3A_2765 : f32 to vector<16xf32>
      %select_n3A_2768 = arith.select %eq3A_2763, %broadcast_in_dim3A_2766, %broadcast_in_dim3A_2767 : vector<16xi1>, vector<16xf32>
      %slice3A_2769 = vector.extract_strided_slice %get3A_2760 {offsets = [0], sizes = [1], strides = [1]} : vector<16xi32> to vector<1xi32>
      %squeeze3A_2770 = vector.extract %slice3A_2769[0] : i32 from vector<1xi32>
      %swap3A_2771 = arith.index_cast %squeeze3A_2770 : i32 to index
      %swap3A_2772 = arith.constant 48 : index
      %swap3A_2773 = tpu.vector_load %arg5[%swap3A_2771, %swap3A_2772] {strides = array<i32>} : memref<1000x128xf32, #tpu.memory_space<vmem>>, vector<1x16xf32>,
      %swap3A_2774 = vector.shape_cast %swap3A_2773 : vector<1x16xf32> to vector<16xf32>
      %swap3A_2775 = vector.shape_cast %select_n3A_2768 : vector<16xf32> to vector<1x16xf32>
      tpu.vector_store %arg5[%swap3A_2771, %swap3A_2772], %swap3A_2775 {add = true, strides = array<i32>} : memref<1000x128xf32, #tpu.memory_space<vmem>>, vector<1x16xf32>,
      %eq3A_2776 = arith.constant 1 : i32
      %eq3A_2777 = vector.broadcast %eq3A_2776 : i32 to vector<16xi32>
      %eq3A_2778 = arith.cmpi eq, %iota3A_2024, %eq3A_2777 : vector<16xi32>
      %jit3A_2779 = arith.constant -1.000000e+00 : f32
      %jit3A_2780 = arith.constant 0.000000e+00 : f32
      %broadcast_in_dim3A_2781 = vector.broadcast %jit3A_2779 : f32 to vector<16xf32>
      %broadcast_in_dim3A_2782 = vector.broadcast %jit3A_2780 : f32 to vector<16xf32>
      %select_n3A_2783 = arith.select %eq3A_2778, %broadcast_in_dim3A_2781, %broadcast_in_dim3A_2782 : vector<16xi1>, vector<16xf32>
      %slice3A_2784 = vector.extract_strided_slice %get3A_2760 {offsets = [1], sizes = [1], strides = [1]} : vector<16xi32> to vector<1xi32>
      %squeeze3A_2785 = vector.extract %slice3A_2784[0] : i32 from vector<1xi32>
      %swap3A_2786 = arith.index_cast %squeeze3A_2785 : i32 to index
      %swap3A_2787 = arith.constant 48 : index
      %swap3A_2788 = tpu.vector_load %arg5[%swap3A_2786, %swap3A_2787] {strides = array<i32>} : memref<1000x128xf32, #tpu.memory_space<vmem>>, vector<1x16xf32>,
      %swap3A_2789 = vector.shape_cast %swap3A_2788 : vector<1x16xf32> to vector<16xf32>
      %swap3A_2790 = vector.shape_cast %select_n3A_2783 : vector<16xf32> to vector<1x16xf32>
      tpu.vector_store %arg5[%swap3A_2786, %swap3A_2787], %swap3A_2790 {add = true, strides = array<i32>} : memref<1000x128xf32, #tpu.memory_space<vmem>>, vector<1x16xf32>,
      %eq3A_2791 = arith.constant 2 : i32
      %eq3A_2792 = vector.broadcast %eq3A_2791 : i32 to vector<16xi32>
      %eq3A_2793 = arith.cmpi eq, %iota3A_2024, %eq3A_2792 : vector<16xi32>
      %jit3A_2794 = arith.constant -1.000000e+00 : f32
      %jit3A_2795 = arith.constant 0.000000e+00 : f32
      %broadcast_in_dim3A_2796 = vector.broadcast %jit3A_2794 : f32 to vector<16xf32>
      %broadcast_in_dim3A_2797 = vector.broadcast %jit3A_2795 : f32 to vector<16xf32>
      %select_n3A_2798 = arith.select %eq3A_2793, %broadcast_in_dim3A_2796, %broadcast_in_dim3A_2797 : vector<16xi1>, vector<16xf32>
      %slice3A_2799 = vector.extract_strided_slice %get3A_2760 {offsets = [2], sizes = [1], strides = [1]} : vector<16xi32> to vector<1xi32>
      %squeeze3A_2800 = vector.extract %slice3A_2799[0] : i32 from vector<1xi32>
      %swap3A_2801 = arith.index_cast %squeeze3A_2800 : i32 to index
      %swap3A_2802 = arith.constant 48 : index
      %swap3A_2803 = tpu.vector_load %arg5[%swap3A_2801, %swap3A_2802] {strides = array<i32>} : memref<1000x128xf32, #tpu.memory_space<vmem>>, vector<1x16xf32>,
      %swap3A_2804 = vector.shape_cast %swap3A_2803 : vector<1x16xf32> to vector<16xf32>
      %swap3A_2805 = vector.shape_cast %select_n3A_2798 : vector<16xf32> to vector<1x16xf32>
      tpu.vector_store %arg5[%swap3A_2801, %swap3A_2802], %swap3A_2805 {add = true, strides = array<i32>} : memref<1000x128xf32, #tpu.memory_space<vmem>>, vector<1x16xf32>,
      %eq3A_2806 = arith.constant 3 : i32
      %eq3A_2807 = vector.broadcast %eq3A_2806 : i32 to vector<16xi32>
      %eq3A_2808 = arith.cmpi eq, %iota3A_2024, %eq3A_2807 : vector<16xi32>
      %jit3A_2809 = arith.constant -1.000000e+00 : f32
      %jit3A_2810 = arith.constant 0.000000e+00 : f32
      %broadcast_in_dim3A_2811 = vector.broadcast %jit3A_2809 : f32 to vector<16xf32>
      %broadcast_in_dim3A_2812 = vector.broadcast %jit3A_2810 : f32 to vector<16xf32>
      %select_n3A_2813 = arith.select %eq3A_2808, %broadcast_in_dim3A_2811, %broadcast_in_dim3A_2812 : vector<16xi1>, vector<16xf32>
      %slice3A_2814 = vector.extract_strided_slice %get3A_2760 {offsets = [3], sizes = [1], strides = [1]} : vector<16xi32> to vector<1xi32>
      %squeeze3A_2815 = vector.extract %slice3A_2814[0] : i32 from vector<1xi32>
      %swap3A_2816 = arith.index_cast %squeeze3A_2815 : i32 to index
      %swap3A_2817 = arith.constant 48 : index
      %swap3A_2818 = tpu.vector_load %arg5[%swap3A_2816, %swap3A_2817] {strides = array<i32>} : memref<1000x128xf32, #tpu.memory_space<vmem>>, vector<1x16xf32>,
      %swap3A_2819 = vector.shape_cast %swap3A_2818 : vector<1x16xf32> to vector<16xf32>
      %swap3A_2820 = vector.shape_cast %select_n3A_2813 : vector<16xf32> to vector<1x16xf32>
      tpu.vector_store %arg5[%swap3A_2816, %swap3A_2817], %swap3A_2820 {add = true, strides = array<i32>} : memref<1000x128xf32, #tpu.memory_space<vmem>>, vector<1x16xf32>,
      %eq3A_2821 = arith.constant 4 : i32
      %eq3A_2822 = vector.broadcast %eq3A_2821 : i32 to vector<16xi32>
      %eq3A_2823 = arith.cmpi eq, %iota3A_2024, %eq3A_2822 : vector<16xi32>
      %jit3A_2824 = arith.constant -1.000000e+00 : f32
      %jit3A_2825 = arith.constant 0.000000e+00 : f32
      %broadcast_in_dim3A_2826 = vector.broadcast %jit3A_2824 : f32 to vector<16xf32>
      %broadcast_in_dim3A_2827 = vector.broadcast %jit3A_2825 : f32 to vector<16xf32>
      %select_n3A_2828 = arith.select %eq3A_2823, %broadcast_in_dim3A_2826, %broadcast_in_dim3A_2827 : vector<16xi1>, vector<16xf32>
      %slice3A_2829 = vector.extract_strided_slice %get3A_2760 {offsets = [4], sizes = [1], strides = [1]} : vector<16xi32> to vector<1xi32>
      %squeeze3A_2830 = vector.extract %slice3A_2829[0] : i32 from vector<1xi32>
      %swap3A_2831 = arith.index_cast %squeeze3A_2830 : i32 to index
      %swap3A_2832 = arith.constant 48 : index
      %swap3A_2833 = tpu.vector_load %arg5[%swap3A_2831, %swap3A_2832] {strides = array<i32>} : memref<1000x128xf32, #tpu.memory_space<vmem>>, vector<1x16xf32>,
      %swap3A_2834 = vector.shape_cast %swap3A_2833 : vector<1x16xf32> to vector<16xf32>
      %swap3A_2835 = vector.shape_cast %select_n3A_2828 : vector<16xf32> to vector<1x16xf32>
      tpu.vector_store %arg5[%swap3A_2831, %swap3A_2832], %swap3A_2835 {add = true, strides = array<i32>} : memref<1000x128xf32, #tpu.memory_space<vmem>>, vector<1x16xf32>,
      %eq3A_2836 = arith.constant 5 : i32
      %eq3A_2837 = vector.broadcast %eq3A_2836 : i32 to vector<16xi32>
      %eq3A_2838 = arith.cmpi eq, %iota3A_2024, %eq3A_2837 : vector<16xi32>
      %jit3A_2839 = arith.constant -1.000000e+00 : f32
      %jit3A_2840 = arith.constant 0.000000e+00 : f32
      %broadcast_in_dim3A_2841 = vector.broadcast %jit3A_2839 : f32 to vector<16xf32>
      %broadcast_in_dim3A_2842 = vector.broadcast %jit3A_2840 : f32 to vector<16xf32>
      %select_n3A_2843 = arith.select %eq3A_2838, %broadcast_in_dim3A_2841, %broadcast_in_dim3A_2842 : vector<16xi1>, vector<16xf32>
      %slice3A_2844 = vector.extract_strided_slice %get3A_2760 {offsets = [5], sizes = [1], strides = [1]} : vector<16xi32> to vector<1xi32>
      %squeeze3A_2845 = vector.extract %slice3A_2844[0] : i32 from vector<1xi32>
      %swap3A_2846 = arith.index_cast %squeeze3A_2845 : i32 to index
      %swap3A_2847 = arith.constant 48 : index
      %swap3A_2848 = tpu.vector_load %arg5[%swap3A_2846, %swap3A_2847] {strides = array<i32>} : memref<1000x128xf32, #tpu.memory_space<vmem>>, vector<1x16xf32>,
      %swap3A_2849 = vector.shape_cast %swap3A_2848 : vector<1x16xf32> to vector<16xf32>
      %swap3A_2850 = vector.shape_cast %select_n3A_2843 : vector<16xf32> to vector<1x16xf32>
      tpu.vector_store %arg5[%swap3A_2846, %swap3A_2847], %swap3A_2850 {add = true, strides = array<i32>} : memref<1000x128xf32, #tpu.memory_space<vmem>>, vector<1x16xf32>,
      %eq3A_2851 = arith.constant 6 : i32
      %eq3A_2852 = vector.broadcast %eq3A_2851 : i32 to vector<16xi32>
      %eq3A_2853 = arith.cmpi eq, %iota3A_2024, %eq3A_2852 : vector<16xi32>
      %jit3A_2854 = arith.constant -1.000000e+00 : f32
      %jit3A_2855 = arith.constant 0.000000e+00 : f32
      %broadcast_in_dim3A_2856 = vector.broadcast %jit3A_2854 : f32 to vector<16xf32>
      %broadcast_in_dim3A_2857 = vector.broadcast %jit3A_2855 : f32 to vector<16xf32>
      %select_n3A_2858 = arith.select %eq3A_2853, %broadcast_in_dim3A_2856, %broadcast_in_dim3A_2857 : vector<16xi1>, vector<16xf32>
      %slice3A_2859 = vector.extract_strided_slice %get3A_2760 {offsets = [6], sizes = [1], strides = [1]} : vector<16xi32> to vector<1xi32>
      %squeeze3A_2860 = vector.extract %slice3A_2859[0] : i32 from vector<1xi32>
      %swap3A_2861 = arith.index_cast %squeeze3A_2860 : i32 to index
      %swap3A_2862 = arith.constant 48 : index
      %swap3A_2863 = tpu.vector_load %arg5[%swap3A_2861, %swap3A_2862] {strides = array<i32>} : memref<1000x128xf32, #tpu.memory_space<vmem>>, vector<1x16xf32>,
      %swap3A_2864 = vector.shape_cast %swap3A_2863 : vector<1x16xf32> to vector<16xf32>
      %swap3A_2865 = vector.shape_cast %select_n3A_2858 : vector<16xf32> to vector<1x16xf32>
      tpu.vector_store %arg5[%swap3A_2861, %swap3A_2862], %swap3A_2865 {add = true, strides = array<i32>} : memref<1000x128xf32, #tpu.memory_space<vmem>>, vector<1x16xf32>,
      %eq3A_2866 = arith.constant 7 : i32
      %eq3A_2867 = vector.broadcast %eq3A_2866 : i32 to vector<16xi32>
      %eq3A_2868 = arith.cmpi eq, %iota3A_2024, %eq3A_2867 : vector<16xi32>
      %jit3A_2869 = arith.constant -1.000000e+00 : f32
      %jit3A_2870 = arith.constant 0.000000e+00 : f32
      %broadcast_in_dim3A_2871 = vector.broadcast %jit3A_2869 : f32 to vector<16xf32>
      %broadcast_in_dim3A_2872 = vector.broadcast %jit3A_2870 : f32 to vector<16xf32>
      %select_n3A_2873 = arith.select %eq3A_2868, %broadcast_in_dim3A_2871, %broadcast_in_dim3A_2872 : vector<16xi1>, vector<16xf32>
      %slice3A_2874 = vector.extract_strided_slice %get3A_2760 {offsets = [7], sizes = [1], strides = [1]} : vector<16xi32> to vector<1xi32>
      %squeeze3A_2875 = vector.extract %slice3A_2874[0] : i32 from vector<1xi32>
      %swap3A_2876 = arith.index_cast %squeeze3A_2875 : i32 to index
      %swap3A_2877 = arith.constant 48 : index
      %swap3A_2878 = tpu.vector_load %arg5[%swap3A_2876, %swap3A_2877] {strides = array<i32>} : memref<1000x128xf32, #tpu.memory_space<vmem>>, vector<1x16xf32>,
      %swap3A_2879 = vector.shape_cast %swap3A_2878 : vector<1x16xf32> to vector<16xf32>
      %swap3A_2880 = vector.shape_cast %select_n3A_2873 : vector<16xf32> to vector<1x16xf32>
      tpu.vector_store %arg5[%swap3A_2876, %swap3A_2877], %swap3A_2880 {add = true, strides = array<i32>} : memref<1000x128xf32, #tpu.memory_space<vmem>>, vector<1x16xf32>,
      %eq3A_2881 = arith.constant 8 : i32
      %eq3A_2882 = vector.broadcast %eq3A_2881 : i32 to vector<16xi32>
      %eq3A_2883 = arith.cmpi eq, %iota3A_2024, %eq3A_2882 : vector<16xi32>
      %jit3A_2884 = arith.constant -1.000000e+00 : f32
      %jit3A_2885 = arith.constant 0.000000e+00 : f32
      %broadcast_in_dim3A_2886 = vector.broadcast %jit3A_2884 : f32 to vector<16xf32>
      %broadcast_in_dim3A_2887 = vector.broadcast %jit3A_2885 : f32 to vector<16xf32>
      %select_n3A_2888 = arith.select %eq3A_2883, %broadcast_in_dim3A_2886, %broadcast_in_dim3A_2887 : vector<16xi1>, vector<16xf32>
      %slice3A_2889 = vector.extract_strided_slice %get3A_2760 {offsets = [8], sizes = [1], strides = [1]} : vector<16xi32> to vector<1xi32>
      %squeeze3A_2890 = vector.extract %slice3A_2889[0] : i32 from vector<1xi32>
      %swap3A_2891 = arith.index_cast %squeeze3A_2890 : i32 to index
      %swap3A_2892 = arith.constant 48 : index
      %swap3A_2893 = tpu.vector_load %arg5[%swap3A_2891, %swap3A_2892] {strides = array<i32>} : memref<1000x128xf32, #tpu.memory_space<vmem>>, vector<1x16xf32>,
      %swap3A_2894 = vector.shape_cast %swap3A_2893 : vector<1x16xf32> to vector<16xf32>
      %swap3A_2895 = vector.shape_cast %select_n3A_2888 : vector<16xf32> to vector<1x16xf32>
      tpu.vector_store %arg5[%swap3A_2891, %swap3A_2892], %swap3A_2895 {add = true, strides = array<i32>} : memref<1000x128xf32, #tpu.memory_space<vmem>>, vector<1x16xf32>,
      %eq3A_2896 = arith.constant 9 : i32
      %eq3A_2897 = vector.broadcast %eq3A_2896 : i32 to vector<16xi32>
      %eq3A_2898 = arith.cmpi eq, %iota3A_2024, %eq3A_2897 : vector<16xi32>
      %jit3A_2899 = arith.constant -1.000000e+00 : f32
      %jit3A_2900 = arith.constant 0.000000e+00 : f32
      %broadcast_in_dim3A_2901 = vector.broadcast %jit3A_2899 : f32 to vector<16xf32>
      %broadcast_in_dim3A_2902 = vector.broadcast %jit3A_2900 : f32 to vector<16xf32>
      %select_n3A_2903 = arith.select %eq3A_2898, %broadcast_in_dim3A_2901, %broadcast_in_dim3A_2902 : vector<16xi1>, vector<16xf32>
      %slice3A_2904 = vector.extract_strided_slice %get3A_2760 {offsets = [9], sizes = [1], strides = [1]} : vector<16xi32> to vector<1xi32>
      %squeeze3A_2905 = vector.extract %slice3A_2904[0] : i32 from vector<1xi32>
      %swap3A_2906 = arith.index_cast %squeeze3A_2905 : i32 to index
      %swap3A_2907 = arith.constant 48 : index
      %swap3A_2908 = tpu.vector_load %arg5[%swap3A_2906, %swap3A_2907] {strides = array<i32>} : memref<1000x128xf32, #tpu.memory_space<vmem>>, vector<1x16xf32>,
      %swap3A_2909 = vector.shape_cast %swap3A_2908 : vector<1x16xf32> to vector<16xf32>
      %swap3A_2910 = vector.shape_cast %select_n3A_2903 : vector<16xf32> to vector<1x16xf32>
      tpu.vector_store %arg5[%swap3A_2906, %swap3A_2907], %swap3A_2910 {add = true, strides = array<i32>} : memref<1000x128xf32, #tpu.memory_space<vmem>>, vector<1x16xf32>,
      %eq3A_2911 = arith.constant 10 : i32
      %eq3A_2912 = vector.broadcast %eq3A_2911 : i32 to vector<16xi32>
      %eq3A_2913 = arith.cmpi eq, %iota3A_2024, %eq3A_2912 : vector<16xi32>
      %jit3A_2914 = arith.constant -1.000000e+00 : f32
      %jit3A_2915 = arith.constant 0.000000e+00 : f32
      %broadcast_in_dim3A_2916 = vector.broadcast %jit3A_2914 : f32 to vector<16xf32>
      %broadcast_in_dim3A_2917 = vector.broadcast %jit3A_2915 : f32 to vector<16xf32>
      %select_n3A_2918 = arith.select %eq3A_2913, %broadcast_in_dim3A_2916, %broadcast_in_dim3A_2917 : vector<16xi1>, vector<16xf32>
      %slice3A_2919 = vector.extract_strided_slice %get3A_2760 {offsets = [10], sizes = [1], strides = [1]} : vector<16xi32> to vector<1xi32>
      %squeeze3A_2920 = vector.extract %slice3A_2919[0] : i32 from vector<1xi32>
      %swap3A_2921 = arith.index_cast %squeeze3A_2920 : i32 to index
      %swap3A_2922 = arith.constant 48 : index
      %swap3A_2923 = tpu.vector_load %arg5[%swap3A_2921, %swap3A_2922] {strides = array<i32>} : memref<1000x128xf32, #tpu.memory_space<vmem>>, vector<1x16xf32>,
      %swap3A_2924 = vector.shape_cast %swap3A_2923 : vector<1x16xf32> to vector<16xf32>
      %swap3A_2925 = vector.shape_cast %select_n3A_2918 : vector<16xf32> to vector<1x16xf32>
      tpu.vector_store %arg5[%swap3A_2921, %swap3A_2922], %swap3A_2925 {add = true, strides = array<i32>} : memref<1000x128xf32, #tpu.memory_space<vmem>>, vector<1x16xf32>,
      %eq3A_2926 = arith.constant 11 : i32
      %eq3A_2927 = vector.broadcast %eq3A_2926 : i32 to vector<16xi32>
      %eq3A_2928 = arith.cmpi eq, %iota3A_2024, %eq3A_2927 : vector<16xi32>
      %jit3A_2929 = arith.constant -1.000000e+00 : f32
      %jit3A_2930 = arith.constant 0.000000e+00 : f32
      %broadcast_in_dim3A_2931 = vector.broadcast %jit3A_2929 : f32 to vector<16xf32>
      %broadcast_in_dim3A_2932 = vector.broadcast %jit3A_2930 : f32 to vector<16xf32>
      %select_n3A_2933 = arith.select %eq3A_2928, %broadcast_in_dim3A_2931, %broadcast_in_dim3A_2932 : vector<16xi1>, vector<16xf32>
      %slice3A_2934 = vector.extract_strided_slice %get3A_2760 {offsets = [11], sizes = [1], strides = [1]} : vector<16xi32> to vector<1xi32>
      %squeeze3A_2935 = vector.extract %slice3A_2934[0] : i32 from vector<1xi32>
      %swap3A_2936 = arith.index_cast %squeeze3A_2935 : i32 to index
      %swap3A_2937 = arith.constant 48 : index
      %swap3A_2938 = tpu.vector_load %arg5[%swap3A_2936, %swap3A_2937] {strides = array<i32>} : memref<1000x128xf32, #tpu.memory_space<vmem>>, vector<1x16xf32>,
      %swap3A_2939 = vector.shape_cast %swap3A_2938 : vector<1x16xf32> to vector<16xf32>
      %swap3A_2940 = vector.shape_cast %select_n3A_2933 : vector<16xf32> to vector<1x16xf32>
      tpu.vector_store %arg5[%swap3A_2936, %swap3A_2937], %swap3A_2940 {add = true, strides = array<i32>} : memref<1000x128xf32, #tpu.memory_space<vmem>>, vector<1x16xf32>,
      %eq3A_2941 = arith.constant 12 : i32
      %eq3A_2942 = vector.broadcast %eq3A_2941 : i32 to vector<16xi32>
      %eq3A_2943 = arith.cmpi eq, %iota3A_2024, %eq3A_2942 : vector<16xi32>
      %jit3A_2944 = arith.constant -1.000000e+00 : f32
      %jit3A_2945 = arith.constant 0.000000e+00 : f32
      %broadcast_in_dim3A_2946 = vector.broadcast %jit3A_2944 : f32 to vector<16xf32>
      %broadcast_in_dim3A_2947 = vector.broadcast %jit3A_2945 : f32 to vector<16xf32>
      %select_n3A_2948 = arith.select %eq3A_2943, %broadcast_in_dim3A_2946, %broadcast_in_dim3A_2947 : vector<16xi1>, vector<16xf32>
      %slice3A_2949 = vector.extract_strided_slice %get3A_2760 {offsets = [12], sizes = [1], strides = [1]} : vector<16xi32> to vector<1xi32>
      %squeeze3A_2950 = vector.extract %slice3A_2949[0] : i32 from vector<1xi32>
      %swap3A_2951 = arith.index_cast %squeeze3A_2950 : i32 to index
      %swap3A_2952 = arith.constant 48 : index
      %swap3A_2953 = tpu.vector_load %arg5[%swap3A_2951, %swap3A_2952] {strides = array<i32>} : memref<1000x128xf32, #tpu.memory_space<vmem>>, vector<1x16xf32>,
      %swap3A_2954 = vector.shape_cast %swap3A_2953 : vector<1x16xf32> to vector<16xf32>
      %swap3A_2955 = vector.shape_cast %select_n3A_2948 : vector<16xf32> to vector<1x16xf32>
      tpu.vector_store %arg5[%swap3A_2951, %swap3A_2952], %swap3A_2955 {add = true, strides = array<i32>} : memref<1000x128xf32, #tpu.memory_space<vmem>>, vector<1x16xf32>,
      %eq3A_2956 = arith.constant 13 : i32
      %eq3A_2957 = vector.broadcast %eq3A_2956 : i32 to vector<16xi32>
      %eq3A_2958 = arith.cmpi eq, %iota3A_2024, %eq3A_2957 : vector<16xi32>
      %jit3A_2959 = arith.constant -1.000000e+00 : f32
      %jit3A_2960 = arith.constant 0.000000e+00 : f32
      %broadcast_in_dim3A_2961 = vector.broadcast %jit3A_2959 : f32 to vector<16xf32>
      %broadcast_in_dim3A_2962 = vector.broadcast %jit3A_2960 : f32 to vector<16xf32>
      %select_n3A_2963 = arith.select %eq3A_2958, %broadcast_in_dim3A_2961, %broadcast_in_dim3A_2962 : vector<16xi1>, vector<16xf32>
      %slice3A_2964 = vector.extract_strided_slice %get3A_2760 {offsets = [13], sizes = [1], strides = [1]} : vector<16xi32> to vector<1xi32>
      %squeeze3A_2965 = vector.extract %slice3A_2964[0] : i32 from vector<1xi32>
      %swap3A_2966 = arith.index_cast %squeeze3A_2965 : i32 to index
      %swap3A_2967 = arith.constant 48 : index
      %swap3A_2968 = tpu.vector_load %arg5[%swap3A_2966, %swap3A_2967] {strides = array<i32>} : memref<1000x128xf32, #tpu.memory_space<vmem>>, vector<1x16xf32>,
      %swap3A_2969 = vector.shape_cast %swap3A_2968 : vector<1x16xf32> to vector<16xf32>
      %swap3A_2970 = vector.shape_cast %select_n3A_2963 : vector<16xf32> to vector<1x16xf32>
      tpu.vector_store %arg5[%swap3A_2966, %swap3A_2967], %swap3A_2970 {add = true, strides = array<i32>} : memref<1000x128xf32, #tpu.memory_space<vmem>>, vector<1x16xf32>,
      %eq3A_2971 = arith.constant 14 : i32
      %eq3A_2972 = vector.broadcast %eq3A_2971 : i32 to vector<16xi32>
      %eq3A_2973 = arith.cmpi eq, %iota3A_2024, %eq3A_2972 : vector<16xi32>
      %jit3A_2974 = arith.constant -1.000000e+00 : f32
      %jit3A_2975 = arith.constant 0.000000e+00 : f32
      %broadcast_in_dim3A_2976 = vector.broadcast %jit3A_2974 : f32 to vector<16xf32>
      %broadcast_in_dim3A_2977 = vector.broadcast %jit3A_2975 : f32 to vector<16xf32>
      %select_n3A_2978 = arith.select %eq3A_2973, %broadcast_in_dim3A_2976, %broadcast_in_dim3A_2977 : vector<16xi1>, vector<16xf32>
      %slice3A_2979 = vector.extract_strided_slice %get3A_2760 {offsets = [14], sizes = [1], strides = [1]} : vector<16xi32> to vector<1xi32>
      %squeeze3A_2980 = vector.extract %slice3A_2979[0] : i32 from vector<1xi32>
      %swap3A_2981 = arith.index_cast %squeeze3A_2980 : i32 to index
      %swap3A_2982 = arith.constant 48 : index
      %swap3A_2983 = tpu.vector_load %arg5[%swap3A_2981, %swap3A_2982] {strides = array<i32>} : memref<1000x128xf32, #tpu.memory_space<vmem>>, vector<1x16xf32>,
      %swap3A_2984 = vector.shape_cast %swap3A_2983 : vector<1x16xf32> to vector<16xf32>
      %swap3A_2985 = vector.shape_cast %select_n3A_2978 : vector<16xf32> to vector<1x16xf32>
      tpu.vector_store %arg5[%swap3A_2981, %swap3A_2982], %swap3A_2985 {add = true, strides = array<i32>} : memref<1000x128xf32, #tpu.memory_space<vmem>>, vector<1x16xf32>,
      %eq3A_2986 = arith.constant 15 : i32
      %eq3A_2987 = vector.broadcast %eq3A_2986 : i32 to vector<16xi32>
      %eq3A_2988 = arith.cmpi eq, %iota3A_2024, %eq3A_2987 : vector<16xi32>
      %jit3A_2989 = arith.constant -1.000000e+00 : f32
      %jit3A_2990 = arith.constant 0.000000e+00 : f32
      %broadcast_in_dim3A_2991 = vector.broadcast %jit3A_2989 : f32 to vector<16xf32>
      %broadcast_in_dim3A_2992 = vector.broadcast %jit3A_2990 : f32 to vector<16xf32>
      %select_n3A_2993 = arith.select %eq3A_2988, %broadcast_in_dim3A_2991, %broadcast_in_dim3A_2992 : vector<16xi1>, vector<16xf32>
      %slice3A_2994 = vector.extract_strided_slice %get3A_2760 {offsets = [15], sizes = [1], strides = [1]} : vector<16xi32> to vector<1xi32>
      %squeeze3A_2995 = vector.extract %slice3A_2994[0] : i32 from vector<1xi32>
      %swap3A_2996 = arith.index_cast %squeeze3A_2995 : i32 to index
      %swap3A_2997 = arith.constant 48 : index
      %swap3A_2998 = tpu.vector_load %arg5[%swap3A_2996, %swap3A_2997] {strides = array<i32>} : memref<1000x128xf32, #tpu.memory_space<vmem>>, vector<1x16xf32>,
      %swap3A_2999 = vector.shape_cast %swap3A_2998 : vector<1x16xf32> to vector<16xf32>
      %swap3A_3000 = vector.shape_cast %select_n3A_2993 : vector<16xf32> to vector<1x16xf32>
      tpu.vector_store %arg5[%swap3A_2996, %swap3A_2997], %swap3A_3000 {add = true, strides = array<i32>} : memref<1000x128xf32, #tpu.memory_space<vmem>>, vector<1x16xf32>,
      %get3A_3001 = arith.index_cast %select_n3A_2023 : i32 to index
      %get3A_3002 = arith.constant 64 : index
      %get3A_3003 = tpu.vector_load %arg4[%get3A_3001, %get3A_3002] {strides = array<i32>} : memref<2x128xi32, #tpu.memory_space<vmem>>, vector<1x16xi32>,
      %get3A_3004 = vector.shape_cast %get3A_3003 : vector<1x16xi32> to vector<16xi32>
      %eq3A_3005 = arith.constant 0 : i32
      %eq3A_3006 = vector.broadcast %eq3A_3005 : i32 to vector<16xi32>
      %eq3A_3007 = arith.cmpi eq, %iota3A_2024, %eq3A_3006 : vector<16xi32>
      %jit3A_3008 = arith.constant -1.000000e+00 : f32
      %jit3A_3009 = arith.constant 0.000000e+00 : f32
      %broadcast_in_dim3A_3010 = vector.broadcast %jit3A_3008 : f32 to vector<16xf32>
      %broadcast_in_dim3A_3011 = vector.broadcast %jit3A_3009 : f32 to vector<16xf32>
      %select_n3A_3012 = arith.select %eq3A_3007, %broadcast_in_dim3A_3010, %broadcast_in_dim3A_3011 : vector<16xi1>, vector<16xf32>
      %slice3A_3013 = vector.extract_strided_slice %get3A_3004 {offsets = [0], sizes = [1], strides = [1]} : vector<16xi32> to vector<1xi32>
      %squeeze3A_3014 = vector.extract %slice3A_3013[0] : i32 from vector<1xi32>
      %swap3A_3015 = arith.index_cast %squeeze3A_3014 : i32 to index
      %swap3A_3016 = arith.constant 64 : index
      %swap3A_3017 = tpu.vector_load %arg5[%swap3A_3015, %swap3A_3016] {strides = array<i32>} : memref<1000x128xf32, #tpu.memory_space<vmem>>, vector<1x16xf32>,
      %swap3A_3018 = vector.shape_cast %swap3A_3017 : vector<1x16xf32> to vector<16xf32>
      %swap3A_3019 = vector.shape_cast %select_n3A_3012 : vector<16xf32> to vector<1x16xf32>
      tpu.vector_store %arg5[%swap3A_3015, %swap3A_3016], %swap3A_3019 {add = true, strides = array<i32>} : memref<1000x128xf32, #tpu.memory_space<vmem>>, vector<1x16xf32>,
      %eq3A_3020 = arith.constant 1 : i32
      %eq3A_3021 = vector.broadcast %eq3A_3020 : i32 to vector<16xi32>
      %eq3A_3022 = arith.cmpi eq, %iota3A_2024, %eq3A_3021 : vector<16xi32>
      %jit3A_3023 = arith.constant -1.000000e+00 : f32
      %jit3A_3024 = arith.constant 0.000000e+00 : f32
      %broadcast_in_dim3A_3025 = vector.broadcast %jit3A_3023 : f32 to vector<16xf32>
      %broadcast_in_dim3A_3026 = vector.broadcast %jit3A_3024 : f32 to vector<16xf32>
      %select_n3A_3027 = arith.select %eq3A_3022, %broadcast_in_dim3A_3025, %broadcast_in_dim3A_3026 : vector<16xi1>, vector<16xf32>
      %slice3A_3028 = vector.extract_strided_slice %get3A_3004 {offsets = [1], sizes = [1], strides = [1]} : vector<16xi32> to vector<1xi32>
      %squeeze3A_3029 = vector.extract %slice3A_3028[0] : i32 from vector<1xi32>
      %swap3A_3030 = arith.index_cast %squeeze3A_3029 : i32 to index
      %swap3A_3031 = arith.constant 64 : index
      %swap3A_3032 = tpu.vector_load %arg5[%swap3A_3030, %swap3A_3031] {strides = array<i32>} : memref<1000x128xf32, #tpu.memory_space<vmem>>, vector<1x16xf32>,
      %swap3A_3033 = vector.shape_cast %swap3A_3032 : vector<1x16xf32> to vector<16xf32>
      %swap3A_3034 = vector.shape_cast %select_n3A_3027 : vector<16xf32> to vector<1x16xf32>
      tpu.vector_store %arg5[%swap3A_3030, %swap3A_3031], %swap3A_3034 {add = true, strides = array<i32>} : memref<1000x128xf32, #tpu.memory_space<vmem>>, vector<1x16xf32>,
      %eq3A_3035 = arith.constant 2 : i32
      %eq3A_3036 = vector.broadcast %eq3A_3035 : i32 to vector<16xi32>
      %eq3A_3037 = arith.cmpi eq, %iota3A_2024, %eq3A_3036 : vector<16xi32>
      %jit3A_3038 = arith.constant -1.000000e+00 : f32
      %jit3A_3039 = arith.constant 0.000000e+00 : f32
      %broadcast_in_dim3A_3040 = vector.broadcast %jit3A_3038 : f32 to vector<16xf32>
      %broadcast_in_dim3A_3041 = vector.broadcast %jit3A_3039 : f32 to vector<16xf32>
      %select_n3A_3042 = arith.select %eq3A_3037, %broadcast_in_dim3A_3040, %broadcast_in_dim3A_3041 : vector<16xi1>, vector<16xf32>
      %slice3A_3043 = vector.extract_strided_slice %get3A_3004 {offsets = [2], sizes = [1], strides = [1]} : vector<16xi32> to vector<1xi32>
      %squeeze3A_3044 = vector.extract %slice3A_3043[0] : i32 from vector<1xi32>
      %swap3A_3045 = arith.index_cast %squeeze3A_3044 : i32 to index
      %swap3A_3046 = arith.constant 64 : index
      %swap3A_3047 = tpu.vector_load %arg5[%swap3A_3045, %swap3A_3046] {strides = array<i32>} : memref<1000x128xf32, #tpu.memory_space<vmem>>, vector<1x16xf32>,
      %swap3A_3048 = vector.shape_cast %swap3A_3047 : vector<1x16xf32> to vector<16xf32>
      %swap3A_3049 = vector.shape_cast %select_n3A_3042 : vector<16xf32> to vector<1x16xf32>
      tpu.vector_store %arg5[%swap3A_3045, %swap3A_3046], %swap3A_3049 {add = true, strides = array<i32>} : memref<1000x128xf32, #tpu.memory_space<vmem>>, vector<1x16xf32>,
      %eq3A_3050 = arith.constant 3 : i32
      %eq3A_3051 = vector.broadcast %eq3A_3050 : i32 to vector<16xi32>
      %eq3A_3052 = arith.cmpi eq, %iota3A_2024, %eq3A_3051 : vector<16xi32>
      %jit3A_3053 = arith.constant -1.000000e+00 : f32
      %jit3A_3054 = arith.constant 0.000000e+00 : f32
      %broadcast_in_dim3A_3055 = vector.broadcast %jit3A_3053 : f32 to vector<16xf32>
      %broadcast_in_dim3A_3056 = vector.broadcast %jit3A_3054 : f32 to vector<16xf32>
      %select_n3A_3057 = arith.select %eq3A_3052, %broadcast_in_dim3A_3055, %broadcast_in_dim3A_3056 : vector<16xi1>, vector<16xf32>
      %slice3A_3058 = vector.extract_strided_slice %get3A_3004 {offsets = [3], sizes = [1], strides = [1]} : vector<16xi32> to vector<1xi32>
      %squeeze3A_3059 = vector.extract %slice3A_3058[0] : i32 from vector<1xi32>
      %swap3A_3060 = arith.index_cast %squeeze3A_3059 : i32 to index
      %swap3A_3061 = arith.constant 64 : index
      %swap3A_3062 = tpu.vector_load %arg5[%swap3A_3060, %swap3A_3061] {strides = array<i32>} : memref<1000x128xf32, #tpu.memory_space<vmem>>, vector<1x16xf32>,
      %swap3A_3063 = vector.shape_cast %swap3A_3062 : vector<1x16xf32> to vector<16xf32>
      %swap3A_3064 = vector.shape_cast %select_n3A_3057 : vector<16xf32> to vector<1x16xf32>
      tpu.vector_store %arg5[%swap3A_3060, %swap3A_3061], %swap3A_3064 {add = true, strides = array<i32>} : memref<1000x128xf32, #tpu.memory_space<vmem>>, vector<1x16xf32>,
      %eq3A_3065 = arith.constant 4 : i32
      %eq3A_3066 = vector.broadcast %eq3A_3065 : i32 to vector<16xi32>
      %eq3A_3067 = arith.cmpi eq, %iota3A_2024, %eq3A_3066 : vector<16xi32>
      %jit3A_3068 = arith.constant -1.000000e+00 : f32
      %jit3A_3069 = arith.constant 0.000000e+00 : f32
      %broadcast_in_dim3A_3070 = vector.broadcast %jit3A_3068 : f32 to vector<16xf32>
      %broadcast_in_dim3A_3071 = vector.broadcast %jit3A_3069 : f32 to vector<16xf32>
      %select_n3A_3072 = arith.select %eq3A_3067, %broadcast_in_dim3A_3070, %broadcast_in_dim3A_3071 : vector<16xi1>, vector<16xf32>
      %slice3A_3073 = vector.extract_strided_slice %get3A_3004 {offsets = [4], sizes = [1], strides = [1]} : vector<16xi32> to vector<1xi32>
      %squeeze3A_3074 = vector.extract %slice3A_3073[0] : i32 from vector<1xi32>
      %swap3A_3075 = arith.index_cast %squeeze3A_3074 : i32 to index
      %swap3A_3076 = arith.constant 64 : index
      %swap3A_3077 = tpu.vector_load %arg5[%swap3A_3075, %swap3A_3076] {strides = array<i32>} : memref<1000x128xf32, #tpu.memory_space<vmem>>, vector<1x16xf32>,
      %swap3A_3078 = vector.shape_cast %swap3A_3077 : vector<1x16xf32> to vector<16xf32>
      %swap3A_3079 = vector.shape_cast %select_n3A_3072 : vector<16xf32> to vector<1x16xf32>
      tpu.vector_store %arg5[%swap3A_3075, %swap3A_3076], %swap3A_3079 {add = true, strides = array<i32>} : memref<1000x128xf32, #tpu.memory_space<vmem>>, vector<1x16xf32>,
      %eq3A_3080 = arith.constant 5 : i32
      %eq3A_3081 = vector.broadcast %eq3A_3080 : i32 to vector<16xi32>
      %eq3A_3082 = arith.cmpi eq, %iota3A_2024, %eq3A_3081 : vector<16xi32>
      %jit3A_3083 = arith.constant -1.000000e+00 : f32
      %jit3A_3084 = arith.constant 0.000000e+00 : f32
      %broadcast_in_dim3A_3085 = vector.broadcast %jit3A_3083 : f32 to vector<16xf32>
      %broadcast_in_dim3A_3086 = vector.broadcast %jit3A_3084 : f32 to vector<16xf32>
      %select_n3A_3087 = arith.select %eq3A_3082, %broadcast_in_dim3A_3085, %broadcast_in_dim3A_3086 : vector<16xi1>, vector<16xf32>
      %slice3A_3088 = vector.extract_strided_slice %get3A_3004 {offsets = [5], sizes = [1], strides = [1]} : vector<16xi32> to vector<1xi32>
      %squeeze3A_3089 = vector.extract %slice3A_3088[0] : i32 from vector<1xi32>
      %swap3A_3090 = arith.index_cast %squeeze3A_3089 : i32 to index
      %swap3A_3091 = arith.constant 64 : index
      %swap3A_3092 = tpu.vector_load %arg5[%swap3A_3090, %swap3A_3091] {strides = array<i32>} : memref<1000x128xf32, #tpu.memory_space<vmem>>, vector<1x16xf32>,
      %swap3A_3093 = vector.shape_cast %swap3A_3092 : vector<1x16xf32> to vector<16xf32>
      %swap3A_3094 = vector.shape_cast %select_n3A_3087 : vector<16xf32> to vector<1x16xf32>
      tpu.vector_store %arg5[%swap3A_3090, %swap3A_3091], %swap3A_3094 {add = true, strides = array<i32>} : memref<1000x128xf32, #tpu.memory_space<vmem>>, vector<1x16xf32>,
      %eq3A_3095 = arith.constant 6 : i32
      %eq3A_3096 = vector.broadcast %eq3A_3095 : i32 to vector<16xi32>
      %eq3A_3097 = arith.cmpi eq, %iota3A_2024, %eq3A_3096 : vector<16xi32>
      %jit3A_3098 = arith.constant -1.000000e+00 : f32
      %jit3A_3099 = arith.constant 0.000000e+00 : f32
      %broadcast_in_dim3A_3100 = vector.broadcast %jit3A_3098 : f32 to vector<16xf32>
      %broadcast_in_dim3A_3101 = vector.broadcast %jit3A_3099 : f32 to vector<16xf32>
      %select_n3A_3102 = arith.select %eq3A_3097, %broadcast_in_dim3A_3100, %broadcast_in_dim3A_3101 : vector<16xi1>, vector<16xf32>
      %slice3A_3103 = vector.extract_strided_slice %get3A_3004 {offsets = [6], sizes = [1], strides = [1]} : vector<16xi32> to vector<1xi32>
      %squeeze3A_3104 = vector.extract %slice3A_3103[0] : i32 from vector<1xi32>
      %swap3A_3105 = arith.index_cast %squeeze3A_3104 : i32 to index
      %swap3A_3106 = arith.constant 64 : index
      %swap3A_3107 = tpu.vector_load %arg5[%swap3A_3105, %swap3A_3106] {strides = array<i32>} : memref<1000x128xf32, #tpu.memory_space<vmem>>, vector<1x16xf32>,
      %swap3A_3108 = vector.shape_cast %swap3A_3107 : vector<1x16xf32> to vector<16xf32>
      %swap3A_3109 = vector.shape_cast %select_n3A_3102 : vector<16xf32> to vector<1x16xf32>
      tpu.vector_store %arg5[%swap3A_3105, %swap3A_3106], %swap3A_3109 {add = true, strides = array<i32>} : memref<1000x128xf32, #tpu.memory_space<vmem>>, vector<1x16xf32>,
      %eq3A_3110 = arith.constant 7 : i32
      %eq3A_3111 = vector.broadcast %eq3A_3110 : i32 to vector<16xi32>
      %eq3A_3112 = arith.cmpi eq, %iota3A_2024, %eq3A_3111 : vector<16xi32>
      %jit3A_3113 = arith.constant -1.000000e+00 : f32
      %jit3A_3114 = arith.constant 0.000000e+00 : f32
      %broadcast_in_dim3A_3115 = vector.broadcast %jit3A_3113 : f32 to vector<16xf32>
      %broadcast_in_dim3A_3116 = vector.broadcast %jit3A_3114 : f32 to vector<16xf32>
      %select_n3A_3117 = arith.select %eq3A_3112, %broadcast_in_dim3A_3115, %broadcast_in_dim3A_3116 : vector<16xi1>, vector<16xf32>
      %slice3A_3118 = vector.extract_strided_slice %get3A_3004 {offsets = [7], sizes = [1], strides = [1]} : vector<16xi32> to vector<1xi32>
      %squeeze3A_3119 = vector.extract %slice3A_3118[0] : i32 from vector<1xi32>
      %swap3A_3120 = arith.index_cast %squeeze3A_3119 : i32 to index
      %swap3A_3121 = arith.constant 64 : index
      %swap3A_3122 = tpu.vector_load %arg5[%swap3A_3120, %swap3A_3121] {strides = array<i32>} : memref<1000x128xf32, #tpu.memory_space<vmem>>, vector<1x16xf32>,
      %swap3A_3123 = vector.shape_cast %swap3A_3122 : vector<1x16xf32> to vector<16xf32>
      %swap3A_3124 = vector.shape_cast %select_n3A_3117 : vector<16xf32> to vector<1x16xf32>
      tpu.vector_store %arg5[%swap3A_3120, %swap3A_3121], %swap3A_3124 {add = true, strides = array<i32>} : memref<1000x128xf32, #tpu.memory_space<vmem>>, vector<1x16xf32>,
      %eq3A_3125 = arith.constant 8 : i32
      %eq3A_3126 = vector.broadcast %eq3A_3125 : i32 to vector<16xi32>
      %eq3A_3127 = arith.cmpi eq, %iota3A_2024, %eq3A_3126 : vector<16xi32>
      %jit3A_3128 = arith.constant -1.000000e+00 : f32
      %jit3A_3129 = arith.constant 0.000000e+00 : f32
      %broadcast_in_dim3A_3130 = vector.broadcast %jit3A_3128 : f32 to vector<16xf32>
      %broadcast_in_dim3A_3131 = vector.broadcast %jit3A_3129 : f32 to vector<16xf32>
      %select_n3A_3132 = arith.select %eq3A_3127, %broadcast_in_dim3A_3130, %broadcast_in_dim3A_3131 : vector<16xi1>, vector<16xf32>
      %slice3A_3133 = vector.extract_strided_slice %get3A_3004 {offsets = [8], sizes = [1], strides = [1]} : vector<16xi32> to vector<1xi32>
      %squeeze3A_3134 = vector.extract %slice3A_3133[0] : i32 from vector<1xi32>
      %swap3A_3135 = arith.index_cast %squeeze3A_3134 : i32 to index
      %swap3A_3136 = arith.constant 64 : index
      %swap3A_3137 = tpu.vector_load %arg5[%swap3A_3135, %swap3A_3136] {strides = array<i32>} : memref<1000x128xf32, #tpu.memory_space<vmem>>, vector<1x16xf32>,
      %swap3A_3138 = vector.shape_cast %swap3A_3137 : vector<1x16xf32> to vector<16xf32>
      %swap3A_3139 = vector.shape_cast %select_n3A_3132 : vector<16xf32> to vector<1x16xf32>
      tpu.vector_store %arg5[%swap3A_3135, %swap3A_3136], %swap3A_3139 {add = true, strides = array<i32>} : memref<1000x128xf32, #tpu.memory_space<vmem>>, vector<1x16xf32>,
      %eq3A_3140 = arith.constant 9 : i32
      %eq3A_3141 = vector.broadcast %eq3A_3140 : i32 to vector<16xi32>
      %eq3A_3142 = arith.cmpi eq, %iota3A_2024, %eq3A_3141 : vector<16xi32>
      %jit3A_3143 = arith.constant -1.000000e+00 : f32
      %jit3A_3144 = arith.constant 0.000000e+00 : f32
      %broadcast_in_dim3A_3145 = vector.broadcast %jit3A_3143 : f32 to vector<16xf32>
      %broadcast_in_dim3A_3146 = vector.broadcast %jit3A_3144 : f32 to vector<16xf32>
      %select_n3A_3147 = arith.select %eq3A_3142, %broadcast_in_dim3A_3145, %broadcast_in_dim3A_3146 : vector<16xi1>, vector<16xf32>
      %slice3A_3148 = vector.extract_strided_slice %get3A_3004 {offsets = [9], sizes = [1], strides = [1]} : vector<16xi32> to vector<1xi32>
      %squeeze3A_3149 = vector.extract %slice3A_3148[0] : i32 from vector<1xi32>
      %swap3A_3150 = arith.index_cast %squeeze3A_3149 : i32 to index
      %swap3A_3151 = arith.constant 64 : index
      %swap3A_3152 = tpu.vector_load %arg5[%swap3A_3150, %swap3A_3151] {strides = array<i32>} : memref<1000x128xf32, #tpu.memory_space<vmem>>, vector<1x16xf32>,
      %swap3A_3153 = vector.shape_cast %swap3A_3152 : vector<1x16xf32> to vector<16xf32>
      %swap3A_3154 = vector.shape_cast %select_n3A_3147 : vector<16xf32> to vector<1x16xf32>
      tpu.vector_store %arg5[%swap3A_3150, %swap3A_3151], %swap3A_3154 {add = true, strides = array<i32>} : memref<1000x128xf32, #tpu.memory_space<vmem>>, vector<1x16xf32>,
      %eq3A_3155 = arith.constant 10 : i32
      %eq3A_3156 = vector.broadcast %eq3A_3155 : i32 to vector<16xi32>
      %eq3A_3157 = arith.cmpi eq, %iota3A_2024, %eq3A_3156 : vector<16xi32>
      %jit3A_3158 = arith.constant -1.000000e+00 : f32
      %jit3A_3159 = arith.constant 0.000000e+00 : f32
      %broadcast_in_dim3A_3160 = vector.broadcast %jit3A_3158 : f32 to vector<16xf32>
      %broadcast_in_dim3A_3161 = vector.broadcast %jit3A_3159 : f32 to vector<16xf32>
      %select_n3A_3162 = arith.select %eq3A_3157, %broadcast_in_dim3A_3160, %broadcast_in_dim3A_3161 : vector<16xi1>, vector<16xf32>
      %slice3A_3163 = vector.extract_strided_slice %get3A_3004 {offsets = [10], sizes = [1], strides = [1]} : vector<16xi32> to vector<1xi32>
      %squeeze3A_3164 = vector.extract %slice3A_3163[0] : i32 from vector<1xi32>
      %swap3A_3165 = arith.index_cast %squeeze3A_3164 : i32 to index
      %swap3A_3166 = arith.constant 64 : index
      %swap3A_3167 = tpu.vector_load %arg5[%swap3A_3165, %swap3A_3166] {strides = array<i32>} : memref<1000x128xf32, #tpu.memory_space<vmem>>, vector<1x16xf32>,
      %swap3A_3168 = vector.shape_cast %swap3A_3167 : vector<1x16xf32> to vector<16xf32>
      %swap3A_3169 = vector.shape_cast %select_n3A_3162 : vector<16xf32> to vector<1x16xf32>
      tpu.vector_store %arg5[%swap3A_3165, %swap3A_3166], %swap3A_3169 {add = true, strides = array<i32>} : memref<1000x128xf32, #tpu.memory_space<vmem>>, vector<1x16xf32>,
      %eq3A_3170 = arith.constant 11 : i32
      %eq3A_3171 = vector.broadcast %eq3A_3170 : i32 to vector<16xi32>
      %eq3A_3172 = arith.cmpi eq, %iota3A_2024, %eq3A_3171 : vector<16xi32>
      %jit3A_3173 = arith.constant -1.000000e+00 : f32
      %jit3A_3174 = arith.constant 0.000000e+00 : f32
      %broadcast_in_dim3A_3175 = vector.broadcast %jit3A_3173 : f32 to vector<16xf32>
      %broadcast_in_dim3A_3176 = vector.broadcast %jit3A_3174 : f32 to vector<16xf32>
      %select_n3A_3177 = arith.select %eq3A_3172, %broadcast_in_dim3A_3175, %broadcast_in_dim3A_3176 : vector<16xi1>, vector<16xf32>
      %slice3A_3178 = vector.extract_strided_slice %get3A_3004 {offsets = [11], sizes = [1], strides = [1]} : vector<16xi32> to vector<1xi32>
      %squeeze3A_3179 = vector.extract %slice3A_3178[0] : i32 from vector<1xi32>
      %swap3A_3180 = arith.index_cast %squeeze3A_3179 : i32 to index
      %swap3A_3181 = arith.constant 64 : index
      %swap3A_3182 = tpu.vector_load %arg5[%swap3A_3180, %swap3A_3181] {strides = array<i32>} : memref<1000x128xf32, #tpu.memory_space<vmem>>, vector<1x16xf32>,
      %swap3A_3183 = vector.shape_cast %swap3A_3182 : vector<1x16xf32> to vector<16xf32>
      %swap3A_3184 = vector.shape_cast %select_n3A_3177 : vector<16xf32> to vector<1x16xf32>
      tpu.vector_store %arg5[%swap3A_3180, %swap3A_3181], %swap3A_3184 {add = true, strides = array<i32>} : memref<1000x128xf32, #tpu.memory_space<vmem>>, vector<1x16xf32>,
      %eq3A_3185 = arith.constant 12 : i32
      %eq3A_3186 = vector.broadcast %eq3A_3185 : i32 to vector<16xi32>
      %eq3A_3187 = arith.cmpi eq, %iota3A_2024, %eq3A_3186 : vector<16xi32>
      %jit3A_3188 = arith.constant -1.000000e+00 : f32
      %jit3A_3189 = arith.constant 0.000000e+00 : f32
      %broadcast_in_dim3A_3190 = vector.broadcast %jit3A_3188 : f32 to vector<16xf32>
      %broadcast_in_dim3A_3191 = vector.broadcast %jit3A_3189 : f32 to vector<16xf32>
      %select_n3A_3192 = arith.select %eq3A_3187, %broadcast_in_dim3A_3190, %broadcast_in_dim3A_3191 : vector<16xi1>, vector<16xf32>
      %slice3A_3193 = vector.extract_strided_slice %get3A_3004 {offsets = [12], sizes = [1], strides = [1]} : vector<16xi32> to vector<1xi32>
      %squeeze3A_3194 = vector.extract %slice3A_3193[0] : i32 from vector<1xi32>
      %swap3A_3195 = arith.index_cast %squeeze3A_3194 : i32 to index
      %swap3A_3196 = arith.constant 64 : index
      %swap3A_3197 = tpu.vector_load %arg5[%swap3A_3195, %swap3A_3196] {strides = array<i32>} : memref<1000x128xf32, #tpu.memory_space<vmem>>, vector<1x16xf32>,
      %swap3A_3198 = vector.shape_cast %swap3A_3197 : vector<1x16xf32> to vector<16xf32>
      %swap3A_3199 = vector.shape_cast %select_n3A_3192 : vector<16xf32> to vector<1x16xf32>
      tpu.vector_store %arg5[%swap3A_3195, %swap3A_3196], %swap3A_3199 {add = true, strides = array<i32>} : memref<1000x128xf32, #tpu.memory_space<vmem>>, vector<1x16xf32>,
      %eq3A_3200 = arith.constant 13 : i32
      %eq3A_3201 = vector.broadcast %eq3A_3200 : i32 to vector<16xi32>
      %eq3A_3202 = arith.cmpi eq, %iota3A_2024, %eq3A_3201 : vector<16xi32>
      %jit3A_3203 = arith.constant -1.000000e+00 : f32
      %jit3A_3204 = arith.constant 0.000000e+00 : f32
      %broadcast_in_dim3A_3205 = vector.broadcast %jit3A_3203 : f32 to vector<16xf32>
      %broadcast_in_dim3A_3206 = vector.broadcast %jit3A_3204 : f32 to vector<16xf32>
      %select_n3A_3207 = arith.select %eq3A_3202, %broadcast_in_dim3A_3205, %broadcast_in_dim3A_3206 : vector<16xi1>, vector<16xf32>
      %slice3A_3208 = vector.extract_strided_slice %get3A_3004 {offsets = [13], sizes = [1], strides = [1]} : vector<16xi32> to vector<1xi32>
      %squeeze3A_3209 = vector.extract %slice3A_3208[0] : i32 from vector<1xi32>
      %swap3A_3210 = arith.index_cast %squeeze3A_3209 : i32 to index
      %swap3A_3211 = arith.constant 64 : index
      %swap3A_3212 = tpu.vector_load %arg5[%swap3A_3210, %swap3A_3211] {strides = array<i32>} : memref<1000x128xf32, #tpu.memory_space<vmem>>, vector<1x16xf32>,
      %swap3A_3213 = vector.shape_cast %swap3A_3212 : vector<1x16xf32> to vector<16xf32>
      %swap3A_3214 = vector.shape_cast %select_n3A_3207 : vector<16xf32> to vector<1x16xf32>
      tpu.vector_store %arg5[%swap3A_3210, %swap3A_3211], %swap3A_3214 {add = true, strides = array<i32>} : memref<1000x128xf32, #tpu.memory_space<vmem>>, vector<1x16xf32>,
      %eq3A_3215 = arith.constant 14 : i32
      %eq3A_3216 = vector.broadcast %eq3A_3215 : i32 to vector<16xi32>
      %eq3A_3217 = arith.cmpi eq, %iota3A_2024, %eq3A_3216 : vector<16xi32>
      %jit3A_3218 = arith.constant -1.000000e+00 : f32
      %jit3A_3219 = arith.constant 0.000000e+00 : f32
      %broadcast_in_dim3A_3220 = vector.broadcast %jit3A_3218 : f32 to vector<16xf32>
      %broadcast_in_dim3A_3221 = vector.broadcast %jit3A_3219 : f32 to vector<16xf32>
      %select_n3A_3222 = arith.select %eq3A_3217, %broadcast_in_dim3A_3220, %broadcast_in_dim3A_3221 : vector<16xi1>, vector<16xf32>
      %slice3A_3223 = vector.extract_strided_slice %get3A_3004 {offsets = [14], sizes = [1], strides = [1]} : vector<16xi32> to vector<1xi32>
      %squeeze3A_3224 = vector.extract %slice3A_3223[0] : i32 from vector<1xi32>
      %swap3A_3225 = arith.index_cast %squeeze3A_3224 : i32 to index
      %swap3A_3226 = arith.constant 64 : index
      %swap3A_3227 = tpu.vector_load %arg5[%swap3A_3225, %swap3A_3226] {strides = array<i32>} : memref<1000x128xf32, #tpu.memory_space<vmem>>, vector<1x16xf32>,
      %swap3A_3228 = vector.shape_cast %swap3A_3227 : vector<1x16xf32> to vector<16xf32>
      %swap3A_3229 = vector.shape_cast %select_n3A_3222 : vector<16xf32> to vector<1x16xf32>
      tpu.vector_store %arg5[%swap3A_3225, %swap3A_3226], %swap3A_3229 {add = true, strides = array<i32>} : memref<1000x128xf32, #tpu.memory_space<vmem>>, vector<1x16xf32>,
      %eq3A_3230 = arith.constant 15 : i32
      %eq3A_3231 = vector.broadcast %eq3A_3230 : i32 to vector<16xi32>
      %eq3A_3232 = arith.cmpi eq, %iota3A_2024, %eq3A_3231 : vector<16xi32>
      %jit3A_3233 = arith.constant -1.000000e+00 : f32
      %jit3A_3234 = arith.constant 0.000000e+00 : f32
      %broadcast_in_dim3A_3235 = vector.broadcast %jit3A_3233 : f32 to vector<16xf32>
      %broadcast_in_dim3A_3236 = vector.broadcast %jit3A_3234 : f32 to vector<16xf32>
      %select_n3A_3237 = arith.select %eq3A_3232, %broadcast_in_dim3A_3235, %broadcast_in_dim3A_3236 : vector<16xi1>, vector<16xf32>
      %slice3A_3238 = vector.extract_strided_slice %get3A_3004 {offsets = [15], sizes = [1], strides = [1]} : vector<16xi32> to vector<1xi32>
      %squeeze3A_3239 = vector.extract %slice3A_3238[0] : i32 from vector<1xi32>
      %swap3A_3240 = arith.index_cast %squeeze3A_3239 : i32 to index
      %swap3A_3241 = arith.constant 64 : index
      %swap3A_3242 = tpu.vector_load %arg5[%swap3A_3240, %swap3A_3241] {strides = array<i32>} : memref<1000x128xf32, #tpu.memory_space<vmem>>, vector<1x16xf32>,
      %swap3A_3243 = vector.shape_cast %swap3A_3242 : vector<1x16xf32> to vector<16xf32>
      %swap3A_3244 = vector.shape_cast %select_n3A_3237 : vector<16xf32> to vector<1x16xf32>
      tpu.vector_store %arg5[%swap3A_3240, %swap3A_3241], %swap3A_3244 {add = true, strides = array<i32>} : memref<1000x128xf32, #tpu.memory_space<vmem>>, vector<1x16xf32>,
      %get3A_3245 = arith.index_cast %select_n3A_2023 : i32 to index
      %get3A_3246 = arith.constant 80 : index
      %get3A_3247 = tpu.vector_load %arg4[%get3A_3245, %get3A_3246] {strides = array<i32>} : memref<2x128xi32, #tpu.memory_space<vmem>>, vector<1x16xi32>,
      %get3A_3248 = vector.shape_cast %get3A_3247 : vector<1x16xi32> to vector<16xi32>
      %eq3A_3249 = arith.constant 0 : i32
      %eq3A_3250 = vector.broadcast %eq3A_3249 : i32 to vector<16xi32>
      %eq3A_3251 = arith.cmpi eq, %iota3A_2024, %eq3A_3250 : vector<16xi32>
      %jit3A_3252 = arith.constant -1.000000e+00 : f32
      %jit3A_3253 = arith.constant 0.000000e+00 : f32
      %broadcast_in_dim3A_3254 = vector.broadcast %jit3A_3252 : f32 to vector<16xf32>
      %broadcast_in_dim3A_3255 = vector.broadcast %jit3A_3253 : f32 to vector<16xf32>
      %select_n3A_3256 = arith.select %eq3A_3251, %broadcast_in_dim3A_3254, %broadcast_in_dim3A_3255 : vector<16xi1>, vector<16xf32>
      %slice3A_3257 = vector.extract_strided_slice %get3A_3248 {offsets = [0], sizes = [1], strides = [1]} : vector<16xi32> to vector<1xi32>
      %squeeze3A_3258 = vector.extract %slice3A_3257[0] : i32 from vector<1xi32>
      %swap3A_3259 = arith.index_cast %squeeze3A_3258 : i32 to index
      %swap3A_3260 = arith.constant 80 : index
      %swap3A_3261 = tpu.vector_load %arg5[%swap3A_3259, %swap3A_3260] {strides = array<i32>} : memref<1000x128xf32, #tpu.memory_space<vmem>>, vector<1x16xf32>,
      %swap3A_3262 = vector.shape_cast %swap3A_3261 : vector<1x16xf32> to vector<16xf32>
      %swap3A_3263 = vector.shape_cast %select_n3A_3256 : vector<16xf32> to vector<1x16xf32>
      tpu.vector_store %arg5[%swap3A_3259, %swap3A_3260], %swap3A_3263 {add = true, strides = array<i32>} : memref<1000x128xf32, #tpu.memory_space<vmem>>, vector<1x16xf32>,
      %eq3A_3264 = arith.constant 1 : i32
      %eq3A_3265 = vector.broadcast %eq3A_3264 : i32 to vector<16xi32>
      %eq3A_3266 = arith.cmpi eq, %iota3A_2024, %eq3A_3265 : vector<16xi32>
      %jit3A_3267 = arith.constant -1.000000e+00 : f32
      %jit3A_3268 = arith.constant 0.000000e+00 : f32
      %broadcast_in_dim3A_3269 = vector.broadcast %jit3A_3267 : f32 to vector<16xf32>
      %broadcast_in_dim3A_3270 = vector.broadcast %jit3A_3268 : f32 to vector<16xf32>
      %select_n3A_3271 = arith.select %eq3A_3266, %broadcast_in_dim3A_3269, %broadcast_in_dim3A_3270 : vector<16xi1>, vector<16xf32>
      %slice3A_3272 = vector.extract_strided_slice %get3A_3248 {offsets = [1], sizes = [1], strides = [1]} : vector<16xi32> to vector<1xi32>
      %squeeze3A_3273 = vector.extract %slice3A_3272[0] : i32 from vector<1xi32>
      %swap3A_3274 = arith.index_cast %squeeze3A_3273 : i32 to index
      %swap3A_3275 = arith.constant 80 : index
      %swap3A_3276 = tpu.vector_load %arg5[%swap3A_3274, %swap3A_3275] {strides = array<i32>} : memref<1000x128xf32, #tpu.memory_space<vmem>>, vector<1x16xf32>,
      %swap3A_3277 = vector.shape_cast %swap3A_3276 : vector<1x16xf32> to vector<16xf32>
      %swap3A_3278 = vector.shape_cast %select_n3A_3271 : vector<16xf32> to vector<1x16xf32>
      tpu.vector_store %arg5[%swap3A_3274, %swap3A_3275], %swap3A_3278 {add = true, strides = array<i32>} : memref<1000x128xf32, #tpu.memory_space<vmem>>, vector<1x16xf32>,
      %eq3A_3279 = arith.constant 2 : i32
      %eq3A_3280 = vector.broadcast %eq3A_3279 : i32 to vector<16xi32>
      %eq3A_3281 = arith.cmpi eq, %iota3A_2024, %eq3A_3280 : vector<16xi32>
      %jit3A_3282 = arith.constant -1.000000e+00 : f32
      %jit3A_3283 = arith.constant 0.000000e+00 : f32
      %broadcast_in_dim3A_3284 = vector.broadcast %jit3A_3282 : f32 to vector<16xf32>
      %broadcast_in_dim3A_3285 = vector.broadcast %jit3A_3283 : f32 to vector<16xf32>
      %select_n3A_3286 = arith.select %eq3A_3281, %broadcast_in_dim3A_3284, %broadcast_in_dim3A_3285 : vector<16xi1>, vector<16xf32>
      %slice3A_3287 = vector.extract_strided_slice %get3A_3248 {offsets = [2], sizes = [1], strides = [1]} : vector<16xi32> to vector<1xi32>
      %squeeze3A_3288 = vector.extract %slice3A_3287[0] : i32 from vector<1xi32>
      %swap3A_3289 = arith.index_cast %squeeze3A_3288 : i32 to index
      %swap3A_3290 = arith.constant 80 : index
      %swap3A_3291 = tpu.vector_load %arg5[%swap3A_3289, %swap3A_3290] {strides = array<i32>} : memref<1000x128xf32, #tpu.memory_space<vmem>>, vector<1x16xf32>,
      %swap3A_3292 = vector.shape_cast %swap3A_3291 : vector<1x16xf32> to vector<16xf32>
      %swap3A_3293 = vector.shape_cast %select_n3A_3286 : vector<16xf32> to vector<1x16xf32>
      tpu.vector_store %arg5[%swap3A_3289, %swap3A_3290], %swap3A_3293 {add = true, strides = array<i32>} : memref<1000x128xf32, #tpu.memory_space<vmem>>, vector<1x16xf32>,
      %eq3A_3294 = arith.constant 3 : i32
      %eq3A_3295 = vector.broadcast %eq3A_3294 : i32 to vector<16xi32>
      %eq3A_3296 = arith.cmpi eq, %iota3A_2024, %eq3A_3295 : vector<16xi32>
      %jit3A_3297 = arith.constant -1.000000e+00 : f32
      %jit3A_3298 = arith.constant 0.000000e+00 : f32
      %broadcast_in_dim3A_3299 = vector.broadcast %jit3A_3297 : f32 to vector<16xf32>
      %broadcast_in_dim3A_3300 = vector.broadcast %jit3A_3298 : f32 to vector<16xf32>
      %select_n3A_3301 = arith.select %eq3A_3296, %broadcast_in_dim3A_3299, %broadcast_in_dim3A_3300 : vector<16xi1>, vector<16xf32>
      %slice3A_3302 = vector.extract_strided_slice %get3A_3248 {offsets = [3], sizes = [1], strides = [1]} : vector<16xi32> to vector<1xi32>
      %squeeze3A_3303 = vector.extract %slice3A_3302[0] : i32 from vector<1xi32>
      %swap3A_3304 = arith.index_cast %squeeze3A_3303 : i32 to index
      %swap3A_3305 = arith.constant 80 : index
      %swap3A_3306 = tpu.vector_load %arg5[%swap3A_3304, %swap3A_3305] {strides = array<i32>} : memref<1000x128xf32, #tpu.memory_space<vmem>>, vector<1x16xf32>,
      %swap3A_3307 = vector.shape_cast %swap3A_3306 : vector<1x16xf32> to vector<16xf32>
      %swap3A_3308 = vector.shape_cast %select_n3A_3301 : vector<16xf32> to vector<1x16xf32>
      tpu.vector_store %arg5[%swap3A_3304, %swap3A_3305], %swap3A_3308 {add = true, strides = array<i32>} : memref<1000x128xf32, #tpu.memory_space<vmem>>, vector<1x16xf32>,
      %eq3A_3309 = arith.constant 4 : i32
      %eq3A_3310 = vector.broadcast %eq3A_3309 : i32 to vector<16xi32>
      %eq3A_3311 = arith.cmpi eq, %iota3A_2024, %eq3A_3310 : vector<16xi32>
      %jit3A_3312 = arith.constant -1.000000e+00 : f32
      %jit3A_3313 = arith.constant 0.000000e+00 : f32
      %broadcast_in_dim3A_3314 = vector.broadcast %jit3A_3312 : f32 to vector<16xf32>
      %broadcast_in_dim3A_3315 = vector.broadcast %jit3A_3313 : f32 to vector<16xf32>
      %select_n3A_3316 = arith.select %eq3A_3311, %broadcast_in_dim3A_3314, %broadcast_in_dim3A_3315 : vector<16xi1>, vector<16xf32>
      %slice3A_3317 = vector.extract_strided_slice %get3A_3248 {offsets = [4], sizes = [1], strides = [1]} : vector<16xi32> to vector<1xi32>
      %squeeze3A_3318 = vector.extract %slice3A_3317[0] : i32 from vector<1xi32>
      %swap3A_3319 = arith.index_cast %squeeze3A_3318 : i32 to index
      %swap3A_3320 = arith.constant 80 : index
      %swap3A_3321 = tpu.vector_load %arg5[%swap3A_3319, %swap3A_3320] {strides = array<i32>} : memref<1000x128xf32, #tpu.memory_space<vmem>>, vector<1x16xf32>,
      %swap3A_3322 = vector.shape_cast %swap3A_3321 : vector<1x16xf32> to vector<16xf32>
      %swap3A_3323 = vector.shape_cast %select_n3A_3316 : vector<16xf32> to vector<1x16xf32>
      tpu.vector_store %arg5[%swap3A_3319, %swap3A_3320], %swap3A_3323 {add = true, strides = array<i32>} : memref<1000x128xf32, #tpu.memory_space<vmem>>, vector<1x16xf32>,
      %eq3A_3324 = arith.constant 5 : i32
      %eq3A_3325 = vector.broadcast %eq3A_3324 : i32 to vector<16xi32>
      %eq3A_3326 = arith.cmpi eq, %iota3A_2024, %eq3A_3325 : vector<16xi32>
      %jit3A_3327 = arith.constant -1.000000e+00 : f32
      %jit3A_3328 = arith.constant 0.000000e+00 : f32
      %broadcast_in_dim3A_3329 = vector.broadcast %jit3A_3327 : f32 to vector<16xf32>
      %broadcast_in_dim3A_3330 = vector.broadcast %jit3A_3328 : f32 to vector<16xf32>
      %select_n3A_3331 = arith.select %eq3A_3326, %broadcast_in_dim3A_3329, %broadcast_in_dim3A_3330 : vector<16xi1>, vector<16xf32>
      %slice3A_3332 = vector.extract_strided_slice %get3A_3248 {offsets = [5], sizes = [1], strides = [1]} : vector<16xi32> to vector<1xi32>
      %squeeze3A_3333 = vector.extract %slice3A_3332[0] : i32 from vector<1xi32>
      %swap3A_3334 = arith.index_cast %squeeze3A_3333 : i32 to index
      %swap3A_3335 = arith.constant 80 : index
      %swap3A_3336 = tpu.vector_load %arg5[%swap3A_3334, %swap3A_3335] {strides = array<i32>} : memref<1000x128xf32, #tpu.memory_space<vmem>>, vector<1x16xf32>,
      %swap3A_3337 = vector.shape_cast %swap3A_3336 : vector<1x16xf32> to vector<16xf32>
      %swap3A_3338 = vector.shape_cast %select_n3A_3331 : vector<16xf32> to vector<1x16xf32>
      tpu.vector_store %arg5[%swap3A_3334, %swap3A_3335], %swap3A_3338 {add = true, strides = array<i32>} : memref<1000x128xf32, #tpu.memory_space<vmem>>, vector<1x16xf32>,
      %eq3A_3339 = arith.constant 6 : i32
      %eq3A_3340 = vector.broadcast %eq3A_3339 : i32 to vector<16xi32>
      %eq3A_3341 = arith.cmpi eq, %iota3A_2024, %eq3A_3340 : vector<16xi32>
      %jit3A_3342 = arith.constant -1.000000e+00 : f32
      %jit3A_3343 = arith.constant 0.000000e+00 : f32
      %broadcast_in_dim3A_3344 = vector.broadcast %jit3A_3342 : f32 to vector<16xf32>
      %broadcast_in_dim3A_3345 = vector.broadcast %jit3A_3343 : f32 to vector<16xf32>
      %select_n3A_3346 = arith.select %eq3A_3341, %broadcast_in_dim3A_3344, %broadcast_in_dim3A_3345 : vector<16xi1>, vector<16xf32>
      %slice3A_3347 = vector.extract_strided_slice %get3A_3248 {offsets = [6], sizes = [1], strides = [1]} : vector<16xi32> to vector<1xi32>
      %squeeze3A_3348 = vector.extract %slice3A_3347[0] : i32 from vector<1xi32>
      %swap3A_3349 = arith.index_cast %squeeze3A_3348 : i32 to index
      %swap3A_3350 = arith.constant 80 : index
      %swap3A_3351 = tpu.vector_load %arg5[%swap3A_3349, %swap3A_3350] {strides = array<i32>} : memref<1000x128xf32, #tpu.memory_space<vmem>>, vector<1x16xf32>,
      %swap3A_3352 = vector.shape_cast %swap3A_3351 : vector<1x16xf32> to vector<16xf32>
      %swap3A_3353 = vector.shape_cast %select_n3A_3346 : vector<16xf32> to vector<1x16xf32>
      tpu.vector_store %arg5[%swap3A_3349, %swap3A_3350], %swap3A_3353 {add = true, strides = array<i32>} : memref<1000x128xf32, #tpu.memory_space<vmem>>, vector<1x16xf32>,
      %eq3A_3354 = arith.constant 7 : i32
      %eq3A_3355 = vector.broadcast %eq3A_3354 : i32 to vector<16xi32>
      %eq3A_3356 = arith.cmpi eq, %iota3A_2024, %eq3A_3355 : vector<16xi32>
      %jit3A_3357 = arith.constant -1.000000e+00 : f32
      %jit3A_3358 = arith.constant 0.000000e+00 : f32
      %broadcast_in_dim3A_3359 = vector.broadcast %jit3A_3357 : f32 to vector<16xf32>
      %broadcast_in_dim3A_3360 = vector.broadcast %jit3A_3358 : f32 to vector<16xf32>
      %select_n3A_3361 = arith.select %eq3A_3356, %broadcast_in_dim3A_3359, %broadcast_in_dim3A_3360 : vector<16xi1>, vector<16xf32>
      %slice3A_3362 = vector.extract_strided_slice %get3A_3248 {offsets = [7], sizes = [1], strides = [1]} : vector<16xi32> to vector<1xi32>
      %squeeze3A_3363 = vector.extract %slice3A_3362[0] : i32 from vector<1xi32>
      %swap3A_3364 = arith.index_cast %squeeze3A_3363 : i32 to index
      %swap3A_3365 = arith.constant 80 : index
      %swap3A_3366 = tpu.vector_load %arg5[%swap3A_3364, %swap3A_3365] {strides = array<i32>} : memref<1000x128xf32, #tpu.memory_space<vmem>>, vector<1x16xf32>,
      %swap3A_3367 = vector.shape_cast %swap3A_3366 : vector<1x16xf32> to vector<16xf32>
      %swap3A_3368 = vector.shape_cast %select_n3A_3361 : vector<16xf32> to vector<1x16xf32>
      tpu.vector_store %arg5[%swap3A_3364, %swap3A_3365], %swap3A_3368 {add = true, strides = array<i32>} : memref<1000x128xf32, #tpu.memory_space<vmem>>, vector<1x16xf32>,
      %eq3A_3369 = arith.constant 8 : i32
      %eq3A_3370 = vector.broadcast %eq3A_3369 : i32 to vector<16xi32>
      %eq3A_3371 = arith.cmpi eq, %iota3A_2024, %eq3A_3370 : vector<16xi32>
      %jit3A_3372 = arith.constant -1.000000e+00 : f32
      %jit3A_3373 = arith.constant 0.000000e+00 : f32
      %broadcast_in_dim3A_3374 = vector.broadcast %jit3A_3372 : f32 to vector<16xf32>
      %broadcast_in_dim3A_3375 = vector.broadcast %jit3A_3373 : f32 to vector<16xf32>
      %select_n3A_3376 = arith.select %eq3A_3371, %broadcast_in_dim3A_3374, %broadcast_in_dim3A_3375 : vector<16xi1>, vector<16xf32>
      %slice3A_3377 = vector.extract_strided_slice %get3A_3248 {offsets = [8], sizes = [1], strides = [1]} : vector<16xi32> to vector<1xi32>
      %squeeze3A_3378 = vector.extract %slice3A_3377[0] : i32 from vector<1xi32>
      %swap3A_3379 = arith.index_cast %squeeze3A_3378 : i32 to index
      %swap3A_3380 = arith.constant 80 : index
      %swap3A_3381 = tpu.vector_load %arg5[%swap3A_3379, %swap3A_3380] {strides = array<i32>} : memref<1000x128xf32, #tpu.memory_space<vmem>>, vector<1x16xf32>,
      %swap3A_3382 = vector.shape_cast %swap3A_3381 : vector<1x16xf32> to vector<16xf32>
      %swap3A_3383 = vector.shape_cast %select_n3A_3376 : vector<16xf32> to vector<1x16xf32>
      tpu.vector_store %arg5[%swap3A_3379, %swap3A_3380], %swap3A_3383 {add = true, strides = array<i32>} : memref<1000x128xf32, #tpu.memory_space<vmem>>, vector<1x16xf32>,
      %eq3A_3384 = arith.constant 9 : i32
      %eq3A_3385 = vector.broadcast %eq3A_3384 : i32 to vector<16xi32>
      %eq3A_3386 = arith.cmpi eq, %iota3A_2024, %eq3A_3385 : vector<16xi32>
      %jit3A_3387 = arith.constant -1.000000e+00 : f32
      %jit3A_3388 = arith.constant 0.000000e+00 : f32
      %broadcast_in_dim3A_3389 = vector.broadcast %jit3A_3387 : f32 to vector<16xf32>
      %broadcast_in_dim3A_3390 = vector.broadcast %jit3A_3388 : f32 to vector<16xf32>
      %select_n3A_3391 = arith.select %eq3A_3386, %broadcast_in_dim3A_3389, %broadcast_in_dim3A_3390 : vector<16xi1>, vector<16xf32>
      %slice3A_3392 = vector.extract_strided_slice %get3A_3248 {offsets = [9], sizes = [1], strides = [1]} : vector<16xi32> to vector<1xi32>
      %squeeze3A_3393 = vector.extract %slice3A_3392[0] : i32 from vector<1xi32>
      %swap3A_3394 = arith.index_cast %squeeze3A_3393 : i32 to index
      %swap3A_3395 = arith.constant 80 : index
      %swap3A_3396 = tpu.vector_load %arg5[%swap3A_3394, %swap3A_3395] {strides = array<i32>} : memref<1000x128xf32, #tpu.memory_space<vmem>>, vector<1x16xf32>,
      %swap3A_3397 = vector.shape_cast %swap3A_3396 : vector<1x16xf32> to vector<16xf32>
      %swap3A_3398 = vector.shape_cast %select_n3A_3391 : vector<16xf32> to vector<1x16xf32>
      tpu.vector_store %arg5[%swap3A_3394, %swap3A_3395], %swap3A_3398 {add = true, strides = array<i32>} : memref<1000x128xf32, #tpu.memory_space<vmem>>, vector<1x16xf32>,
      %eq3A_3399 = arith.constant 10 : i32
      %eq3A_3400 = vector.broadcast %eq3A_3399 : i32 to vector<16xi32>
      %eq3A_3401 = arith.cmpi eq, %iota3A_2024, %eq3A_3400 : vector<16xi32>
      %jit3A_3402 = arith.constant -1.000000e+00 : f32
      %jit3A_3403 = arith.constant 0.000000e+00 : f32
      %broadcast_in_dim3A_3404 = vector.broadcast %jit3A_3402 : f32 to vector<16xf32>
      %broadcast_in_dim3A_3405 = vector.broadcast %jit3A_3403 : f32 to vector<16xf32>
      %select_n3A_3406 = arith.select %eq3A_3401, %broadcast_in_dim3A_3404, %broadcast_in_dim3A_3405 : vector<16xi1>, vector<16xf32>
      %slice3A_3407 = vector.extract_strided_slice %get3A_3248 {offsets = [10], sizes = [1], strides = [1]} : vector<16xi32> to vector<1xi32>
      %squeeze3A_3408 = vector.extract %slice3A_3407[0] : i32 from vector<1xi32>
      %swap3A_3409 = arith.index_cast %squeeze3A_3408 : i32 to index
      %swap3A_3410 = arith.constant 80 : index
      %swap3A_3411 = tpu.vector_load %arg5[%swap3A_3409, %swap3A_3410] {strides = array<i32>} : memref<1000x128xf32, #tpu.memory_space<vmem>>, vector<1x16xf32>,
      %swap3A_3412 = vector.shape_cast %swap3A_3411 : vector<1x16xf32> to vector<16xf32>
      %swap3A_3413 = vector.shape_cast %select_n3A_3406 : vector<16xf32> to vector<1x16xf32>
      tpu.vector_store %arg5[%swap3A_3409, %swap3A_3410], %swap3A_3413 {add = true, strides = array<i32>} : memref<1000x128xf32, #tpu.memory_space<vmem>>, vector<1x16xf32>,
      %eq3A_3414 = arith.constant 11 : i32
      %eq3A_3415 = vector.broadcast %eq3A_3414 : i32 to vector<16xi32>
      %eq3A_3416 = arith.cmpi eq, %iota3A_2024, %eq3A_3415 : vector<16xi32>
      %jit3A_3417 = arith.constant -1.000000e+00 : f32
      %jit3A_3418 = arith.constant 0.000000e+00 : f32
      %broadcast_in_dim3A_3419 = vector.broadcast %jit3A_3417 : f32 to vector<16xf32>
      %broadcast_in_dim3A_3420 = vector.broadcast %jit3A_3418 : f32 to vector<16xf32>
      %select_n3A_3421 = arith.select %eq3A_3416, %broadcast_in_dim3A_3419, %broadcast_in_dim3A_3420 : vector<16xi1>, vector<16xf32>
      %slice3A_3422 = vector.extract_strided_slice %get3A_3248 {offsets = [11], sizes = [1], strides = [1]} : vector<16xi32> to vector<1xi32>
      %squeeze3A_3423 = vector.extract %slice3A_3422[0] : i32 from vector<1xi32>
      %swap3A_3424 = arith.index_cast %squeeze3A_3423 : i32 to index
      %swap3A_3425 = arith.constant 80 : index
      %swap3A_3426 = tpu.vector_load %arg5[%swap3A_3424, %swap3A_3425] {strides = array<i32>} : memref<1000x128xf32, #tpu.memory_space<vmem>>, vector<1x16xf32>,
      %swap3A_3427 = vector.shape_cast %swap3A_3426 : vector<1x16xf32> to vector<16xf32>
      %swap3A_3428 = vector.shape_cast %select_n3A_3421 : vector<16xf32> to vector<1x16xf32>
      tpu.vector_store %arg5[%swap3A_3424, %swap3A_3425], %swap3A_3428 {add = true, strides = array<i32>} : memref<1000x128xf32, #tpu.memory_space<vmem>>, vector<1x16xf32>,
      %eq3A_3429 = arith.constant 12 : i32
      %eq3A_3430 = vector.broadcast %eq3A_3429 : i32 to vector<16xi32>
      %eq3A_3431 = arith.cmpi eq, %iota3A_2024, %eq3A_3430 : vector<16xi32>
      %jit3A_3432 = arith.constant -1.000000e+00 : f32
      %jit3A_3433 = arith.constant 0.000000e+00 : f32
      %broadcast_in_dim3A_3434 = vector.broadcast %jit3A_3432 : f32 to vector<16xf32>
      %broadcast_in_dim3A_3435 = vector.broadcast %jit3A_3433 : f32 to vector<16xf32>
      %select_n3A_3436 = arith.select %eq3A_3431, %broadcast_in_dim3A_3434, %broadcast_in_dim3A_3435 : vector<16xi1>, vector<16xf32>
      %slice3A_3437 = vector.extract_strided_slice %get3A_3248 {offsets = [12], sizes = [1], strides = [1]} : vector<16xi32> to vector<1xi32>
      %squeeze3A_3438 = vector.extract %slice3A_3437[0] : i32 from vector<1xi32>
      %swap3A_3439 = arith.index_cast %squeeze3A_3438 : i32 to index
      %swap3A_3440 = arith.constant 80 : index
      %swap3A_3441 = tpu.vector_load %arg5[%swap3A_3439, %swap3A_3440] {strides = array<i32>} : memref<1000x128xf32, #tpu.memory_space<vmem>>, vector<1x16xf32>,
      %swap3A_3442 = vector.shape_cast %swap3A_3441 : vector<1x16xf32> to vector<16xf32>
      %swap3A_3443 = vector.shape_cast %select_n3A_3436 : vector<16xf32> to vector<1x16xf32>
      tpu.vector_store %arg5[%swap3A_3439, %swap3A_3440], %swap3A_3443 {add = true, strides = array<i32>} : memref<1000x128xf32, #tpu.memory_space<vmem>>, vector<1x16xf32>,
      %eq3A_3444 = arith.constant 13 : i32
      %eq3A_3445 = vector.broadcast %eq3A_3444 : i32 to vector<16xi32>
      %eq3A_3446 = arith.cmpi eq, %iota3A_2024, %eq3A_3445 : vector<16xi32>
      %jit3A_3447 = arith.constant -1.000000e+00 : f32
      %jit3A_3448 = arith.constant 0.000000e+00 : f32
      %broadcast_in_dim3A_3449 = vector.broadcast %jit3A_3447 : f32 to vector<16xf32>
      %broadcast_in_dim3A_3450 = vector.broadcast %jit3A_3448 : f32 to vector<16xf32>
      %select_n3A_3451 = arith.select %eq3A_3446, %broadcast_in_dim3A_3449, %broadcast_in_dim3A_3450 : vector<16xi1>, vector<16xf32>
      %slice3A_3452 = vector.extract_strided_slice %get3A_3248 {offsets = [13], sizes = [1], strides = [1]} : vector<16xi32> to vector<1xi32>
      %squeeze3A_3453 = vector.extract %slice3A_3452[0] : i32 from vector<1xi32>
      %swap3A_3454 = arith.index_cast %squeeze3A_3453 : i32 to index
      %swap3A_3455 = arith.constant 80 : index
      %swap3A_3456 = tpu.vector_load %arg5[%swap3A_3454, %swap3A_3455] {strides = array<i32>} : memref<1000x128xf32, #tpu.memory_space<vmem>>, vector<1x16xf32>,
      %swap3A_3457 = vector.shape_cast %swap3A_3456 : vector<1x16xf32> to vector<16xf32>
      %swap3A_3458 = vector.shape_cast %select_n3A_3451 : vector<16xf32> to vector<1x16xf32>
      tpu.vector_store %arg5[%swap3A_3454, %swap3A_3455], %swap3A_3458 {add = true, strides = array<i32>} : memref<1000x128xf32, #tpu.memory_space<vmem>>, vector<1x16xf32>,
      %eq3A_3459 = arith.constant 14 : i32
      %eq3A_3460 = vector.broadcast %eq3A_3459 : i32 to vector<16xi32>
      %eq3A_3461 = arith.cmpi eq, %iota3A_2024, %eq3A_3460 : vector<16xi32>
      %jit3A_3462 = arith.constant -1.000000e+00 : f32
      %jit3A_3463 = arith.constant 0.000000e+00 : f32
      %broadcast_in_dim3A_3464 = vector.broadcast %jit3A_3462 : f32 to vector<16xf32>
      %broadcast_in_dim3A_3465 = vector.broadcast %jit3A_3463 : f32 to vector<16xf32>
      %select_n3A_3466 = arith.select %eq3A_3461, %broadcast_in_dim3A_3464, %broadcast_in_dim3A_3465 : vector<16xi1>, vector<16xf32>
      %slice3A_3467 = vector.extract_strided_slice %get3A_3248 {offsets = [14], sizes = [1], strides = [1]} : vector<16xi32> to vector<1xi32>
      %squeeze3A_3468 = vector.extract %slice3A_3467[0] : i32 from vector<1xi32>
      %swap3A_3469 = arith.index_cast %squeeze3A_3468 : i32 to index
      %swap3A_3470 = arith.constant 80 : index
      %swap3A_3471 = tpu.vector_load %arg5[%swap3A_3469, %swap3A_3470] {strides = array<i32>} : memref<1000x128xf32, #tpu.memory_space<vmem>>, vector<1x16xf32>,
      %swap3A_3472 = vector.shape_cast %swap3A_3471 : vector<1x16xf32> to vector<16xf32>
      %swap3A_3473 = vector.shape_cast %select_n3A_3466 : vector<16xf32> to vector<1x16xf32>
      tpu.vector_store %arg5[%swap3A_3469, %swap3A_3470], %swap3A_3473 {add = true, strides = array<i32>} : memref<1000x128xf32, #tpu.memory_space<vmem>>, vector<1x16xf32>,
      %eq3A_3474 = arith.constant 15 : i32
      %eq3A_3475 = vector.broadcast %eq3A_3474 : i32 to vector<16xi32>
      %eq3A_3476 = arith.cmpi eq, %iota3A_2024, %eq3A_3475 : vector<16xi32>
      %jit3A_3477 = arith.constant -1.000000e+00 : f32
      %jit3A_3478 = arith.constant 0.000000e+00 : f32
      %broadcast_in_dim3A_3479 = vector.broadcast %jit3A_3477 : f32 to vector<16xf32>
      %broadcast_in_dim3A_3480 = vector.broadcast %jit3A_3478 : f32 to vector<16xf32>
      %select_n3A_3481 = arith.select %eq3A_3476, %broadcast_in_dim3A_3479, %broadcast_in_dim3A_3480 : vector<16xi1>, vector<16xf32>
      %slice3A_3482 = vector.extract_strided_slice %get3A_3248 {offsets = [15], sizes = [1], strides = [1]} : vector<16xi32> to vector<1xi32>
      %squeeze3A_3483 = vector.extract %slice3A_3482[0] : i32 from vector<1xi32>
      %swap3A_3484 = arith.index_cast %squeeze3A_3483 : i32 to index
      %swap3A_3485 = arith.constant 80 : index
      %swap3A_3486 = tpu.vector_load %arg5[%swap3A_3484, %swap3A_3485] {strides = array<i32>} : memref<1000x128xf32, #tpu.memory_space<vmem>>, vector<1x16xf32>,
      %swap3A_3487 = vector.shape_cast %swap3A_3486 : vector<1x16xf32> to vector<16xf32>
      %swap3A_3488 = vector.shape_cast %select_n3A_3481 : vector<16xf32> to vector<1x16xf32>
      tpu.vector_store %arg5[%swap3A_3484, %swap3A_3485], %swap3A_3488 {add = true, strides = array<i32>} : memref<1000x128xf32, #tpu.memory_space<vmem>>, vector<1x16xf32>,
      %get3A_3489 = arith.index_cast %select_n3A_2023 : i32 to index
      %get3A_3490 = arith.constant 96 : index
      %get3A_3491 = tpu.vector_load %arg4[%get3A_3489, %get3A_3490] {strides = array<i32>} : memref<2x128xi32, #tpu.memory_space<vmem>>, vector<1x16xi32>,
      %get3A_3492 = vector.shape_cast %get3A_3491 : vector<1x16xi32> to vector<16xi32>
      %eq3A_3493 = arith.constant 0 : i32
      %eq3A_3494 = vector.broadcast %eq3A_3493 : i32 to vector<16xi32>
      %eq3A_3495 = arith.cmpi eq, %iota3A_2024, %eq3A_3494 : vector<16xi32>
      %jit3A_3496 = arith.constant -1.000000e+00 : f32
      %jit3A_3497 = arith.constant 0.000000e+00 : f32
      %broadcast_in_dim3A_3498 = vector.broadcast %jit3A_3496 : f32 to vector<16xf32>
      %broadcast_in_dim3A_3499 = vector.broadcast %jit3A_3497 : f32 to vector<16xf32>
      %select_n3A_3500 = arith.select %eq3A_3495, %broadcast_in_dim3A_3498, %broadcast_in_dim3A_3499 : vector<16xi1>, vector<16xf32>
      %slice3A_3501 = vector.extract_strided_slice %get3A_3492 {offsets = [0], sizes = [1], strides = [1]} : vector<16xi32> to vector<1xi32>
      %squeeze3A_3502 = vector.extract %slice3A_3501[0] : i32 from vector<1xi32>
      %swap3A_3503 = arith.index_cast %squeeze3A_3502 : i32 to index
      %swap3A_3504 = arith.constant 96 : index
      %swap3A_3505 = tpu.vector_load %arg5[%swap3A_3503, %swap3A_3504] {strides = array<i32>} : memref<1000x128xf32, #tpu.memory_space<vmem>>, vector<1x16xf32>,
      %swap3A_3506 = vector.shape_cast %swap3A_3505 : vector<1x16xf32> to vector<16xf32>
      %swap3A_3507 = vector.shape_cast %select_n3A_3500 : vector<16xf32> to vector<1x16xf32>
      tpu.vector_store %arg5[%swap3A_3503, %swap3A_3504], %swap3A_3507 {add = true, strides = array<i32>} : memref<1000x128xf32, #tpu.memory_space<vmem>>, vector<1x16xf32>,
      %eq3A_3508 = arith.constant 1 : i32
      %eq3A_3509 = vector.broadcast %eq3A_3508 : i32 to vector<16xi32>
      %eq3A_3510 = arith.cmpi eq, %iota3A_2024, %eq3A_3509 : vector<16xi32>
      %jit3A_3511 = arith.constant -1.000000e+00 : f32
      %jit3A_3512 = arith.constant 0.000000e+00 : f32
      %broadcast_in_dim3A_3513 = vector.broadcast %jit3A_3511 : f32 to vector<16xf32>
      %broadcast_in_dim3A_3514 = vector.broadcast %jit3A_3512 : f32 to vector<16xf32>
      %select_n3A_3515 = arith.select %eq3A_3510, %broadcast_in_dim3A_3513, %broadcast_in_dim3A_3514 : vector<16xi1>, vector<16xf32>
      %slice3A_3516 = vector.extract_strided_slice %get3A_3492 {offsets = [1], sizes = [1], strides = [1]} : vector<16xi32> to vector<1xi32>
      %squeeze3A_3517 = vector.extract %slice3A_3516[0] : i32 from vector<1xi32>
      %swap3A_3518 = arith.index_cast %squeeze3A_3517 : i32 to index
      %swap3A_3519 = arith.constant 96 : index
      %swap3A_3520 = tpu.vector_load %arg5[%swap3A_3518, %swap3A_3519] {strides = array<i32>} : memref<1000x128xf32, #tpu.memory_space<vmem>>, vector<1x16xf32>,
      %swap3A_3521 = vector.shape_cast %swap3A_3520 : vector<1x16xf32> to vector<16xf32>
      %swap3A_3522 = vector.shape_cast %select_n3A_3515 : vector<16xf32> to vector<1x16xf32>
      tpu.vector_store %arg5[%swap3A_3518, %swap3A_3519], %swap3A_3522 {add = true, strides = array<i32>} : memref<1000x128xf32, #tpu.memory_space<vmem>>, vector<1x16xf32>,
      %eq3A_3523 = arith.constant 2 : i32
      %eq3A_3524 = vector.broadcast %eq3A_3523 : i32 to vector<16xi32>
      %eq3A_3525 = arith.cmpi eq, %iota3A_2024, %eq3A_3524 : vector<16xi32>
      %jit3A_3526 = arith.constant -1.000000e+00 : f32
      %jit3A_3527 = arith.constant 0.000000e+00 : f32
      %broadcast_in_dim3A_3528 = vector.broadcast %jit3A_3526 : f32 to vector<16xf32>
      %broadcast_in_dim3A_3529 = vector.broadcast %jit3A_3527 : f32 to vector<16xf32>
      %select_n3A_3530 = arith.select %eq3A_3525, %broadcast_in_dim3A_3528, %broadcast_in_dim3A_3529 : vector<16xi1>, vector<16xf32>
      %slice3A_3531 = vector.extract_strided_slice %get3A_3492 {offsets = [2], sizes = [1], strides = [1]} : vector<16xi32> to vector<1xi32>
      %squeeze3A_3532 = vector.extract %slice3A_3531[0] : i32 from vector<1xi32>
      %swap3A_3533 = arith.index_cast %squeeze3A_3532 : i32 to index
      %swap3A_3534 = arith.constant 96 : index
      %swap3A_3535 = tpu.vector_load %arg5[%swap3A_3533, %swap3A_3534] {strides = array<i32>} : memref<1000x128xf32, #tpu.memory_space<vmem>>, vector<1x16xf32>,
      %swap3A_3536 = vector.shape_cast %swap3A_3535 : vector<1x16xf32> to vector<16xf32>
      %swap3A_3537 = vector.shape_cast %select_n3A_3530 : vector<16xf32> to vector<1x16xf32>
      tpu.vector_store %arg5[%swap3A_3533, %swap3A_3534], %swap3A_3537 {add = true, strides = array<i32>} : memref<1000x128xf32, #tpu.memory_space<vmem>>, vector<1x16xf32>,
      %eq3A_3538 = arith.constant 3 : i32
      %eq3A_3539 = vector.broadcast %eq3A_3538 : i32 to vector<16xi32>
      %eq3A_3540 = arith.cmpi eq, %iota3A_2024, %eq3A_3539 : vector<16xi32>
      %jit3A_3541 = arith.constant -1.000000e+00 : f32
      %jit3A_3542 = arith.constant 0.000000e+00 : f32
      %broadcast_in_dim3A_3543 = vector.broadcast %jit3A_3541 : f32 to vector<16xf32>
      %broadcast_in_dim3A_3544 = vector.broadcast %jit3A_3542 : f32 to vector<16xf32>
      %select_n3A_3545 = arith.select %eq3A_3540, %broadcast_in_dim3A_3543, %broadcast_in_dim3A_3544 : vector<16xi1>, vector<16xf32>
      %slice3A_3546 = vector.extract_strided_slice %get3A_3492 {offsets = [3], sizes = [1], strides = [1]} : vector<16xi32> to vector<1xi32>
      %squeeze3A_3547 = vector.extract %slice3A_3546[0] : i32 from vector<1xi32>
      %swap3A_3548 = arith.index_cast %squeeze3A_3547 : i32 to index
      %swap3A_3549 = arith.constant 96 : index
      %swap3A_3550 = tpu.vector_load %arg5[%swap3A_3548, %swap3A_3549] {strides = array<i32>} : memref<1000x128xf32, #tpu.memory_space<vmem>>, vector<1x16xf32>,
      %swap3A_3551 = vector.shape_cast %swap3A_3550 : vector<1x16xf32> to vector<16xf32>
      %swap3A_3552 = vector.shape_cast %select_n3A_3545 : vector<16xf32> to vector<1x16xf32>
      tpu.vector_store %arg5[%swap3A_3548, %swap3A_3549], %swap3A_3552 {add = true, strides = array<i32>} : memref<1000x128xf32, #tpu.memory_space<vmem>>, vector<1x16xf32>,
      %eq3A_3553 = arith.constant 4 : i32
      %eq3A_3554 = vector.broadcast %eq3A_3553 : i32 to vector<16xi32>
      %eq3A_3555 = arith.cmpi eq, %iota3A_2024, %eq3A_3554 : vector<16xi32>
      %jit3A_3556 = arith.constant -1.000000e+00 : f32
      %jit3A_3557 = arith.constant 0.000000e+00 : f32
      %broadcast_in_dim3A_3558 = vector.broadcast %jit3A_3556 : f32 to vector<16xf32>
      %broadcast_in_dim3A_3559 = vector.broadcast %jit3A_3557 : f32 to vector<16xf32>
      %select_n3A_3560 = arith.select %eq3A_3555, %broadcast_in_dim3A_3558, %broadcast_in_dim3A_3559 : vector<16xi1>, vector<16xf32>
      %slice3A_3561 = vector.extract_strided_slice %get3A_3492 {offsets = [4], sizes = [1], strides = [1]} : vector<16xi32> to vector<1xi32>
      %squeeze3A_3562 = vector.extract %slice3A_3561[0] : i32 from vector<1xi32>
      %swap3A_3563 = arith.index_cast %squeeze3A_3562 : i32 to index
      %swap3A_3564 = arith.constant 96 : index
      %swap3A_3565 = tpu.vector_load %arg5[%swap3A_3563, %swap3A_3564] {strides = array<i32>} : memref<1000x128xf32, #tpu.memory_space<vmem>>, vector<1x16xf32>,
      %swap3A_3566 = vector.shape_cast %swap3A_3565 : vector<1x16xf32> to vector<16xf32>
      %swap3A_3567 = vector.shape_cast %select_n3A_3560 : vector<16xf32> to vector<1x16xf32>
      tpu.vector_store %arg5[%swap3A_3563, %swap3A_3564], %swap3A_3567 {add = true, strides = array<i32>} : memref<1000x128xf32, #tpu.memory_space<vmem>>, vector<1x16xf32>,
      %eq3A_3568 = arith.constant 5 : i32
      %eq3A_3569 = vector.broadcast %eq3A_3568 : i32 to vector<16xi32>
      %eq3A_3570 = arith.cmpi eq, %iota3A_2024, %eq3A_3569 : vector<16xi32>
      %jit3A_3571 = arith.constant -1.000000e+00 : f32
      %jit3A_3572 = arith.constant 0.000000e+00 : f32
      %broadcast_in_dim3A_3573 = vector.broadcast %jit3A_3571 : f32 to vector<16xf32>
      %broadcast_in_dim3A_3574 = vector.broadcast %jit3A_3572 : f32 to vector<16xf32>
      %select_n3A_3575 = arith.select %eq3A_3570, %broadcast_in_dim3A_3573, %broadcast_in_dim3A_3574 : vector<16xi1>, vector<16xf32>
      %slice3A_3576 = vector.extract_strided_slice %get3A_3492 {offsets = [5], sizes = [1], strides = [1]} : vector<16xi32> to vector<1xi32>
      %squeeze3A_3577 = vector.extract %slice3A_3576[0] : i32 from vector<1xi32>
      %swap3A_3578 = arith.index_cast %squeeze3A_3577 : i32 to index
      %swap3A_3579 = arith.constant 96 : index
      %swap3A_3580 = tpu.vector_load %arg5[%swap3A_3578, %swap3A_3579] {strides = array<i32>} : memref<1000x128xf32, #tpu.memory_space<vmem>>, vector<1x16xf32>,
      %swap3A_3581 = vector.shape_cast %swap3A_3580 : vector<1x16xf32> to vector<16xf32>
      %swap3A_3582 = vector.shape_cast %select_n3A_3575 : vector<16xf32> to vector<1x16xf32>
      tpu.vector_store %arg5[%swap3A_3578, %swap3A_3579], %swap3A_3582 {add = true, strides = array<i32>} : memref<1000x128xf32, #tpu.memory_space<vmem>>, vector<1x16xf32>,
      %eq3A_3583 = arith.constant 6 : i32
      %eq3A_3584 = vector.broadcast %eq3A_3583 : i32 to vector<16xi32>
      %eq3A_3585 = arith.cmpi eq, %iota3A_2024, %eq3A_3584 : vector<16xi32>
      %jit3A_3586 = arith.constant -1.000000e+00 : f32
      %jit3A_3587 = arith.constant 0.000000e+00 : f32
      %broadcast_in_dim3A_3588 = vector.broadcast %jit3A_3586 : f32 to vector<16xf32>
      %broadcast_in_dim3A_3589 = vector.broadcast %jit3A_3587 : f32 to vector<16xf32>
      %select_n3A_3590 = arith.select %eq3A_3585, %broadcast_in_dim3A_3588, %broadcast_in_dim3A_3589 : vector<16xi1>, vector<16xf32>
      %slice3A_3591 = vector.extract_strided_slice %get3A_3492 {offsets = [6], sizes = [1], strides = [1]} : vector<16xi32> to vector<1xi32>
      %squeeze3A_3592 = vector.extract %slice3A_3591[0] : i32 from vector<1xi32>
      %swap3A_3593 = arith.index_cast %squeeze3A_3592 : i32 to index
      %swap3A_3594 = arith.constant 96 : index
      %swap3A_3595 = tpu.vector_load %arg5[%swap3A_3593, %swap3A_3594] {strides = array<i32>} : memref<1000x128xf32, #tpu.memory_space<vmem>>, vector<1x16xf32>,
      %swap3A_3596 = vector.shape_cast %swap3A_3595 : vector<1x16xf32> to vector<16xf32>
      %swap3A_3597 = vector.shape_cast %select_n3A_3590 : vector<16xf32> to vector<1x16xf32>
      tpu.vector_store %arg5[%swap3A_3593, %swap3A_3594], %swap3A_3597 {add = true, strides = array<i32>} : memref<1000x128xf32, #tpu.memory_space<vmem>>, vector<1x16xf32>,
      %eq3A_3598 = arith.constant 7 : i32
      %eq3A_3599 = vector.broadcast %eq3A_3598 : i32 to vector<16xi32>
      %eq3A_3600 = arith.cmpi eq, %iota3A_2024, %eq3A_3599 : vector<16xi32>
      %jit3A_3601 = arith.constant -1.000000e+00 : f32
      %jit3A_3602 = arith.constant 0.000000e+00 : f32
      %broadcast_in_dim3A_3603 = vector.broadcast %jit3A_3601 : f32 to vector<16xf32>
      %broadcast_in_dim3A_3604 = vector.broadcast %jit3A_3602 : f32 to vector<16xf32>
      %select_n3A_3605 = arith.select %eq3A_3600, %broadcast_in_dim3A_3603, %broadcast_in_dim3A_3604 : vector<16xi1>, vector<16xf32>
      %slice3A_3606 = vector.extract_strided_slice %get3A_3492 {offsets = [7], sizes = [1], strides = [1]} : vector<16xi32> to vector<1xi32>
      %squeeze3A_3607 = vector.extract %slice3A_3606[0] : i32 from vector<1xi32>
      %swap3A_3608 = arith.index_cast %squeeze3A_3607 : i32 to index
      %swap3A_3609 = arith.constant 96 : index
      %swap3A_3610 = tpu.vector_load %arg5[%swap3A_3608, %swap3A_3609] {strides = array<i32>} : memref<1000x128xf32, #tpu.memory_space<vmem>>, vector<1x16xf32>,
      %swap3A_3611 = vector.shape_cast %swap3A_3610 : vector<1x16xf32> to vector<16xf32>
      %swap3A_3612 = vector.shape_cast %select_n3A_3605 : vector<16xf32> to vector<1x16xf32>
      tpu.vector_store %arg5[%swap3A_3608, %swap3A_3609], %swap3A_3612 {add = true, strides = array<i32>} : memref<1000x128xf32, #tpu.memory_space<vmem>>, vector<1x16xf32>,
      %eq3A_3613 = arith.constant 8 : i32
      %eq3A_3614 = vector.broadcast %eq3A_3613 : i32 to vector<16xi32>
      %eq3A_3615 = arith.cmpi eq, %iota3A_2024, %eq3A_3614 : vector<16xi32>
      %jit3A_3616 = arith.constant -1.000000e+00 : f32
      %jit3A_3617 = arith.constant 0.000000e+00 : f32
      %broadcast_in_dim3A_3618 = vector.broadcast %jit3A_3616 : f32 to vector<16xf32>
      %broadcast_in_dim3A_3619 = vector.broadcast %jit3A_3617 : f32 to vector<16xf32>
      %select_n3A_3620 = arith.select %eq3A_3615, %broadcast_in_dim3A_3618, %broadcast_in_dim3A_3619 : vector<16xi1>, vector<16xf32>
      %slice3A_3621 = vector.extract_strided_slice %get3A_3492 {offsets = [8], sizes = [1], strides = [1]} : vector<16xi32> to vector<1xi32>
      %squeeze3A_3622 = vector.extract %slice3A_3621[0] : i32 from vector<1xi32>
      %swap3A_3623 = arith.index_cast %squeeze3A_3622 : i32 to index
      %swap3A_3624 = arith.constant 96 : index
      %swap3A_3625 = tpu.vector_load %arg5[%swap3A_3623, %swap3A_3624] {strides = array<i32>} : memref<1000x128xf32, #tpu.memory_space<vmem>>, vector<1x16xf32>,
      %swap3A_3626 = vector.shape_cast %swap3A_3625 : vector<1x16xf32> to vector<16xf32>
      %swap3A_3627 = vector.shape_cast %select_n3A_3620 : vector<16xf32> to vector<1x16xf32>
      tpu.vector_store %arg5[%swap3A_3623, %swap3A_3624], %swap3A_3627 {add = true, strides = array<i32>} : memref<1000x128xf32, #tpu.memory_space<vmem>>, vector<1x16xf32>,
      %eq3A_3628 = arith.constant 9 : i32
      %eq3A_3629 = vector.broadcast %eq3A_3628 : i32 to vector<16xi32>
      %eq3A_3630 = arith.cmpi eq, %iota3A_2024, %eq3A_3629 : vector<16xi32>
      %jit3A_3631 = arith.constant -1.000000e+00 : f32
      %jit3A_3632 = arith.constant 0.000000e+00 : f32
      %broadcast_in_dim3A_3633 = vector.broadcast %jit3A_3631 : f32 to vector<16xf32>
      %broadcast_in_dim3A_3634 = vector.broadcast %jit3A_3632 : f32 to vector<16xf32>
      %select_n3A_3635 = arith.select %eq3A_3630, %broadcast_in_dim3A_3633, %broadcast_in_dim3A_3634 : vector<16xi1>, vector<16xf32>
      %slice3A_3636 = vector.extract_strided_slice %get3A_3492 {offsets = [9], sizes = [1], strides = [1]} : vector<16xi32> to vector<1xi32>
      %squeeze3A_3637 = vector.extract %slice3A_3636[0] : i32 from vector<1xi32>
      %swap3A_3638 = arith.index_cast %squeeze3A_3637 : i32 to index
      %swap3A_3639 = arith.constant 96 : index
      %swap3A_3640 = tpu.vector_load %arg5[%swap3A_3638, %swap3A_3639] {strides = array<i32>} : memref<1000x128xf32, #tpu.memory_space<vmem>>, vector<1x16xf32>,
      %swap3A_3641 = vector.shape_cast %swap3A_3640 : vector<1x16xf32> to vector<16xf32>
      %swap3A_3642 = vector.shape_cast %select_n3A_3635 : vector<16xf32> to vector<1x16xf32>
      tpu.vector_store %arg5[%swap3A_3638, %swap3A_3639], %swap3A_3642 {add = true, strides = array<i32>} : memref<1000x128xf32, #tpu.memory_space<vmem>>, vector<1x16xf32>,
      %eq3A_3643 = arith.constant 10 : i32
      %eq3A_3644 = vector.broadcast %eq3A_3643 : i32 to vector<16xi32>
      %eq3A_3645 = arith.cmpi eq, %iota3A_2024, %eq3A_3644 : vector<16xi32>
      %jit3A_3646 = arith.constant -1.000000e+00 : f32
      %jit3A_3647 = arith.constant 0.000000e+00 : f32
      %broadcast_in_dim3A_3648 = vector.broadcast %jit3A_3646 : f32 to vector<16xf32>
      %broadcast_in_dim3A_3649 = vector.broadcast %jit3A_3647 : f32 to vector<16xf32>
      %select_n3A_3650 = arith.select %eq3A_3645, %broadcast_in_dim3A_3648, %broadcast_in_dim3A_3649 : vector<16xi1>, vector<16xf32>
      %slice3A_3651 = vector.extract_strided_slice %get3A_3492 {offsets = [10], sizes = [1], strides = [1]} : vector<16xi32> to vector<1xi32>
      %squeeze3A_3652 = vector.extract %slice3A_3651[0] : i32 from vector<1xi32>
      %swap3A_3653 = arith.index_cast %squeeze3A_3652 : i32 to index
      %swap3A_3654 = arith.constant 96 : index
      %swap3A_3655 = tpu.vector_load %arg5[%swap3A_3653, %swap3A_3654] {strides = array<i32>} : memref<1000x128xf32, #tpu.memory_space<vmem>>, vector<1x16xf32>,
      %swap3A_3656 = vector.shape_cast %swap3A_3655 : vector<1x16xf32> to vector<16xf32>
      %swap3A_3657 = vector.shape_cast %select_n3A_3650 : vector<16xf32> to vector<1x16xf32>
      tpu.vector_store %arg5[%swap3A_3653, %swap3A_3654], %swap3A_3657 {add = true, strides = array<i32>} : memref<1000x128xf32, #tpu.memory_space<vmem>>, vector<1x16xf32>,
      %eq3A_3658 = arith.constant 11 : i32
      %eq3A_3659 = vector.broadcast %eq3A_3658 : i32 to vector<16xi32>
      %eq3A_3660 = arith.cmpi eq, %iota3A_2024, %eq3A_3659 : vector<16xi32>
      %jit3A_3661 = arith.constant -1.000000e+00 : f32
      %jit3A_3662 = arith.constant 0.000000e+00 : f32
      %broadcast_in_dim3A_3663 = vector.broadcast %jit3A_3661 : f32 to vector<16xf32>
      %broadcast_in_dim3A_3664 = vector.broadcast %jit3A_3662 : f32 to vector<16xf32>
      %select_n3A_3665 = arith.select %eq3A_3660, %broadcast_in_dim3A_3663, %broadcast_in_dim3A_3664 : vector<16xi1>, vector<16xf32>
      %slice3A_3666 = vector.extract_strided_slice %get3A_3492 {offsets = [11], sizes = [1], strides = [1]} : vector<16xi32> to vector<1xi32>
      %squeeze3A_3667 = vector.extract %slice3A_3666[0] : i32 from vector<1xi32>
      %swap3A_3668 = arith.index_cast %squeeze3A_3667 : i32 to index
      %swap3A_3669 = arith.constant 96 : index
      %swap3A_3670 = tpu.vector_load %arg5[%swap3A_3668, %swap3A_3669] {strides = array<i32>} : memref<1000x128xf32, #tpu.memory_space<vmem>>, vector<1x16xf32>,
      %swap3A_3671 = vector.shape_cast %swap3A_3670 : vector<1x16xf32> to vector<16xf32>
      %swap3A_3672 = vector.shape_cast %select_n3A_3665 : vector<16xf32> to vector<1x16xf32>
      tpu.vector_store %arg5[%swap3A_3668, %swap3A_3669], %swap3A_3672 {add = true, strides = array<i32>} : memref<1000x128xf32, #tpu.memory_space<vmem>>, vector<1x16xf32>,
      %eq3A_3673 = arith.constant 12 : i32
      %eq3A_3674 = vector.broadcast %eq3A_3673 : i32 to vector<16xi32>
      %eq3A_3675 = arith.cmpi eq, %iota3A_2024, %eq3A_3674 : vector<16xi32>
      %jit3A_3676 = arith.constant -1.000000e+00 : f32
      %jit3A_3677 = arith.constant 0.000000e+00 : f32
      %broadcast_in_dim3A_3678 = vector.broadcast %jit3A_3676 : f32 to vector<16xf32>
      %broadcast_in_dim3A_3679 = vector.broadcast %jit3A_3677 : f32 to vector<16xf32>
      %select_n3A_3680 = arith.select %eq3A_3675, %broadcast_in_dim3A_3678, %broadcast_in_dim3A_3679 : vector<16xi1>, vector<16xf32>
      %slice3A_3681 = vector.extract_strided_slice %get3A_3492 {offsets = [12], sizes = [1], strides = [1]} : vector<16xi32> to vector<1xi32>
      %squeeze3A_3682 = vector.extract %slice3A_3681[0] : i32 from vector<1xi32>
      %swap3A_3683 = arith.index_cast %squeeze3A_3682 : i32 to index
      %swap3A_3684 = arith.constant 96 : index
      %swap3A_3685 = tpu.vector_load %arg5[%swap3A_3683, %swap3A_3684] {strides = array<i32>} : memref<1000x128xf32, #tpu.memory_space<vmem>>, vector<1x16xf32>,
      %swap3A_3686 = vector.shape_cast %swap3A_3685 : vector<1x16xf32> to vector<16xf32>
      %swap3A_3687 = vector.shape_cast %select_n3A_3680 : vector<16xf32> to vector<1x16xf32>
      tpu.vector_store %arg5[%swap3A_3683, %swap3A_3684], %swap3A_3687 {add = true, strides = array<i32>} : memref<1000x128xf32, #tpu.memory_space<vmem>>, vector<1x16xf32>,
      %eq3A_3688 = arith.constant 13 : i32
      %eq3A_3689 = vector.broadcast %eq3A_3688 : i32 to vector<16xi32>
      %eq3A_3690 = arith.cmpi eq, %iota3A_2024, %eq3A_3689 : vector<16xi32>
      %jit3A_3691 = arith.constant -1.000000e+00 : f32
      %jit3A_3692 = arith.constant 0.000000e+00 : f32
      %broadcast_in_dim3A_3693 = vector.broadcast %jit3A_3691 : f32 to vector<16xf32>
      %broadcast_in_dim3A_3694 = vector.broadcast %jit3A_3692 : f32 to vector<16xf32>
      %select_n3A_3695 = arith.select %eq3A_3690, %broadcast_in_dim3A_3693, %broadcast_in_dim3A_3694 : vector<16xi1>, vector<16xf32>
      %slice3A_3696 = vector.extract_strided_slice %get3A_3492 {offsets = [13], sizes = [1], strides = [1]} : vector<16xi32> to vector<1xi32>
      %squeeze3A_3697 = vector.extract %slice3A_3696[0] : i32 from vector<1xi32>
      %swap3A_3698 = arith.index_cast %squeeze3A_3697 : i32 to index
      %swap3A_3699 = arith.constant 96 : index
      %swap3A_3700 = tpu.vector_load %arg5[%swap3A_3698, %swap3A_3699] {strides = array<i32>} : memref<1000x128xf32, #tpu.memory_space<vmem>>, vector<1x16xf32>,
      %swap3A_3701 = vector.shape_cast %swap3A_3700 : vector<1x16xf32> to vector<16xf32>
      %swap3A_3702 = vector.shape_cast %select_n3A_3695 : vector<16xf32> to vector<1x16xf32>
      tpu.vector_store %arg5[%swap3A_3698, %swap3A_3699], %swap3A_3702 {add = true, strides = array<i32>} : memref<1000x128xf32, #tpu.memory_space<vmem>>, vector<1x16xf32>,
      %eq3A_3703 = arith.constant 14 : i32
      %eq3A_3704 = vector.broadcast %eq3A_3703 : i32 to vector<16xi32>
      %eq3A_3705 = arith.cmpi eq, %iota3A_2024, %eq3A_3704 : vector<16xi32>
      %jit3A_3706 = arith.constant -1.000000e+00 : f32
      %jit3A_3707 = arith.constant 0.000000e+00 : f32
      %broadcast_in_dim3A_3708 = vector.broadcast %jit3A_3706 : f32 to vector<16xf32>
      %broadcast_in_dim3A_3709 = vector.broadcast %jit3A_3707 : f32 to vector<16xf32>
      %select_n3A_3710 = arith.select %eq3A_3705, %broadcast_in_dim3A_3708, %broadcast_in_dim3A_3709 : vector<16xi1>, vector<16xf32>
      %slice3A_3711 = vector.extract_strided_slice %get3A_3492 {offsets = [14], sizes = [1], strides = [1]} : vector<16xi32> to vector<1xi32>
      %squeeze3A_3712 = vector.extract %slice3A_3711[0] : i32 from vector<1xi32>
      %swap3A_3713 = arith.index_cast %squeeze3A_3712 : i32 to index
      %swap3A_3714 = arith.constant 96 : index
      %swap3A_3715 = tpu.vector_load %arg5[%swap3A_3713, %swap3A_3714] {strides = array<i32>} : memref<1000x128xf32, #tpu.memory_space<vmem>>, vector<1x16xf32>,
      %swap3A_3716 = vector.shape_cast %swap3A_3715 : vector<1x16xf32> to vector<16xf32>
      %swap3A_3717 = vector.shape_cast %select_n3A_3710 : vector<16xf32> to vector<1x16xf32>
      tpu.vector_store %arg5[%swap3A_3713, %swap3A_3714], %swap3A_3717 {add = true, strides = array<i32>} : memref<1000x128xf32, #tpu.memory_space<vmem>>, vector<1x16xf32>,
      %eq3A_3718 = arith.constant 15 : i32
      %eq3A_3719 = vector.broadcast %eq3A_3718 : i32 to vector<16xi32>
      %eq3A_3720 = arith.cmpi eq, %iota3A_2024, %eq3A_3719 : vector<16xi32>
      %jit3A_3721 = arith.constant -1.000000e+00 : f32
      %jit3A_3722 = arith.constant 0.000000e+00 : f32
      %broadcast_in_dim3A_3723 = vector.broadcast %jit3A_3721 : f32 to vector<16xf32>
      %broadcast_in_dim3A_3724 = vector.broadcast %jit3A_3722 : f32 to vector<16xf32>
      %select_n3A_3725 = arith.select %eq3A_3720, %broadcast_in_dim3A_3723, %broadcast_in_dim3A_3724 : vector<16xi1>, vector<16xf32>
      %slice3A_3726 = vector.extract_strided_slice %get3A_3492 {offsets = [15], sizes = [1], strides = [1]} : vector<16xi32> to vector<1xi32>
      %squeeze3A_3727 = vector.extract %slice3A_3726[0] : i32 from vector<1xi32>
      %swap3A_3728 = arith.index_cast %squeeze3A_3727 : i32 to index
      %swap3A_3729 = arith.constant 96 : index
      %swap3A_3730 = tpu.vector_load %arg5[%swap3A_3728, %swap3A_3729] {strides = array<i32>} : memref<1000x128xf32, #tpu.memory_space<vmem>>, vector<1x16xf32>,
      %swap3A_3731 = vector.shape_cast %swap3A_3730 : vector<1x16xf32> to vector<16xf32>
      %swap3A_3732 = vector.shape_cast %select_n3A_3725 : vector<16xf32> to vector<1x16xf32>
      tpu.vector_store %arg5[%swap3A_3728, %swap3A_3729], %swap3A_3732 {add = true, strides = array<i32>} : memref<1000x128xf32, #tpu.memory_space<vmem>>, vector<1x16xf32>,
      %get3A_3733 = arith.index_cast %select_n3A_2023 : i32 to index
      %get3A_3734 = arith.constant 112 : index
      %get3A_3735 = tpu.vector_load %arg4[%get3A_3733, %get3A_3734] {strides = array<i32>} : memref<2x128xi32, #tpu.memory_space<vmem>>, vector<1x16xi32>,
      %get3A_3736 = vector.shape_cast %get3A_3735 : vector<1x16xi32> to vector<16xi32>
      %eq3A_3737 = arith.constant 0 : i32
      %eq3A_3738 = vector.broadcast %eq3A_3737 : i32 to vector<16xi32>
      %eq3A_3739 = arith.cmpi eq, %iota3A_2024, %eq3A_3738 : vector<16xi32>
      %jit3A_3740 = arith.constant -1.000000e+00 : f32
      %jit3A_3741 = arith.constant 0.000000e+00 : f32
      %broadcast_in_dim3A_3742 = vector.broadcast %jit3A_3740 : f32 to vector<16xf32>
      %broadcast_in_dim3A_3743 = vector.broadcast %jit3A_3741 : f32 to vector<16xf32>
      %select_n3A_3744 = arith.select %eq3A_3739, %broadcast_in_dim3A_3742, %broadcast_in_dim3A_3743 : vector<16xi1>, vector<16xf32>
      %slice3A_3745 = vector.extract_strided_slice %get3A_3736 {offsets = [0], sizes = [1], strides = [1]} : vector<16xi32> to vector<1xi32>
      %squeeze3A_3746 = vector.extract %slice3A_3745[0] : i32 from vector<1xi32>
      %swap3A_3747 = arith.index_cast %squeeze3A_3746 : i32 to index
      %swap3A_3748 = arith.constant 112 : index
      %swap3A_3749 = tpu.vector_load %arg5[%swap3A_3747, %swap3A_3748] {strides = array<i32>} : memref<1000x128xf32, #tpu.memory_space<vmem>>, vector<1x16xf32>,
      %swap3A_3750 = vector.shape_cast %swap3A_3749 : vector<1x16xf32> to vector<16xf32>
      %swap3A_3751 = vector.shape_cast %select_n3A_3744 : vector<16xf32> to vector<1x16xf32>
      tpu.vector_store %arg5[%swap3A_3747, %swap3A_3748], %swap3A_3751 {add = true, strides = array<i32>} : memref<1000x128xf32, #tpu.memory_space<vmem>>, vector<1x16xf32>,
      %eq3A_3752 = arith.constant 1 : i32
      %eq3A_3753 = vector.broadcast %eq3A_3752 : i32 to vector<16xi32>
      %eq3A_3754 = arith.cmpi eq, %iota3A_2024, %eq3A_3753 : vector<16xi32>
      %jit3A_3755 = arith.constant -1.000000e+00 : f32
      %jit3A_3756 = arith.constant 0.000000e+00 : f32
      %broadcast_in_dim3A_3757 = vector.broadcast %jit3A_3755 : f32 to vector<16xf32>
      %broadcast_in_dim3A_3758 = vector.broadcast %jit3A_3756 : f32 to vector<16xf32>
      %select_n3A_3759 = arith.select %eq3A_3754, %broadcast_in_dim3A_3757, %broadcast_in_dim3A_3758 : vector<16xi1>, vector<16xf32>
      %slice3A_3760 = vector.extract_strided_slice %get3A_3736 {offsets = [1], sizes = [1], strides = [1]} : vector<16xi32> to vector<1xi32>
      %squeeze3A_3761 = vector.extract %slice3A_3760[0] : i32 from vector<1xi32>
      %swap3A_3762 = arith.index_cast %squeeze3A_3761 : i32 to index
      %swap3A_3763 = arith.constant 112 : index
      %swap3A_3764 = tpu.vector_load %arg5[%swap3A_3762, %swap3A_3763] {strides = array<i32>} : memref<1000x128xf32, #tpu.memory_space<vmem>>, vector<1x16xf32>,
      %swap3A_3765 = vector.shape_cast %swap3A_3764 : vector<1x16xf32> to vector<16xf32>
      %swap3A_3766 = vector.shape_cast %select_n3A_3759 : vector<16xf32> to vector<1x16xf32>
      tpu.vector_store %arg5[%swap3A_3762, %swap3A_3763], %swap3A_3766 {add = true, strides = array<i32>} : memref<1000x128xf32, #tpu.memory_space<vmem>>, vector<1x16xf32>,
      %eq3A_3767 = arith.constant 2 : i32
      %eq3A_3768 = vector.broadcast %eq3A_3767 : i32 to vector<16xi32>
      %eq3A_3769 = arith.cmpi eq, %iota3A_2024, %eq3A_3768 : vector<16xi32>
      %jit3A_3770 = arith.constant -1.000000e+00 : f32
      %jit3A_3771 = arith.constant 0.000000e+00 : f32
      %broadcast_in_dim3A_3772 = vector.broadcast %jit3A_3770 : f32 to vector<16xf32>
      %broadcast_in_dim3A_3773 = vector.broadcast %jit3A_3771 : f32 to vector<16xf32>
      %select_n3A_3774 = arith.select %eq3A_3769, %broadcast_in_dim3A_3772, %broadcast_in_dim3A_3773 : vector<16xi1>, vector<16xf32>
      %slice3A_3775 = vector.extract_strided_slice %get3A_3736 {offsets = [2], sizes = [1], strides = [1]} : vector<16xi32> to vector<1xi32>
      %squeeze3A_3776 = vector.extract %slice3A_3775[0] : i32 from vector<1xi32>
      %swap3A_3777 = arith.index_cast %squeeze3A_3776 : i32 to index
      %swap3A_3778 = arith.constant 112 : index
      %swap3A_3779 = tpu.vector_load %arg5[%swap3A_3777, %swap3A_3778] {strides = array<i32>} : memref<1000x128xf32, #tpu.memory_space<vmem>>, vector<1x16xf32>,
      %swap3A_3780 = vector.shape_cast %swap3A_3779 : vector<1x16xf32> to vector<16xf32>
      %swap3A_3781 = vector.shape_cast %select_n3A_3774 : vector<16xf32> to vector<1x16xf32>
      tpu.vector_store %arg5[%swap3A_3777, %swap3A_3778], %swap3A_3781 {add = true, strides = array<i32>} : memref<1000x128xf32, #tpu.memory_space<vmem>>, vector<1x16xf32>,
      %eq3A_3782 = arith.constant 3 : i32
      %eq3A_3783 = vector.broadcast %eq3A_3782 : i32 to vector<16xi32>
      %eq3A_3784 = arith.cmpi eq, %iota3A_2024, %eq3A_3783 : vector<16xi32>
      %jit3A_3785 = arith.constant -1.000000e+00 : f32
      %jit3A_3786 = arith.constant 0.000000e+00 : f32
      %broadcast_in_dim3A_3787 = vector.broadcast %jit3A_3785 : f32 to vector<16xf32>
      %broadcast_in_dim3A_3788 = vector.broadcast %jit3A_3786 : f32 to vector<16xf32>
      %select_n3A_3789 = arith.select %eq3A_3784, %broadcast_in_dim3A_3787, %broadcast_in_dim3A_3788 : vector<16xi1>, vector<16xf32>
      %slice3A_3790 = vector.extract_strided_slice %get3A_3736 {offsets = [3], sizes = [1], strides = [1]} : vector<16xi32> to vector<1xi32>
      %squeeze3A_3791 = vector.extract %slice3A_3790[0] : i32 from vector<1xi32>
      %swap3A_3792 = arith.index_cast %squeeze3A_3791 : i32 to index
      %swap3A_3793 = arith.constant 112 : index
      %swap3A_3794 = tpu.vector_load %arg5[%swap3A_3792, %swap3A_3793] {strides = array<i32>} : memref<1000x128xf32, #tpu.memory_space<vmem>>, vector<1x16xf32>,
      %swap3A_3795 = vector.shape_cast %swap3A_3794 : vector<1x16xf32> to vector<16xf32>
      %swap3A_3796 = vector.shape_cast %select_n3A_3789 : vector<16xf32> to vector<1x16xf32>
      tpu.vector_store %arg5[%swap3A_3792, %swap3A_3793], %swap3A_3796 {add = true, strides = array<i32>} : memref<1000x128xf32, #tpu.memory_space<vmem>>, vector<1x16xf32>,
      %eq3A_3797 = arith.constant 4 : i32
      %eq3A_3798 = vector.broadcast %eq3A_3797 : i32 to vector<16xi32>
      %eq3A_3799 = arith.cmpi eq, %iota3A_2024, %eq3A_3798 : vector<16xi32>
      %jit3A_3800 = arith.constant -1.000000e+00 : f32
      %jit3A_3801 = arith.constant 0.000000e+00 : f32
      %broadcast_in_dim3A_3802 = vector.broadcast %jit3A_3800 : f32 to vector<16xf32>
      %broadcast_in_dim3A_3803 = vector.broadcast %jit3A_3801 : f32 to vector<16xf32>
      %select_n3A_3804 = arith.select %eq3A_3799, %broadcast_in_dim3A_3802, %broadcast_in_dim3A_3803 : vector<16xi1>, vector<16xf32>
      %slice3A_3805 = vector.extract_strided_slice %get3A_3736 {offsets = [4], sizes = [1], strides = [1]} : vector<16xi32> to vector<1xi32>
      %squeeze3A_3806 = vector.extract %slice3A_3805[0] : i32 from vector<1xi32>
      %swap3A_3807 = arith.index_cast %squeeze3A_3806 : i32 to index
      %swap3A_3808 = arith.constant 112 : index
      %swap3A_3809 = tpu.vector_load %arg5[%swap3A_3807, %swap3A_3808] {strides = array<i32>} : memref<1000x128xf32, #tpu.memory_space<vmem>>, vector<1x16xf32>,
      %swap3A_3810 = vector.shape_cast %swap3A_3809 : vector<1x16xf32> to vector<16xf32>
      %swap3A_3811 = vector.shape_cast %select_n3A_3804 : vector<16xf32> to vector<1x16xf32>
      tpu.vector_store %arg5[%swap3A_3807, %swap3A_3808], %swap3A_3811 {add = true, strides = array<i32>} : memref<1000x128xf32, #tpu.memory_space<vmem>>, vector<1x16xf32>,
      %eq3A_3812 = arith.constant 5 : i32
      %eq3A_3813 = vector.broadcast %eq3A_3812 : i32 to vector<16xi32>
      %eq3A_3814 = arith.cmpi eq, %iota3A_2024, %eq3A_3813 : vector<16xi32>
      %jit3A_3815 = arith.constant -1.000000e+00 : f32
      %jit3A_3816 = arith.constant 0.000000e+00 : f32
      %broadcast_in_dim3A_3817 = vector.broadcast %jit3A_3815 : f32 to vector<16xf32>
      %broadcast_in_dim3A_3818 = vector.broadcast %jit3A_3816 : f32 to vector<16xf32>
      %select_n3A_3819 = arith.select %eq3A_3814, %broadcast_in_dim3A_3817, %broadcast_in_dim3A_3818 : vector<16xi1>, vector<16xf32>
      %slice3A_3820 = vector.extract_strided_slice %get3A_3736 {offsets = [5], sizes = [1], strides = [1]} : vector<16xi32> to vector<1xi32>
      %squeeze3A_3821 = vector.extract %slice3A_3820[0] : i32 from vector<1xi32>
      %swap3A_3822 = arith.index_cast %squeeze3A_3821 : i32 to index
      %swap3A_3823 = arith.constant 112 : index
      %swap3A_3824 = tpu.vector_load %arg5[%swap3A_3822, %swap3A_3823] {strides = array<i32>} : memref<1000x128xf32, #tpu.memory_space<vmem>>, vector<1x16xf32>,
      %swap3A_3825 = vector.shape_cast %swap3A_3824 : vector<1x16xf32> to vector<16xf32>
      %swap3A_3826 = vector.shape_cast %select_n3A_3819 : vector<16xf32> to vector<1x16xf32>
      tpu.vector_store %arg5[%swap3A_3822, %swap3A_3823], %swap3A_3826 {add = true, strides = array<i32>} : memref<1000x128xf32, #tpu.memory_space<vmem>>, vector<1x16xf32>,
      %eq3A_3827 = arith.constant 6 : i32
      %eq3A_3828 = vector.broadcast %eq3A_3827 : i32 to vector<16xi32>
      %eq3A_3829 = arith.cmpi eq, %iota3A_2024, %eq3A_3828 : vector<16xi32>
      %jit3A_3830 = arith.constant -1.000000e+00 : f32
      %jit3A_3831 = arith.constant 0.000000e+00 : f32
      %broadcast_in_dim3A_3832 = vector.broadcast %jit3A_3830 : f32 to vector<16xf32>
      %broadcast_in_dim3A_3833 = vector.broadcast %jit3A_3831 : f32 to vector<16xf32>
      %select_n3A_3834 = arith.select %eq3A_3829, %broadcast_in_dim3A_3832, %broadcast_in_dim3A_3833 : vector<16xi1>, vector<16xf32>
      %slice3A_3835 = vector.extract_strided_slice %get3A_3736 {offsets = [6], sizes = [1], strides = [1]} : vector<16xi32> to vector<1xi32>
      %squeeze3A_3836 = vector.extract %slice3A_3835[0] : i32 from vector<1xi32>
      %swap3A_3837 = arith.index_cast %squeeze3A_3836 : i32 to index
      %swap3A_3838 = arith.constant 112 : index
      %swap3A_3839 = tpu.vector_load %arg5[%swap3A_3837, %swap3A_3838] {strides = array<i32>} : memref<1000x128xf32, #tpu.memory_space<vmem>>, vector<1x16xf32>,
      %swap3A_3840 = vector.shape_cast %swap3A_3839 : vector<1x16xf32> to vector<16xf32>
      %swap3A_3841 = vector.shape_cast %select_n3A_3834 : vector<16xf32> to vector<1x16xf32>
      tpu.vector_store %arg5[%swap3A_3837, %swap3A_3838], %swap3A_3841 {add = true, strides = array<i32>} : memref<1000x128xf32, #tpu.memory_space<vmem>>, vector<1x16xf32>,
      %eq3A_3842 = arith.constant 7 : i32
      %eq3A_3843 = vector.broadcast %eq3A_3842 : i32 to vector<16xi32>
      %eq3A_3844 = arith.cmpi eq, %iota3A_2024, %eq3A_3843 : vector<16xi32>
      %jit3A_3845 = arith.constant -1.000000e+00 : f32
      %jit3A_3846 = arith.constant 0.000000e+00 : f32
      %broadcast_in_dim3A_3847 = vector.broadcast %jit3A_3845 : f32 to vector<16xf32>
      %broadcast_in_dim3A_3848 = vector.broadcast %jit3A_3846 : f32 to vector<16xf32>
      %select_n3A_3849 = arith.select %eq3A_3844, %broadcast_in_dim3A_3847, %broadcast_in_dim3A_3848 : vector<16xi1>, vector<16xf32>
      %slice3A_3850 = vector.extract_strided_slice %get3A_3736 {offsets = [7], sizes = [1], strides = [1]} : vector<16xi32> to vector<1xi32>
      %squeeze3A_3851 = vector.extract %slice3A_3850[0] : i32 from vector<1xi32>
      %swap3A_3852 = arith.index_cast %squeeze3A_3851 : i32 to index
      %swap3A_3853 = arith.constant 112 : index
      %swap3A_3854 = tpu.vector_load %arg5[%swap3A_3852, %swap3A_3853] {strides = array<i32>} : memref<1000x128xf32, #tpu.memory_space<vmem>>, vector<1x16xf32>,
      %swap3A_3855 = vector.shape_cast %swap3A_3854 : vector<1x16xf32> to vector<16xf32>
      %swap3A_3856 = vector.shape_cast %select_n3A_3849 : vector<16xf32> to vector<1x16xf32>
      tpu.vector_store %arg5[%swap3A_3852, %swap3A_3853], %swap3A_3856 {add = true, strides = array<i32>} : memref<1000x128xf32, #tpu.memory_space<vmem>>, vector<1x16xf32>,
      %eq3A_3857 = arith.constant 8 : i32
      %eq3A_3858 = vector.broadcast %eq3A_3857 : i32 to vector<16xi32>
      %eq3A_3859 = arith.cmpi eq, %iota3A_2024, %eq3A_3858 : vector<16xi32>
      %jit3A_3860 = arith.constant -1.000000e+00 : f32
      %jit3A_3861 = arith.constant 0.000000e+00 : f32
      %broadcast_in_dim3A_3862 = vector.broadcast %jit3A_3860 : f32 to vector<16xf32>
      %broadcast_in_dim3A_3863 = vector.broadcast %jit3A_3861 : f32 to vector<16xf32>
      %select_n3A_3864 = arith.select %eq3A_3859, %broadcast_in_dim3A_3862, %broadcast_in_dim3A_3863 : vector<16xi1>, vector<16xf32>
      %slice3A_3865 = vector.extract_strided_slice %get3A_3736 {offsets = [8], sizes = [1], strides = [1]} : vector<16xi32> to vector<1xi32>
      %squeeze3A_3866 = vector.extract %slice3A_3865[0] : i32 from vector<1xi32>
      %swap3A_3867 = arith.index_cast %squeeze3A_3866 : i32 to index
      %swap3A_3868 = arith.constant 112 : index
      %swap3A_3869 = tpu.vector_load %arg5[%swap3A_3867, %swap3A_3868] {strides = array<i32>} : memref<1000x128xf32, #tpu.memory_space<vmem>>, vector<1x16xf32>,
      %swap3A_3870 = vector.shape_cast %swap3A_3869 : vector<1x16xf32> to vector<16xf32>
      %swap3A_3871 = vector.shape_cast %select_n3A_3864 : vector<16xf32> to vector<1x16xf32>
      tpu.vector_store %arg5[%swap3A_3867, %swap3A_3868], %swap3A_3871 {add = true, strides = array<i32>} : memref<1000x128xf32, #tpu.memory_space<vmem>>, vector<1x16xf32>,
      %eq3A_3872 = arith.constant 9 : i32
      %eq3A_3873 = vector.broadcast %eq3A_3872 : i32 to vector<16xi32>
      %eq3A_3874 = arith.cmpi eq, %iota3A_2024, %eq3A_3873 : vector<16xi32>
      %jit3A_3875 = arith.constant -1.000000e+00 : f32
      %jit3A_3876 = arith.constant 0.000000e+00 : f32
      %broadcast_in_dim3A_3877 = vector.broadcast %jit3A_3875 : f32 to vector<16xf32>
      %broadcast_in_dim3A_3878 = vector.broadcast %jit3A_3876 : f32 to vector<16xf32>
      %select_n3A_3879 = arith.select %eq3A_3874, %broadcast_in_dim3A_3877, %broadcast_in_dim3A_3878 : vector<16xi1>, vector<16xf32>
      %slice3A_3880 = vector.extract_strided_slice %get3A_3736 {offsets = [9], sizes = [1], strides = [1]} : vector<16xi32> to vector<1xi32>
      %squeeze3A_3881 = vector.extract %slice3A_3880[0] : i32 from vector<1xi32>
      %swap3A_3882 = arith.index_cast %squeeze3A_3881 : i32 to index
      %swap3A_3883 = arith.constant 112 : index
      %swap3A_3884 = tpu.vector_load %arg5[%swap3A_3882, %swap3A_3883] {strides = array<i32>} : memref<1000x128xf32, #tpu.memory_space<vmem>>, vector<1x16xf32>,
      %swap3A_3885 = vector.shape_cast %swap3A_3884 : vector<1x16xf32> to vector<16xf32>
      %swap3A_3886 = vector.shape_cast %select_n3A_3879 : vector<16xf32> to vector<1x16xf32>
      tpu.vector_store %arg5[%swap3A_3882, %swap3A_3883], %swap3A_3886 {add = true, strides = array<i32>} : memref<1000x128xf32, #tpu.memory_space<vmem>>, vector<1x16xf32>,
      %eq3A_3887 = arith.constant 10 : i32
      %eq3A_3888 = vector.broadcast %eq3A_3887 : i32 to vector<16xi32>
      %eq3A_3889 = arith.cmpi eq, %iota3A_2024, %eq3A_3888 : vector<16xi32>
      %jit3A_3890 = arith.constant -1.000000e+00 : f32
      %jit3A_3891 = arith.constant 0.000000e+00 : f32
      %broadcast_in_dim3A_3892 = vector.broadcast %jit3A_3890 : f32 to vector<16xf32>
      %broadcast_in_dim3A_3893 = vector.broadcast %jit3A_3891 : f32 to vector<16xf32>
      %select_n3A_3894 = arith.select %eq3A_3889, %broadcast_in_dim3A_3892, %broadcast_in_dim3A_3893 : vector<16xi1>, vector<16xf32>
      %slice3A_3895 = vector.extract_strided_slice %get3A_3736 {offsets = [10], sizes = [1], strides = [1]} : vector<16xi32> to vector<1xi32>
      %squeeze3A_3896 = vector.extract %slice3A_3895[0] : i32 from vector<1xi32>
      %swap3A_3897 = arith.index_cast %squeeze3A_3896 : i32 to index
      %swap3A_3898 = arith.constant 112 : index
      %swap3A_3899 = tpu.vector_load %arg5[%swap3A_3897, %swap3A_3898] {strides = array<i32>} : memref<1000x128xf32, #tpu.memory_space<vmem>>, vector<1x16xf32>,
      %swap3A_3900 = vector.shape_cast %swap3A_3899 : vector<1x16xf32> to vector<16xf32>
      %swap3A_3901 = vector.shape_cast %select_n3A_3894 : vector<16xf32> to vector<1x16xf32>
      tpu.vector_store %arg5[%swap3A_3897, %swap3A_3898], %swap3A_3901 {add = true, strides = array<i32>} : memref<1000x128xf32, #tpu.memory_space<vmem>>, vector<1x16xf32>,
      %eq3A_3902 = arith.constant 11 : i32
      %eq3A_3903 = vector.broadcast %eq3A_3902 : i32 to vector<16xi32>
      %eq3A_3904 = arith.cmpi eq, %iota3A_2024, %eq3A_3903 : vector<16xi32>
      %jit3A_3905 = arith.constant -1.000000e+00 : f32
      %jit3A_3906 = arith.constant 0.000000e+00 : f32
      %broadcast_in_dim3A_3907 = vector.broadcast %jit3A_3905 : f32 to vector<16xf32>
      %broadcast_in_dim3A_3908 = vector.broadcast %jit3A_3906 : f32 to vector<16xf32>
      %select_n3A_3909 = arith.select %eq3A_3904, %broadcast_in_dim3A_3907, %broadcast_in_dim3A_3908 : vector<16xi1>, vector<16xf32>
      %slice3A_3910 = vector.extract_strided_slice %get3A_3736 {offsets = [11], sizes = [1], strides = [1]} : vector<16xi32> to vector<1xi32>
      %squeeze3A_3911 = vector.extract %slice3A_3910[0] : i32 from vector<1xi32>
      %swap3A_3912 = arith.index_cast %squeeze3A_3911 : i32 to index
      %swap3A_3913 = arith.constant 112 : index
      %swap3A_3914 = tpu.vector_load %arg5[%swap3A_3912, %swap3A_3913] {strides = array<i32>} : memref<1000x128xf32, #tpu.memory_space<vmem>>, vector<1x16xf32>,
      %swap3A_3915 = vector.shape_cast %swap3A_3914 : vector<1x16xf32> to vector<16xf32>
      %swap3A_3916 = vector.shape_cast %select_n3A_3909 : vector<16xf32> to vector<1x16xf32>
      tpu.vector_store %arg5[%swap3A_3912, %swap3A_3913], %swap3A_3916 {add = true, strides = array<i32>} : memref<1000x128xf32, #tpu.memory_space<vmem>>, vector<1x16xf32>,
      %eq3A_3917 = arith.constant 12 : i32
      %eq3A_3918 = vector.broadcast %eq3A_3917 : i32 to vector<16xi32>
      %eq3A_3919 = arith.cmpi eq, %iota3A_2024, %eq3A_3918 : vector<16xi32>
      %jit3A_3920 = arith.constant -1.000000e+00 : f32
      %jit3A_3921 = arith.constant 0.000000e+00 : f32
      %broadcast_in_dim3A_3922 = vector.broadcast %jit3A_3920 : f32 to vector<16xf32>
      %broadcast_in_dim3A_3923 = vector.broadcast %jit3A_3921 : f32 to vector<16xf32>
      %select_n3A_3924 = arith.select %eq3A_3919, %broadcast_in_dim3A_3922, %broadcast_in_dim3A_3923 : vector<16xi1>, vector<16xf32>
      %slice3A_3925 = vector.extract_strided_slice %get3A_3736 {offsets = [12], sizes = [1], strides = [1]} : vector<16xi32> to vector<1xi32>
      %squeeze3A_3926 = vector.extract %slice3A_3925[0] : i32 from vector<1xi32>
      %swap3A_3927 = arith.index_cast %squeeze3A_3926 : i32 to index
      %swap3A_3928 = arith.constant 112 : index
      %swap3A_3929 = tpu.vector_load %arg5[%swap3A_3927, %swap3A_3928] {strides = array<i32>} : memref<1000x128xf32, #tpu.memory_space<vmem>>, vector<1x16xf32>,
      %swap3A_3930 = vector.shape_cast %swap3A_3929 : vector<1x16xf32> to vector<16xf32>
      %swap3A_3931 = vector.shape_cast %select_n3A_3924 : vector<16xf32> to vector<1x16xf32>
      tpu.vector_store %arg5[%swap3A_3927, %swap3A_3928], %swap3A_3931 {add = true, strides = array<i32>} : memref<1000x128xf32, #tpu.memory_space<vmem>>, vector<1x16xf32>,
      %eq3A_3932 = arith.constant 13 : i32
      %eq3A_3933 = vector.broadcast %eq3A_3932 : i32 to vector<16xi32>
      %eq3A_3934 = arith.cmpi eq, %iota3A_2024, %eq3A_3933 : vector<16xi32>
      %jit3A_3935 = arith.constant -1.000000e+00 : f32
      %jit3A_3936 = arith.constant 0.000000e+00 : f32
      %broadcast_in_dim3A_3937 = vector.broadcast %jit3A_3935 : f32 to vector<16xf32>
      %broadcast_in_dim3A_3938 = vector.broadcast %jit3A_3936 : f32 to vector<16xf32>
      %select_n3A_3939 = arith.select %eq3A_3934, %broadcast_in_dim3A_3937, %broadcast_in_dim3A_3938 : vector<16xi1>, vector<16xf32>
      %slice3A_3940 = vector.extract_strided_slice %get3A_3736 {offsets = [13], sizes = [1], strides = [1]} : vector<16xi32> to vector<1xi32>
      %squeeze3A_3941 = vector.extract %slice3A_3940[0] : i32 from vector<1xi32>
      %swap3A_3942 = arith.index_cast %squeeze3A_3941 : i32 to index
      %swap3A_3943 = arith.constant 112 : index
      %swap3A_3944 = tpu.vector_load %arg5[%swap3A_3942, %swap3A_3943] {strides = array<i32>} : memref<1000x128xf32, #tpu.memory_space<vmem>>, vector<1x16xf32>,
      %swap3A_3945 = vector.shape_cast %swap3A_3944 : vector<1x16xf32> to vector<16xf32>
      %swap3A_3946 = vector.shape_cast %select_n3A_3939 : vector<16xf32> to vector<1x16xf32>
      tpu.vector_store %arg5[%swap3A_3942, %swap3A_3943], %swap3A_3946 {add = true, strides = array<i32>} : memref<1000x128xf32, #tpu.memory_space<vmem>>, vector<1x16xf32>,
      %eq3A_3947 = arith.constant 14 : i32
      %eq3A_3948 = vector.broadcast %eq3A_3947 : i32 to vector<16xi32>
      %eq3A_3949 = arith.cmpi eq, %iota3A_2024, %eq3A_3948 : vector<16xi32>
      %jit3A_3950 = arith.constant -1.000000e+00 : f32
      %jit3A_3951 = arith.constant 0.000000e+00 : f32
      %broadcast_in_dim3A_3952 = vector.broadcast %jit3A_3950 : f32 to vector<16xf32>
      %broadcast_in_dim3A_3953 = vector.broadcast %jit3A_3951 : f32 to vector<16xf32>
      %select_n3A_3954 = arith.select %eq3A_3949, %broadcast_in_dim3A_3952, %broadcast_in_dim3A_3953 : vector<16xi1>, vector<16xf32>
      %slice3A_3955 = vector.extract_strided_slice %get3A_3736 {offsets = [14], sizes = [1], strides = [1]} : vector<16xi32> to vector<1xi32>
      %squeeze3A_3956 = vector.extract %slice3A_3955[0] : i32 from vector<1xi32>
      %swap3A_3957 = arith.index_cast %squeeze3A_3956 : i32 to index
      %swap3A_3958 = arith.constant 112 : index
      %swap3A_3959 = tpu.vector_load %arg5[%swap3A_3957, %swap3A_3958] {strides = array<i32>} : memref<1000x128xf32, #tpu.memory_space<vmem>>, vector<1x16xf32>,
      %swap3A_3960 = vector.shape_cast %swap3A_3959 : vector<1x16xf32> to vector<16xf32>
      %swap3A_3961 = vector.shape_cast %select_n3A_3954 : vector<16xf32> to vector<1x16xf32>
      tpu.vector_store %arg5[%swap3A_3957, %swap3A_3958], %swap3A_3961 {add = true, strides = array<i32>} : memref<1000x128xf32, #tpu.memory_space<vmem>>, vector<1x16xf32>,
      %eq3A_3962 = arith.constant 15 : i32
      %eq3A_3963 = vector.broadcast %eq3A_3962 : i32 to vector<16xi32>
      %eq3A_3964 = arith.cmpi eq, %iota3A_2024, %eq3A_3963 : vector<16xi32>
      %jit3A_3965 = arith.constant -1.000000e+00 : f32
      %jit3A_3966 = arith.constant 0.000000e+00 : f32
      %broadcast_in_dim3A_3967 = vector.broadcast %jit3A_3965 : f32 to vector<16xf32>
      %broadcast_in_dim3A_3968 = vector.broadcast %jit3A_3966 : f32 to vector<16xf32>
      %select_n3A_3969 = arith.select %eq3A_3964, %broadcast_in_dim3A_3967, %broadcast_in_dim3A_3968 : vector<16xi1>, vector<16xf32>
      %slice3A_3970 = vector.extract_strided_slice %get3A_3736 {offsets = [15], sizes = [1], strides = [1]} : vector<16xi32> to vector<1xi32>
      %squeeze3A_3971 = vector.extract %slice3A_3970[0] : i32 from vector<1xi32>
      %swap3A_3972 = arith.index_cast %squeeze3A_3971 : i32 to index
      %swap3A_3973 = arith.constant 112 : index
      %swap3A_3974 = tpu.vector_load %arg5[%swap3A_3972, %swap3A_3973] {strides = array<i32>} : memref<1000x128xf32, #tpu.memory_space<vmem>>, vector<1x16xf32>,
      %swap3A_3975 = vector.shape_cast %swap3A_3974 : vector<1x16xf32> to vector<16xf32>
      %swap3A_3976 = vector.shape_cast %select_n3A_3969 : vector<16xf32> to vector<1x16xf32>
      tpu.vector_store %arg5[%swap3A_3972, %swap3A_3973], %swap3A_3976 {add = true, strides = array<i32>} : memref<1000x128xf32, #tpu.memory_space<vmem>>, vector<1x16xf32>,
      %lt3A_3977 = arith.constant 19 : i32
      %lt3A_3978 = arith.cmpi slt, %scan3A_35, %lt3A_3977 : i32
      %convert_element_type3A_3979 = arith.extui %lt3A_3978 : i1 to i32
      %cond3A_3980 = arith.constant 0 : i32
      %cond3A_3981 = arith.cmpi ne, %convert_element_type3A_3979, %cond3A_3980 : i32
      scf.if %cond3A_3981 {
        %add3A_3982 = arith.constant 1 : i32
        %add3A_3983 = arith.addi %scan3A_35, %add3A_3982 : i32
        %mul3A_3984 = arith.constant 4096 : i32
        %mul3A_3985 = arith.muli %add3A_3983, %mul3A_3984 : i32
        %add3A_3986 = arith.addi %mul3A_3985, %mul3A_2 : i32
        %jit3A_3987 = arith.constant 2 : i32
        %eq3A_3988 = arith.constant 0 : i32
        %eq3A_3989 = arith.cmpi eq, %jit3A_3987, %eq3A_3988 : i32
        %jit3A_3990 = arith.constant 1 : i32
        %select_n3A_3991 = arith.select %eq3A_3989, %jit3A_3990, %jit3A_3987 : i32
        %rem3A_3992 = arith.remsi %add3A_3983, %select_n3A_3991 : i32
        %ne3A_3993 = arith.constant 0 : i32
        %ne3A_3994 = arith.cmpi ne, %rem3A_3992, %ne3A_3993 : i32
        %lt3A_3995 = arith.constant 0 : i32
        %lt3A_3996 = arith.cmpi slt, %rem3A_3992, %lt3A_3995 : i32
        %lt3A_3997 = arith.constant 0 : i32
        %lt3A_3998 = arith.cmpi slt, %select_n3A_3991, %lt3A_3997 : i32
        %ne3A_3999 = arith.xori %lt3A_3996, %lt3A_3998 : i1
        %and3A_4000 = arith.andi %ne3A_3999, %ne3A_3994 : i1
        %add3A_4001 = arith.addi %rem3A_3992, %select_n3A_3991 : i32
        %select_n3A_4002 = arith.select %and3A_4000, %add3A_4001, %rem3A_3992 : i32
        %dma_wait3A_4003 = arith.constant 0 : i32
        %dma_wait3A_4004 = tpu.memref_slice %arg4[%select_n3A_4002, %dma_wait3A_4003] : memref<2x128xi32, #tpu.memory_space<vmem>> -> memref<1x128xi32, #tpu.memory_space<vmem>>
        %dma_wait3A_4005 = tpu.memref_squeeze %dma_wait3A_4004 : memref<1x128xi32, #tpu.memory_space<vmem>> -> memref<128xi32, #tpu.memory_space<vmem>>
        %dma_wait3A_4006 = tpu.memref_slice %arg2[%add3A_3986] : memref<81920xi32, #tpu.memory_space<hbm>> -> memref<128xi32, #tpu.memory_space<hbm>>
        %dma_wait3A_4007 = arith.constant 0 : i32
        %dma_wait3A_4008 = tpu.memref_slice %arg4[%select_n3A_4002, %dma_wait3A_4007] : memref<2x128xi32, #tpu.memory_space<vmem>> -> memref<1x128xi32, #tpu.memory_space<vmem>>
        %dma_wait3A_4009 = tpu.memref_squeeze %dma_wait3A_4008 : memref<1x128xi32, #tpu.memory_space<vmem>> -> memref<128xi32, #tpu.memory_space<vmem>>
        %dma_wait3A_4010 = tpu.memref_slice %arg2[%add3A_3986] : memref<81920xi32, #tpu.memory_space<hbm>> -> memref<128xi32, #tpu.memory_space<hbm>>
        tpu.wait_dma2 semaphore(%arg7 : memref<!tpu.dma_semaphore, #tpu.memory_space<semaphore_mem>>) src(%dma_wait3A_4010 : memref<128xi32, #tpu.memory_space<hbm>>) dst(%dma_wait3A_4009 : memref<128xi32, #tpu.memory_space<vmem>>)
      } else {
      }
    }
    %scan3A_34 = arith.constant 20 : i32
    return
  }
}

</mosaic_0001>

<sc_bundles>
// kernel: kernel.3.cloned.1.call-start
scs
__scs_entry_jumppad:
0x0: {  	(pc) =	sbr.rel $0x88, $3  }
0x1: {  	(tag) =	ssettag $0x0;
	lr =	simm.s32 $0x1  }
0x2: {  	[smem:$0x3FA0] =	sst lr;
	_ =	strace $0xD0000000  }
0x3: {  	_ = 	snop  }
0x4: {  	_ = 	snop  }
0x5: {  	_ = 	snop  }
0x6: {  	_ = 	snop  }
0x7: {  	_ = 	snop  }
__scs_overlays_trampoline_lowered:
0x8: {  	[smem:$0x3FAF] =	sst s0  }
0x9: {  	[smem:$0x3FB0] =	sst s1  }
0xa: {  	[smem:$0x3FB1] =	sst s2  }
0xb: {  	[smem:$0x3FB2] =	sst s3  }
0xc: {  	[smem:$0x3FB3] =	sst s4  }
0xd: {  	[smem:$0x3FB4] =	sst s5  }
0xe: {  	[smem:$0x3FB5] =	sst s6  }
0xf: {  	[smem:$0x3FB6] =	sst s7  }
0x10: {  	[smem:$0x3FB7] =	sst s8  }
0x11: {  	[smem:$0x3FB8] =	sst s9;
	s0 =	simm.s32 @!p0 $0x0  }
0x12: {  	s1 =	sld [smem:$0x3F9E];
	s0 =	simm.s32 @p0 $0x1  }
0x13: {  	[smem:$0x3FB9] =	sst s0;
	s0 =	simm.s32 @!p1 $0x0  }
0x14: {  	s2 =	sld [smem:$0x3F9D];
	s0 =	simm.s32 @p1 $0x1  }
0x15: {  	[smem:$0x3FBA] =	sst s0;
	s0 =	simm.s32 @!p2 $0x0  }
0x16: {  	s3 =	sld [smem:$0x3FDB];
	s0 =	simm.s32 @p2 $0x1  }
0x17: {  	s4 =	simm.s32 $0x1BF5;
	[smem:$0x3FBC] =	sst s0  }
0x18: {  	s0 =	sld [smem:$0x3F9F];
	_ =	swait.ge [sflag:s4], $0x0  }
0x19: {  	s7 =	sld [smem:$0x3FA0]  }
0x1a: {  	s8 =	sadd.s32 $0xFFFFE003, lr  }
0x1b: {  	s9 =	sadd.s32 $0xFFFFFEF7, lr;
	s5 =	simm.s32 $0xFFFFFFFF;
	p2 =	slt.u32 s8, $0xFFFFF086  }
0x1c: {  	p1 =	slt.u32 s9, $0xF7A;
	s5 =	simm.s32 @!p2 $0x0  }
0x1d: {  	s5 =	simm.s32 @p1 $0x1;
	p0 =	seq.s32 s7, s2  }
0x1e: {  	s7 =	smul.u32 @!p0 $0xF7A, s2;
	p2 =	seq.s32 @!p0 s5, $0x0  }
0x1f: {  	s9 =	smul.u32 $0xF7A, s1;
	s8 =	simm.s32 @!p0 $0x1BF5;
	p2 =	por !p2, p0  }
0x20: {  	[sflag:s8] =	ssyncset.s32 @!p0 $0xFFFFF086;
	s6 =	sadd.s32 @!p0 s3, s7;
	s7 =	simm.s32 @!p0 $0x108  }
0x21: {  	s3 =	sadd.s32 s3, s9;
	s6 =	sadd.s32 @!p0 $0x88, s6;
	s7 =	simm.s32 @p2 $0x1082  }
0x22: {  	[simem:s7], [sflag:s8] =	dma.local @!p0 [hbm:s6], $0xF7A  }
0x23: {  	s9 =	sor.u32 $0xD0000000, s2;
	s6 =	simm.s32 $0x108;
	_ =	swait.ge @!p0 [sflag:s8], $0x0  }
0x24: {  	s3 =	sadd.s32 $0x88, s3;
	s6 =	simm.s32 @!p1 $0x1082;
	[sflag:s4] =	ssyncset.s32 $0xFFFFF086  }
0x25: {  	[simem:s6], [sflag:s4] =	dma.local [hbm:s3], $0xF7A  }
0x26: {  	[smem:$0x3FA0] =	sst s1;
	(tag) =	ssettag s2;
	_ =	strace s9  }
0x27: {  	s1 =	sld [smem:$0x3FB0]  }
0x28: {  	s2 =	sld [smem:$0x3FB1]  }
0x29: {  	s4 =	sld [smem:$0x3FB3]  }
0x2a: {  	p0 =	seq.s32 s5, $0x0;
	s5 =	sld [smem:$0x3FB4]  }
0x2b: {  	s6 =	sld [smem:$0x3FB5]  }
0x2c: {  	s7 =	sld [smem:$0x3FB6]  }
0x2d: {  	s3 =	simm.s32 $0x108;
	s8 =	sld [smem:$0x3FB7]  }
0x2e: {  	s3 =	simm.s32 @!p0 $0x1082;
	s9 =	sld [smem:$0x3FB8]  }
0x2f: {  	lr =	sadd.s32 s0, s3;
	s0 =	sld [smem:$0x3FAF]  }
0x30: {  	s3 =	sld [smem:$0x3FB2]  }
0x31: {  	[smem:$0x3FBB] =	sst s10  }
0x32: {  	s10 =	sld [smem:$0x3FB9];
	_ =	sdelay $0x3  }
0x33: {  	p0 =	seq.s32 s10, $0x1;
	s10 =	sld [smem:$0x3FBB];
	_ =	sdelay $0x3  }
0x34: {  	[smem:$0x3FBB] =	sst s10  }
0x35: {  	s10 =	sld [smem:$0x3FBA];
	_ =	sdelay $0x3  }
0x36: {  	p1 =	seq.s32 s10, $0x1;
	s10 =	sld [smem:$0x3FBB];
	_ =	sdelay $0x3  }
0x37: {  	[smem:$0x3FBB] =	sst s10  }
0x38: {  	s10 =	sld [smem:$0x3FBC]  }
0x39: {  	_ = 	snop;
	(pc) =	sbr.ind lr, $3  }
0x3a: {  	_ = 	snop  }
0x3b: {  	_ = 	snop  }
0x3c: {  	p2 =	seq.s32 s10, $0x1;
	s10 =	sld [smem:$0x3FBB]  }
0x3d: {  	_ =	shalt  }
0x3e: {  	_ =	shalt  }
0x3f: {  	_ =	shalt  }
0x40: {  	_ =	shalt  }
0x41: {  	_ =	shalt  }
0x42: {  	_ =	shalt  }
0x43: {  	_ =	shalt  }
0x44: {  	_ =	shalt  }
0x45: {  	_ =	shalt  }
0x46: {  	_ =	shalt  }
0x47: {  	_ =	shalt  }
0x48: {  	_ =	shalt  }
0x49: {  	_ =	shalt  }
0x4a: {  	_ =	shalt  }
0x4b: {  	_ =	shalt  }
0x4c: {  	_ =	shalt  }
0x4d: {  	_ =	shalt  }
0x4e: {  	_ =	shalt  }
0x4f: {  	_ =	shalt  }
0x50: {  	_ =	shalt  }
0x51: {  	_ =	shalt  }
0x52: {  	_ =	shalt  }
0x53: {  	_ =	shalt  }
0x54: {  	_ =	shalt  }
0x55: {  	_ =	shalt  }
0x56: {  	_ =	shalt  }
0x57: {  	_ =	shalt  }
0x58: {  	_ =	shalt  }
0x59: {  	_ =	shalt  }
0x5a: {  	_ =	shalt  }
0x5b: {  	_ =	shalt  }
0x5c: {  	_ =	shalt  }
0x5d: {  	_ =	shalt  }
0x5e: {  	_ =	shalt  }
0x5f: {  	_ =	shalt  }
0x60: {  	_ =	shalt  }
0x61: {  	_ =	shalt  }
0x62: {  	_ =	shalt  }
0x63: {  	_ =	shalt  }
0x64: {  	_ =	shalt  }
0x65: {  	_ =	shalt  }
0x66: {  	_ =	shalt  }
0x67: {  	_ =	shalt  }
0x68: {  	_ =	shalt  }
0x69: {  	_ =	shalt  }
0x6a: {  	_ =	shalt  }
0x6b: {  	_ =	shalt  }
0x6c: {  	_ =	shalt  }
0x6d: {  	_ =	shalt  }
0x6e: {  	_ =	shalt  }
0x6f: {  	_ =	shalt  }
0x70: {  	_ =	shalt  }
0x71: {  	_ =	shalt  }
0x72: {  	_ =	shalt  }
0x73: {  	_ =	shalt  }
0x74: {  	_ =	shalt  }
0x75: {  	_ =	shalt  }
0x76: {  	_ =	shalt  }
0x77: {  	_ =	shalt  }
0x78: {  	_ =	shalt  }
0x79: {  	_ =	shalt  }
0x7a: {  	_ =	shalt  }
0x7b: {  	_ =	shalt  }
0x7c: {  	_ =	shalt  }
0x7d: {  	_ =	shalt  }
0x7e: {  	_ =	shalt  }
0x7f: {  	_ =	shalt  }
0x80: {  	_ =	shalt  }
0x81: {  	_ =	shalt  }
0x82: {  	_ =	shalt  }
0x83: {  	_ =	shalt  }
0x84: {  	_ =	shalt  }
0x85: {  	_ =	shalt  }
0x86: {  	_ =	shalt  }
0x87: {  	_ =	shalt  }
.Lfunc_end0:
.L_simem_size_0:
called_computation_lowered:
.L_overlay_start_0:
0x88: {  	s2 =	sld [smem:$0x3FD9]  }
0x89: {  	s3 =	sld [smem:$0x3FFE];
	_ =	sdelay $0x1  }
0x8a: {  	s1 =	srdreg.scid  }
0x8b: {  	s0 =	sand.u32 $0x1, s1  }
0x8c: {  	s17 =	sshll.u32 s0, $0xA;
	s2 =	sadd.s32 s3, s2  }
0x8d: {  	s2 =	sadd.s32 s2, s17  }
0x8e: {  	[smem:$0x3FC7] =	sst s2  }
0x8f: {  	_ = 	snop  }
0x90: {  	s2 =	sld [smem:$0x3FD0];
	(tm) =	ssettm $0x1  }
0x91: {  	s18 =	sld [smem:$0x3FFB];
	_ =	sdelay $0x3  }
0x92: {  	_ =	strace s18  }
0x93: {  	s3 =	sld [smem:$0x3FFC];
	_ =	sdelay $0x3  }
0x94: {  	_ =	strace s3  }
0x95: {  	s3 =	sld [smem:$0x3FFD];
	_ =	sdelay $0x3  }
0x96: {  	_ =	strace s3  }
0x97: {  	_ =	strace $0x8FFFFFFF  }
0x98: {  	s19 =	sld [smem:$0x3FDB];
	_ =	sdelay $0x1  }
0x99: {  	s4 =	simm.s32 $_scs_section_size  }
0x9a: {  	s5 =	simm.s32 $_size__tile_overlayer_lowered;
	s6 =	simm.s32 $_tile_overlayer_lowered  }
0x9b: {  	s22 =	simm.s32 $0x1BFF;
	s21 =	sshll.u32 s6, $0x1;
	s3 =	sadd.s32 s4, s19  }
0x9c: {  	s7 =	simm.s32 $0x0;
	s20 =	sshll.u32 s5, $0x1;
	s5 =	sadd.s32 s21, s3  }
0x9d: {  	[timem:s7], [sflag:s22] =	dma.local [hbm:s5], s20  }
0x9e: {  	_ =	swait.ge [sflag:s22], s20  }
0x9f: {  	s4 =	ssub.s32 $0x0, s20;
	[sflag:s22] =	ssyncset.done $0x0  }
0xa0: {  	[sflag:s22] =	ssyncadd.s32 s4;
	_ =	sdelay $0x1  }
0xa1: {  	s23 =	simm.s32 $0x1B8B  }
0xa2: {  	_ =	swait.ge [sflag:s23], $0x1  }
0xa3: {  	[sflag:s23] =	ssyncset.done $0x0  }
0xa4: {  	s25 =	simm.s32 $0x1B8E;
	s24 =	sld [smem:$0x3FFE];
	[sflag:s23] =	ssyncadd.s32 $0xFFFFFFFF  }
0xa5: {  	s26 =	simm.s32 $execute0_lowered;
	[smem:$0x3FD2] =	sst s25  }
0xa6: {  	s5 =	sshll.u32 s26, $0x1;
	_ =	strace $0x80000046;
	[dreg:$0x1] =	wrdreg $0xFFFFFFFF  }
0xa7: {  	s28 =	simm.s32 $_size_execute0_lowered;
	s3 =	sadd.s32 s3, s5;
	[dreg:$0x0] =	wrdreg $0x0  }
0xa8: {  	s5 =	sshll.u32 s28, $0x1;
	[dreg:$0x2] =	wrdreg s3  }
0xa9: {  	[dreg:$0x3] =	wrdreg s5  }
0xaa: {  	[dreg:$0x4] =	wrdreg $0xC0  }
0xab: {  	_ =	task [dreg:s7], $0x5FFFF  }
0xac: {  	[dreg:$0x1] =	wrdreg $0xFFFFFFFF  }
0xad: {  	[dreg:$0x0] =	wrdreg $0x60  }
0xae: {  	[dreg:$0x2] =	wrdreg s24  }
0xaf: {  	[dreg:$0x3] =	wrdreg s2  }
0xb0: {  	[dreg:$0x4] =	wrdreg $0x9  }
0xb1: {  	_ =	task.clear_ibuf [dreg:s7], $0x5FFFF;
	_ =	strace $0x90000046  }
0xb2: {  	s29 =	simm.s32 $0x9;
	_ =	strace $0x80000048  }
0xb3: {  	_ =	swait.ge [sflag:s29], $0x1  }
0xb4: {  	[sflag:s29] =	ssyncadd.s32 $0xFFFFFFFF  }
0xb5: {  	_ =	strace $0x90000048  }
0xb6: {  	_ =	sfence  }
0xb7: {  	s30 =	sld [smem:$0x0];
	_ =	sdelay $0x2  }
0xb8: {  	s31 =	sshll.u32 s1, $0xD;
	s1 =	sshrl.u32 s1, $0x2  }
0xb9: {  	s3 =	sand.u32 $0x4000, s31;
	s1 =	sadd.s32 s1, s30  }
0xba: {  	s0 =	sor.u32 s3, s0;
	s1 =	sshll.u32 s1, $0x11  }
0xbb: {  	s0 =	sor.u32 s1, s0  }
0xbc: {  	s0 =	sadd.s32 $0x8F2B, s0  }
0xbd: {  	[sflag:s0] =	ssyncadd.remote.s32 $0x1  }
0xbe: {  	_ =	sfence.sel $0xFFFF  }
0xbf: {  	[dreg:$0x0] =	wrdreg $0xFFFFFFFF;
	(pc) =	sbr.abs _section_cstart, $3  }
0xc0: {  	[dreg:$0x1] =	wrdreg $0xFFFFFFFF  }
0xc1: {  	_ =	task.clear_ibuf [dreg:s7], $0x2FFFF;
	_ =	strace $0x9FFFFFFF  }
0xc2: {  	(tm) =	ssettm $0x7FFFFFFF  }
0xc3: {  	_ =	shalt  }
tec
execute0_lowered:
.L_overlay_start_1:
0x0: {  	(tag) =	ssettag $0x1  }
0x1: {  	v0 =	vimm.f32 $0.0e+00;
	vm3 =	vcmask $0x300;
	vm4 =	vcmask $0x704  }
0x2: {  	vm0 =	vcmask $0xB08;
	vm5 =	vcmask $0xF0C;
	vm6 =	vcmask $0x1310  }
0x3: {  	vm1 =	vcmask $0x1714;
	vm7 =	vcmask $0x1B18;
	vm8 =	vcmask $0x1F1C  }
0x4: {  	vm2 =	vcmask $0x2320;
	vm9 =	vcmask $0x2724;
	vm10 =	vcmask $0x2B28  }
0x5: {  	vm11 =	vcmask $0x2F2C;
	vm13 =	vcmask $0x3330;
	vm12 =	vcmask $0x3734  }
0x6: {  	vm14 =	vcmask $0x3B38;
	v16 =	vimm.f32 $1.000000000e+00;
	vm15 =	vcmask $0x3B00  }
0x7: {  	s3 =	rddreg [dreg:$0x0];
	v32 =	vimm.f32 $-1.000000000e+00;
	v1 =	vsel vm3, $0x3F800000, v0;
	v2 =	vsel vm4, $0x3F800000, v0  }
0x8: {  	s7 =	rddreg [dreg:$0x1];
	v3 =	vsel vm0, $0x3F800000, v0;
	v4 =	vsel vm5, $0x3F800000, v0;
	v5 =	vsel vm6, $0x3F800000, v0  }
0x9: {  	s2 =	srdreg.scid;
	s0 =	rddreg [dreg:$0x2];
	v6 =	vsel vm1, $0x3F800000, v0;
	v7 =	vsel vm7, $0x3F800000, v0;
	v8 =	vsel vm8, $0x3F800000, v0  }
0xa: {  	s1 =	stileid.u32;
	s9 =	simm.s32 $0x400;
	s10 =	simm.s32 $0x8000;
	v9 =	vsel vm2, $0x3F800000, v0;
	v10 =	vsel vm9, $0x3F800000, v0;
	v11 =	vsel vm10, $0x3F800000, v0  }
0xb: {  	s11 =	simm.s32 $0x100;
	s12 =	simm.s32 $0x1;
	s13 =	simm.s32 $0x0;
	v12 =	vsel vm11, $0x3F800000, v0;
	v13 =	vsel vm13, $0x3F800000, v0;
	v14 =	vsel vm12, $0x3F800000, v0  }
0xc: {  	s4 =	sand.u32 $0x1, s2;
	s2 =	simm.s32 $0x0;
	s5 =	sshll.u32 s1, $0x8;
	v15 =	vsel vm14, $0x3F800000, v0;
	v16 =	vsel vm15, $0x0, v16;
	v17 =	vsel vm3, $0xBF800000, v0  }
.Ltmp0:
0xd: {  	v18 =	vsel vm4, $0xBF800000, v0;
	s3 =	sadd.s32 $0x400, s3;
	v19 =	vsel vm0, $0xBF800000, v0;
	v20 =	vsel vm5, $0xBF800000, v0;
	s6 =	sshll.u32 s4, $0x7;
	(pc) =	sbr.rel .LBB2_1-.Ltmp0, $4  }
0xe: {  	v21 =	vsel vm6, $0xBF800000, v0;
	v22 =	vsel vm1, $0xBF800000, v0;
	v23 =	vsel vm7, $0xBF800000, v0;
	[smem:$0x7FF] =	sst s2;
	s4 =	ssub.s32 $0x2, s4;
	s8 =	sor.u32 s6, s5  }
0xf: {  	v24 =	vsel vm8, $0xBF800000, v0;
	v25 =	vsel vm2, $0xBF800000, v0;
	v26 =	vsel vm9, $0xBF800000, v0;
	s31 =	sshrl.u32 s4, $0x1;
	_ =	strace $0x80000047;
	s6 =	sshrl.u32 s8, $0x3  }
0x10: {  	v27 =	vsel vm10, $0xBF800000, v0;
	v28 =	vsel vm11, $0xBF800000, v0;
	v29 =	vsel vm13, $0xBF800000, v0;
	s5 =	ssub.s32 s4, s31;
	s7 =	sadd.s32 s7, s8;
	s4 =	sadd.s32 s3, s6  }
0x11: {  	v30 =	vsel vm12, $0xBF800000, v0;
	v31 =	vsel vm14, $0xBF800000, v0;
	v32 =	vsel vm15, $0x0, v32;
	s5 =	smax.u32 s5, $0x1;
	s6 =	sor.u32 $0x1000, s8;
	s8 =	simm.s32 $0x2  }
.LBB2_6:
0x12: {  	s13 =	sadd.s32 $0x1, s13  }
0x13: {  	p0 =	sne.s32 s13, s5  }
.Ltmp1:
0x14: {  	_ = 	snop;
	(pc) =	sbr.rel @!p0 .LBB2_7-.Ltmp1, $1  }
0x15: {  	_ =	sdelay $0x3  }
.LBB2_1:
0x16: {  	s14 =	simm.s32 $0x0;
	s15 =	simm.s32 $0x200  }
.LBB2_2:
0x17: {  	p0 =	sne.s32 s15, $0x7CE00;
	[tilespmem:s14+$0x170] =	vst v0  }
0x18: {  	[tilespmem:s14+$0x100] =	vst v0  }
0x19: {  	[tilespmem:s14+$0x110] =	vst v0  }
.Ltmp2:
0x1a: {  	[tilespmem:s14+$0x120] =	vst v0;
	(pc) =	sbr.rel @p0 .LBB2_2-.Ltmp2, $4  }
0x1b: {  	[tilespmem:s14+$0x130] =	vst v0  }
0x1c: {  	[tilespmem:s14+$0x140] =	vst v0  }
0x1d: {  	[tilespmem:s14+$0x150] =	vst v0  }
0x1e: {  	[tilespmem:s14+$0x160] =	vst v0;
	s14 =	sshra.s32 s15, $0x2;
	s15 =	sadd.s32 $0x200, s15  }
0x1f: {  	[tilespmem:s14+$0x170] =	vst v0  }
0x20: {  	[tilespmem:s14+$0x100] =	vst v0  }
0x21: {  	[tilespmem:s14+$0x110] =	vst v0  }
0x22: {  	[tilespmem:s14+$0x120] =	vst v0  }
0x23: {  	[tilespmem:s14+$0x130] =	vst v0  }
0x24: {  	[tilespmem:s14+$0x140] =	vst v0  }
0x25: {  	[tilespmem:s14+$0x150] =	vst v0  }
0x26: {  	[tilespmem:s14+$0x160] =	vst v0  }
0x27: {  	[tilespmem:s2], [sflag:$0x2] =	stream.linear.gather [hbm4b:s4+s2], $0x80, $0x38;
	[tilespmem:$0x1F500] =	vst v63  }
0x28: {  	_ =	swait.ge [sflag:s8], $0x80  }
0x29: {  	s14 =	simm.s32 $0x80;
	[sflag:s8] =	ssyncset.done $0x0  }
0x2a: {  	s15 =	smov.u32 s7;
	s16 =	smov.u32 s6;
	[sflag:s8] =	ssyncadd.s32 $0xFFFFFF80  }
.LBB2_4:
0x2b: {  	s17 =	sadd.s32 $0xFFFFFF80, s14  }
0x2c: {  	s17 =	sand.u32 $0x80, s17  }
0x2d: {  	v33 =	vld [tilespmem:s17+$0x0];
	_ =	sdelay $0x4  }
0x2e: {  	v33 =	vshll.u32 v33, $0x9  }
0x2f: {  	v33 =	vshra.s32 v33, $0x2  }
0x30: {  	v33 =	vadd.s32 $0x100, v33  }
0x31: {  	(v2sf) =	vpush v33, $0x0  }
0x32: {  	(v2sf) =	vpush v33, $0x1  }
0x33: {  	(v2sf) =	vpush v33, $0x2  }
0x34: {  	(v2sf) =	vpush v33, $0x3  }
0x35: {  	(v2sf) =	vpush v33, $0x4  }
0x36: {  	(v2sf) =	vpush v33, $0x5  }
0x37: {  	(v2sf) =	vpush v33, $0x6  }
0x38: {  	(v2sf) =	vpush v33, $0x7  }
0x39: {  	(v2sf) =	vpush v33, $0x8  }
0x3a: {  	(v2sf) =	vpush v33, $0x9  }
0x3b: {  	(v2sf) =	vpush v33, $0xA  }
0x3c: {  	(v2sf) =	vpush v33, $0xB  }
0x3d: {  	(v2sf) =	vpush v33, $0xC  }
0x3e: {  	(v2sf) =	vpush v33, $0xD  }
0x3f: {  	(v2sf) =	vpush v33, $0xE  }
0x40: {  	s18 =	spop (v2sf);
	(v2sf) =	vpush v33, $0xF  }
0x41: {  	[tilespmem:s18+$0x0] =	vst.add.f32.msk $0xffff, v1;
	s21 =	spop (v2sf)  }
0x42: {  	[tilespmem:s21+$0x0] =	vst.add.f32.msk $0xffff, v2;
	s22 =	spop (v2sf)  }
0x43: {  	[tilespmem:s22+$0x0] =	vst.add.f32.msk $0xffff, v3;
	s23 =	spop (v2sf)  }
0x44: {  	[tilespmem:s23+$0x0] =	vst.add.f32.msk $0xffff, v4;
	s24 =	spop (v2sf)  }
0x45: {  	[tilespmem:s24+$0x0] =	vst.add.f32.msk $0xffff, v5;
	s25 =	spop (v2sf)  }
0x46: {  	[tilespmem:s25+$0x0] =	vst.add.f32.msk $0xffff, v6;
	s26 =	spop (v2sf)  }
0x47: {  	[tilespmem:s26+$0x0] =	vst.add.f32.msk $0xffff, v7;
	s28 =	spop (v2sf)  }
0x48: {  	[tilespmem:s28+$0x0] =	vst.add.f32.msk $0xffff, v8;
	s29 =	spop (v2sf)  }
0x49: {  	[tilespmem:s29+$0x0] =	vst.add.f32.msk $0xffff, v9;
	s30 =	spop (v2sf)  }
0x4a: {  	[tilespmem:s30+$0x0] =	vst.add.f32.msk $0xffff, v10;
	s31 =	spop (v2sf)  }
0x4b: {  	[tilespmem:s31+$0x0] =	vst.add.f32.msk $0xffff, v11;
	s19 =	spop (v2sf)  }
0x4c: {  	[tilespmem:s19+$0x0] =	vst.add.f32.msk $0xffff, v12;
	s20 =	spop (v2sf)  }
0x4d: {  	[tilespmem:s20+$0x0] =	vst.add.f32.msk $0xffff, v13;
	s21 =	spop (v2sf)  }
0x4e: {  	[tilespmem:s21+$0x0] =	vst.add.f32.msk $0xffff, v14;
	s22 =	spop (v2sf)  }
0x4f: {  	[tilespmem:s22+$0x0] =	vst.add.f32.msk $0xffff, v15;
	s23 =	spop (v2sf)  }
0x50: {  	[tilespmem:s23+$0x0] =	vst.add.f32.msk $0xffff, v16  }
0x51: {  	v49 =	vld [tilespmem:s17+$0x10];
	_ =	sdelay $0x4  }
0x52: {  	v33 =	vshll.u32 v49, $0x9  }
0x53: {  	v33 =	vshra.s32 v33, $0x2  }
0x54: {  	v33 =	vadd.s32 $0x110, v33  }
0x55: {  	(v2sf) =	vpush v33, $0x1  }
0x56: {  	(v2sf) =	vpush v33, $0x0  }
0x57: {  	(v2sf) =	vpush v33, $0x3  }
0x58: {  	(v2sf) =	vpush v33, $0x2  }
0x59: {  	(v2sf) =	vpush v33, $0x5  }
0x5a: {  	(v2sf) =	vpush v33, $0x4  }
0x5b: {  	(v2sf) =	vpush v33, $0x7  }
0x5c: {  	(v2sf) =	vpush v33, $0x6  }
0x5d: {  	(v2sf) =	vpush v33, $0x9  }
0x5e: {  	(v2sf) =	vpush v33, $0x8  }
0x5f: {  	(v2sf) =	vpush v33, $0xB  }
0x60: {  	(v2sf) =	vpush v33, $0xA  }
0x61: {  	(v2sf) =	vpush v33, $0xD  }
0x62: {  	(v2sf) =	vpush v33, $0xC  }
0x63: {  	(v2sf) =	vpush v33, $0xF  }
0x64: {  	s24 =	spop (v2sf);
	(v2sf) =	vpush v33, $0xE  }
0x65: {  	s19 =	spop (v2sf)  }
0x66: {  	[tilespmem:s19+$0x0] =	vst.add.f32.msk $0xffff, v1;
	s25 =	spop (v2sf)  }
0x67: {  	[tilespmem:s24+$0x0] =	vst.add.f32.msk $0xffff, v2;
	s26 =	spop (v2sf)  }
0x68: {  	[tilespmem:s26+$0x0] =	vst.add.f32.msk $0xffff, v3;
	s28 =	spop (v2sf)  }
0x69: {  	[tilespmem:s25+$0x0] =	vst.add.f32.msk $0xffff, v4;
	s29 =	spop (v2sf)  }
0x6a: {  	[tilespmem:s29+$0x0] =	vst.add.f32.msk $0xffff, v5;
	s30 =	spop (v2sf)  }
0x6b: {  	[tilespmem:s28+$0x0] =	vst.add.f32.msk $0xffff, v6;
	s31 =	spop (v2sf)  }
0x6c: {  	[tilespmem:s31+$0x0] =	vst.add.f32.msk $0xffff, v7;
	s20 =	spop (v2sf)  }
0x6d: {  	[tilespmem:s30+$0x0] =	vst.add.f32.msk $0xffff, v8;
	s21 =	spop (v2sf)  }
0x6e: {  	[tilespmem:s21+$0x0] =	vst.add.f32.msk $0xffff, v9;
	s22 =	spop (v2sf)  }
0x6f: {  	[tilespmem:s20+$0x0] =	vst.add.f32.msk $0xffff, v10;
	s23 =	spop (v2sf)  }
0x70: {  	[tilespmem:s23+$0x0] =	vst.add.f32.msk $0xffff, v11;
	s24 =	spop (v2sf)  }
0x71: {  	[tilespmem:s22+$0x0] =	vst.add.f32.msk $0xffff, v12;
	s25 =	spop (v2sf)  }
0x72: {  	[tilespmem:s25+$0x0] =	vst.add.f32.msk $0xffff, v13;
	s26 =	spop (v2sf)  }
0x73: {  	[tilespmem:s24+$0x0] =	vst.add.f32.msk $0xffff, v14;
	s28 =	spop (v2sf)  }
0x74: {  	[tilespmem:s28+$0x0] =	vst.add.f32.msk $0xffff, v15  }
0x75: {  	[tilespmem:s26+$0x0] =	vst.add.f32.msk $0xffff, v16  }
0x76: {  	v50 =	vld [tilespmem:s17+$0x20];
	_ =	sdelay $0x4  }
0x77: {  	v33 =	vshll.u32 v50, $0x9  }
0x78: {  	v33 =	vshra.s32 v33, $0x2  }
0x79: {  	v33 =	vadd.s32 $0x120, v33  }
0x7a: {  	(v2sf) =	vpush v33, $0x1  }
0x7b: {  	(v2sf) =	vpush v33, $0x0  }
0x7c: {  	(v2sf) =	vpush v33, $0x3  }
0x7d: {  	(v2sf) =	vpush v33, $0x2  }
0x7e: {  	(v2sf) =	vpush v33, $0x5  }
0x7f: {  	(v2sf) =	vpush v33, $0x4  }
0x80: {  	(v2sf) =	vpush v33, $0x7  }
0x81: {  	(v2sf) =	vpush v33, $0x6  }
0x82: {  	(v2sf) =	vpush v33, $0x9  }
0x83: {  	(v2sf) =	vpush v33, $0x8  }
0x84: {  	(v2sf) =	vpush v33, $0xB  }
0x85: {  	(v2sf) =	vpush v33, $0xA  }
0x86: {  	(v2sf) =	vpush v33, $0xD  }
0x87: {  	(v2sf) =	vpush v33, $0xC  }
0x88: {  	(v2sf) =	vpush v33, $0xF  }
0x89: {  	s29 =	spop (v2sf);
	(v2sf) =	vpush v33, $0xE  }
0x8a: {  	s30 =	spop (v2sf)  }
0x8b: {  	[tilespmem:s30+$0x0] =	vst.add.f32.msk $0xffff, v1;
	s31 =	spop (v2sf)  }
0x8c: {  	[tilespmem:s29+$0x0] =	vst.add.f32.msk $0xffff, v2;
	s20 =	spop (v2sf)  }
0x8d: {  	[tilespmem:s20+$0x0] =	vst.add.f32.msk $0xffff, v3;
	s21 =	spop (v2sf)  }
0x8e: {  	[tilespmem:s31+$0x0] =	vst.add.f32.msk $0xffff, v4;
	s22 =	spop (v2sf)  }
0x8f: {  	[tilespmem:s22+$0x0] =	vst.add.f32.msk $0xffff, v5;
	s23 =	spop (v2sf)  }
0x90: {  	[tilespmem:s21+$0x0] =	vst.add.f32.msk $0xffff, v6;
	s24 =	spop (v2sf)  }
0x91: {  	[tilespmem:s24+$0x0] =	vst.add.f32.msk $0xffff, v7;
	s25 =	spop (v2sf)  }
0x92: {  	[tilespmem:s23+$0x0] =	vst.add.f32.msk $0xffff, v8;
	s26 =	spop (v2sf)  }
0x93: {  	[tilespmem:s26+$0x0] =	vst.add.f32.msk $0xffff, v9;
	s28 =	spop (v2sf)  }
0x94: {  	[tilespmem:s25+$0x0] =	vst.add.f32.msk $0xffff, v10;
	s29 =	spop (v2sf)  }
0x95: {  	[tilespmem:s29+$0x0] =	vst.add.f32.msk $0xffff, v11;
	s30 =	spop (v2sf)  }
0x96: {  	[tilespmem:s28+$0x0] =	vst.add.f32.msk $0xffff, v12;
	s31 =	spop (v2sf)  }
0x97: {  	[tilespmem:s31+$0x0] =	vst.add.f32.msk $0xffff, v13;
	s20 =	spop (v2sf)  }
0x98: {  	[tilespmem:s30+$0x0] =	vst.add.f32.msk $0xffff, v14;
	s21 =	spop (v2sf)  }
0x99: {  	[tilespmem:s21+$0x0] =	vst.add.f32.msk $0xffff, v15  }
0x9a: {  	[tilespmem:s20+$0x0] =	vst.add.f32.msk $0xffff, v16  }
0x9b: {  	v51 =	vld [tilespmem:s17+$0x30];
	_ =	sdelay $0x4  }
0x9c: {  	v33 =	vshll.u32 v51, $0x9  }
0x9d: {  	v33 =	vshra.s32 v33, $0x2  }
0x9e: {  	v33 =	vadd.s32 $0x130, v33  }
0x9f: {  	(v2sf) =	vpush v33, $0x1  }
0xa0: {  	(v2sf) =	vpush v33, $0x0  }
0xa1: {  	(v2sf) =	vpush v33, $0x3  }
0xa2: {  	(v2sf) =	vpush v33, $0x2  }
0xa3: {  	(v2sf) =	vpush v33, $0x5  }
0xa4: {  	(v2sf) =	vpush v33, $0x4  }
0xa5: {  	(v2sf) =	vpush v33, $0x7  }
0xa6: {  	(v2sf) =	vpush v33, $0x6  }
0xa7: {  	(v2sf) =	vpush v33, $0x9  }
0xa8: {  	(v2sf) =	vpush v33, $0x8  }
0xa9: {  	(v2sf) =	vpush v33, $0xB  }
0xaa: {  	(v2sf) =	vpush v33, $0xA  }
0xab: {  	(v2sf) =	vpush v33, $0xD  }
0xac: {  	(v2sf) =	vpush v33, $0xC  }
0xad: {  	(v2sf) =	vpush v33, $0xF  }
0xae: {  	s22 =	spop (v2sf);
	(v2sf) =	vpush v33, $0xE  }
0xaf: {  	s23 =	spop (v2sf)  }
0xb0: {  	[tilespmem:s23+$0x0] =	vst.add.f32.msk $0xffff, v1;
	s24 =	spop (v2sf)  }
0xb1: {  	[tilespmem:s22+$0x0] =	vst.add.f32.msk $0xffff, v2;
	s25 =	spop (v2sf)  }
0xb2: {  	[tilespmem:s25+$0x0] =	vst.add.f32.msk $0xffff, v3;
	s26 =	spop (v2sf)  }
0xb3: {  	[tilespmem:s24+$0x0] =	vst.add.f32.msk $0xffff, v4;
	s28 =	spop (v2sf)  }
0xb4: {  	[tilespmem:s28+$0x0] =	vst.add.f32.msk $0xffff, v5;
	s29 =	spop (v2sf)  }
0xb5: {  	[tilespmem:s26+$0x0] =	vst.add.f32.msk $0xffff, v6;
	s30 =	spop (v2sf)  }
0xb6: {  	[tilespmem:s30+$0x0] =	vst.add.f32.msk $0xffff, v7;
	s31 =	spop (v2sf)  }
0xb7: {  	[tilespmem:s29+$0x0] =	vst.add.f32.msk $0xffff, v8;
	s20 =	spop (v2sf)  }
0xb8: {  	[tilespmem:s20+$0x0] =	vst.add.f32.msk $0xffff, v9;
	s21 =	spop (v2sf)  }
0xb9: {  	[tilespmem:s31+$0x0] =	vst.add.f32.msk $0xffff, v10;
	s22 =	spop (v2sf)  }
0xba: {  	[tilespmem:s22+$0x0] =	vst.add.f32.msk $0xffff, v11;
	s23 =	spop (v2sf)  }
0xbb: {  	[tilespmem:s21+$0x0] =	vst.add.f32.msk $0xffff, v12;
	s24 =	spop (v2sf)  }
0xbc: {  	[tilespmem:s24+$0x0] =	vst.add.f32.msk $0xffff, v13;
	s25 =	spop (v2sf)  }
0xbd: {  	[tilespmem:s23+$0x0] =	vst.add.f32.msk $0xffff, v14;
	s26 =	spop (v2sf)  }
0xbe: {  	[tilespmem:s26+$0x0] =	vst.add.f32.msk $0xffff, v15  }
0xbf: {  	[tilespmem:s25+$0x0] =	vst.add.f32.msk $0xffff, v16  }
0xc0: {  	v52 =	vld [tilespmem:s17+$0x40];
	_ =	sdelay $0x4  }
0xc1: {  	v33 =	vshll.u32 v52, $0x9  }
0xc2: {  	v33 =	vshra.s32 v33, $0x2  }
0xc3: {  	v33 =	vadd.s32 $0x140, v33  }
0xc4: {  	(v2sf) =	vpush v33, $0x1  }
0xc5: {  	(v2sf) =	vpush v33, $0x0  }
0xc6: {  	(v2sf) =	vpush v33, $0x3  }
0xc7: {  	(v2sf) =	vpush v33, $0x2  }
0xc8: {  	(v2sf) =	vpush v33, $0x5  }
0xc9: {  	(v2sf) =	vpush v33, $0x4  }
0xca: {  	(v2sf) =	vpush v33, $0x7  }
0xcb: {  	(v2sf) =	vpush v33, $0x6  }
0xcc: {  	(v2sf) =	vpush v33, $0x9  }
0xcd: {  	(v2sf) =	vpush v33, $0x8  }
0xce: {  	(v2sf) =	vpush v33, $0xB  }
0xcf: {  	(v2sf) =	vpush v33, $0xA  }
0xd0: {  	(v2sf) =	vpush v33, $0xD  }
0xd1: {  	(v2sf) =	vpush v33, $0xC  }
0xd2: {  	(v2sf) =	vpush v33, $0xF  }
0xd3: {  	s28 =	spop (v2sf);
	(v2sf) =	vpush v33, $0xE  }
0xd4: {  	s29 =	spop (v2sf)  }
0xd5: {  	[tilespmem:s29+$0x0] =	vst.add.f32.msk $0xffff, v1;
	s30 =	spop (v2sf)  }
0xd6: {  	[tilespmem:s28+$0x0] =	vst.add.f32.msk $0xffff, v2;
	s31 =	spop (v2sf)  }
0xd7: {  	[tilespmem:s31+$0x0] =	vst.add.f32.msk $0xffff, v3;
	s20 =	spop (v2sf)  }
0xd8: {  	[tilespmem:s30+$0x0] =	vst.add.f32.msk $0xffff, v4;
	s21 =	spop (v2sf)  }
0xd9: {  	[tilespmem:s21+$0x0] =	vst.add.f32.msk $0xffff, v5;
	s22 =	spop (v2sf)  }
0xda: {  	[tilespmem:s20+$0x0] =	vst.add.f32.msk $0xffff, v6;
	s23 =	spop (v2sf)  }
0xdb: {  	[tilespmem:s23+$0x0] =	vst.add.f32.msk $0xffff, v7;
	s24 =	spop (v2sf)  }
0xdc: {  	[tilespmem:s22+$0x0] =	vst.add.f32.msk $0xffff, v8;
	s25 =	spop (v2sf)  }
0xdd: {  	[tilespmem:s25+$0x0] =	vst.add.f32.msk $0xffff, v9;
	s26 =	spop (v2sf)  }
0xde: {  	[tilespmem:s24+$0x0] =	vst.add.f32.msk $0xffff, v10;
	s28 =	spop (v2sf)  }
0xdf: {  	[tilespmem:s28+$0x0] =	vst.add.f32.msk $0xffff, v11;
	s29 =	spop (v2sf)  }
0xe0: {  	[tilespmem:s26+$0x0] =	vst.add.f32.msk $0xffff, v12;
	s30 =	spop (v2sf)  }
0xe1: {  	[tilespmem:s30+$0x0] =	vst.add.f32.msk $0xffff, v13;
	s31 =	spop (v2sf)  }
0xe2: {  	[tilespmem:s29+$0x0] =	vst.add.f32.msk $0xffff, v14;
	s20 =	spop (v2sf)  }
0xe3: {  	[tilespmem:s20+$0x0] =	vst.add.f32.msk $0xffff, v15  }
0xe4: {  	[tilespmem:s31+$0x0] =	vst.add.f32.msk $0xffff, v16  }
0xe5: {  	v53 =	vld [tilespmem:s17+$0x50];
	_ =	sdelay $0x4  }
0xe6: {  	v33 =	vshll.u32 v53, $0x9  }
0xe7: {  	v33 =	vshra.s32 v33, $0x2  }
0xe8: {  	v33 =	vadd.s32 $0x150, v33  }
0xe9: {  	(v2sf) =	vpush v33, $0x1  }
0xea: {  	(v2sf) =	vpush v33, $0x0  }
0xeb: {  	(v2sf) =	vpush v33, $0x3  }
0xec: {  	(v2sf) =	vpush v33, $0x2  }
0xed: {  	(v2sf) =	vpush v33, $0x5  }
0xee: {  	(v2sf) =	vpush v33, $0x4  }
0xef: {  	(v2sf) =	vpush v33, $0x7  }
0xf0: {  	(v2sf) =	vpush v33, $0x6  }
0xf1: {  	(v2sf) =	vpush v33, $0x9  }
0xf2: {  	(v2sf) =	vpush v33, $0x8  }
0xf3: {  	(v2sf) =	vpush v33, $0xB  }
0xf4: {  	(v2sf) =	vpush v33, $0xA  }
0xf5: {  	(v2sf) =	vpush v33, $0xD  }
0xf6: {  	(v2sf) =	vpush v33, $0xC;
	_ =	sdelay $0x1  }
0xf7: {  	s21 =	spop (v2sf)  }
0xf8: {  	s22 =	spop (v2sf)  }
0xf9: {  	[tilespmem:s22+$0x0] =	vst.add.f32.msk $0xffff, v1;
	s23 =	spop (v2sf)  }
0xfa: {  	[tilespmem:s21+$0x0] =	vst.add.f32.msk $0xffff, v2;
	s24 =	spop (v2sf)  }
0xfb: {  	[tilespmem:s24+$0x0] =	vst.add.f32.msk $0xffff, v3;
	s25 =	spop (v2sf)  }
0xfc: {  	[tilespmem:s23+$0x0] =	vst.add.f32.msk $0xffff, v4;
	s26 =	spop (v2sf)  }
0xfd: {  	[tilespmem:s26+$0x0] =	vst.add.f32.msk $0xffff, v5;
	s28 =	spop (v2sf)  }
0xfe: {  	[tilespmem:s25+$0x0] =	vst.add.f32.msk $0xffff, v6;
	s29 =	spop (v2sf)  }
0xff: {  	[tilespmem:s29+$0x0] =	vst.add.f32.msk $0xffff, v7;
	s30 =	spop (v2sf)  }
0x100: {  	[tilespmem:s28+$0x0] =	vst.add.f32.msk $0xffff, v8;
	s31 =	spop (v2sf)  }
0x101: {  	[tilespmem:s31+$0x0] =	vst.add.f32.msk $0xffff, v9;
	s20 =	spop (v2sf)  }
0x102: {  	[tilespmem:s30+$0x0] =	vst.add.f32.msk $0xffff, v10;
	s21 =	spop (v2sf)  }
0x103: {  	[tilespmem:s21+$0x0] =	vst.add.f32.msk $0xffff, v11;
	s22 =	spop (v2sf)  }
0x104: {  	[tilespmem:s20+$0x0] =	vst.add.f32.msk $0xffff, v12;
	s23 =	spop (v2sf)  }
0x105: {  	[tilespmem:s23+$0x0] =	vst.add.f32.msk $0xffff, v13  }
0x106: {  	[tilespmem:s22+$0x0] =	vst.add.f32.msk $0xffff, v14  }
0x107: {  	(v2sf) =	vpush v33, $0xF  }
0x108: {  	(v2sf) =	vpush v33, $0xE;
	_ =	sdelay $0xd  }
0x109: {  	s24 =	spop (v2sf)  }
0x10a: {  	s25 =	spop (v2sf)  }
0x10b: {  	[tilespmem:s25+$0x0] =	vst.add.f32.msk $0xffff, v15  }
0x10c: {  	[tilespmem:s24+$0x0] =	vst.add.f32.msk $0xffff, v16  }
0x10d: {  	v54 =	vld [tilespmem:s17+$0x60];
	_ =	sdelay $0x4  }
0x10e: {  	v33 =	vshll.u32 v54, $0x9  }
0x10f: {  	v33 =	vshra.s32 v33, $0x2  }
0x110: {  	v33 =	vadd.s32 $0x160, v33  }
0x111: {  	(v2sf) =	vpush v33, $0x1  }
0x112: {  	(v2sf) =	vpush v33, $0x0  }
0x113: {  	(v2sf) =	vpush v33, $0x3  }
0x114: {  	(v2sf) =	vpush v33, $0x2  }
0x115: {  	(v2sf) =	vpush v33, $0x5  }
0x116: {  	(v2sf) =	vpush v33, $0x4  }
0x117: {  	(v2sf) =	vpush v33, $0x7  }
0x118: {  	(v2sf) =	vpush v33, $0x6  }
0x119: {  	(v2sf) =	vpush v33, $0x9  }
0x11a: {  	(v2sf) =	vpush v33, $0x8  }
0x11b: {  	(v2sf) =	vpush v33, $0xB  }
0x11c: {  	(v2sf) =	vpush v33, $0xA  }
0x11d: {  	(v2sf) =	vpush v33, $0xD  }
0x11e: {  	(v2sf) =	vpush v33, $0xC  }
0x11f: {  	(v2sf) =	vpush v33, $0xF  }
0x120: {  	s26 =	spop (v2sf);
	(v2sf) =	vpush v33, $0xE  }
0x121: {  	s28 =	spop (v2sf)  }
0x122: {  	[tilespmem:s28+$0x0] =	vst.add.f32.msk $0xffff, v1;
	s29 =	spop (v2sf)  }
0x123: {  	[tilespmem:s26+$0x0] =	vst.add.f32.msk $0xffff, v2;
	s30 =	spop (v2sf)  }
0x124: {  	[tilespmem:s30+$0x0] =	vst.add.f32.msk $0xffff, v3;
	s31 =	spop (v2sf)  }
0x125: {  	[tilespmem:s29+$0x0] =	vst.add.f32.msk $0xffff, v4;
	s20 =	spop (v2sf)  }
0x126: {  	[tilespmem:s20+$0x0] =	vst.add.f32.msk $0xffff, v5;
	s21 =	spop (v2sf)  }
0x127: {  	[tilespmem:s31+$0x0] =	vst.add.f32.msk $0xffff, v6;
	s22 =	spop (v2sf)  }
0x128: {  	[tilespmem:s22+$0x0] =	vst.add.f32.msk $0xffff, v7;
	s23 =	spop (v2sf)  }
0x129: {  	[tilespmem:s21+$0x0] =	vst.add.f32.msk $0xffff, v8;
	s24 =	spop (v2sf)  }
0x12a: {  	[tilespmem:s24+$0x0] =	vst.add.f32.msk $0xffff, v9;
	s25 =	spop (v2sf)  }
0x12b: {  	[tilespmem:s23+$0x0] =	vst.add.f32.msk $0xffff, v10;
	s26 =	spop (v2sf)  }
0x12c: {  	[tilespmem:s26+$0x0] =	vst.add.f32.msk $0xffff, v11;
	s28 =	spop (v2sf)  }
0x12d: {  	[tilespmem:s25+$0x0] =	vst.add.f32.msk $0xffff, v12;
	s29 =	spop (v2sf)  }
0x12e: {  	[tilespmem:s29+$0x0] =	vst.add.f32.msk $0xffff, v13;
	s30 =	spop (v2sf)  }
0x12f: {  	[tilespmem:s28+$0x0] =	vst.add.f32.msk $0xffff, v14;
	s31 =	spop (v2sf)  }
0x130: {  	[tilespmem:s31+$0x0] =	vst.add.f32.msk $0xffff, v15  }
0x131: {  	[tilespmem:s30+$0x0] =	vst.add.f32.msk $0xffff, v16  }
0x132: {  	v55 =	vld [tilespmem:s17+$0x70];
	_ =	sdelay $0x4  }
0x133: {  	v33 =	vshll.u32 v55, $0x9  }
0x134: {  	v33 =	vshra.s32 v33, $0x2  }
0x135: {  	v33 =	vadd.s32 $0x170, v33  }
0x136: {  	(v2sf) =	vpush v33, $0x1  }
0x137: {  	(v2sf) =	vpush v33, $0x0  }
0x138: {  	(v2sf) =	vpush v33, $0x3  }
0x139: {  	(v2sf) =	vpush v33, $0x2  }
0x13a: {  	(v2sf) =	vpush v33, $0x5  }
0x13b: {  	(v2sf) =	vpush v33, $0x4  }
0x13c: {  	(v2sf) =	vpush v33, $0x7  }
0x13d: {  	(v2sf) =	vpush v33, $0x6  }
0x13e: {  	(v2sf) =	vpush v33, $0x9  }
0x13f: {  	(v2sf) =	vpush v33, $0x8  }
0x140: {  	(v2sf) =	vpush v33, $0xB  }
0x141: {  	(v2sf) =	vpush v33, $0xA  }
0x142: {  	(v2sf) =	vpush v33, $0xD  }
0x143: {  	(v2sf) =	vpush v33, $0xC  }
0x144: {  	(v2sf) =	vpush v33, $0xF  }
0x145: {  	s20 =	spop (v2sf);
	(v2sf) =	vpush v33, $0xE  }
0x146: {  	s21 =	spop (v2sf)  }
0x147: {  	[tilespmem:s21+$0x0] =	vst.add.f32.msk $0xffff, v1;
	s22 =	spop (v2sf)  }
0x148: {  	[tilespmem:s20+$0x0] =	vst.add.f32.msk $0xffff, v2;
	s23 =	spop (v2sf)  }
0x149: {  	[tilespmem:s23+$0x0] =	vst.add.f32.msk $0xffff, v3;
	s24 =	spop (v2sf)  }
0x14a: {  	[tilespmem:s22+$0x0] =	vst.add.f32.msk $0xffff, v4;
	s25 =	spop (v2sf)  }
0x14b: {  	[tilespmem:s25+$0x0] =	vst.add.f32.msk $0xffff, v5;
	s26 =	spop (v2sf)  }
0x14c: {  	[tilespmem:s24+$0x0] =	vst.add.f32.msk $0xffff, v6;
	s28 =	spop (v2sf)  }
0x14d: {  	[tilespmem:s28+$0x0] =	vst.add.f32.msk $0xffff, v7;
	s29 =	spop (v2sf)  }
0x14e: {  	[tilespmem:s26+$0x0] =	vst.add.f32.msk $0xffff, v8;
	s30 =	spop (v2sf)  }
0x14f: {  	[tilespmem:s30+$0x0] =	vst.add.f32.msk $0xffff, v9;
	s31 =	spop (v2sf)  }
0x150: {  	[tilespmem:s29+$0x0] =	vst.add.f32.msk $0xffff, v10;
	s20 =	spop (v2sf)  }
0x151: {  	[tilespmem:s20+$0x0] =	vst.add.f32.msk $0xffff, v11;
	s21 =	spop (v2sf)  }
0x152: {  	[tilespmem:s31+$0x0] =	vst.add.f32.msk $0xffff, v12;
	s22 =	spop (v2sf)  }
0x153: {  	[tilespmem:s22+$0x0] =	vst.add.f32.msk $0xffff, v13;
	s23 =	spop (v2sf)  }
0x154: {  	[tilespmem:s21+$0x0] =	vst.add.f32.msk $0xffff, v14;
	s24 =	spop (v2sf)  }
0x155: {  	p0 =	seq.s32 s14, $0xA00;
	[tilespmem:s24+$0x0] =	vst.add.f32.msk $0xffff, v15  }
0x156: {  	s18 =	sshrl.u32 @!p0 s16, $0x3;
	[tilespmem:s23+$0x0] =	vst.add.f32.msk $0xffff, v16  }
0x157: {  	[hbm4b:s15+s9] =	stream.strided.scatter [tilespmem:s11], [sflag:$0x1], $0x1F400, s10, s9, $0x38;
	[tilespmem:$0x1F500] =	vst v63  }
0x158: {  	s18 =	sadd.s32 @!p0 s3, s18;
	s19 =	sand.u32 @!p0 $0x80, s14;
	s20 =	simm.s32 @!p0 $0x0  }
0x159: {  	[tilespmem:s19], [sflag:$0x2] =	stream.linear.gather @!p0 [hbm4b:s18+s20], $0x80, $0x38;
	[tilespmem:$0x1F500] =	vst v63  }
0x15a: {  	_ =	swait.ge [sflag:s12], $0x1F400  }
0x15b: {  	[sflag:s12] =	ssyncset.done $0x0  }
0x15c: {  	[sflag:s12] =	ssyncadd.s32 $0xFFFE0C00  }
0x15d: {  	v56 =	vld [tilespmem:s17+$0x0];
	_ =	sdelay $0x4  }
0x15e: {  	v33 =	vshll.u32 v56, $0x9  }
0x15f: {  	v33 =	vshra.s32 v33, $0x2  }
0x160: {  	v33 =	vadd.s32 $0x100, v33  }
0x161: {  	(v2sf) =	vpush v33, $0x0  }
0x162: {  	(v2sf) =	vpush v33, $0x1  }
0x163: {  	(v2sf) =	vpush v33, $0x2  }
0x164: {  	(v2sf) =	vpush v33, $0x3  }
0x165: {  	(v2sf) =	vpush v33, $0x4  }
0x166: {  	(v2sf) =	vpush v33, $0x5  }
0x167: {  	(v2sf) =	vpush v33, $0x6  }
0x168: {  	(v2sf) =	vpush v33, $0x7  }
0x169: {  	(v2sf) =	vpush v33, $0x8  }
0x16a: {  	(v2sf) =	vpush v33, $0x9  }
0x16b: {  	(v2sf) =	vpush v33, $0xA  }
0x16c: {  	(v2sf) =	vpush v33, $0xB  }
0x16d: {  	(v2sf) =	vpush v33, $0xC  }
0x16e: {  	(v2sf) =	vpush v33, $0xD  }
0x16f: {  	(v2sf) =	vpush v33, $0xE  }
0x170: {  	s25 =	spop (v2sf);
	(v2sf) =	vpush v33, $0xF  }
0x171: {  	[tilespmem:s25+$0x0] =	vst.add.f32.msk $0xffff, v17;
	s26 =	spop (v2sf)  }
0x172: {  	[tilespmem:s26+$0x0] =	vst.add.f32.msk $0xffff, v18;
	s28 =	spop (v2sf)  }
0x173: {  	[tilespmem:s28+$0x0] =	vst.add.f32.msk $0xffff, v19;
	s29 =	spop (v2sf)  }
0x174: {  	[tilespmem:s29+$0x0] =	vst.add.f32.msk $0xffff, v20;
	s30 =	spop (v2sf)  }
0x175: {  	[tilespmem:s30+$0x0] =	vst.add.f32.msk $0xffff, v21;
	s31 =	spop (v2sf)  }
0x176: {  	[tilespmem:s31+$0x0] =	vst.add.f32.msk $0xffff, v22;
	s19 =	spop (v2sf)  }
0x177: {  	[tilespmem:s19+$0x0] =	vst.add.f32.msk $0xffff, v23;
	s20 =	spop (v2sf)  }
0x178: {  	[tilespmem:s20+$0x0] =	vst.add.f32.msk $0xffff, v24;
	s21 =	spop (v2sf)  }
0x179: {  	[tilespmem:s21+$0x0] =	vst.add.f32.msk $0xffff, v25;
	s22 =	spop (v2sf)  }
0x17a: {  	[tilespmem:s22+$0x0] =	vst.add.f32.msk $0xffff, v26;
	s23 =	spop (v2sf)  }
0x17b: {  	[tilespmem:s23+$0x0] =	vst.add.f32.msk $0xffff, v27;
	s24 =	spop (v2sf)  }
0x17c: {  	[tilespmem:s24+$0x0] =	vst.add.f32.msk $0xffff, v28;
	s25 =	spop (v2sf)  }
0x17d: {  	[tilespmem:s25+$0x0] =	vst.add.f32.msk $0xffff, v29;
	s26 =	spop (v2sf)  }
0x17e: {  	[tilespmem:s26+$0x0] =	vst.add.f32.msk $0xffff, v30;
	s28 =	spop (v2sf)  }
0x17f: {  	[tilespmem:s28+$0x0] =	vst.add.f32.msk $0xffff, v31;
	s29 =	spop (v2sf)  }
0x180: {  	[tilespmem:s29+$0x0] =	vst.add.f32.msk $0xffff, v32  }
0x181: {  	v57 =	vld [tilespmem:s17+$0x10];
	_ =	sdelay $0x4  }
0x182: {  	v33 =	vshll.u32 v57, $0x9  }
0x183: {  	v33 =	vshra.s32 v33, $0x2  }
0x184: {  	v33 =	vadd.s32 $0x110, v33  }
0x185: {  	(v2sf) =	vpush v33, $0x1  }
0x186: {  	(v2sf) =	vpush v33, $0x0  }
0x187: {  	(v2sf) =	vpush v33, $0x3  }
0x188: {  	(v2sf) =	vpush v33, $0x2  }
0x189: {  	(v2sf) =	vpush v33, $0x5  }
0x18a: {  	(v2sf) =	vpush v33, $0x4  }
0x18b: {  	(v2sf) =	vpush v33, $0x7  }
0x18c: {  	(v2sf) =	vpush v33, $0x6  }
0x18d: {  	(v2sf) =	vpush v33, $0x9  }
0x18e: {  	(v2sf) =	vpush v33, $0x8  }
0x18f: {  	(v2sf) =	vpush v33, $0xB  }
0x190: {  	(v2sf) =	vpush v33, $0xA  }
0x191: {  	(v2sf) =	vpush v33, $0xD  }
0x192: {  	(v2sf) =	vpush v33, $0xC  }
0x193: {  	(v2sf) =	vpush v33, $0xF  }
0x194: {  	s30 =	spop (v2sf);
	(v2sf) =	vpush v33, $0xE  }
0x195: {  	s31 =	spop (v2sf)  }
0x196: {  	[tilespmem:s31+$0x0] =	vst.add.f32.msk $0xffff, v17;
	s20 =	spop (v2sf)  }
0x197: {  	[tilespmem:s30+$0x0] =	vst.add.f32.msk $0xffff, v18;
	s21 =	spop (v2sf)  }
0x198: {  	[tilespmem:s21+$0x0] =	vst.add.f32.msk $0xffff, v19;
	s22 =	spop (v2sf)  }
0x199: {  	[tilespmem:s20+$0x0] =	vst.add.f32.msk $0xffff, v20;
	s23 =	spop (v2sf)  }
0x19a: {  	[tilespmem:s23+$0x0] =	vst.add.f32.msk $0xffff, v21;
	s24 =	spop (v2sf)  }
0x19b: {  	[tilespmem:s22+$0x0] =	vst.add.f32.msk $0xffff, v22;
	s25 =	spop (v2sf)  }
0x19c: {  	[tilespmem:s25+$0x0] =	vst.add.f32.msk $0xffff, v23;
	s26 =	spop (v2sf)  }
0x19d: {  	[tilespmem:s24+$0x0] =	vst.add.f32.msk $0xffff, v24;
	s28 =	spop (v2sf)  }
0x19e: {  	[tilespmem:s28+$0x0] =	vst.add.f32.msk $0xffff, v25;
	s29 =	spop (v2sf)  }
0x19f: {  	[tilespmem:s26+$0x0] =	vst.add.f32.msk $0xffff, v26;
	s30 =	spop (v2sf)  }
0x1a0: {  	[tilespmem:s30+$0x0] =	vst.add.f32.msk $0xffff, v27;
	s31 =	spop (v2sf)  }
0x1a1: {  	[tilespmem:s29+$0x0] =	vst.add.f32.msk $0xffff, v28;
	s20 =	spop (v2sf)  }
0x1a2: {  	[tilespmem:s20+$0x0] =	vst.add.f32.msk $0xffff, v29;
	s21 =	spop (v2sf)  }
0x1a3: {  	[tilespmem:s31+$0x0] =	vst.add.f32.msk $0xffff, v30;
	s22 =	spop (v2sf)  }
0x1a4: {  	[tilespmem:s22+$0x0] =	vst.add.f32.msk $0xffff, v31  }
0x1a5: {  	[tilespmem:s21+$0x0] =	vst.add.f32.msk $0xffff, v32  }
0x1a6: {  	v58 =	vld [tilespmem:s17+$0x20];
	_ =	sdelay $0x4  }
0x1a7: {  	v33 =	vshll.u32 v58, $0x9  }
0x1a8: {  	v33 =	vshra.s32 v33, $0x2  }
0x1a9: {  	v33 =	vadd.s32 $0x120, v33  }
0x1aa: {  	(v2sf) =	vpush v33, $0x1  }
0x1ab: {  	(v2sf) =	vpush v33, $0x0  }
0x1ac: {  	(v2sf) =	vpush v33, $0x3  }
0x1ad: {  	(v2sf) =	vpush v33, $0x2  }
0x1ae: {  	(v2sf) =	vpush v33, $0x5  }
0x1af: {  	(v2sf) =	vpush v33, $0x4  }
0x1b0: {  	(v2sf) =	vpush v33, $0x7  }
0x1b1: {  	(v2sf) =	vpush v33, $0x6  }
0x1b2: {  	(v2sf) =	vpush v33, $0x9  }
0x1b3: {  	(v2sf) =	vpush v33, $0x8  }
0x1b4: {  	(v2sf) =	vpush v33, $0xB  }
0x1b5: {  	(v2sf) =	vpush v33, $0xA  }
0x1b6: {  	(v2sf) =	vpush v33, $0xD  }
0x1b7: {  	(v2sf) =	vpush v33, $0xC  }
0x1b8: {  	(v2sf) =	vpush v33, $0xF  }
0x1b9: {  	s23 =	spop (v2sf);
	(v2sf) =	vpush v33, $0xE  }
0x1ba: {  	s24 =	spop (v2sf)  }
0x1bb: {  	[tilespmem:s24+$0x0] =	vst.add.f32.msk $0xffff, v17;
	s25 =	spop (v2sf)  }
0x1bc: {  	[tilespmem:s23+$0x0] =	vst.add.f32.msk $0xffff, v18;
	s26 =	spop (v2sf)  }
0x1bd: {  	[tilespmem:s26+$0x0] =	vst.add.f32.msk $0xffff, v19;
	s28 =	spop (v2sf)  }
0x1be: {  	[tilespmem:s25+$0x0] =	vst.add.f32.msk $0xffff, v20;
	s29 =	spop (v2sf)  }
0x1bf: {  	[tilespmem:s29+$0x0] =	vst.add.f32.msk $0xffff, v21;
	s30 =	spop (v2sf)  }
0x1c0: {  	[tilespmem:s28+$0x0] =	vst.add.f32.msk $0xffff, v22;
	s31 =	spop (v2sf)  }
0x1c1: {  	[tilespmem:s31+$0x0] =	vst.add.f32.msk $0xffff, v23;
	s20 =	spop (v2sf)  }
0x1c2: {  	[tilespmem:s30+$0x0] =	vst.add.f32.msk $0xffff, v24;
	s21 =	spop (v2sf)  }
0x1c3: {  	[tilespmem:s21+$0x0] =	vst.add.f32.msk $0xffff, v25;
	s22 =	spop (v2sf)  }
0x1c4: {  	[tilespmem:s20+$0x0] =	vst.add.f32.msk $0xffff, v26;
	s23 =	spop (v2sf)  }
0x1c5: {  	[tilespmem:s23+$0x0] =	vst.add.f32.msk $0xffff, v27;
	s24 =	spop (v2sf)  }
0x1c6: {  	[tilespmem:s22+$0x0] =	vst.add.f32.msk $0xffff, v28;
	s25 =	spop (v2sf)  }
0x1c7: {  	[tilespmem:s25+$0x0] =	vst.add.f32.msk $0xffff, v29;
	s26 =	spop (v2sf)  }
0x1c8: {  	[tilespmem:s24+$0x0] =	vst.add.f32.msk $0xffff, v30;
	s28 =	spop (v2sf)  }
0x1c9: {  	[tilespmem:s28+$0x0] =	vst.add.f32.msk $0xffff, v31  }
0x1ca: {  	[tilespmem:s26+$0x0] =	vst.add.f32.msk $0xffff, v32  }
0x1cb: {  	v59 =	vld [tilespmem:s17+$0x30];
	_ =	sdelay $0x4  }
0x1cc: {  	v33 =	vshll.u32 v59, $0x9  }
0x1cd: {  	v33 =	vshra.s32 v33, $0x2  }
0x1ce: {  	v33 =	vadd.s32 $0x130, v33  }
0x1cf: {  	(v2sf) =	vpush v33, $0x1  }
0x1d0: {  	(v2sf) =	vpush v33, $0x0  }
0x1d1: {  	(v2sf) =	vpush v33, $0x3  }
0x1d2: {  	(v2sf) =	vpush v33, $0x2  }
0x1d3: {  	(v2sf) =	vpush v33, $0x5  }
0x1d4: {  	(v2sf) =	vpush v33, $0x4  }
0x1d5: {  	(v2sf) =	vpush v33, $0x7  }
0x1d6: {  	(v2sf) =	vpush v33, $0x6  }
0x1d7: {  	(v2sf) =	vpush v33, $0x9  }
0x1d8: {  	(v2sf) =	vpush v33, $0x8  }
0x1d9: {  	(v2sf) =	vpush v33, $0xB  }
0x1da: {  	(v2sf) =	vpush v33, $0xA  }
0x1db: {  	(v2sf) =	vpush v33, $0xD  }
0x1dc: {  	(v2sf) =	vpush v33, $0xC  }
0x1dd: {  	(v2sf) =	vpush v33, $0xF  }
0x1de: {  	s29 =	spop (v2sf);
	(v2sf) =	vpush v33, $0xE  }
0x1df: {  	s30 =	spop (v2sf)  }
0x1e0: {  	[tilespmem:s30+$0x0] =	vst.add.f32.msk $0xffff, v17;
	s31 =	spop (v2sf)  }
0x1e1: {  	[tilespmem:s29+$0x0] =	vst.add.f32.msk $0xffff, v18;
	s20 =	spop (v2sf)  }
0x1e2: {  	[tilespmem:s20+$0x0] =	vst.add.f32.msk $0xffff, v19;
	s21 =	spop (v2sf)  }
0x1e3: {  	[tilespmem:s31+$0x0] =	vst.add.f32.msk $0xffff, v20;
	s22 =	spop (v2sf)  }
0x1e4: {  	[tilespmem:s22+$0x0] =	vst.add.f32.msk $0xffff, v21;
	s23 =	spop (v2sf)  }
0x1e5: {  	[tilespmem:s21+$0x0] =	vst.add.f32.msk $0xffff, v22;
	s24 =	spop (v2sf)  }
0x1e6: {  	[tilespmem:s24+$0x0] =	vst.add.f32.msk $0xffff, v23;
	s25 =	spop (v2sf)  }
0x1e7: {  	[tilespmem:s23+$0x0] =	vst.add.f32.msk $0xffff, v24;
	s26 =	spop (v2sf)  }
0x1e8: {  	[tilespmem:s26+$0x0] =	vst.add.f32.msk $0xffff, v25;
	s28 =	spop (v2sf)  }
0x1e9: {  	[tilespmem:s25+$0x0] =	vst.add.f32.msk $0xffff, v26;
	s29 =	spop (v2sf)  }
0x1ea: {  	[tilespmem:s29+$0x0] =	vst.add.f32.msk $0xffff, v27;
	s30 =	spop (v2sf)  }
0x1eb: {  	[tilespmem:s28+$0x0] =	vst.add.f32.msk $0xffff, v28;
	s31 =	spop (v2sf)  }
0x1ec: {  	[tilespmem:s31+$0x0] =	vst.add.f32.msk $0xffff, v29;
	s20 =	spop (v2sf)  }
0x1ed: {  	[tilespmem:s30+$0x0] =	vst.add.f32.msk $0xffff, v30;
	s21 =	spop (v2sf)  }
0x1ee: {  	[tilespmem:s21+$0x0] =	vst.add.f32.msk $0xffff, v31  }
0x1ef: {  	[tilespmem:s20+$0x0] =	vst.add.f32.msk $0xffff, v32  }
0x1f0: {  	v60 =	vld [tilespmem:s17+$0x40];
	_ =	sdelay $0x4  }
0x1f1: {  	v33 =	vshll.u32 v60, $0x9  }
0x1f2: {  	v33 =	vshra.s32 v33, $0x2  }
0x1f3: {  	v33 =	vadd.s32 $0x140, v33  }
0x1f4: {  	(v2sf) =	vpush v33, $0x1  }
0x1f5: {  	(v2sf) =	vpush v33, $0x0  }
0x1f6: {  	(v2sf) =	vpush v33, $0x3  }
0x1f7: {  	(v2sf) =	vpush v33, $0x2  }
0x1f8: {  	(v2sf) =	vpush v33, $0x5  }
0x1f9: {  	(v2sf) =	vpush v33, $0x4  }
0x1fa: {  	(v2sf) =	vpush v33, $0x7  }
0x1fb: {  	(v2sf) =	vpush v33, $0x6  }
0x1fc: {  	(v2sf) =	vpush v33, $0x9  }
0x1fd: {  	(v2sf) =	vpush v33, $0x8  }
0x1fe: {  	(v2sf) =	vpush v33, $0xB  }
0x1ff: {  	(v2sf) =	vpush v33, $0xA  }
0x200: {  	(v2sf) =	vpush v33, $0xD  }
0x201: {  	(v2sf) =	vpush v33, $0xC  }
0x202: {  	(v2sf) =	vpush v33, $0xF  }
0x203: {  	s22 =	spop (v2sf);
	(v2sf) =	vpush v33, $0xE  }
0x204: {  	s23 =	spop (v2sf)  }
0x205: {  	[tilespmem:s23+$0x0] =	vst.add.f32.msk $0xffff, v17;
	s24 =	spop (v2sf)  }
0x206: {  	[tilespmem:s22+$0x0] =	vst.add.f32.msk $0xffff, v18;
	s25 =	spop (v2sf)  }
0x207: {  	[tilespmem:s25+$0x0] =	vst.add.f32.msk $0xffff, v19;
	s26 =	spop (v2sf)  }
0x208: {  	[tilespmem:s24+$0x0] =	vst.add.f32.msk $0xffff, v20;
	s28 =	spop (v2sf)  }
0x209: {  	[tilespmem:s28+$0x0] =	vst.add.f32.msk $0xffff, v21;
	s29 =	spop (v2sf)  }
0x20a: {  	[tilespmem:s26+$0x0] =	vst.add.f32.msk $0xffff, v22;
	s30 =	spop (v2sf)  }
0x20b: {  	[tilespmem:s30+$0x0] =	vst.add.f32.msk $0xffff, v23;
	s31 =	spop (v2sf)  }
0x20c: {  	[tilespmem:s29+$0x0] =	vst.add.f32.msk $0xffff, v24;
	s20 =	spop (v2sf)  }
0x20d: {  	[tilespmem:s20+$0x0] =	vst.add.f32.msk $0xffff, v25;
	s21 =	spop (v2sf)  }
0x20e: {  	[tilespmem:s31+$0x0] =	vst.add.f32.msk $0xffff, v26;
	s22 =	spop (v2sf)  }
0x20f: {  	[tilespmem:s22+$0x0] =	vst.add.f32.msk $0xffff, v27;
	s23 =	spop (v2sf)  }
0x210: {  	[tilespmem:s21+$0x0] =	vst.add.f32.msk $0xffff, v28;
	s24 =	spop (v2sf)  }
0x211: {  	[tilespmem:s24+$0x0] =	vst.add.f32.msk $0xffff, v29;
	s25 =	spop (v2sf)  }
0x212: {  	[tilespmem:s23+$0x0] =	vst.add.f32.msk $0xffff, v30;
	s26 =	spop (v2sf)  }
0x213: {  	[tilespmem:s26+$0x0] =	vst.add.f32.msk $0xffff, v31  }
0x214: {  	[tilespmem:s25+$0x0] =	vst.add.f32.msk $0xffff, v32  }
0x215: {  	v61 =	vld [tilespmem:s17+$0x50];
	_ =	sdelay $0x4  }
0x216: {  	v33 =	vshll.u32 v61, $0x9  }
0x217: {  	v33 =	vshra.s32 v33, $0x2  }
0x218: {  	v33 =	vadd.s32 $0x150, v33  }
0x219: {  	(v2sf) =	vpush v33, $0x1  }
0x21a: {  	(v2sf) =	vpush v33, $0x0  }
0x21b: {  	(v2sf) =	vpush v33, $0x3  }
0x21c: {  	(v2sf) =	vpush v33, $0x2  }
0x21d: {  	(v2sf) =	vpush v33, $0x5  }
0x21e: {  	(v2sf) =	vpush v33, $0x4  }
0x21f: {  	(v2sf) =	vpush v33, $0x7  }
0x220: {  	(v2sf) =	vpush v33, $0x6  }
0x221: {  	(v2sf) =	vpush v33, $0x9  }
0x222: {  	(v2sf) =	vpush v33, $0x8  }
0x223: {  	(v2sf) =	vpush v33, $0xB  }
0x224: {  	(v2sf) =	vpush v33, $0xA  }
0x225: {  	(v2sf) =	vpush v33, $0xD  }
0x226: {  	(v2sf) =	vpush v33, $0xC  }
0x227: {  	(v2sf) =	vpush v33, $0xF  }
0x228: {  	s28 =	spop (v2sf);
	(v2sf) =	vpush v33, $0xE  }
0x229: {  	s29 =	spop (v2sf)  }
0x22a: {  	[tilespmem:s29+$0x0] =	vst.add.f32.msk $0xffff, v17;
	s30 =	spop (v2sf)  }
0x22b: {  	[tilespmem:s28+$0x0] =	vst.add.f32.msk $0xffff, v18;
	s31 =	spop (v2sf)  }
0x22c: {  	[tilespmem:s31+$0x0] =	vst.add.f32.msk $0xffff, v19;
	s20 =	spop (v2sf)  }
0x22d: {  	[tilespmem:s30+$0x0] =	vst.add.f32.msk $0xffff, v20;
	s21 =	spop (v2sf)  }
0x22e: {  	[tilespmem:s21+$0x0] =	vst.add.f32.msk $0xffff, v21;
	s22 =	spop (v2sf)  }
0x22f: {  	[tilespmem:s20+$0x0] =	vst.add.f32.msk $0xffff, v22;
	s23 =	spop (v2sf)  }
0x230: {  	[tilespmem:s23+$0x0] =	vst.add.f32.msk $0xffff, v23;
	s24 =	spop (v2sf)  }
0x231: {  	[tilespmem:s22+$0x0] =	vst.add.f32.msk $0xffff, v24;
	s25 =	spop (v2sf)  }
0x232: {  	[tilespmem:s25+$0x0] =	vst.add.f32.msk $0xffff, v25;
	s26 =	spop (v2sf)  }
0x233: {  	[tilespmem:s24+$0x0] =	vst.add.f32.msk $0xffff, v26;
	s28 =	spop (v2sf)  }
0x234: {  	[tilespmem:s28+$0x0] =	vst.add.f32.msk $0xffff, v27;
	s29 =	spop (v2sf)  }
0x235: {  	[tilespmem:s26+$0x0] =	vst.add.f32.msk $0xffff, v28;
	s30 =	spop (v2sf)  }
0x236: {  	[tilespmem:s30+$0x0] =	vst.add.f32.msk $0xffff, v29;
	s31 =	spop (v2sf)  }
0x237: {  	[tilespmem:s29+$0x0] =	vst.add.f32.msk $0xffff, v30;
	s20 =	spop (v2sf)  }
0x238: {  	[tilespmem:s20+$0x0] =	vst.add.f32.msk $0xffff, v31  }
0x239: {  	[tilespmem:s31+$0x0] =	vst.add.f32.msk $0xffff, v32  }
0x23a: {  	v62 =	vld [tilespmem:s17+$0x60];
	_ =	sdelay $0x4  }
0x23b: {  	v33 =	vshll.u32 v62, $0x9  }
0x23c: {  	v33 =	vshra.s32 v33, $0x2  }
0x23d: {  	v33 =	vadd.s32 $0x160, v33  }
0x23e: {  	(v2sf) =	vpush v33, $0x1  }
0x23f: {  	(v2sf) =	vpush v33, $0x0  }
0x240: {  	(v2sf) =	vpush v33, $0x3  }
0x241: {  	(v2sf) =	vpush v33, $0x2  }
0x242: {  	(v2sf) =	vpush v33, $0x5  }
0x243: {  	(v2sf) =	vpush v33, $0x4  }
0x244: {  	(v2sf) =	vpush v33, $0x7  }
0x245: {  	(v2sf) =	vpush v33, $0x6  }
0x246: {  	(v2sf) =	vpush v33, $0x9  }
0x247: {  	(v2sf) =	vpush v33, $0x8  }
0x248: {  	(v2sf) =	vpush v33, $0xB  }
0x249: {  	(v2sf) =	vpush v33, $0xA  }
0x24a: {  	(v2sf) =	vpush v33, $0xD  }
0x24b: {  	(v2sf) =	vpush v33, $0xC  }
0x24c: {  	(v2sf) =	vpush v33, $0xF  }
0x24d: {  	s21 =	spop (v2sf);
	(v2sf) =	vpush v33, $0xE  }
0x24e: {  	s22 =	spop (v2sf)  }
0x24f: {  	[tilespmem:s22+$0x0] =	vst.add.f32.msk $0xffff, v17;
	s23 =	spop (v2sf)  }
0x250: {  	[tilespmem:s21+$0x0] =	vst.add.f32.msk $0xffff, v18;
	s24 =	spop (v2sf)  }
0x251: {  	[tilespmem:s24+$0x0] =	vst.add.f32.msk $0xffff, v19;
	s25 =	spop (v2sf)  }
0x252: {  	[tilespmem:s23+$0x0] =	vst.add.f32.msk $0xffff, v20;
	s26 =	spop (v2sf)  }
0x253: {  	[tilespmem:s26+$0x0] =	vst.add.f32.msk $0xffff, v21;
	s28 =	spop (v2sf)  }
0x254: {  	[tilespmem:s25+$0x0] =	vst.add.f32.msk $0xffff, v22;
	s29 =	spop (v2sf)  }
0x255: {  	[tilespmem:s29+$0x0] =	vst.add.f32.msk $0xffff, v23;
	s30 =	spop (v2sf)  }
0x256: {  	[tilespmem:s28+$0x0] =	vst.add.f32.msk $0xffff, v24;
	s31 =	spop (v2sf)  }
0x257: {  	[tilespmem:s31+$0x0] =	vst.add.f32.msk $0xffff, v25;
	s20 =	spop (v2sf)  }
0x258: {  	[tilespmem:s30+$0x0] =	vst.add.f32.msk $0xffff, v26;
	s21 =	spop (v2sf)  }
0x259: {  	[tilespmem:s21+$0x0] =	vst.add.f32.msk $0xffff, v27;
	s22 =	spop (v2sf)  }
0x25a: {  	[tilespmem:s20+$0x0] =	vst.add.f32.msk $0xffff, v28;
	s23 =	spop (v2sf)  }
0x25b: {  	[tilespmem:s23+$0x0] =	vst.add.f32.msk $0xffff, v29;
	s24 =	spop (v2sf)  }
0x25c: {  	[tilespmem:s22+$0x0] =	vst.add.f32.msk $0xffff, v30;
	s25 =	spop (v2sf)  }
0x25d: {  	[tilespmem:s25+$0x0] =	vst.add.f32.msk $0xffff, v31  }
0x25e: {  	[tilespmem:s24+$0x0] =	vst.add.f32.msk $0xffff, v32  }
0x25f: {  	v63 =	vld [tilespmem:s17+$0x70];
	_ =	sdelay $0x4  }
0x260: {  	v33 =	vshll.u32 v63, $0x9  }
0x261: {  	v33 =	vshra.s32 v33, $0x2  }
0x262: {  	v33 =	vadd.s32 $0x170, v33  }
0x263: {  	(v2sf) =	vpush v33, $0x1  }
0x264: {  	(v2sf) =	vpush v33, $0x0  }
0x265: {  	(v2sf) =	vpush v33, $0x3  }
0x266: {  	(v2sf) =	vpush v33, $0x2  }
0x267: {  	(v2sf) =	vpush v33, $0x5  }
0x268: {  	(v2sf) =	vpush v33, $0x4  }
0x269: {  	(v2sf) =	vpush v33, $0x7  }
0x26a: {  	(v2sf) =	vpush v33, $0x6  }
0x26b: {  	(v2sf) =	vpush v33, $0x9  }
0x26c: {  	(v2sf) =	vpush v33, $0x8  }
0x26d: {  	(v2sf) =	vpush v33, $0xB  }
0x26e: {  	(v2sf) =	vpush v33, $0xA  }
0x26f: {  	(v2sf) =	vpush v33, $0xD  }
0x270: {  	(v2sf) =	vpush v33, $0xC  }
0x271: {  	(v2sf) =	vpush v33, $0xF  }
0x272: {  	s26 =	spop (v2sf);
	(v2sf) =	vpush v33, $0xE  }
0x273: {  	s28 =	spop (v2sf)  }
0x274: {  	s29 =	spop (v2sf);
	[tilespmem:s28+$0x0] =	vst.add.f32.msk $0xffff, v17  }
0x275: {  	s30 =	spop (v2sf);
	[tilespmem:s26+$0x0] =	vst.add.f32.msk $0xffff, v18  }
0x276: {  	s31 =	spop (v2sf);
	[tilespmem:s30+$0x0] =	vst.add.f32.msk $0xffff, v19  }
0x277: {  	s20 =	spop (v2sf);
	[tilespmem:s29+$0x0] =	vst.add.f32.msk $0xffff, v20  }
0x278: {  	s21 =	spop (v2sf);
	[tilespmem:s20+$0x0] =	vst.add.f32.msk $0xffff, v21  }
0x279: {  	s22 =	spop (v2sf);
	[tilespmem:s31+$0x0] =	vst.add.f32.msk $0xffff, v22  }
0x27a: {  	s23 =	spop (v2sf);
	[tilespmem:s22+$0x0] =	vst.add.f32.msk $0xffff, v23  }
0x27b: {  	s24 =	spop (v2sf);
	[tilespmem:s21+$0x0] =	vst.add.f32.msk $0xffff, v24  }
0x27c: {  	s25 =	spop (v2sf);
	[tilespmem:s24+$0x0] =	vst.add.f32.msk $0xffff, v25  }
0x27d: {  	s26 =	spop (v2sf);
	[tilespmem:s23+$0x0] =	vst.add.f32.msk $0xffff, v26  }
0x27e: {  	s28 =	spop (v2sf);
	[tilespmem:s26+$0x0] =	vst.add.f32.msk $0xffff, v27  }
.Ltmp3:
0x27f: {  	s29 =	spop (v2sf);
	[tilespmem:s25+$0x0] =	vst.add.f32.msk $0xffff, v28;
	(pc) =	sbr.rel @p0 .LBB2_6-.Ltmp3, $4  }
0x280: {  	s30 =	spop (v2sf);
	[tilespmem:s29+$0x0] =	vst.add.f32.msk $0xffff, v29  }
0x281: {  	[tilespmem:s28+$0x0] =	vst.add.f32.msk $0xffff, v30;
	s31 =	spop (v2sf)  }
0x282: {  	[tilespmem:s31+$0x0] =	vst.add.f32.msk $0xffff, v31  }
0x283: {  	[tilespmem:s30+$0x0] =	vst.add.f32.msk $0xffff, v32  }
.Ltmp4:
0x284: {  	(pc) =	sbr.rel .LBB2_4-.Ltmp4, $4  }
0x285: {  	_ = 	snop  }
0x286: {  	_ =	swait.ge [sflag:s8], $0x80  }
0x287: {  	s14 =	sadd.s32 $0x80, s14;
	[sflag:s8] =	ssyncset.done $0x0  }
0x288: {  	s16 =	sadd.s32 $0x1000, s16;
	s15 =	sadd.s32 $0x7D000, s15;
	[sflag:s8] =	ssyncadd.s32 $0xFFFFFF80  }
.LBB2_7:
0x289: {  	_ =	sfence.sel $0x180000  }
0x28a: {  	[bflag:$0x0] =	sbarrier.arrive $0xFFFF  }
0x28b: {  	p0 =	sne.s32 s1, $0x0;
	_ =	strace $0x90000047  }
0x28c: {  	s0 =	sadd.s32 @!p0 $0x100000, s0;
	[bflag:$0x2] =	sbarrier.arrive $0xFFFF  }
0x28d: {  	[sflag:s0] =	ssyncadd.tile.s32 @!p0 $0x1;
	_ =	shalt  }
.Lfunc_end2:
_tile_overlayer_lowered:
.L_overlay_start_2:
0x28e: {  	(tag) =	ssettag $0x2  }
0x28f: {  	s0 =	rddreg [dreg:$0x0];
	s2 =	stileid.u32  }
0x290: {  	s1 =	rddreg [dreg:$0x1];
	p0 =	sne.s32 s2, $0x0  }
0x291: {  	s3 =	rddreg [dreg:$0x2];
	[bflag:$0x3] =	sbarrier.arrive $0xFFFF;
	s2 =	simm.s32 @!p0 $0x1C03  }
0x292: {  	[timem:s3], [sflag:s2] =	dma.local @!p0 [hbm:s0], s1  }
0x293: {  	s0 =	simm.s32 @!p0 $0x3  }
0x294: {  	_ =	swait.ge @!p0 [sflag:s0], s1  }
0x295: {  	s1 =	ssub.s32 @!p0 $0x0, s1;
	[sflag:s0] =	ssyncset.done @!p0 $0x0  }
0x296: {  	[sflag:s0] =	ssyncadd.s32 @!p0 s1  }
0x297: {  	[bflag:$0x3] =	sbarrier.arrive $0xFFFF  }
0x298: {  	_ =	shalt  }

</sc_bundles>
